<compile_context>
chip_gen: v7x
topology: tpu7x:2x2x1
jax: 0.10.2.dev20260603
libtpu: 0.0.44.dev20260713+nightly
codegen_flags: <defaults>
</compile_context>

<pallas_src>
import functools

import jax
import jax.numpy as jnp
from jax import lax
from jax.experimental import pallas as pl
from jax.experimental.pallas import tpu as pltpu
from jax.experimental.pallas import tpu_sc as plsc

N = 10000
E = 160000
H = 256
HALF = 128
ROWS = 1000
TILES = N // ROWS
NSUB = 16
RPS = 640
NPAD = NSUB * RPS

@functools.cache
def _sc_mesh():
    return plsc.VectorSubcoreMesh(core_axis_name="c", subcore_axis_name="s")



_CHUNK = 96


def _make_sc_body(nchunks, tail, feature_split, eps_sub):
    def body(tbl_hbm, src_hbm, dst_hbm, out_hbm, srcv2, dstv2, gv2, rows2,
             srcT, dstT, gvT, rowsT, zv, acc, sem_i, sem_g0, sem_g1):
        c = lax.axis_index("c")
        s = lax.axis_index("s")

        @pl.loop(0, 64)
        def _(i):
            @pl.loop(0, HALF, step=16)
            def _(j):
                zv[i, pl.ds(j, 16)] = jnp.zeros((16,), jnp.float32)

        base_r = s * RPS

        @pl.loop(0, RPS // 64)
        def _(k):
            pltpu.sync_copy(zv, acc.at[pl.ds(base_r + k * 64, 64)])

        plsc.subcore_barrier()

        if feature_split:
            base_e = s * eps_sub
        else:
            base_e = (c * NSUB + s) * eps_sub

        gsems = (sem_g0, sem_g1)

        def fetch_idx(k, slot):
            off = base_e + k * _CHUNK
            a = pltpu.async_copy(src_hbm.at[pl.ds(off, _CHUNK)],
                                 srcv2.at[slot], sem_i)
            b = pltpu.async_copy(dst_hbm.at[pl.ds(off, _CHUNK)],
                                 dstv2.at[slot], sem_i)
            a.wait()
            b.wait()
            if feature_split:
                @pl.loop(0, _CHUNK, step=16)
                def _(j):
                    gv2[slot, pl.ds(j, 16)] = srcv2[slot, pl.ds(j, 16)] * 2 + c

        def gidx(slot):
            return gv2.at[slot] if feature_split else srcv2.at[slot]

        def fire_gather(slot):
            pltpu.async_copy(tbl_hbm.at[gidx(slot)], rows2.at[slot],
                             gsems[slot])

        def wait_gather(slot):
            pltpu.make_async_copy(tbl_hbm.at[gidx(slot)], rows2.at[slot],
                                  gsems[slot]).wait()

        def scatter(slot):
            pltpu.sync_copy(rows2.at[slot], acc.at[dstv2.at[slot]], add=True)

        def step(kcur, cur, nxt):
            @pl.when(kcur + 1 < nchunks)
            def _():
                fetch_idx(kcur + 1, nxt)

            @pl.when(kcur < nchunks)
            def _():
                wait_gather(cur)

            @pl.when(kcur + 1 < nchunks)
            def _():
                fire_gather(nxt)

            @pl.when(kcur < nchunks)
            def _():
                scatter(cur)

        fetch_idx(0, 0)
        fire_gather(0)

        @pl.loop(0, (nchunks + 1) // 2)
        def _(i):
            step(2 * i, 0, 1)
            step(2 * i + 1, 1, 0)

        if tail:
            off = base_e + nchunks * _CHUNK
            a = pltpu.async_copy(src_hbm.at[pl.ds(off, tail)], srcT, sem_i)
            b = pltpu.async_copy(dst_hbm.at[pl.ds(off, tail)], dstT, sem_i)
            a.wait()
            b.wait()
            if feature_split:
                @pl.loop(0, tail, step=16)
                def _(j):
                    gvT[pl.ds(j, 16)] = srcT[pl.ds(j, 16)] * 2 + c
                pltpu.async_copy(tbl_hbm.at[gvT], rowsT, sem_g0).wait()
            else:
                pltpu.async_copy(tbl_hbm.at[srcT], rowsT, sem_g0).wait()
            pltpu.sync_copy(rowsT, acc.at[dstT], add=True)

        plsc.subcore_barrier()
        pltpu.sync_copy(acc.at[pl.ds(base_r, RPS)],
                        out_hbm.at[c, pl.ds(base_r, RPS)])

    return body


def _sc_call(body, tail, tbl, src, dst):
    kern = pl.kernel(
        body,
        out_type=jax.ShapeDtypeStruct((2, NPAD, HALF), jnp.float32),
        mesh=_sc_mesh(),
        scratch_types=[
            pltpu.VMEM((2, _CHUNK), jnp.int32),
            pltpu.VMEM((2, _CHUNK), jnp.int32),
            pltpu.VMEM((2, _CHUNK), jnp.int32),
            pltpu.VMEM((2, _CHUNK, HALF), jnp.float32),
            pltpu.VMEM((tail,), jnp.int32),
            pltpu.VMEM((tail,), jnp.int32),
            pltpu.VMEM((tail,), jnp.int32),
            pltpu.VMEM((tail, HALF), jnp.float32),
            pltpu.VMEM((64, HALF), jnp.float32),
            pltpu.VMEM_SHARED((NPAD, HALF), jnp.float32),
            pltpu.SemaphoreType.DMA,
            pltpu.SemaphoreType.DMA,
            pltpu.SemaphoreType.DMA,
        ],
    )
    return kern(tbl, src, dst)


_EPS_SUB = E // NSUB
_EPS_SUB0 = E // (2 * NSUB)
_MAIN_BODY = _make_sc_body(_EPS_SUB // _CHUNK, _EPS_SUB % _CHUNK, True,
                           _EPS_SUB)
_BLK0_BODY = _make_sc_body(_EPS_SUB0 // _CHUNK, _EPS_SUB0 % _CHUNK, False,
                           _EPS_SUB0)


def _sc_segsum(h2, src, dst):
    return _sc_call(_MAIN_BODY, _EPS_SUB % _CHUNK, h2, src, dst)


def _sc_segsum0(x128, src, dst):
    return _sc_call(_BLK0_BODY, _EPS_SUB0 % _CHUNK, x128, src, dst)



_RSN = 1.0 / float(N) ** 0.5


def _bn_apply(v, mrow, vrow, g, b):
    return (v - mrow) * lax.rsqrt(vrow + 1e-5) * g + b


def _leaky(v):
    return jnp.where(v >= 0, v, 0.01 * v)


def _gating_spec(shape):
    nd = len(shape)
    if nd == 2:
        return pl.BlockSpec(shape, lambda p, t: (jnp.where(p == 0, t, 0), 0))
    return pl.BlockSpec(shape, lambda p, t: (0, jnp.where(p == 0, t, 0), 0))


def _tc_block_body(h_ref, nb_ref, epsb, w1, b1, w2, b2, g1, be1, g2, be2,
                   out_ref, zbuf, stats):
    p = pl.program_id(0)
    t = pl.program_id(1)
    nf = jnp.float32(N)
    rows = pl.ds(t * ROWS, ROWS)

    @pl.when(jnp.logical_and(p == 0, t == 0))
    def _():
        stats[...] = jnp.zeros_like(stats)

    @pl.when(p == 0)
    def _():
        nb = jnp.concatenate([nb_ref[0], nb_ref[1]], axis=1)
        agg = h_ref[...] * epsb[...] + nb
        z = jnp.maximum(jnp.dot(agg, w1[...], preferred_element_type=jnp.float32)
                        + b1[...], 0.0)
        z = jnp.maximum(jnp.dot(z, w2[...], preferred_element_type=jnp.float32)
                        + b2[...], 0.0)
        zbuf[rows, :] = z
        stats[0:1, :] += jnp.sum(z, axis=0, keepdims=True)

    @pl.when(p == 1)
    def _():
        z = zbuf[rows, :]
        m1 = stats[0:1, :] / nf
        d = z - m1
        stats[1:2, :] += jnp.sum(d * d, axis=0, keepdims=True)

    @pl.when(p == 2)
    def _():
        z = zbuf[rows, :]
        m1 = stats[0:1, :] / nf
        sd1 = jnp.sqrt(stats[1:2, :] / nf + 1e-5)
        zn = (z - m1) / sd1 * g1[...] + be1[...]
        w = jnp.where(zn >= 0, zn, 0.01 * zn) * _RSN
        zbuf[rows, :] = w
        stats[2:3, :] += jnp.sum(w, axis=0, keepdims=True)

    @pl.when(p == 3)
    def _():
        w = zbuf[rows, :]
        m2 = stats[2:3, :] / nf
        d = w - m2
        stats[3:4, :] += jnp.sum(d * d, axis=0, keepdims=True)

    @pl.when(p == 4)
    def _():
        w = zbuf[rows, :]
        m2 = stats[2:3, :] / nf
        sd2 = jnp.sqrt(stats[3:4, :] / nf + 1e-5)
        out_ref[...] = (w - m2) / sd2 * g2[...] + be2[...]


def _tc_block(h, nb2, epsb, w1, b1, w2, b2, g1, be1, g2, be2):
    vec_spec = pl.BlockSpec((1, H), lambda p, t: (0, 0))
    mat_spec = pl.BlockSpec((H, H), lambda p, t: (0, 0))
    return pl.pallas_call(
        _tc_block_body,
        grid=(5, TILES),
        in_specs=[
            _gating_spec((ROWS, H)),
            _gating_spec((2, ROWS, HALF)),
            vec_spec, mat_spec, vec_spec, mat_spec, vec_spec,
            vec_spec, vec_spec, vec_spec, vec_spec,
        ],
        out_specs=pl.BlockSpec((ROWS, H), lambda p, t: (jnp.where(p == 4, t, 0), 0)),
        out_shape=jax.ShapeDtypeStruct((N, H), jnp.float32),
        scratch_shapes=[
            pltpu.VMEM((N, H), jnp.float32),
            pltpu.VMEM((8, H), jnp.float32),
        ],
    )(h, nb2, epsb, w1, b1, w2, b2, g1, be1, g2, be2)


def _tc_block0_body(x_ref, s2_ref, epsb, w1, b1, w2, b2, g1, be1, g2, be2,
                    out_ref, zbuf, stats):
    p = pl.program_id(0)
    t = pl.program_id(1)
    nf = jnp.float32(N)
    rows = pl.ds(t * ROWS, ROWS)

    @pl.when(jnp.logical_and(p == 0, t == 0))
    def _():
        stats[...] = jnp.zeros_like(stats)

    @pl.when(p == 0)
    def _():
        s = s2_ref[0] + s2_ref[1]
        agg = x_ref[...] * epsb[...] + s
        z = jnp.maximum(agg * w1[...] + b1[...], 0.0)
        z = jnp.maximum(jnp.dot(z, w2[...], preferred_element_type=jnp.float32)
                        + b2[...], 0.0)
        zbuf[rows, :] = z
        stats[0:1, :] += jnp.sum(z, axis=0, keepdims=True)

    @pl.when(p == 1)
    def _():
        z = zbuf[rows, :]
        m1 = stats[0:1, :] / nf
        d = z - m1
        stats[1:2, :] += jnp.sum(d * d, axis=0, keepdims=True)

    @pl.when(p == 2)
    def _():
        z = zbuf[rows, :]
        m1 = stats[0:1, :] / nf
        sd1 = jnp.sqrt(stats[1:2, :] / nf + 1e-5)
        zn = (z - m1) / sd1 * g1[...] + be1[...]
        w = jnp.where(zn >= 0, zn, 0.01 * zn) * _RSN
        zbuf[rows, :] = w
        stats[2:3, :] += jnp.sum(w, axis=0, keepdims=True)

    @pl.when(p == 3)
    def _():
        w = zbuf[rows, :]
        m2 = stats[2:3, :] / nf
        d = w - m2
        stats[3:4, :] += jnp.sum(d * d, axis=0, keepdims=True)

    @pl.when(p == 4)
    def _():
        w = zbuf[rows, :]
        m2 = stats[2:3, :] / nf
        sd2 = jnp.sqrt(stats[3:4, :] / nf + 1e-5)
        out_ref[...] = (w - m2) / sd2 * g2[...] + be2[...]


def _tc_block0(x2, s2, epsb, w1, b1, w2, b2, g1, be1, g2, be2):
    vec_spec = pl.BlockSpec((1, H), lambda p, t: (0, 0))
    return pl.pallas_call(
        _tc_block0_body,
        grid=(5, TILES),
        in_specs=[
            _gating_spec((ROWS, 1)),
            _gating_spec((2, ROWS, 1)),
            pl.BlockSpec((1, 1), lambda p, t: (0, 0)),
            vec_spec, vec_spec,
            pl.BlockSpec((H, H), lambda p, t: (0, 0)),
            vec_spec, vec_spec, vec_spec, vec_spec, vec_spec,
        ],
        out_specs=pl.BlockSpec((ROWS, H), lambda p, t: (jnp.where(p == 4, t, 0), 0)),
        out_shape=jax.ShapeDtypeStruct((N, H), jnp.float32),
        scratch_shapes=[
            pltpu.VMEM((N, H), jnp.float32),
            pltpu.VMEM((8, H), jnp.float32),
        ],
    )(x2, s2, epsb, w1, b1, w2, b2, g1, be1, g2, be2)


def _tc_final_body(h_ref, nb_ref, epsb, w1, b1, w2, b2, g1, be1, g2, be2,
                   l1w, l1b, l2w, l2b, out_ref, zbuf, ybuf, stats):
    p = pl.program_id(0)
    t = pl.program_id(1)
    nf = jnp.float32(N)
    rows = pl.ds(t * ROWS, ROWS)

    @pl.when(jnp.logical_and(p == 0, t == 0))
    def _():
        stats[...] = jnp.zeros_like(stats)
        stats[4:5, :] = jnp.full((1, H), 3.0e38, jnp.float32)
        stats[5:6, :] = jnp.full((1, H), -3.0e38, jnp.float32)

    @pl.when(p == 0)
    def _():
        nb = jnp.concatenate([nb_ref[0], nb_ref[1]], axis=1)
        agg = h_ref[...] * epsb[...] + nb
        z = jnp.maximum(jnp.dot(agg, w1[...], preferred_element_type=jnp.float32)
                        + b1[...], 0.0)
        z = jnp.maximum(jnp.dot(z, w2[...], preferred_element_type=jnp.float32)
                        + b2[...], 0.0)
        zbuf[rows, :] = z
        stats[0:1, :] += jnp.sum(z, axis=0, keepdims=True)

    @pl.when(p == 1)
    def _():
        z = zbuf[rows, :]
        m1 = stats[0:1, :] / nf
        d = z - m1
        stats[1:2, :] += jnp.sum(d * d, axis=0, keepdims=True)

    @pl.when(p == 2)
    def _():
        z = zbuf[rows, :]
        m1 = stats[0:1, :] / nf
        sd1 = jnp.sqrt(stats[1:2, :] / nf + 1e-5)
        zn = (z - m1) / sd1 * g1[...] + be1[...]
        w = jnp.where(zn >= 0, zn, 0.01 * zn) * _RSN
        zbuf[rows, :] = w
        stats[2:3, :] += jnp.sum(w, axis=0, keepdims=True)

    @pl.when(p == 3)
    def _():
        w = zbuf[rows, :]
        m2 = stats[2:3, :] / nf
        d = w - m2
        stats[3:4, :] += jnp.sum(d * d, axis=0, keepdims=True)

    @pl.when(p == 4)
    def _():
        w = zbuf[rows, :]
        m2 = stats[2:3, :] / nf
        sd2 = jnp.sqrt(stats[3:4, :] / nf + 1e-5)
        hf = (w - m2) / sd2 * g2[...] + be2[...]
        y = jnp.dot(hf, l1w[...], preferred_element_type=jnp.float32) + l1b[...]
        y = jnp.where(y >= 0, y, 0.01 * y)
        y = jnp.dot(y, l2w[...], preferred_element_type=jnp.float32) + l2b[...]
        y = jnp.where(y >= 0, y, 0.01 * y)
        ybuf[rows, :] = y
        stats[4:5, :] = jnp.minimum(stats[4:5, :], jnp.min(y))
        stats[5:6, :] = jnp.maximum(stats[5:6, :], jnp.max(y))

    @pl.when(p == 5)
    def _():
        y = ybuf[rows, :]
        mn = stats[4:5, 0:1]
        mx = stats[5:6, 0:1]
        out_ref[...] = jnp.where(mn != mx, (y - mn) / (mx + 1e-6 - mn), y)


def _tc_final(h, nb2, epsb, w1, b1, w2, b2, g1, be1, g2, be2, l1w, l1b, l2w, l2b):
    vec_spec = pl.BlockSpec((1, H), lambda p, t: (0, 0))
    mat_spec = pl.BlockSpec((H, H), lambda p, t: (0, 0))
    return pl.pallas_call(
        _tc_final_body,
        grid=(6, TILES),
        in_specs=[
            _gating_spec((ROWS, H)),
            _gating_spec((2, ROWS, HALF)),
            vec_spec, mat_spec, vec_spec, mat_spec, vec_spec,
            vec_spec, vec_spec, vec_spec, vec_spec,
            pl.BlockSpec((H, 32), lambda p, t: (0, 0)),
            pl.BlockSpec((1, 32), lambda p, t: (0, 0)),
            pl.BlockSpec((32, 1), lambda p, t: (0, 0)),
            pl.BlockSpec((1, 1), lambda p, t: (0, 0)),
        ],
        out_specs=pl.BlockSpec((ROWS, 1), lambda p, t: (jnp.where(p == 5, t, 0), 0)),
        out_shape=jax.ShapeDtypeStruct((N, 1), jnp.float32),
        scratch_shapes=[
            pltpu.VMEM((N, H), jnp.float32),
            pltpu.VMEM((N, 1), jnp.float32),
            pltpu.VMEM((8, H), jnp.float32),
        ],
    )(h, nb2, epsb, w1, b1, w2, b2, g1, be1, g2, be2, l1w, l1b, l2w, l2b)




def kernel(x, edge_index, c0_eps, c0_w1, c0_b1, c0_w2, c0_b2, c0_g1, c0_be1,
           c0_g2, c0_be2, eps_s, w1_s, b1_s, w2_s, b2_s, g1_s, be1_s, g2_s,
           be2_s, lin1_w, lin1_b, lin2_w, lin2_b):
    x2 = x[:, None]
    x128 = jnp.broadcast_to(x2, (N, HALF))
    src = edge_index[0]
    dst = edge_index[1]

    s2 = _sc_segsum0(x128, src, dst)[:, :N, :1]
    h = _tc_block0(
        x2, s2,
        (1.0 + c0_eps).reshape(1, 1),
        c0_w1.reshape(1, H), c0_b1.reshape(1, H),
        c0_w2, c0_b2.reshape(1, H),
        c0_g1.reshape(1, H), c0_be1.reshape(1, H),
        c0_g2.reshape(1, H), c0_be2.reshape(1, H),
    )

    for i in range(2):
        nb2 = _sc_segsum(h.reshape(2 * N, HALF), src, dst)[:, :N]
        h = _tc_block(
            h, nb2,
            jnp.broadcast_to((1.0 + eps_s[i]).reshape(1, 1), (1, H)),
            w1_s[i], b1_s[i].reshape(1, H), w2_s[i], b2_s[i].reshape(1, H),
            g1_s[i].reshape(1, H), be1_s[i].reshape(1, H),
            g2_s[i].reshape(1, H), be2_s[i].reshape(1, H),
        )

    nb2 = _sc_segsum(h.reshape(2 * N, HALF), src, dst)[:, :N]
    return _tc_final(
        h, nb2,
        jnp.broadcast_to((1.0 + eps_s[2]).reshape(1, 1), (1, H)),
        w1_s[2], b1_s[2].reshape(1, H), w2_s[2], b2_s[2].reshape(1, H),
        g1_s[2].reshape(1, H), be1_s[2].reshape(1, H),
        g2_s[2].reshape(1, H), be2_s[2].reshape(1, H),
        lin1_w, lin1_b.reshape(1, 32), lin2_w, lin2_b.reshape(1, 1),
    )

# --- scband reference (transcript-rebuilt; emitter-appended) ---
"""Pipeline reference for scband-clique-mpnn-39195871544110 (READ-ONLY COPY).

The authoritative reference and input builder live on the scoring server;
editing this copy changes nothing except your own understanding.
"""

import jax, jax.numpy as jnp
import numpy as np

N = 10000
E = 160000
H = 256  # heads(8) * hidden1(32)
HID1 = 32
L = 3  # num_layers - 1 conv blocks, repeated once


def _init_linear(k, fan_in, fan_out):
    lim = 1.0 / np.sqrt(fan_in)
    kw, kb = jax.random.split(k)
    w = jax.random.uniform(kw, (fan_in, fan_out), minval=-lim, maxval=lim, dtype=jnp.float32)
    b = jax.random.uniform(kb, (fan_out,), minval=-lim, maxval=lim, dtype=jnp.float32)
    return w, b


def setup_inputs(seed: int = 0):
    key = jax.random.key(seed)
    ks = jax.random.split(key, 16)
    inp = {}
    inp['x'] = jax.random.normal(ks[0], (N,), dtype=jnp.float32)
    inp['edge_index'] = jax.random.randint(ks[1], (2, E), 0, N, dtype=jnp.int32)
    c0_w1, c0_b1 = _init_linear(ks[2], 1, H)
    c0_w2, c0_b2 = _init_linear(ks[3], H, H)
    inp.update(c0_eps=jnp.zeros((), jnp.float32), c0_w1=c0_w1, c0_b1=c0_b1, c0_w2=c0_w2, c0_b2=c0_b2,
               c0_g1=jnp.ones((H,), jnp.float32), c0_be1=jnp.zeros((H,), jnp.float32),
               c0_g2=jnp.ones((H,), jnp.float32), c0_be2=jnp.zeros((H,), jnp.float32))
    w1s, b1s, w2s, b2s = [], [], [], []
    for i in range(L):
        w1, b1 = _init_linear(jax.random.fold_in(ks[4], i), H, H)
        w2, b2 = _init_linear(jax.random.fold_in(ks[5], i), H, H)
        w1s.append(w1); b1s.append(b1); w2s.append(w2); b2s.append(b2)
    inp.update(eps_s=jnp.zeros((L,), jnp.float32),
               w1_s=jnp.stack(w1s), b1_s=jnp.stack(b1s), w2_s=jnp.stack(w2s), b2_s=jnp.stack(b2s),
               g1_s=jnp.ones((L, H), jnp.float32), be1_s=jnp.zeros((L, H), jnp.float32),
               g2_s=jnp.ones((L, H), jnp.float32), be2_s=jnp.zeros((L, H), jnp.float32))
    lin1_w, lin1_b = _init_linear(ks[6], H, HID1)
    lin2_w, lin2_b = _init_linear(ks[7], HID1, 1)
    inp.update(lin1_w=lin1_w, lin1_b=lin1_b, lin2_w=lin2_w, lin2_b=lin2_b)
    return inp


def _bn(h, g, b):
    m = jnp.mean(h, axis=0)
    v = jnp.var(h, axis=0)
    return (h - m) / jnp.sqrt(v + 1e-5) * g + b


def _gin_block(h, src, dst, eps, w1, b1, w2, b2, g1, be1, g2, be2):
    nb = jax.ops.segment_sum(h[src], dst, num_segments=N)
    agg = (1.0 + eps) * h + nb
    z = jax.nn.relu(agg @ w1 + b1)
    z = jax.nn.relu(z @ w2 + b2)
    z = _bn(z, g1, be1)
    z = jax.nn.leaky_relu(z, 0.01)
    z = z * (1.0 / jnp.sqrt(float(N)))  # GraphSizeNorm (single graph)
    z = _bn(z, g2, be2)
    return z


def reference(x, edge_index, c0_eps, c0_w1, c0_b1, c0_w2, c0_b2, c0_g1, c0_be1, c0_g2, c0_be2,
              eps_s, w1_s, b1_s, w2_s, b2_s, g1_s, be1_s, g2_s, be2_s,
              lin1_w, lin1_b, lin2_w, lin2_b):
    src = edge_index[0]
    dst = edge_index[1]
    h = x[:, None]
    h = _gin_block(h, src, dst, c0_eps, c0_w1, c0_b1, c0_w2, c0_b2, c0_g1, c0_be1, c0_g2, c0_be2)
    for i in range(L):
        h = _gin_block(h, src, dst, eps_s[i], w1_s[i], b1_s[i], w2_s[i], b2_s[i],
                       g1_s[i], be1_s[i], g2_s[i], be2_s[i])
    h = jax.nn.leaky_relu(h @ lin1_w + lin1_b, 0.01)
    h = jax.nn.leaky_relu(h @ lin2_w + lin2_b, 0.01)
    mn = jnp.min(h)
    mx = jnp.max(h)
    h = jnp.where(mn != mx, (h - mn) / (mx + 1e-6 - mn), h)
    return h

if __name__ == "__main__":
    import jax
    _d = setup_inputs()
    print(jax.jit(kernel)(*tuple(_d.values())))

</pallas_src>

<mosaic_0001>
#map = affine_map<(d0, d1) -> (0, 0)>
#map1 = affine_map<(d0, d1) -> (0)>
#map2 = affine_map<(d0, d1) -> (0, 0, 0)>
module attributes {stable_mosaic.version = 14 : i64} {
  func.func @body(%arg0: i32, %arg1: i32, %arg2: memref<20000x128xf32, #tpu.memory_space<hbm>>, %arg3: memref<160000xi32, #tpu.memory_space<hbm>>, %arg4: memref<160000xi32, #tpu.memory_space<hbm>>, %arg5: memref<2x10240x128xf32, #tpu.memory_space<hbm>>, %arg6: memref<2x96xi32, #tpu.memory_space<vmem>>, %arg7: memref<2x96xi32, #tpu.memory_space<vmem>>, %arg8: memref<2x96xi32, #tpu.memory_space<vmem>>, %arg9: memref<2x96x128xf32, #tpu.memory_space<vmem>>, %arg10: memref<16xi32, #tpu.memory_space<vmem>>, %arg11: memref<16xi32, #tpu.memory_space<vmem>>, %arg12: memref<16xi32, #tpu.memory_space<vmem>>, %arg13: memref<16x128xf32, #tpu.memory_space<vmem>>, %arg14: memref<64x128xf32, #tpu.memory_space<vmem>>, %arg15: memref<10240x128xf32, #tpu.memory_space<vmem_shared>>, %arg16: memref<!tpu.dma_semaphore, #tpu.memory_space<semaphore_mem>>, %arg17: memref<!tpu.dma_semaphore, #tpu.memory_space<semaphore_mem>>, %arg18: memref<!tpu.dma_semaphore, #tpu.memory_space<semaphore_mem>>) attributes {dimension_semantics = [#tpu.dimension_semantics<core_parallel>, #tpu.dimension_semantics<subcore_parallel>], iteration_bounds = array<i64: 2, 16>, scalar_prefetch = 0 : i64, scratch_operands = 13 : i64, tpu.core_type = #tpu.core_type<sc_vector_subcore>, window_params = [{transform_indices = #map}, {transform_indices = #map1}, {transform_indices = #map1}, {transform_indices = #map2}]} {
    %scan3A = arith.constant 0 : i32
    %scan3A_0 = arith.constant 64 : i32
    %scan3A_1 = arith.addi %scan3A, %scan3A_0 : i32
    %scan3A_2 = arith.constant 1 : i32
    scf.for %scan3A_102 = %scan3A to %scan3A_1 step %scan3A_2  : i32 {
      %mul3A_103 = arith.constant 1 : i32
      %mul3A_104 = arith.muli %scan3A_102, %mul3A_103 : i32
      %add3A_105 = arith.constant 0 : i32
      %add3A_106 = arith.addi %add3A_105, %mul3A_104 : i32
      %scan3A_107 = arith.constant 0 : i32
      %scan3A_108 = arith.constant 8 : i32
      %scan3A_109 = arith.addi %scan3A_107, %scan3A_108 : i32
      %scan3A_110 = arith.constant 1 : i32
      scf.for %scan3A_112 = %scan3A_107 to %scan3A_109 step %scan3A_110  : i32 {
        %mul3A_113 = arith.constant 16 : i32
        %mul3A_114 = arith.muli %scan3A_112, %mul3A_113 : i32
        %add3A_115 = arith.constant 0 : i32
        %add3A_116 = arith.addi %add3A_115, %mul3A_114 : i32
        %broadcast_in_dim3A = arith.constant 0.000000e+00 : f32
        %broadcast_in_dim3A_117 = vector.broadcast %broadcast_in_dim3A : f32 to vector<16xf32>
        %swap3A_118 = arith.index_cast %add3A_106 : i32 to index
        %swap3A_119 = arith.index_cast %add3A_116 : i32 to index
        %swap3A_120 = tpu.vector_load %arg14[%swap3A_118, %swap3A_119] {strides = array<i32>} : memref<64x128xf32, #tpu.memory_space<vmem>>, vector<1x16xf32>,
        %swap3A_121 = vector.shape_cast %swap3A_120 : vector<1x16xf32> to vector<16xf32>
        %swap3A_122 = vector.shape_cast %broadcast_in_dim3A_117 : vector<16xf32> to vector<1x16xf32>
        tpu.vector_store %arg14[%swap3A_118, %swap3A_119], %swap3A_122 {strides = array<i32>} : memref<64x128xf32, #tpu.memory_space<vmem>>, vector<1x16xf32>,
      }
      %scan3A_111 = arith.constant 8 : i32
    }
    %scan3A_3 = arith.constant 64 : i32
    %mul3A = arith.constant 640 : i32
    %mul3A_4 = arith.muli %arg1, %mul3A : i32
    %scan3A_5 = arith.constant 0 : i32
    %scan3A_6 = arith.constant 10 : i32
    %scan3A_7 = arith.addi %scan3A_5, %scan3A_6 : i32
    %scan3A_8 = arith.constant 1 : i32
    scf.for %scan3A_102 = %scan3A_5 to %scan3A_7 step %scan3A_8  : i32 {
      %mul3A_103 = arith.constant 1 : i32
      %mul3A_104 = arith.muli %scan3A_102, %mul3A_103 : i32
      %add3A_105 = arith.constant 0 : i32
      %add3A_106 = arith.addi %add3A_105, %mul3A_104 : i32
      %mul3A_107 = arith.constant 64 : i32
      %mul3A_108 = arith.muli %add3A_106, %mul3A_107 : i32
      %add3A_109 = arith.addi %mul3A_4, %mul3A_108 : i32
      "tpu.region"() ({
        %run_scoped3A = tpu.sem_alloc : memref<!tpu.dma_semaphore, #tpu.memory_space<semaphore_mem>>
        %dma_start3A_110 = arith.constant 0 : i32
        %dma_start3A_111 = tpu.memref_slice %arg15[%add3A_109, %dma_start3A_110] : memref<10240x128xf32, #tpu.memory_space<vmem_shared>> -> memref<64x128xf32, #tpu.memory_space<vmem_shared>>
        %dma_start3A_112 = arith.constant 0 : i32
        %dma_start3A_113 = tpu.memref_slice %arg15[%add3A_109, %dma_start3A_112] : memref<10240x128xf32, #tpu.memory_space<vmem_shared>> -> memref<64x128xf32, #tpu.memory_space<vmem_shared>>
        tpu.enqueue_dma source(%arg14 : memref<64x128xf32, #tpu.memory_space<vmem>>) target(%dma_start3A_113 : memref<64x128xf32, #tpu.memory_space<vmem_shared>>) target_semaphore(%run_scoped3A : memref<!tpu.dma_semaphore, #tpu.memory_space<semaphore_mem>>)
        %dma_wait3A_114 = arith.constant 0 : i32
        %dma_wait3A_115 = tpu.memref_slice %arg15[%add3A_109, %dma_wait3A_114] : memref<10240x128xf32, #tpu.memory_space<vmem_shared>> -> memref<64x128xf32, #tpu.memory_space<vmem_shared>>
        %dma_wait3A_116 = arith.constant 0 : i32
        %dma_wait3A_117 = tpu.memref_slice %arg15[%add3A_109, %dma_wait3A_116] : memref<10240x128xf32, #tpu.memory_space<vmem_shared>> -> memref<64x128xf32, #tpu.memory_space<vmem_shared>>
        tpu.wait_dma2 semaphore(%run_scoped3A : memref<!tpu.dma_semaphore, #tpu.memory_space<semaphore_mem>>) src(%arg14 : memref<64x128xf32, #tpu.memory_space<vmem>>) dst(%dma_wait3A_117 : memref<64x128xf32, #tpu.memory_space<vmem_shared>>)
        tpu.yield
      }) : () -> ()
    }
    %scan3A_9 = arith.constant 10 : i32
    %barrier3A = arith.constant 0 : index
    tpu.barrier barrier_id(%barrier3A)
    %mul3A_10 = arith.constant 10000 : i32
    %mul3A_11 = arith.muli %arg1, %mul3A_10 : i32
    %add3A = arith.constant 0 : i32
    %add3A_12 = arith.addi %mul3A_11, %add3A : i32
    %dma_start3A = arith.constant 0 : i32
    %dma_start3A_13 = arith.constant 0 : i32
    %dma_start3A_14 = tpu.memref_slice %arg6[%dma_start3A, %dma_start3A_13] : memref<2x96xi32, #tpu.memory_space<vmem>> -> memref<1x96xi32, #tpu.memory_space<vmem>>
    %dma_start3A_15 = tpu.memref_squeeze %dma_start3A_14 : memref<1x96xi32, #tpu.memory_space<vmem>> -> memref<96xi32, #tpu.memory_space<vmem>>
    %dma_start3A_16 = tpu.memref_slice %arg3[%add3A_12] : memref<160000xi32, #tpu.memory_space<hbm>> -> memref<96xi32, #tpu.memory_space<hbm>>
    %dma_start3A_17 = arith.constant 0 : i32
    %dma_start3A_18 = tpu.memref_slice %arg6[%dma_start3A, %dma_start3A_17] : memref<2x96xi32, #tpu.memory_space<vmem>> -> memref<1x96xi32, #tpu.memory_space<vmem>>
    %dma_start3A_19 = tpu.memref_squeeze %dma_start3A_18 : memref<1x96xi32, #tpu.memory_space<vmem>> -> memref<96xi32, #tpu.memory_space<vmem>>
    %dma_start3A_20 = tpu.memref_slice %arg3[%add3A_12] : memref<160000xi32, #tpu.memory_space<hbm>> -> memref<96xi32, #tpu.memory_space<hbm>>
    tpu.enqueue_dma source(%dma_start3A_20 : memref<96xi32, #tpu.memory_space<hbm>>) target(%dma_start3A_19 : memref<96xi32, #tpu.memory_space<vmem>>) target_semaphore(%arg16 : memref<!tpu.dma_semaphore, #tpu.memory_space<semaphore_mem>>)
    %dma_start3A_21 = arith.constant 0 : i32
    %dma_start3A_22 = arith.constant 0 : i32
    %dma_start3A_23 = tpu.memref_slice %arg7[%dma_start3A_21, %dma_start3A_22] : memref<2x96xi32, #tpu.memory_space<vmem>> -> memref<1x96xi32, #tpu.memory_space<vmem>>
    %dma_start3A_24 = tpu.memref_squeeze %dma_start3A_23 : memref<1x96xi32, #tpu.memory_space<vmem>> -> memref<96xi32, #tpu.memory_space<vmem>>
    %dma_start3A_25 = tpu.memref_slice %arg4[%add3A_12] : memref<160000xi32, #tpu.memory_space<hbm>> -> memref<96xi32, #tpu.memory_space<hbm>>
    %dma_start3A_26 = arith.constant 0 : i32
    %dma_start3A_27 = tpu.memref_slice %arg7[%dma_start3A_21, %dma_start3A_26] : memref<2x96xi32, #tpu.memory_space<vmem>> -> memref<1x96xi32, #tpu.memory_space<vmem>>
    %dma_start3A_28 = tpu.memref_squeeze %dma_start3A_27 : memref<1x96xi32, #tpu.memory_space<vmem>> -> memref<96xi32, #tpu.memory_space<vmem>>
    %dma_start3A_29 = tpu.memref_slice %arg4[%add3A_12] : memref<160000xi32, #tpu.memory_space<hbm>> -> memref<96xi32, #tpu.memory_space<hbm>>
    tpu.enqueue_dma source(%dma_start3A_29 : memref<96xi32, #tpu.memory_space<hbm>>) target(%dma_start3A_28 : memref<96xi32, #tpu.memory_space<vmem>>) target_semaphore(%arg16 : memref<!tpu.dma_semaphore, #tpu.memory_space<semaphore_mem>>)
    %dma_wait3A = arith.constant 0 : i32
    %dma_wait3A_30 = arith.constant 0 : i32
    %dma_wait3A_31 = tpu.memref_slice %arg6[%dma_wait3A, %dma_wait3A_30] : memref<2x96xi32, #tpu.memory_space<vmem>> -> memref<1x96xi32, #tpu.memory_space<vmem>>
    %dma_wait3A_32 = tpu.memref_squeeze %dma_wait3A_31 : memref<1x96xi32, #tpu.memory_space<vmem>> -> memref<96xi32, #tpu.memory_space<vmem>>
    %dma_wait3A_33 = tpu.memref_slice %arg3[%add3A_12] : memref<160000xi32, #tpu.memory_space<hbm>> -> memref<96xi32, #tpu.memory_space<hbm>>
    %dma_wait3A_34 = arith.constant 0 : i32
    %dma_wait3A_35 = tpu.memref_slice %arg6[%dma_wait3A, %dma_wait3A_34] : memref<2x96xi32, #tpu.memory_space<vmem>> -> memref<1x96xi32, #tpu.memory_space<vmem>>
    %dma_wait3A_36 = tpu.memref_squeeze %dma_wait3A_35 : memref<1x96xi32, #tpu.memory_space<vmem>> -> memref<96xi32, #tpu.memory_space<vmem>>
    %dma_wait3A_37 = tpu.memref_slice %arg3[%add3A_12] : memref<160000xi32, #tpu.memory_space<hbm>> -> memref<96xi32, #tpu.memory_space<hbm>>
    tpu.wait_dma2 semaphore(%arg16 : memref<!tpu.dma_semaphore, #tpu.memory_space<semaphore_mem>>) src(%dma_wait3A_37 : memref<96xi32, #tpu.memory_space<hbm>>) dst(%dma_wait3A_36 : memref<96xi32, #tpu.memory_space<vmem>>)
    %dma_wait3A_38 = arith.constant 0 : i32
    %dma_wait3A_39 = arith.constant 0 : i32
    %dma_wait3A_40 = tpu.memref_slice %arg7[%dma_wait3A_38, %dma_wait3A_39] : memref<2x96xi32, #tpu.memory_space<vmem>> -> memref<1x96xi32, #tpu.memory_space<vmem>>
    %dma_wait3A_41 = tpu.memref_squeeze %dma_wait3A_40 : memref<1x96xi32, #tpu.memory_space<vmem>> -> memref<96xi32, #tpu.memory_space<vmem>>
    %dma_wait3A_42 = tpu.memref_slice %arg4[%add3A_12] : memref<160000xi32, #tpu.memory_space<hbm>> -> memref<96xi32, #tpu.memory_space<hbm>>
    %dma_wait3A_43 = arith.constant 0 : i32
    %dma_wait3A_44 = tpu.memref_slice %arg7[%dma_wait3A_38, %dma_wait3A_43] : memref<2x96xi32, #tpu.memory_space<vmem>> -> memref<1x96xi32, #tpu.memory_space<vmem>>
    %dma_wait3A_45 = tpu.memref_squeeze %dma_wait3A_44 : memref<1x96xi32, #tpu.memory_space<vmem>> -> memref<96xi32, #tpu.memory_space<vmem>>
    %dma_wait3A_46 = tpu.memref_slice %arg4[%add3A_12] : memref<160000xi32, #tpu.memory_space<hbm>> -> memref<96xi32, #tpu.memory_space<hbm>>
    tpu.wait_dma2 semaphore(%arg16 : memref<!tpu.dma_semaphore, #tpu.memory_space<semaphore_mem>>) src(%dma_wait3A_46 : memref<96xi32, #tpu.memory_space<hbm>>) dst(%dma_wait3A_45 : memref<96xi32, #tpu.memory_space<vmem>>)
    %scan3A_47 = arith.constant 0 : i32
    %scan3A_48 = arith.constant 6 : i32
    %scan3A_49 = arith.addi %scan3A_47, %scan3A_48 : i32
    %scan3A_50 = arith.constant 1 : i32
    scf.for %scan3A_102 = %scan3A_47 to %scan3A_49 step %scan3A_50  : i32 {
      %mul3A_103 = arith.constant 16 : i32
      %mul3A_104 = arith.muli %scan3A_102, %mul3A_103 : i32
      %add3A_105 = arith.constant 0 : i32
      %add3A_106 = arith.addi %add3A_105, %mul3A_104 : i32
      %get3A_107 = arith.constant 0 : i32
      %get3A_108 = arith.index_cast %get3A_107 : i32 to index
      %get3A_109 = arith.index_cast %add3A_106 : i32 to index
      %get3A_110 = tpu.vector_load %arg6[%get3A_108, %get3A_109] {strides = array<i32>} : memref<2x96xi32, #tpu.memory_space<vmem>>, vector<1x16xi32>,
      %get3A_111 = vector.shape_cast %get3A_110 : vector<1x16xi32> to vector<16xi32>
      %mul3A_112 = arith.constant 2 : i32
      %mul3A_113 = vector.broadcast %mul3A_112 : i32 to vector<16xi32>
      %mul3A_114 = arith.muli %get3A_111, %mul3A_113 : vector<16xi32>
      %add3A_115 = vector.broadcast %arg0 : i32 to vector<16xi32>
      %add3A_116 = arith.addi %mul3A_114, %add3A_115 : vector<16xi32>
      %swap3A_117 = arith.constant 0 : i32
      %swap3A_118 = arith.index_cast %swap3A_117 : i32 to index
      %swap3A_119 = arith.index_cast %add3A_106 : i32 to index
      %swap3A_120 = tpu.vector_load %arg8[%swap3A_118, %swap3A_119] {strides = array<i32>} : memref<2x96xi32, #tpu.memory_space<vmem>>, vector<1x16xi32>,
      %swap3A_121 = vector.shape_cast %swap3A_120 : vector<1x16xi32> to vector<16xi32>
      %swap3A_122 = vector.shape_cast %add3A_116 : vector<16xi32> to vector<1x16xi32>
      tpu.vector_store %arg8[%swap3A_118, %swap3A_119], %swap3A_122 {strides = array<i32>} : memref<2x96xi32, #tpu.memory_space<vmem>>, vector<1x16xi32>,
    }
    %scan3A_51 = arith.constant 6 : i32
    %dma_start3A_52 = arith.constant 0 : i32
    %dma_start3A_53 = arith.constant 0 : i32
    %dma_start3A_54 = arith.constant 0 : i32
    %dma_start3A_55 = arith.constant 0 : i32
    %dma_start3A_56 = tpu.memref_slice %arg9[%dma_start3A_53, %dma_start3A_54, %dma_start3A_55] : memref<2x96x128xf32, #tpu.memory_space<vmem>> -> memref<1x96x128xf32, #tpu.memory_space<vmem>>
    %dma_start3A_57 = tpu.memref_squeeze %dma_start3A_56 : memref<1x96x128xf32, #tpu.memory_space<vmem>> -> memref<96x128xf32, #tpu.memory_space<vmem>>
    %dma_start3A_58 = arith.constant 0 : i32
    %dma_start3A_59 = tpu.memref_slice %arg8[%dma_start3A_52, %dma_start3A_58] : memref<2x96xi32, #tpu.memory_space<vmem>> -> memref<1x96xi32, #tpu.memory_space<vmem>>
    %dma_start3A_60 = tpu.memref_squeeze %dma_start3A_59 : memref<1x96xi32, #tpu.memory_space<vmem>> -> memref<96xi32, #tpu.memory_space<vmem>>
    %dma_start3A_61 = arith.constant 0 : i32
    %dma_start3A_62 = arith.constant 0 : i32
    %dma_start3A_63 = tpu.memref_slice %arg2[%dma_start3A_61, %dma_start3A_62] : memref<20000x128xf32, #tpu.memory_space<hbm>> -> memref<20000x128xf32, #tpu.memory_space<hbm>>
    tpu.enqueue_indirect_dma source(%dma_start3A_63 : memref<20000x128xf32, #tpu.memory_space<hbm>>) target(%dma_start3A_57 : memref<96x128xf32, #tpu.memory_space<vmem>>) offsets(%dma_start3A_60 : memref<96xi32, #tpu.memory_space<vmem>>) semaphore(%arg17 : memref<!tpu.dma_semaphore, #tpu.memory_space<semaphore_mem>>)
    %scan3A_64 = arith.constant 0 : i32
    %scan3A_65 = arith.constant 52 : i32
    %scan3A_66 = arith.addi %scan3A_64, %scan3A_65 : i32
    %scan3A_67 = arith.constant 1 : i32
    scf.for %scan3A_102 = %scan3A_64 to %scan3A_66 step %scan3A_67  : i32 {
      %mul3A_103 = arith.constant 1 : i32
      %mul3A_104 = arith.muli %scan3A_102, %mul3A_103 : i32
      %add3A_105 = arith.constant 0 : i32
      %add3A_106 = arith.addi %add3A_105, %mul3A_104 : i32
      %mul3A_107 = arith.constant 2 : i32
      %mul3A_108 = arith.muli %mul3A_107, %add3A_106 : i32
      %add3A_109 = arith.constant 1 : i32
      %add3A_110 = arith.addi %mul3A_108, %add3A_109 : i32
      %lt3A = arith.constant 104 : i32
      %lt3A_111 = arith.cmpi slt, %add3A_110, %lt3A : i32
      %convert_element_type3A = arith.extui %lt3A_111 : i1 to i32
      %cond3A = arith.constant 0 : i32
      %cond3A_112 = arith.cmpi ne, %convert_element_type3A, %cond3A : i32
      scf.if %cond3A_112 {
        %add3A_158 = arith.constant 1 : i32
        %add3A_159 = arith.addi %mul3A_108, %add3A_158 : i32
        %mul3A_160 = arith.constant 96 : i32
        %mul3A_161 = arith.muli %add3A_159, %mul3A_160 : i32
        %add3A_162 = arith.addi %mul3A_11, %mul3A_161 : i32
        %dma_start3A_163 = arith.constant 1 : i32
        %dma_start3A_164 = arith.constant 0 : i32
        %dma_start3A_165 = tpu.memref_slice %arg6[%dma_start3A_163, %dma_start3A_164] : memref<2x96xi32, #tpu.memory_space<vmem>> -> memref<1x96xi32, #tpu.memory_space<vmem>>
        %dma_start3A_166 = tpu.memref_squeeze %dma_start3A_165 : memref<1x96xi32, #tpu.memory_space<vmem>> -> memref<96xi32, #tpu.memory_space<vmem>>
        %dma_start3A_167 = tpu.memref_slice %arg3[%add3A_162] : memref<160000xi32, #tpu.memory_space<hbm>> -> memref<96xi32, #tpu.memory_space<hbm>>
        %dma_start3A_168 = arith.constant 0 : i32
        %dma_start3A_169 = tpu.memref_slice %arg6[%dma_start3A_163, %dma_start3A_168] : memref<2x96xi32, #tpu.memory_space<vmem>> -> memref<1x96xi32, #tpu.memory_space<vmem>>
        %dma_start3A_170 = tpu.memref_squeeze %dma_start3A_169 : memref<1x96xi32, #tpu.memory_space<vmem>> -> memref<96xi32, #tpu.memory_space<vmem>>
        %dma_start3A_171 = tpu.memref_slice %arg3[%add3A_162] : memref<160000xi32, #tpu.memory_space<hbm>> -> memref<96xi32, #tpu.memory_space<hbm>>
        tpu.enqueue_dma source(%dma_start3A_171 : memref<96xi32, #tpu.memory_space<hbm>>) target(%dma_start3A_170 : memref<96xi32, #tpu.memory_space<vmem>>) target_semaphore(%arg16 : memref<!tpu.dma_semaphore, #tpu.memory_space<semaphore_mem>>)
        %dma_start3A_172 = arith.constant 1 : i32
        %dma_start3A_173 = arith.constant 0 : i32
        %dma_start3A_174 = tpu.memref_slice %arg7[%dma_start3A_172, %dma_start3A_173] : memref<2x96xi32, #tpu.memory_space<vmem>> -> memref<1x96xi32, #tpu.memory_space<vmem>>
        %dma_start3A_175 = tpu.memref_squeeze %dma_start3A_174 : memref<1x96xi32, #tpu.memory_space<vmem>> -> memref<96xi32, #tpu.memory_space<vmem>>
        %dma_start3A_176 = tpu.memref_slice %arg4[%add3A_162] : memref<160000xi32, #tpu.memory_space<hbm>> -> memref<96xi32, #tpu.memory_space<hbm>>
        %dma_start3A_177 = arith.constant 0 : i32
        %dma_start3A_178 = tpu.memref_slice %arg7[%dma_start3A_172, %dma_start3A_177] : memref<2x96xi32, #tpu.memory_space<vmem>> -> memref<1x96xi32, #tpu.memory_space<vmem>>
        %dma_start3A_179 = tpu.memref_squeeze %dma_start3A_178 : memref<1x96xi32, #tpu.memory_space<vmem>> -> memref<96xi32, #tpu.memory_space<vmem>>
        %dma_start3A_180 = tpu.memref_slice %arg4[%add3A_162] : memref<160000xi32, #tpu.memory_space<hbm>> -> memref<96xi32, #tpu.memory_space<hbm>>
        tpu.enqueue_dma source(%dma_start3A_180 : memref<96xi32, #tpu.memory_space<hbm>>) target(%dma_start3A_179 : memref<96xi32, #tpu.memory_space<vmem>>) target_semaphore(%arg16 : memref<!tpu.dma_semaphore, #tpu.memory_space<semaphore_mem>>)
        %dma_wait3A_181 = arith.constant 1 : i32
        %dma_wait3A_182 = arith.constant 0 : i32
        %dma_wait3A_183 = tpu.memref_slice %arg6[%dma_wait3A_181, %dma_wait3A_182] : memref<2x96xi32, #tpu.memory_space<vmem>> -> memref<1x96xi32, #tpu.memory_space<vmem>>
        %dma_wait3A_184 = tpu.memref_squeeze %dma_wait3A_183 : memref<1x96xi32, #tpu.memory_space<vmem>> -> memref<96xi32, #tpu.memory_space<vmem>>
        %dma_wait3A_185 = tpu.memref_slice %arg3[%add3A_162] : memref<160000xi32, #tpu.memory_space<hbm>> -> memref<96xi32, #tpu.memory_space<hbm>>
        %dma_wait3A_186 = arith.constant 0 : i32
        %dma_wait3A_187 = tpu.memref_slice %arg6[%dma_wait3A_181, %dma_wait3A_186] : memref<2x96xi32, #tpu.memory_space<vmem>> -> memref<1x96xi32, #tpu.memory_space<vmem>>
        %dma_wait3A_188 = tpu.memref_squeeze %dma_wait3A_187 : memref<1x96xi32, #tpu.memory_space<vmem>> -> memref<96xi32, #tpu.memory_space<vmem>>
        %dma_wait3A_189 = tpu.memref_slice %arg3[%add3A_162] : memref<160000xi32, #tpu.memory_space<hbm>> -> memref<96xi32, #tpu.memory_space<hbm>>
        tpu.wait_dma2 semaphore(%arg16 : memref<!tpu.dma_semaphore, #tpu.memory_space<semaphore_mem>>) src(%dma_wait3A_189 : memref<96xi32, #tpu.memory_space<hbm>>) dst(%dma_wait3A_188 : memref<96xi32, #tpu.memory_space<vmem>>)
        %dma_wait3A_190 = arith.constant 1 : i32
        %dma_wait3A_191 = arith.constant 0 : i32
        %dma_wait3A_192 = tpu.memref_slice %arg7[%dma_wait3A_190, %dma_wait3A_191] : memref<2x96xi32, #tpu.memory_space<vmem>> -> memref<1x96xi32, #tpu.memory_space<vmem>>
        %dma_wait3A_193 = tpu.memref_squeeze %dma_wait3A_192 : memref<1x96xi32, #tpu.memory_space<vmem>> -> memref<96xi32, #tpu.memory_space<vmem>>
        %dma_wait3A_194 = tpu.memref_slice %arg4[%add3A_162] : memref<160000xi32, #tpu.memory_space<hbm>> -> memref<96xi32, #tpu.memory_space<hbm>>
        %dma_wait3A_195 = arith.constant 0 : i32
        %dma_wait3A_196 = tpu.memref_slice %arg7[%dma_wait3A_190, %dma_wait3A_195] : memref<2x96xi32, #tpu.memory_space<vmem>> -> memref<1x96xi32, #tpu.memory_space<vmem>>
        %dma_wait3A_197 = tpu.memref_squeeze %dma_wait3A_196 : memref<1x96xi32, #tpu.memory_space<vmem>> -> memref<96xi32, #tpu.memory_space<vmem>>
        %dma_wait3A_198 = tpu.memref_slice %arg4[%add3A_162] : memref<160000xi32, #tpu.memory_space<hbm>> -> memref<96xi32, #tpu.memory_space<hbm>>
        tpu.wait_dma2 semaphore(%arg16 : memref<!tpu.dma_semaphore, #tpu.memory_space<semaphore_mem>>) src(%dma_wait3A_198 : memref<96xi32, #tpu.memory_space<hbm>>) dst(%dma_wait3A_197 : memref<96xi32, #tpu.memory_space<vmem>>)
        %scan3A_199 = arith.constant 0 : i32
        %scan3A_200 = arith.constant 6 : i32
        %scan3A_201 = arith.addi %scan3A_199, %scan3A_200 : i32
        %scan3A_202 = arith.constant 1 : i32
        scf.for %scan3A_204 = %scan3A_199 to %scan3A_201 step %scan3A_202  : i32 {
          %mul3A_205 = arith.constant 16 : i32
          %mul3A_206 = arith.muli %scan3A_204, %mul3A_205 : i32
          %add3A_207 = arith.constant 0 : i32
          %add3A_208 = arith.addi %add3A_207, %mul3A_206 : i32
          %get3A_209 = arith.constant 1 : i32
          %get3A_210 = arith.index_cast %get3A_209 : i32 to index
          %get3A_211 = arith.index_cast %add3A_208 : i32 to index
          %get3A_212 = tpu.vector_load %arg6[%get3A_210, %get3A_211] {strides = array<i32>} : memref<2x96xi32, #tpu.memory_space<vmem>>, vector<1x16xi32>,
          %get3A_213 = vector.shape_cast %get3A_212 : vector<1x16xi32> to vector<16xi32>
          %mul3A_214 = arith.constant 2 : i32
          %mul3A_215 = vector.broadcast %mul3A_214 : i32 to vector<16xi32>
          %mul3A_216 = arith.muli %get3A_213, %mul3A_215 : vector<16xi32>
          %add3A_217 = vector.broadcast %arg0 : i32 to vector<16xi32>
          %add3A_218 = arith.addi %mul3A_216, %add3A_217 : vector<16xi32>
          %swap3A_219 = arith.constant 1 : i32
          %swap3A_220 = arith.index_cast %swap3A_219 : i32 to index
          %swap3A_221 = arith.index_cast %add3A_208 : i32 to index
          %swap3A_222 = tpu.vector_load %arg8[%swap3A_220, %swap3A_221] {strides = array<i32>} : memref<2x96xi32, #tpu.memory_space<vmem>>, vector<1x16xi32>,
          %swap3A_223 = vector.shape_cast %swap3A_222 : vector<1x16xi32> to vector<16xi32>
          %swap3A_224 = vector.shape_cast %add3A_218 : vector<16xi32> to vector<1x16xi32>
          tpu.vector_store %arg8[%swap3A_220, %swap3A_221], %swap3A_224 {strides = array<i32>} : memref<2x96xi32, #tpu.memory_space<vmem>>, vector<1x16xi32>,
        }
        %scan3A_203 = arith.constant 6 : i32
      } else {
      }
      %lt3A_113 = arith.constant 104 : i32
      %lt3A_114 = arith.cmpi slt, %mul3A_108, %lt3A_113 : i32
      %convert_element_type3A_115 = arith.extui %lt3A_114 : i1 to i32
      %cond3A_116 = arith.constant 0 : i32
      %cond3A_117 = arith.cmpi ne, %convert_element_type3A_115, %cond3A_116 : i32
      scf.if %cond3A_117 {
        %dma_wait3A_158 = arith.constant 0 : i32
        %dma_wait3A_159 = arith.constant 0 : i32
        %dma_wait3A_160 = arith.constant 0 : i32
        %dma_wait3A_161 = arith.constant 0 : i32
        %dma_wait3A_162 = tpu.memref_slice %arg9[%dma_wait3A_159, %dma_wait3A_160, %dma_wait3A_161] : memref<2x96x128xf32, #tpu.memory_space<vmem>> -> memref<1x96x128xf32, #tpu.memory_space<vmem>>
        %dma_wait3A_163 = tpu.memref_squeeze %dma_wait3A_162 : memref<1x96x128xf32, #tpu.memory_space<vmem>> -> memref<96x128xf32, #tpu.memory_space<vmem>>
        %dma_wait3A_164 = arith.constant 0 : i32
        %dma_wait3A_165 = tpu.memref_slice %arg8[%dma_wait3A_158, %dma_wait3A_164] : memref<2x96xi32, #tpu.memory_space<vmem>> -> memref<1x96xi32, #tpu.memory_space<vmem>>
        %dma_wait3A_166 = tpu.memref_squeeze %dma_wait3A_165 : memref<1x96xi32, #tpu.memory_space<vmem>> -> memref<96xi32, #tpu.memory_space<vmem>>
        %dma_wait3A_167 = arith.constant 0 : i32
        %dma_wait3A_168 = arith.constant 0 : i32
        %dma_wait3A_169 = tpu.memref_slice %arg2[%dma_wait3A_167, %dma_wait3A_168] : memref<20000x128xf32, #tpu.memory_space<hbm>> -> memref<20000x128xf32, #tpu.memory_space<hbm>>
        tpu.wait_indirect_dma semaphore(%arg17 : memref<!tpu.dma_semaphore, #tpu.memory_space<semaphore_mem>>) src(%dma_wait3A_169 : memref<20000x128xf32, #tpu.memory_space<hbm>>) dst(%dma_wait3A_163 : memref<96x128xf32, #tpu.memory_space<vmem>>)
      } else {
      }
      %add3A_118 = arith.constant 1 : i32
      %add3A_119 = arith.addi %mul3A_108, %add3A_118 : i32
      %lt3A_120 = arith.constant 104 : i32
      %lt3A_121 = arith.cmpi slt, %add3A_119, %lt3A_120 : i32
      %convert_element_type3A_122 = arith.extui %lt3A_121 : i1 to i32
      %cond3A_123 = arith.constant 0 : i32
      %cond3A_124 = arith.cmpi ne, %convert_element_type3A_122, %cond3A_123 : i32
      scf.if %cond3A_124 {
        %dma_start3A_158 = arith.constant 1 : i32
        %dma_start3A_159 = arith.constant 1 : i32
        %dma_start3A_160 = arith.constant 0 : i32
        %dma_start3A_161 = arith.constant 0 : i32
        %dma_start3A_162 = tpu.memref_slice %arg9[%dma_start3A_159, %dma_start3A_160, %dma_start3A_161] : memref<2x96x128xf32, #tpu.memory_space<vmem>> -> memref<1x96x128xf32, #tpu.memory_space<vmem>>
        %dma_start3A_163 = tpu.memref_squeeze %dma_start3A_162 : memref<1x96x128xf32, #tpu.memory_space<vmem>> -> memref<96x128xf32, #tpu.memory_space<vmem>>
        %dma_start3A_164 = arith.constant 0 : i32
        %dma_start3A_165 = tpu.memref_slice %arg8[%dma_start3A_158, %dma_start3A_164] : memref<2x96xi32, #tpu.memory_space<vmem>> -> memref<1x96xi32, #tpu.memory_space<vmem>>
        %dma_start3A_166 = tpu.memref_squeeze %dma_start3A_165 : memref<1x96xi32, #tpu.memory_space<vmem>> -> memref<96xi32, #tpu.memory_space<vmem>>
        %dma_start3A_167 = arith.constant 0 : i32
        %dma_start3A_168 = arith.constant 0 : i32
        %dma_start3A_169 = tpu.memref_slice %arg2[%dma_start3A_167, %dma_start3A_168] : memref<20000x128xf32, #tpu.memory_space<hbm>> -> memref<20000x128xf32, #tpu.memory_space<hbm>>
        tpu.enqueue_indirect_dma source(%dma_start3A_169 : memref<20000x128xf32, #tpu.memory_space<hbm>>) target(%dma_start3A_163 : memref<96x128xf32, #tpu.memory_space<vmem>>) offsets(%dma_start3A_166 : memref<96xi32, #tpu.memory_space<vmem>>) semaphore(%arg18 : memref<!tpu.dma_semaphore, #tpu.memory_space<semaphore_mem>>)
      } else {
      }
      %lt3A_125 = arith.constant 104 : i32
      %lt3A_126 = arith.cmpi slt, %mul3A_108, %lt3A_125 : i32
      %convert_element_type3A_127 = arith.extui %lt3A_126 : i1 to i32
      %cond3A_128 = arith.constant 0 : i32
      %cond3A_129 = arith.cmpi ne, %convert_element_type3A_127, %cond3A_128 : i32
      scf.if %cond3A_129 {
        %run_scoped3A = arith.constant 0 : i32
        %run_scoped3A_158 = arith.constant 0 : i32
        "tpu.region"() ({
          %run_scoped3A_159 = tpu.sem_alloc : memref<!tpu.dma_semaphore, #tpu.memory_space<semaphore_mem>>
          %dma_start3A_160 = arith.constant 0 : i32
          %dma_start3A_161 = arith.constant 0 : i32
          %dma_start3A_162 = tpu.memref_slice %arg9[%run_scoped3A, %dma_start3A_160, %dma_start3A_161] : memref<2x96x128xf32, #tpu.memory_space<vmem>> -> memref<1x96x128xf32, #tpu.memory_space<vmem>>
          %dma_start3A_163 = tpu.memref_squeeze %dma_start3A_162 : memref<1x96x128xf32, #tpu.memory_space<vmem>> -> memref<96x128xf32, #tpu.memory_space<vmem>>
          %dma_start3A_164 = arith.constant 0 : i32
          %dma_start3A_165 = tpu.memref_slice %arg7[%run_scoped3A_158, %dma_start3A_164] : memref<2x96xi32, #tpu.memory_space<vmem>> -> memref<1x96xi32, #tpu.memory_space<vmem>>
          %dma_start3A_166 = tpu.memref_squeeze %dma_start3A_165 : memref<1x96xi32, #tpu.memory_space<vmem>> -> memref<96xi32, #tpu.memory_space<vmem>>
          %dma_start3A_167 = arith.constant 0 : i32
          %dma_start3A_168 = arith.constant 0 : i32
          %dma_start3A_169 = tpu.memref_slice %arg15[%dma_start3A_167, %dma_start3A_168] : memref<10240x128xf32, #tpu.memory_space<vmem_shared>> -> memref<10240x128xf32, #tpu.memory_space<vmem_shared>>
          tpu.enqueue_indirect_dma source(%dma_start3A_163 : memref<96x128xf32, #tpu.memory_space<vmem>>) target(%dma_start3A_169 : memref<10240x128xf32, #tpu.memory_space<vmem_shared>>) offsets(%dma_start3A_166 : memref<96xi32, #tpu.memory_space<vmem>>) semaphore(%run_scoped3A_159 : memref<!tpu.dma_semaphore, #tpu.memory_space<semaphore_mem>>) {add = true}
          %dma_wait3A_170 = arith.constant 0 : i32
          %dma_wait3A_171 = arith.constant 0 : i32
          %dma_wait3A_172 = tpu.memref_slice %arg9[%run_scoped3A, %dma_wait3A_170, %dma_wait3A_171] : memref<2x96x128xf32, #tpu.memory_space<vmem>> -> memref<1x96x128xf32, #tpu.memory_space<vmem>>
          %dma_wait3A_173 = tpu.memref_squeeze %dma_wait3A_172 : memref<1x96x128xf32, #tpu.memory_space<vmem>> -> memref<96x128xf32, #tpu.memory_space<vmem>>
          %dma_wait3A_174 = arith.constant 0 : i32
          %dma_wait3A_175 = tpu.memref_slice %arg7[%run_scoped3A_158, %dma_wait3A_174] : memref<2x96xi32, #tpu.memory_space<vmem>> -> memref<1x96xi32, #tpu.memory_space<vmem>>
          %dma_wait3A_176 = tpu.memref_squeeze %dma_wait3A_175 : memref<1x96xi32, #tpu.memory_space<vmem>> -> memref<96xi32, #tpu.memory_space<vmem>>
          %dma_wait3A_177 = arith.constant 0 : i32
          %dma_wait3A_178 = arith.constant 0 : i32
          %dma_wait3A_179 = tpu.memref_slice %arg15[%dma_wait3A_177, %dma_wait3A_178] : memref<10240x128xf32, #tpu.memory_space<vmem_shared>> -> memref<10240x128xf32, #tpu.memory_space<vmem_shared>>
          tpu.wait_indirect_dma semaphore(%run_scoped3A_159 : memref<!tpu.dma_semaphore, #tpu.memory_space<semaphore_mem>>) src(%dma_wait3A_173 : memref<96x128xf32, #tpu.memory_space<vmem>>) dst(%dma_wait3A_179 : memref<10240x128xf32, #tpu.memory_space<vmem_shared>>)
          tpu.yield
        }) : () -> ()
      } else {
      }
      %mul3A_130 = arith.constant 2 : i32
      %mul3A_131 = arith.muli %mul3A_130, %add3A_106 : i32
      %add3A_132 = arith.constant 1 : i32
      %add3A_133 = arith.addi %mul3A_131, %add3A_132 : i32
      %add3A_134 = arith.constant 1 : i32
      %add3A_135 = arith.addi %add3A_133, %add3A_134 : i32
      %lt3A_136 = arith.constant 104 : i32
      %lt3A_137 = arith.cmpi slt, %add3A_135, %lt3A_136 : i32
      %convert_element_type3A_138 = arith.extui %lt3A_137 : i1 to i32
      %cond3A_139 = arith.constant 0 : i32
      %cond3A_140 = arith.cmpi ne, %convert_element_type3A_138, %cond3A_139 : i32
      scf.if %cond3A_140 {
        %add3A_158 = arith.constant 1 : i32
        %add3A_159 = arith.addi %add3A_133, %add3A_158 : i32
        %mul3A_160 = arith.constant 96 : i32
        %mul3A_161 = arith.muli %add3A_159, %mul3A_160 : i32
        %add3A_162 = arith.addi %mul3A_11, %mul3A_161 : i32
        %dma_start3A_163 = arith.constant 0 : i32
        %dma_start3A_164 = arith.constant 0 : i32
        %dma_start3A_165 = tpu.memref_slice %arg6[%dma_start3A_163, %dma_start3A_164] : memref<2x96xi32, #tpu.memory_space<vmem>> -> memref<1x96xi32, #tpu.memory_space<vmem>>
        %dma_start3A_166 = tpu.memref_squeeze %dma_start3A_165 : memref<1x96xi32, #tpu.memory_space<vmem>> -> memref<96xi32, #tpu.memory_space<vmem>>
        %dma_start3A_167 = tpu.memref_slice %arg3[%add3A_162] : memref<160000xi32, #tpu.memory_space<hbm>> -> memref<96xi32, #tpu.memory_space<hbm>>
        %dma_start3A_168 = arith.constant 0 : i32
        %dma_start3A_169 = tpu.memref_slice %arg6[%dma_start3A_163, %dma_start3A_168] : memref<2x96xi32, #tpu.memory_space<vmem>> -> memref<1x96xi32, #tpu.memory_space<vmem>>
        %dma_start3A_170 = tpu.memref_squeeze %dma_start3A_169 : memref<1x96xi32, #tpu.memory_space<vmem>> -> memref<96xi32, #tpu.memory_space<vmem>>
        %dma_start3A_171 = tpu.memref_slice %arg3[%add3A_162] : memref<160000xi32, #tpu.memory_space<hbm>> -> memref<96xi32, #tpu.memory_space<hbm>>
        tpu.enqueue_dma source(%dma_start3A_171 : memref<96xi32, #tpu.memory_space<hbm>>) target(%dma_start3A_170 : memref<96xi32, #tpu.memory_space<vmem>>) target_semaphore(%arg16 : memref<!tpu.dma_semaphore, #tpu.memory_space<semaphore_mem>>)
        %dma_start3A_172 = arith.constant 0 : i32
        %dma_start3A_173 = arith.constant 0 : i32
        %dma_start3A_174 = tpu.memref_slice %arg7[%dma_start3A_172, %dma_start3A_173] : memref<2x96xi32, #tpu.memory_space<vmem>> -> memref<1x96xi32, #tpu.memory_space<vmem>>
        %dma_start3A_175 = tpu.memref_squeeze %dma_start3A_174 : memref<1x96xi32, #tpu.memory_space<vmem>> -> memref<96xi32, #tpu.memory_space<vmem>>
        %dma_start3A_176 = tpu.memref_slice %arg4[%add3A_162] : memref<160000xi32, #tpu.memory_space<hbm>> -> memref<96xi32, #tpu.memory_space<hbm>>
        %dma_start3A_177 = arith.constant 0 : i32
        %dma_start3A_178 = tpu.memref_slice %arg7[%dma_start3A_172, %dma_start3A_177] : memref<2x96xi32, #tpu.memory_space<vmem>> -> memref<1x96xi32, #tpu.memory_space<vmem>>
        %dma_start3A_179 = tpu.memref_squeeze %dma_start3A_178 : memref<1x96xi32, #tpu.memory_space<vmem>> -> memref<96xi32, #tpu.memory_space<vmem>>
        %dma_start3A_180 = tpu.memref_slice %arg4[%add3A_162] : memref<160000xi32, #tpu.memory_space<hbm>> -> memref<96xi32, #tpu.memory_space<hbm>>
        tpu.enqueue_dma source(%dma_start3A_180 : memref<96xi32, #tpu.memory_space<hbm>>) target(%dma_start3A_179 : memref<96xi32, #tpu.memory_space<vmem>>) target_semaphore(%arg16 : memref<!tpu.dma_semaphore, #tpu.memory_space<semaphore_mem>>)
        %dma_wait3A_181 = arith.constant 0 : i32
        %dma_wait3A_182 = arith.constant 0 : i32
        %dma_wait3A_183 = tpu.memref_slice %arg6[%dma_wait3A_181, %dma_wait3A_182] : memref<2x96xi32, #tpu.memory_space<vmem>> -> memref<1x96xi32, #tpu.memory_space<vmem>>
        %dma_wait3A_184 = tpu.memref_squeeze %dma_wait3A_183 : memref<1x96xi32, #tpu.memory_space<vmem>> -> memref<96xi32, #tpu.memory_space<vmem>>
        %dma_wait3A_185 = tpu.memref_slice %arg3[%add3A_162] : memref<160000xi32, #tpu.memory_space<hbm>> -> memref<96xi32, #tpu.memory_space<hbm>>
        %dma_wait3A_186 = arith.constant 0 : i32
        %dma_wait3A_187 = tpu.memref_slice %arg6[%dma_wait3A_181, %dma_wait3A_186] : memref<2x96xi32, #tpu.memory_space<vmem>> -> memref<1x96xi32, #tpu.memory_space<vmem>>
        %dma_wait3A_188 = tpu.memref_squeeze %dma_wait3A_187 : memref<1x96xi32, #tpu.memory_space<vmem>> -> memref<96xi32, #tpu.memory_space<vmem>>
        %dma_wait3A_189 = tpu.memref_slice %arg3[%add3A_162] : memref<160000xi32, #tpu.memory_space<hbm>> -> memref<96xi32, #tpu.memory_space<hbm>>
        tpu.wait_dma2 semaphore(%arg16 : memref<!tpu.dma_semaphore, #tpu.memory_space<semaphore_mem>>) src(%dma_wait3A_189 : memref<96xi32, #tpu.memory_space<hbm>>) dst(%dma_wait3A_188 : memref<96xi32, #tpu.memory_space<vmem>>)
        %dma_wait3A_190 = arith.constant 0 : i32
        %dma_wait3A_191 = arith.constant 0 : i32
        %dma_wait3A_192 = tpu.memref_slice %arg7[%dma_wait3A_190, %dma_wait3A_191] : memref<2x96xi32, #tpu.memory_space<vmem>> -> memref<1x96xi32, #tpu.memory_space<vmem>>
        %dma_wait3A_193 = tpu.memref_squeeze %dma_wait3A_192 : memref<1x96xi32, #tpu.memory_space<vmem>> -> memref<96xi32, #tpu.memory_space<vmem>>
        %dma_wait3A_194 = tpu.memref_slice %arg4[%add3A_162] : memref<160000xi32, #tpu.memory_space<hbm>> -> memref<96xi32, #tpu.memory_space<hbm>>
        %dma_wait3A_195 = arith.constant 0 : i32
        %dma_wait3A_196 = tpu.memref_slice %arg7[%dma_wait3A_190, %dma_wait3A_195] : memref<2x96xi32, #tpu.memory_space<vmem>> -> memref<1x96xi32, #tpu.memory_space<vmem>>
        %dma_wait3A_197 = tpu.memref_squeeze %dma_wait3A_196 : memref<1x96xi32, #tpu.memory_space<vmem>> -> memref<96xi32, #tpu.memory_space<vmem>>
        %dma_wait3A_198 = tpu.memref_slice %arg4[%add3A_162] : memref<160000xi32, #tpu.memory_space<hbm>> -> memref<96xi32, #tpu.memory_space<hbm>>
        tpu.wait_dma2 semaphore(%arg16 : memref<!tpu.dma_semaphore, #tpu.memory_space<semaphore_mem>>) src(%dma_wait3A_198 : memref<96xi32, #tpu.memory_space<hbm>>) dst(%dma_wait3A_197 : memref<96xi32, #tpu.memory_space<vmem>>)
        %scan3A_199 = arith.constant 0 : i32
        %scan3A_200 = arith.constant 6 : i32
        %scan3A_201 = arith.addi %scan3A_199, %scan3A_200 : i32
        %scan3A_202 = arith.constant 1 : i32
        scf.for %scan3A_204 = %scan3A_199 to %scan3A_201 step %scan3A_202  : i32 {
          %mul3A_205 = arith.constant 16 : i32
          %mul3A_206 = arith.muli %scan3A_204, %mul3A_205 : i32
          %add3A_207 = arith.constant 0 : i32
          %add3A_208 = arith.addi %add3A_207, %mul3A_206 : i32
          %get3A_209 = arith.constant 0 : i32
          %get3A_210 = arith.index_cast %get3A_209 : i32 to index
          %get3A_211 = arith.index_cast %add3A_208 : i32 to index
          %get3A_212 = tpu.vector_load %arg6[%get3A_210, %get3A_211] {strides = array<i32>} : memref<2x96xi32, #tpu.memory_space<vmem>>, vector<1x16xi32>,
          %get3A_213 = vector.shape_cast %get3A_212 : vector<1x16xi32> to vector<16xi32>
          %mul3A_214 = arith.constant 2 : i32
          %mul3A_215 = vector.broadcast %mul3A_214 : i32 to vector<16xi32>
          %mul3A_216 = arith.muli %get3A_213, %mul3A_215 : vector<16xi32>
          %add3A_217 = vector.broadcast %arg0 : i32 to vector<16xi32>
          %add3A_218 = arith.addi %mul3A_216, %add3A_217 : vector<16xi32>
          %swap3A_219 = arith.constant 0 : i32
          %swap3A_220 = arith.index_cast %swap3A_219 : i32 to index
          %swap3A_221 = arith.index_cast %add3A_208 : i32 to index
          %swap3A_222 = tpu.vector_load %arg8[%swap3A_220, %swap3A_221] {strides = array<i32>} : memref<2x96xi32, #tpu.memory_space<vmem>>, vector<1x16xi32>,
          %swap3A_223 = vector.shape_cast %swap3A_222 : vector<1x16xi32> to vector<16xi32>
          %swap3A_224 = vector.shape_cast %add3A_218 : vector<16xi32> to vector<1x16xi32>
          tpu.vector_store %arg8[%swap3A_220, %swap3A_221], %swap3A_224 {strides = array<i32>} : memref<2x96xi32, #tpu.memory_space<vmem>>, vector<1x16xi32>,
        }
        %scan3A_203 = arith.constant 6 : i32
      } else {
      }
      %lt3A_141 = arith.constant 104 : i32
      %lt3A_142 = arith.cmpi slt, %add3A_133, %lt3A_141 : i32
      %convert_element_type3A_143 = arith.extui %lt3A_142 : i1 to i32
      %cond3A_144 = arith.constant 0 : i32
      %cond3A_145 = arith.cmpi ne, %convert_element_type3A_143, %cond3A_144 : i32
      scf.if %cond3A_145 {
        %dma_wait3A_158 = arith.constant 1 : i32
        %dma_wait3A_159 = arith.constant 1 : i32
        %dma_wait3A_160 = arith.constant 0 : i32
        %dma_wait3A_161 = arith.constant 0 : i32
        %dma_wait3A_162 = tpu.memref_slice %arg9[%dma_wait3A_159, %dma_wait3A_160, %dma_wait3A_161] : memref<2x96x128xf32, #tpu.memory_space<vmem>> -> memref<1x96x128xf32, #tpu.memory_space<vmem>>
        %dma_wait3A_163 = tpu.memref_squeeze %dma_wait3A_162 : memref<1x96x128xf32, #tpu.memory_space<vmem>> -> memref<96x128xf32, #tpu.memory_space<vmem>>
        %dma_wait3A_164 = arith.constant 0 : i32
        %dma_wait3A_165 = tpu.memref_slice %arg8[%dma_wait3A_158, %dma_wait3A_164] : memref<2x96xi32, #tpu.memory_space<vmem>> -> memref<1x96xi32, #tpu.memory_space<vmem>>
        %dma_wait3A_166 = tpu.memref_squeeze %dma_wait3A_165 : memref<1x96xi32, #tpu.memory_space<vmem>> -> memref<96xi32, #tpu.memory_space<vmem>>
        %dma_wait3A_167 = arith.constant 0 : i32
        %dma_wait3A_168 = arith.constant 0 : i32
        %dma_wait3A_169 = tpu.memref_slice %arg2[%dma_wait3A_167, %dma_wait3A_168] : memref<20000x128xf32, #tpu.memory_space<hbm>> -> memref<20000x128xf32, #tpu.memory_space<hbm>>
        tpu.wait_indirect_dma semaphore(%arg18 : memref<!tpu.dma_semaphore, #tpu.memory_space<semaphore_mem>>) src(%dma_wait3A_169 : memref<20000x128xf32, #tpu.memory_space<hbm>>) dst(%dma_wait3A_163 : memref<96x128xf32, #tpu.memory_space<vmem>>)
      } else {
      }
      %add3A_146 = arith.constant 1 : i32
      %add3A_147 = arith.addi %add3A_133, %add3A_146 : i32
      %lt3A_148 = arith.constant 104 : i32
      %lt3A_149 = arith.cmpi slt, %add3A_147, %lt3A_148 : i32
      %convert_element_type3A_150 = arith.extui %lt3A_149 : i1 to i32
      %cond3A_151 = arith.constant 0 : i32
      %cond3A_152 = arith.cmpi ne, %convert_element_type3A_150, %cond3A_151 : i32
      scf.if %cond3A_152 {
        %dma_start3A_158 = arith.constant 0 : i32
        %dma_start3A_159 = arith.constant 0 : i32
        %dma_start3A_160 = arith.constant 0 : i32
        %dma_start3A_161 = arith.constant 0 : i32
        %dma_start3A_162 = tpu.memref_slice %arg9[%dma_start3A_159, %dma_start3A_160, %dma_start3A_161] : memref<2x96x128xf32, #tpu.memory_space<vmem>> -> memref<1x96x128xf32, #tpu.memory_space<vmem>>
        %dma_start3A_163 = tpu.memref_squeeze %dma_start3A_162 : memref<1x96x128xf32, #tpu.memory_space<vmem>> -> memref<96x128xf32, #tpu.memory_space<vmem>>
        %dma_start3A_164 = arith.constant 0 : i32
        %dma_start3A_165 = tpu.memref_slice %arg8[%dma_start3A_158, %dma_start3A_164] : memref<2x96xi32, #tpu.memory_space<vmem>> -> memref<1x96xi32, #tpu.memory_space<vmem>>
        %dma_start3A_166 = tpu.memref_squeeze %dma_start3A_165 : memref<1x96xi32, #tpu.memory_space<vmem>> -> memref<96xi32, #tpu.memory_space<vmem>>
        %dma_start3A_167 = arith.constant 0 : i32
        %dma_start3A_168 = arith.constant 0 : i32
        %dma_start3A_169 = tpu.memref_slice %arg2[%dma_start3A_167, %dma_start3A_168] : memref<20000x128xf32, #tpu.memory_space<hbm>> -> memref<20000x128xf32, #tpu.memory_space<hbm>>
        tpu.enqueue_indirect_dma source(%dma_start3A_169 : memref<20000x128xf32, #tpu.memory_space<hbm>>) target(%dma_start3A_163 : memref<96x128xf32, #tpu.memory_space<vmem>>) offsets(%dma_start3A_166 : memref<96xi32, #tpu.memory_space<vmem>>) semaphore(%arg17 : memref<!tpu.dma_semaphore, #tpu.memory_space<semaphore_mem>>)
      } else {
      }
      %lt3A_153 = arith.constant 104 : i32
      %lt3A_154 = arith.cmpi slt, %add3A_133, %lt3A_153 : i32
      %convert_element_type3A_155 = arith.extui %lt3A_154 : i1 to i32
      %cond3A_156 = arith.constant 0 : i32
      %cond3A_157 = arith.cmpi ne, %convert_element_type3A_155, %cond3A_156 : i32
      scf.if %cond3A_157 {
        %run_scoped3A = arith.constant 1 : i32
        %run_scoped3A_158 = arith.constant 1 : i32
        "tpu.region"() ({
          %run_scoped3A_159 = tpu.sem_alloc : memref<!tpu.dma_semaphore, #tpu.memory_space<semaphore_mem>>
          %dma_start3A_160 = arith.constant 0 : i32
          %dma_start3A_161 = arith.constant 0 : i32
          %dma_start3A_162 = tpu.memref_slice %arg9[%run_scoped3A, %dma_start3A_160, %dma_start3A_161] : memref<2x96x128xf32, #tpu.memory_space<vmem>> -> memref<1x96x128xf32, #tpu.memory_space<vmem>>
          %dma_start3A_163 = tpu.memref_squeeze %dma_start3A_162 : memref<1x96x128xf32, #tpu.memory_space<vmem>> -> memref<96x128xf32, #tpu.memory_space<vmem>>
          %dma_start3A_164 = arith.constant 0 : i32
          %dma_start3A_165 = tpu.memref_slice %arg7[%run_scoped3A_158, %dma_start3A_164] : memref<2x96xi32, #tpu.memory_space<vmem>> -> memref<1x96xi32, #tpu.memory_space<vmem>>
          %dma_start3A_166 = tpu.memref_squeeze %dma_start3A_165 : memref<1x96xi32, #tpu.memory_space<vmem>> -> memref<96xi32, #tpu.memory_space<vmem>>
          %dma_start3A_167 = arith.constant 0 : i32
          %dma_start3A_168 = arith.constant 0 : i32
          %dma_start3A_169 = tpu.memref_slice %arg15[%dma_start3A_167, %dma_start3A_168] : memref<10240x128xf32, #tpu.memory_space<vmem_shared>> -> memref<10240x128xf32, #tpu.memory_space<vmem_shared>>
          tpu.enqueue_indirect_dma source(%dma_start3A_163 : memref<96x128xf32, #tpu.memory_space<vmem>>) target(%dma_start3A_169 : memref<10240x128xf32, #tpu.memory_space<vmem_shared>>) offsets(%dma_start3A_166 : memref<96xi32, #tpu.memory_space<vmem>>) semaphore(%run_scoped3A_159 : memref<!tpu.dma_semaphore, #tpu.memory_space<semaphore_mem>>) {add = true}
          %dma_wait3A_170 = arith.constant 0 : i32
          %dma_wait3A_171 = arith.constant 0 : i32
          %dma_wait3A_172 = tpu.memref_slice %arg9[%run_scoped3A, %dma_wait3A_170, %dma_wait3A_171] : memref<2x96x128xf32, #tpu.memory_space<vmem>> -> memref<1x96x128xf32, #tpu.memory_space<vmem>>
          %dma_wait3A_173 = tpu.memref_squeeze %dma_wait3A_172 : memref<1x96x128xf32, #tpu.memory_space<vmem>> -> memref<96x128xf32, #tpu.memory_space<vmem>>
          %dma_wait3A_174 = arith.constant 0 : i32
          %dma_wait3A_175 = tpu.memref_slice %arg7[%run_scoped3A_158, %dma_wait3A_174] : memref<2x96xi32, #tpu.memory_space<vmem>> -> memref<1x96xi32, #tpu.memory_space<vmem>>
          %dma_wait3A_176 = tpu.memref_squeeze %dma_wait3A_175 : memref<1x96xi32, #tpu.memory_space<vmem>> -> memref<96xi32, #tpu.memory_space<vmem>>
          %dma_wait3A_177 = arith.constant 0 : i32
          %dma_wait3A_178 = arith.constant 0 : i32
          %dma_wait3A_179 = tpu.memref_slice %arg15[%dma_wait3A_177, %dma_wait3A_178] : memref<10240x128xf32, #tpu.memory_space<vmem_shared>> -> memref<10240x128xf32, #tpu.memory_space<vmem_shared>>
          tpu.wait_indirect_dma semaphore(%run_scoped3A_159 : memref<!tpu.dma_semaphore, #tpu.memory_space<semaphore_mem>>) src(%dma_wait3A_173 : memref<96x128xf32, #tpu.memory_space<vmem>>) dst(%dma_wait3A_179 : memref<10240x128xf32, #tpu.memory_space<vmem_shared>>)
          tpu.yield
        }) : () -> ()
      } else {
      }
    }
    %scan3A_68 = arith.constant 52 : i32
    %add3A_69 = arith.constant 9984 : i32
    %add3A_70 = arith.addi %mul3A_11, %add3A_69 : i32
    %dma_start3A_71 = tpu.memref_slice %arg3[%add3A_70] : memref<160000xi32, #tpu.memory_space<hbm>> -> memref<16xi32, #tpu.memory_space<hbm>>
    %dma_start3A_72 = tpu.memref_slice %arg3[%add3A_70] : memref<160000xi32, #tpu.memory_space<hbm>> -> memref<16xi32, #tpu.memory_space<hbm>>
    tpu.enqueue_dma source(%dma_start3A_72 : memref<16xi32, #tpu.memory_space<hbm>>) target(%arg10 : memref<16xi32, #tpu.memory_space<vmem>>) target_semaphore(%arg16 : memref<!tpu.dma_semaphore, #tpu.memory_space<semaphore_mem>>)
    %dma_start3A_73 = tpu.memref_slice %arg4[%add3A_70] : memref<160000xi32, #tpu.memory_space<hbm>> -> memref<16xi32, #tpu.memory_space<hbm>>
    %dma_start3A_74 = tpu.memref_slice %arg4[%add3A_70] : memref<160000xi32, #tpu.memory_space<hbm>> -> memref<16xi32, #tpu.memory_space<hbm>>
    tpu.enqueue_dma source(%dma_start3A_74 : memref<16xi32, #tpu.memory_space<hbm>>) target(%arg11 : memref<16xi32, #tpu.memory_space<vmem>>) target_semaphore(%arg16 : memref<!tpu.dma_semaphore, #tpu.memory_space<semaphore_mem>>)
    %dma_wait3A_75 = tpu.memref_slice %arg3[%add3A_70] : memref<160000xi32, #tpu.memory_space<hbm>> -> memref<16xi32, #tpu.memory_space<hbm>>
    %dma_wait3A_76 = tpu.memref_slice %arg3[%add3A_70] : memref<160000xi32, #tpu.memory_space<hbm>> -> memref<16xi32, #tpu.memory_space<hbm>>
    tpu.wait_dma2 semaphore(%arg16 : memref<!tpu.dma_semaphore, #tpu.memory_space<semaphore_mem>>) src(%dma_wait3A_76 : memref<16xi32, #tpu.memory_space<hbm>>) dst(%arg10 : memref<16xi32, #tpu.memory_space<vmem>>)
    %dma_wait3A_77 = tpu.memref_slice %arg4[%add3A_70] : memref<160000xi32, #tpu.memory_space<hbm>> -> memref<16xi32, #tpu.memory_space<hbm>>
    %dma_wait3A_78 = tpu.memref_slice %arg4[%add3A_70] : memref<160000xi32, #tpu.memory_space<hbm>> -> memref<16xi32, #tpu.memory_space<hbm>>
    tpu.wait_dma2 semaphore(%arg16 : memref<!tpu.dma_semaphore, #tpu.memory_space<semaphore_mem>>) src(%dma_wait3A_78 : memref<16xi32, #tpu.memory_space<hbm>>) dst(%arg11 : memref<16xi32, #tpu.memory_space<vmem>>)
    %scan3A_79 = arith.constant 0 : i32
    %mul3A_80 = arith.constant 16 : i32
    %mul3A_81 = arith.muli %scan3A_79, %mul3A_80 : i32
    %add3A_82 = arith.constant 0 : i32
    %add3A_83 = arith.addi %add3A_82, %mul3A_81 : i32
    %get3A = arith.index_cast %add3A_83 : i32 to index
    %get3A_84 = tpu.vector_load %arg10[%get3A] {strides = array<i32>} : memref<16xi32, #tpu.memory_space<vmem>>, vector<16xi32>,
    %get3A_85 = vector.shape_cast %get3A_84 : vector<16xi32> to vector<16xi32>
    %mul3A_86 = arith.constant 2 : i32
    %mul3A_87 = vector.broadcast %mul3A_86 : i32 to vector<16xi32>
    %mul3A_88 = arith.muli %get3A_85, %mul3A_87 : vector<16xi32>
    %add3A_89 = vector.broadcast %arg0 : i32 to vector<16xi32>
    %add3A_90 = arith.addi %mul3A_88, %add3A_89 : vector<16xi32>
    %swap3A = arith.index_cast %add3A_83 : i32 to index
    %swap3A_91 = tpu.vector_load %arg12[%swap3A] {strides = array<i32>} : memref<16xi32, #tpu.memory_space<vmem>>, vector<16xi32>,
    %swap3A_92 = vector.shape_cast %swap3A_91 : vector<16xi32> to vector<16xi32>
    %swap3A_93 = vector.shape_cast %add3A_90 : vector<16xi32> to vector<16xi32>
    tpu.vector_store %arg12[%swap3A], %swap3A_93 {strides = array<i32>} : memref<16xi32, #tpu.memory_space<vmem>>, vector<16xi32>,
    %scan3A_94 = arith.constant 1 : i32
    %dma_start3A_95 = arith.constant 0 : i32
    %dma_start3A_96 = arith.constant 0 : i32
    %dma_start3A_97 = tpu.memref_slice %arg2[%dma_start3A_95, %dma_start3A_96] : memref<20000x128xf32, #tpu.memory_space<hbm>> -> memref<20000x128xf32, #tpu.memory_space<hbm>>
    tpu.enqueue_indirect_dma source(%dma_start3A_97 : memref<20000x128xf32, #tpu.memory_space<hbm>>) target(%arg13 : memref<16x128xf32, #tpu.memory_space<vmem>>) offsets(%arg12 : memref<16xi32, #tpu.memory_space<vmem>>) semaphore(%arg17 : memref<!tpu.dma_semaphore, #tpu.memory_space<semaphore_mem>>)
    %dma_wait3A_98 = arith.constant 0 : i32
    %dma_wait3A_99 = arith.constant 0 : i32
    %dma_wait3A_100 = tpu.memref_slice %arg2[%dma_wait3A_98, %dma_wait3A_99] : memref<20000x128xf32, #tpu.memory_space<hbm>> -> memref<20000x128xf32, #tpu.memory_space<hbm>>
    tpu.wait_indirect_dma semaphore(%arg17 : memref<!tpu.dma_semaphore, #tpu.memory_space<semaphore_mem>>) src(%dma_wait3A_100 : memref<20000x128xf32, #tpu.memory_space<hbm>>) dst(%arg13 : memref<16x128xf32, #tpu.memory_space<vmem>>)
    "tpu.region"() ({
      %run_scoped3A = tpu.sem_alloc : memref<!tpu.dma_semaphore, #tpu.memory_space<semaphore_mem>>
      %dma_start3A_102 = arith.constant 0 : i32
      %dma_start3A_103 = arith.constant 0 : i32
      %dma_start3A_104 = tpu.memref_slice %arg15[%dma_start3A_102, %dma_start3A_103] : memref<10240x128xf32, #tpu.memory_space<vmem_shared>> -> memref<10240x128xf32, #tpu.memory_space<vmem_shared>>
      tpu.enqueue_indirect_dma source(%arg13 : memref<16x128xf32, #tpu.memory_space<vmem>>) target(%dma_start3A_104 : memref<10240x128xf32, #tpu.memory_space<vmem_shared>>) offsets(%arg11 : memref<16xi32, #tpu.memory_space<vmem>>) semaphore(%run_scoped3A : memref<!tpu.dma_semaphore, #tpu.memory_space<semaphore_mem>>) {add = true}
      %dma_wait3A_105 = arith.constant 0 : i32
      %dma_wait3A_106 = arith.constant 0 : i32
      %dma_wait3A_107 = tpu.memref_slice %arg15[%dma_wait3A_105, %dma_wait3A_106] : memref<10240x128xf32, #tpu.memory_space<vmem_shared>> -> memref<10240x128xf32, #tpu.memory_space<vmem_shared>>
      tpu.wait_indirect_dma semaphore(%run_scoped3A : memref<!tpu.dma_semaphore, #tpu.memory_space<semaphore_mem>>) src(%arg13 : memref<16x128xf32, #tpu.memory_space<vmem>>) dst(%dma_wait3A_107 : memref<10240x128xf32, #tpu.memory_space<vmem_shared>>)
      tpu.yield
    }) : () -> ()
    %barrier3A_101 = arith.constant 0 : index
    tpu.barrier barrier_id(%barrier3A_101)
    "tpu.region"() ({
      %run_scoped3A = tpu.sem_alloc : memref<!tpu.dma_semaphore, #tpu.memory_space<semaphore_mem>>
      %dma_start3A_102 = arith.constant 0 : i32
      %dma_start3A_103 = tpu.memref_slice %arg5[%arg0, %mul3A_4, %dma_start3A_102] : memref<2x10240x128xf32, #tpu.memory_space<hbm>> -> memref<1x640x128xf32, #tpu.memory_space<hbm>>
      %dma_start3A_104 = tpu.memref_squeeze %dma_start3A_103 : memref<1x640x128xf32, #tpu.memory_space<hbm>> -> memref<640x128xf32, #tpu.memory_space<hbm>>
      %dma_start3A_105 = arith.constant 0 : i32
      %dma_start3A_106 = tpu.memref_slice %arg15[%mul3A_4, %dma_start3A_105] : memref<10240x128xf32, #tpu.memory_space<vmem_shared>> -> memref<640x128xf32, #tpu.memory_space<vmem_shared>>
      tpu.enqueue_dma source(%dma_start3A_106 : memref<640x128xf32, #tpu.memory_space<vmem_shared>>) target(%dma_start3A_104 : memref<640x128xf32, #tpu.memory_space<hbm>>) target_semaphore(%run_scoped3A : memref<!tpu.dma_semaphore, #tpu.memory_space<semaphore_mem>>)
      %dma_wait3A_107 = arith.constant 0 : i32
      %dma_wait3A_108 = tpu.memref_slice %arg5[%arg0, %mul3A_4, %dma_wait3A_107] : memref<2x10240x128xf32, #tpu.memory_space<hbm>> -> memref<1x640x128xf32, #tpu.memory_space<hbm>>
      %dma_wait3A_109 = tpu.memref_squeeze %dma_wait3A_108 : memref<1x640x128xf32, #tpu.memory_space<hbm>> -> memref<640x128xf32, #tpu.memory_space<hbm>>
      %dma_wait3A_110 = arith.constant 0 : i32
      %dma_wait3A_111 = tpu.memref_slice %arg15[%mul3A_4, %dma_wait3A_110] : memref<10240x128xf32, #tpu.memory_space<vmem_shared>> -> memref<640x128xf32, #tpu.memory_space<vmem_shared>>
      tpu.wait_dma2 semaphore(%run_scoped3A : memref<!tpu.dma_semaphore, #tpu.memory_space<semaphore_mem>>) src(%dma_wait3A_111 : memref<640x128xf32, #tpu.memory_space<vmem_shared>>) dst(%dma_wait3A_109 : memref<640x128xf32, #tpu.memory_space<hbm>>)
      tpu.yield
    }) : () -> ()
    return
  }
}

#map = affine_map<(d0, d1) -> (0, 0)>
#map1 = affine_map<(d0, d1) -> (0)>
#map2 = affine_map<(d0, d1) -> (0, 0, 0)>
module attributes {stable_mosaic.version = 14 : i64} {
  func.func @body(%arg0: i32, %arg1: i32, %arg2: memref<10000x128xf32, #tpu.memory_space<hbm>>, %arg3: memref<160000xi32, #tpu.memory_space<hbm>>, %arg4: memref<160000xi32, #tpu.memory_space<hbm>>, %arg5: memref<2x10240x128xf32, #tpu.memory_space<hbm>>, %arg6: memref<2x96xi32, #tpu.memory_space<vmem>>, %arg7: memref<2x96xi32, #tpu.memory_space<vmem>>, %arg8: memref<2x96xi32, #tpu.memory_space<vmem>>, %arg9: memref<2x96x128xf32, #tpu.memory_space<vmem>>, %arg10: memref<8xi32, #tpu.memory_space<vmem>>, %arg11: memref<8xi32, #tpu.memory_space<vmem>>, %arg12: memref<8xi32, #tpu.memory_space<vmem>>, %arg13: memref<8x128xf32, #tpu.memory_space<vmem>>, %arg14: memref<64x128xf32, #tpu.memory_space<vmem>>, %arg15: memref<10240x128xf32, #tpu.memory_space<vmem_shared>>, %arg16: memref<!tpu.dma_semaphore, #tpu.memory_space<semaphore_mem>>, %arg17: memref<!tpu.dma_semaphore, #tpu.memory_space<semaphore_mem>>, %arg18: memref<!tpu.dma_semaphore, #tpu.memory_space<semaphore_mem>>) attributes {dimension_semantics = [#tpu.dimension_semantics<core_parallel>, #tpu.dimension_semantics<subcore_parallel>], iteration_bounds = array<i64: 2, 16>, scalar_prefetch = 0 : i64, scratch_operands = 13 : i64, tpu.core_type = #tpu.core_type<sc_vector_subcore>, window_params = [{transform_indices = #map}, {transform_indices = #map1}, {transform_indices = #map1}, {transform_indices = #map2}]} {
    %scan3A = arith.constant 0 : i32
    %scan3A_0 = arith.constant 64 : i32
    %scan3A_1 = arith.addi %scan3A, %scan3A_0 : i32
    %scan3A_2 = arith.constant 1 : i32
    scf.for %scan3A_84 = %scan3A to %scan3A_1 step %scan3A_2  : i32 {
      %mul3A_85 = arith.constant 1 : i32
      %mul3A_86 = arith.muli %scan3A_84, %mul3A_85 : i32
      %add3A_87 = arith.constant 0 : i32
      %add3A_88 = arith.addi %add3A_87, %mul3A_86 : i32
      %scan3A_89 = arith.constant 0 : i32
      %scan3A_90 = arith.constant 8 : i32
      %scan3A_91 = arith.addi %scan3A_89, %scan3A_90 : i32
      %scan3A_92 = arith.constant 1 : i32
      scf.for %scan3A_94 = %scan3A_89 to %scan3A_91 step %scan3A_92  : i32 {
        %mul3A_95 = arith.constant 16 : i32
        %mul3A_96 = arith.muli %scan3A_94, %mul3A_95 : i32
        %add3A_97 = arith.constant 0 : i32
        %add3A_98 = arith.addi %add3A_97, %mul3A_96 : i32
        %broadcast_in_dim3A = arith.constant 0.000000e+00 : f32
        %broadcast_in_dim3A_99 = vector.broadcast %broadcast_in_dim3A : f32 to vector<16xf32>
        %swap3A = arith.index_cast %add3A_88 : i32 to index
        %swap3A_100 = arith.index_cast %add3A_98 : i32 to index
        %swap3A_101 = tpu.vector_load %arg14[%swap3A, %swap3A_100] {strides = array<i32>} : memref<64x128xf32, #tpu.memory_space<vmem>>, vector<1x16xf32>,
        %swap3A_102 = vector.shape_cast %swap3A_101 : vector<1x16xf32> to vector<16xf32>
        %swap3A_103 = vector.shape_cast %broadcast_in_dim3A_99 : vector<16xf32> to vector<1x16xf32>
        tpu.vector_store %arg14[%swap3A, %swap3A_100], %swap3A_103 {strides = array<i32>} : memref<64x128xf32, #tpu.memory_space<vmem>>, vector<1x16xf32>,
      }
      %scan3A_93 = arith.constant 8 : i32
    }
    %scan3A_3 = arith.constant 64 : i32
    %mul3A = arith.constant 640 : i32
    %mul3A_4 = arith.muli %arg1, %mul3A : i32
    %scan3A_5 = arith.constant 0 : i32
    %scan3A_6 = arith.constant 10 : i32
    %scan3A_7 = arith.addi %scan3A_5, %scan3A_6 : i32
    %scan3A_8 = arith.constant 1 : i32
    scf.for %scan3A_84 = %scan3A_5 to %scan3A_7 step %scan3A_8  : i32 {
      %mul3A_85 = arith.constant 1 : i32
      %mul3A_86 = arith.muli %scan3A_84, %mul3A_85 : i32
      %add3A_87 = arith.constant 0 : i32
      %add3A_88 = arith.addi %add3A_87, %mul3A_86 : i32
      %mul3A_89 = arith.constant 64 : i32
      %mul3A_90 = arith.muli %add3A_88, %mul3A_89 : i32
      %add3A_91 = arith.addi %mul3A_4, %mul3A_90 : i32
      "tpu.region"() ({
        %run_scoped3A = tpu.sem_alloc : memref<!tpu.dma_semaphore, #tpu.memory_space<semaphore_mem>>
        %dma_start3A_92 = arith.constant 0 : i32
        %dma_start3A_93 = tpu.memref_slice %arg15[%add3A_91, %dma_start3A_92] : memref<10240x128xf32, #tpu.memory_space<vmem_shared>> -> memref<64x128xf32, #tpu.memory_space<vmem_shared>>
        %dma_start3A_94 = arith.constant 0 : i32
        %dma_start3A_95 = tpu.memref_slice %arg15[%add3A_91, %dma_start3A_94] : memref<10240x128xf32, #tpu.memory_space<vmem_shared>> -> memref<64x128xf32, #tpu.memory_space<vmem_shared>>
        tpu.enqueue_dma source(%arg14 : memref<64x128xf32, #tpu.memory_space<vmem>>) target(%dma_start3A_95 : memref<64x128xf32, #tpu.memory_space<vmem_shared>>) target_semaphore(%run_scoped3A : memref<!tpu.dma_semaphore, #tpu.memory_space<semaphore_mem>>)
        %dma_wait3A_96 = arith.constant 0 : i32
        %dma_wait3A_97 = tpu.memref_slice %arg15[%add3A_91, %dma_wait3A_96] : memref<10240x128xf32, #tpu.memory_space<vmem_shared>> -> memref<64x128xf32, #tpu.memory_space<vmem_shared>>
        %dma_wait3A_98 = arith.constant 0 : i32
        %dma_wait3A_99 = tpu.memref_slice %arg15[%add3A_91, %dma_wait3A_98] : memref<10240x128xf32, #tpu.memory_space<vmem_shared>> -> memref<64x128xf32, #tpu.memory_space<vmem_shared>>
        tpu.wait_dma2 semaphore(%run_scoped3A : memref<!tpu.dma_semaphore, #tpu.memory_space<semaphore_mem>>) src(%arg14 : memref<64x128xf32, #tpu.memory_space<vmem>>) dst(%dma_wait3A_99 : memref<64x128xf32, #tpu.memory_space<vmem_shared>>)
        tpu.yield
      }) : () -> ()
    }
    %scan3A_9 = arith.constant 10 : i32
    %barrier3A = arith.constant 0 : index
    tpu.barrier barrier_id(%barrier3A)
    %mul3A_10 = arith.constant 16 : i32
    %mul3A_11 = arith.muli %arg0, %mul3A_10 : i32
    %add3A = arith.addi %mul3A_11, %arg1 : i32
    %mul3A_12 = arith.constant 5000 : i32
    %mul3A_13 = arith.muli %add3A, %mul3A_12 : i32
    %add3A_14 = arith.constant 0 : i32
    %add3A_15 = arith.addi %mul3A_13, %add3A_14 : i32
    %dma_start3A = arith.constant 0 : i32
    %dma_start3A_16 = arith.constant 0 : i32
    %dma_start3A_17 = tpu.memref_slice %arg6[%dma_start3A, %dma_start3A_16] : memref<2x96xi32, #tpu.memory_space<vmem>> -> memref<1x96xi32, #tpu.memory_space<vmem>>
    %dma_start3A_18 = tpu.memref_squeeze %dma_start3A_17 : memref<1x96xi32, #tpu.memory_space<vmem>> -> memref<96xi32, #tpu.memory_space<vmem>>
    %dma_start3A_19 = tpu.memref_slice %arg3[%add3A_15] : memref<160000xi32, #tpu.memory_space<hbm>> -> memref<96xi32, #tpu.memory_space<hbm>>
    %dma_start3A_20 = arith.constant 0 : i32
    %dma_start3A_21 = tpu.memref_slice %arg6[%dma_start3A, %dma_start3A_20] : memref<2x96xi32, #tpu.memory_space<vmem>> -> memref<1x96xi32, #tpu.memory_space<vmem>>
    %dma_start3A_22 = tpu.memref_squeeze %dma_start3A_21 : memref<1x96xi32, #tpu.memory_space<vmem>> -> memref<96xi32, #tpu.memory_space<vmem>>
    %dma_start3A_23 = tpu.memref_slice %arg3[%add3A_15] : memref<160000xi32, #tpu.memory_space<hbm>> -> memref<96xi32, #tpu.memory_space<hbm>>
    tpu.enqueue_dma source(%dma_start3A_23 : memref<96xi32, #tpu.memory_space<hbm>>) target(%dma_start3A_22 : memref<96xi32, #tpu.memory_space<vmem>>) target_semaphore(%arg16 : memref<!tpu.dma_semaphore, #tpu.memory_space<semaphore_mem>>)
    %dma_start3A_24 = arith.constant 0 : i32
    %dma_start3A_25 = arith.constant 0 : i32
    %dma_start3A_26 = tpu.memref_slice %arg7[%dma_start3A_24, %dma_start3A_25] : memref<2x96xi32, #tpu.memory_space<vmem>> -> memref<1x96xi32, #tpu.memory_space<vmem>>
    %dma_start3A_27 = tpu.memref_squeeze %dma_start3A_26 : memref<1x96xi32, #tpu.memory_space<vmem>> -> memref<96xi32, #tpu.memory_space<vmem>>
    %dma_start3A_28 = tpu.memref_slice %arg4[%add3A_15] : memref<160000xi32, #tpu.memory_space<hbm>> -> memref<96xi32, #tpu.memory_space<hbm>>
    %dma_start3A_29 = arith.constant 0 : i32
    %dma_start3A_30 = tpu.memref_slice %arg7[%dma_start3A_24, %dma_start3A_29] : memref<2x96xi32, #tpu.memory_space<vmem>> -> memref<1x96xi32, #tpu.memory_space<vmem>>
    %dma_start3A_31 = tpu.memref_squeeze %dma_start3A_30 : memref<1x96xi32, #tpu.memory_space<vmem>> -> memref<96xi32, #tpu.memory_space<vmem>>
    %dma_start3A_32 = tpu.memref_slice %arg4[%add3A_15] : memref<160000xi32, #tpu.memory_space<hbm>> -> memref<96xi32, #tpu.memory_space<hbm>>
    tpu.enqueue_dma source(%dma_start3A_32 : memref<96xi32, #tpu.memory_space<hbm>>) target(%dma_start3A_31 : memref<96xi32, #tpu.memory_space<vmem>>) target_semaphore(%arg16 : memref<!tpu.dma_semaphore, #tpu.memory_space<semaphore_mem>>)
    %dma_wait3A = arith.constant 0 : i32
    %dma_wait3A_33 = arith.constant 0 : i32
    %dma_wait3A_34 = tpu.memref_slice %arg6[%dma_wait3A, %dma_wait3A_33] : memref<2x96xi32, #tpu.memory_space<vmem>> -> memref<1x96xi32, #tpu.memory_space<vmem>>
    %dma_wait3A_35 = tpu.memref_squeeze %dma_wait3A_34 : memref<1x96xi32, #tpu.memory_space<vmem>> -> memref<96xi32, #tpu.memory_space<vmem>>
    %dma_wait3A_36 = tpu.memref_slice %arg3[%add3A_15] : memref<160000xi32, #tpu.memory_space<hbm>> -> memref<96xi32, #tpu.memory_space<hbm>>
    %dma_wait3A_37 = arith.constant 0 : i32
    %dma_wait3A_38 = tpu.memref_slice %arg6[%dma_wait3A, %dma_wait3A_37] : memref<2x96xi32, #tpu.memory_space<vmem>> -> memref<1x96xi32, #tpu.memory_space<vmem>>
    %dma_wait3A_39 = tpu.memref_squeeze %dma_wait3A_38 : memref<1x96xi32, #tpu.memory_space<vmem>> -> memref<96xi32, #tpu.memory_space<vmem>>
    %dma_wait3A_40 = tpu.memref_slice %arg3[%add3A_15] : memref<160000xi32, #tpu.memory_space<hbm>> -> memref<96xi32, #tpu.memory_space<hbm>>
    tpu.wait_dma2 semaphore(%arg16 : memref<!tpu.dma_semaphore, #tpu.memory_space<semaphore_mem>>) src(%dma_wait3A_40 : memref<96xi32, #tpu.memory_space<hbm>>) dst(%dma_wait3A_39 : memref<96xi32, #tpu.memory_space<vmem>>)
    %dma_wait3A_41 = arith.constant 0 : i32
    %dma_wait3A_42 = arith.constant 0 : i32
    %dma_wait3A_43 = tpu.memref_slice %arg7[%dma_wait3A_41, %dma_wait3A_42] : memref<2x96xi32, #tpu.memory_space<vmem>> -> memref<1x96xi32, #tpu.memory_space<vmem>>
    %dma_wait3A_44 = tpu.memref_squeeze %dma_wait3A_43 : memref<1x96xi32, #tpu.memory_space<vmem>> -> memref<96xi32, #tpu.memory_space<vmem>>
    %dma_wait3A_45 = tpu.memref_slice %arg4[%add3A_15] : memref<160000xi32, #tpu.memory_space<hbm>> -> memref<96xi32, #tpu.memory_space<hbm>>
    %dma_wait3A_46 = arith.constant 0 : i32
    %dma_wait3A_47 = tpu.memref_slice %arg7[%dma_wait3A_41, %dma_wait3A_46] : memref<2x96xi32, #tpu.memory_space<vmem>> -> memref<1x96xi32, #tpu.memory_space<vmem>>
    %dma_wait3A_48 = tpu.memref_squeeze %dma_wait3A_47 : memref<1x96xi32, #tpu.memory_space<vmem>> -> memref<96xi32, #tpu.memory_space<vmem>>
    %dma_wait3A_49 = tpu.memref_slice %arg4[%add3A_15] : memref<160000xi32, #tpu.memory_space<hbm>> -> memref<96xi32, #tpu.memory_space<hbm>>
    tpu.wait_dma2 semaphore(%arg16 : memref<!tpu.dma_semaphore, #tpu.memory_space<semaphore_mem>>) src(%dma_wait3A_49 : memref<96xi32, #tpu.memory_space<hbm>>) dst(%dma_wait3A_48 : memref<96xi32, #tpu.memory_space<vmem>>)
    %dma_start3A_50 = arith.constant 0 : i32
    %dma_start3A_51 = arith.constant 0 : i32
    %dma_start3A_52 = arith.constant 0 : i32
    %dma_start3A_53 = arith.constant 0 : i32
    %dma_start3A_54 = tpu.memref_slice %arg9[%dma_start3A_51, %dma_start3A_52, %dma_start3A_53] : memref<2x96x128xf32, #tpu.memory_space<vmem>> -> memref<1x96x128xf32, #tpu.memory_space<vmem>>
    %dma_start3A_55 = tpu.memref_squeeze %dma_start3A_54 : memref<1x96x128xf32, #tpu.memory_space<vmem>> -> memref<96x128xf32, #tpu.memory_space<vmem>>
    %dma_start3A_56 = arith.constant 0 : i32
    %dma_start3A_57 = tpu.memref_slice %arg6[%dma_start3A_50, %dma_start3A_56] : memref<2x96xi32, #tpu.memory_space<vmem>> -> memref<1x96xi32, #tpu.memory_space<vmem>>
    %dma_start3A_58 = tpu.memref_squeeze %dma_start3A_57 : memref<1x96xi32, #tpu.memory_space<vmem>> -> memref<96xi32, #tpu.memory_space<vmem>>
    %dma_start3A_59 = arith.constant 0 : i32
    %dma_start3A_60 = arith.constant 0 : i32
    %dma_start3A_61 = tpu.memref_slice %arg2[%dma_start3A_59, %dma_start3A_60] : memref<10000x128xf32, #tpu.memory_space<hbm>> -> memref<10000x128xf32, #tpu.memory_space<hbm>>
    tpu.enqueue_indirect_dma source(%dma_start3A_61 : memref<10000x128xf32, #tpu.memory_space<hbm>>) target(%dma_start3A_55 : memref<96x128xf32, #tpu.memory_space<vmem>>) offsets(%dma_start3A_58 : memref<96xi32, #tpu.memory_space<vmem>>) semaphore(%arg17 : memref<!tpu.dma_semaphore, #tpu.memory_space<semaphore_mem>>)
    %scan3A_62 = arith.constant 0 : i32
    %scan3A_63 = arith.constant 26 : i32
    %scan3A_64 = arith.addi %scan3A_62, %scan3A_63 : i32
    %scan3A_65 = arith.constant 1 : i32
    scf.for %scan3A_84 = %scan3A_62 to %scan3A_64 step %scan3A_65  : i32 {
      %mul3A_85 = arith.constant 1 : i32
      %mul3A_86 = arith.muli %scan3A_84, %mul3A_85 : i32
      %add3A_87 = arith.constant 0 : i32
      %add3A_88 = arith.addi %add3A_87, %mul3A_86 : i32
      %mul3A_89 = arith.constant 2 : i32
      %mul3A_90 = arith.muli %mul3A_89, %add3A_88 : i32
      %add3A_91 = arith.constant 1 : i32
      %add3A_92 = arith.addi %mul3A_90, %add3A_91 : i32
      %lt3A = arith.constant 52 : i32
      %lt3A_93 = arith.cmpi slt, %add3A_92, %lt3A : i32
      %convert_element_type3A = arith.extui %lt3A_93 : i1 to i32
      %cond3A = arith.constant 0 : i32
      %cond3A_94 = arith.cmpi ne, %convert_element_type3A, %cond3A : i32
      scf.if %cond3A_94 {
        %add3A_140 = arith.constant 1 : i32
        %add3A_141 = arith.addi %mul3A_90, %add3A_140 : i32
        %mul3A_142 = arith.constant 96 : i32
        %mul3A_143 = arith.muli %add3A_141, %mul3A_142 : i32
        %add3A_144 = arith.addi %mul3A_13, %mul3A_143 : i32
        %dma_start3A_145 = arith.constant 1 : i32
        %dma_start3A_146 = arith.constant 0 : i32
        %dma_start3A_147 = tpu.memref_slice %arg6[%dma_start3A_145, %dma_start3A_146] : memref<2x96xi32, #tpu.memory_space<vmem>> -> memref<1x96xi32, #tpu.memory_space<vmem>>
        %dma_start3A_148 = tpu.memref_squeeze %dma_start3A_147 : memref<1x96xi32, #tpu.memory_space<vmem>> -> memref<96xi32, #tpu.memory_space<vmem>>
        %dma_start3A_149 = tpu.memref_slice %arg3[%add3A_144] : memref<160000xi32, #tpu.memory_space<hbm>> -> memref<96xi32, #tpu.memory_space<hbm>>
        %dma_start3A_150 = arith.constant 0 : i32
        %dma_start3A_151 = tpu.memref_slice %arg6[%dma_start3A_145, %dma_start3A_150] : memref<2x96xi32, #tpu.memory_space<vmem>> -> memref<1x96xi32, #tpu.memory_space<vmem>>
        %dma_start3A_152 = tpu.memref_squeeze %dma_start3A_151 : memref<1x96xi32, #tpu.memory_space<vmem>> -> memref<96xi32, #tpu.memory_space<vmem>>
        %dma_start3A_153 = tpu.memref_slice %arg3[%add3A_144] : memref<160000xi32, #tpu.memory_space<hbm>> -> memref<96xi32, #tpu.memory_space<hbm>>
        tpu.enqueue_dma source(%dma_start3A_153 : memref<96xi32, #tpu.memory_space<hbm>>) target(%dma_start3A_152 : memref<96xi32, #tpu.memory_space<vmem>>) target_semaphore(%arg16 : memref<!tpu.dma_semaphore, #tpu.memory_space<semaphore_mem>>)
        %dma_start3A_154 = arith.constant 1 : i32
        %dma_start3A_155 = arith.constant 0 : i32
        %dma_start3A_156 = tpu.memref_slice %arg7[%dma_start3A_154, %dma_start3A_155] : memref<2x96xi32, #tpu.memory_space<vmem>> -> memref<1x96xi32, #tpu.memory_space<vmem>>
        %dma_start3A_157 = tpu.memref_squeeze %dma_start3A_156 : memref<1x96xi32, #tpu.memory_space<vmem>> -> memref<96xi32, #tpu.memory_space<vmem>>
        %dma_start3A_158 = tpu.memref_slice %arg4[%add3A_144] : memref<160000xi32, #tpu.memory_space<hbm>> -> memref<96xi32, #tpu.memory_space<hbm>>
        %dma_start3A_159 = arith.constant 0 : i32
        %dma_start3A_160 = tpu.memref_slice %arg7[%dma_start3A_154, %dma_start3A_159] : memref<2x96xi32, #tpu.memory_space<vmem>> -> memref<1x96xi32, #tpu.memory_space<vmem>>
        %dma_start3A_161 = tpu.memref_squeeze %dma_start3A_160 : memref<1x96xi32, #tpu.memory_space<vmem>> -> memref<96xi32, #tpu.memory_space<vmem>>
        %dma_start3A_162 = tpu.memref_slice %arg4[%add3A_144] : memref<160000xi32, #tpu.memory_space<hbm>> -> memref<96xi32, #tpu.memory_space<hbm>>
        tpu.enqueue_dma source(%dma_start3A_162 : memref<96xi32, #tpu.memory_space<hbm>>) target(%dma_start3A_161 : memref<96xi32, #tpu.memory_space<vmem>>) target_semaphore(%arg16 : memref<!tpu.dma_semaphore, #tpu.memory_space<semaphore_mem>>)
        %dma_wait3A_163 = arith.constant 1 : i32
        %dma_wait3A_164 = arith.constant 0 : i32
        %dma_wait3A_165 = tpu.memref_slice %arg6[%dma_wait3A_163, %dma_wait3A_164] : memref<2x96xi32, #tpu.memory_space<vmem>> -> memref<1x96xi32, #tpu.memory_space<vmem>>
        %dma_wait3A_166 = tpu.memref_squeeze %dma_wait3A_165 : memref<1x96xi32, #tpu.memory_space<vmem>> -> memref<96xi32, #tpu.memory_space<vmem>>
        %dma_wait3A_167 = tpu.memref_slice %arg3[%add3A_144] : memref<160000xi32, #tpu.memory_space<hbm>> -> memref<96xi32, #tpu.memory_space<hbm>>
        %dma_wait3A_168 = arith.constant 0 : i32
        %dma_wait3A_169 = tpu.memref_slice %arg6[%dma_wait3A_163, %dma_wait3A_168] : memref<2x96xi32, #tpu.memory_space<vmem>> -> memref<1x96xi32, #tpu.memory_space<vmem>>
        %dma_wait3A_170 = tpu.memref_squeeze %dma_wait3A_169 : memref<1x96xi32, #tpu.memory_space<vmem>> -> memref<96xi32, #tpu.memory_space<vmem>>
        %dma_wait3A_171 = tpu.memref_slice %arg3[%add3A_144] : memref<160000xi32, #tpu.memory_space<hbm>> -> memref<96xi32, #tpu.memory_space<hbm>>
        tpu.wait_dma2 semaphore(%arg16 : memref<!tpu.dma_semaphore, #tpu.memory_space<semaphore_mem>>) src(%dma_wait3A_171 : memref<96xi32, #tpu.memory_space<hbm>>) dst(%dma_wait3A_170 : memref<96xi32, #tpu.memory_space<vmem>>)
        %dma_wait3A_172 = arith.constant 1 : i32
        %dma_wait3A_173 = arith.constant 0 : i32
        %dma_wait3A_174 = tpu.memref_slice %arg7[%dma_wait3A_172, %dma_wait3A_173] : memref<2x96xi32, #tpu.memory_space<vmem>> -> memref<1x96xi32, #tpu.memory_space<vmem>>
        %dma_wait3A_175 = tpu.memref_squeeze %dma_wait3A_174 : memref<1x96xi32, #tpu.memory_space<vmem>> -> memref<96xi32, #tpu.memory_space<vmem>>
        %dma_wait3A_176 = tpu.memref_slice %arg4[%add3A_144] : memref<160000xi32, #tpu.memory_space<hbm>> -> memref<96xi32, #tpu.memory_space<hbm>>
        %dma_wait3A_177 = arith.constant 0 : i32
        %dma_wait3A_178 = tpu.memref_slice %arg7[%dma_wait3A_172, %dma_wait3A_177] : memref<2x96xi32, #tpu.memory_space<vmem>> -> memref<1x96xi32, #tpu.memory_space<vmem>>
        %dma_wait3A_179 = tpu.memref_squeeze %dma_wait3A_178 : memref<1x96xi32, #tpu.memory_space<vmem>> -> memref<96xi32, #tpu.memory_space<vmem>>
        %dma_wait3A_180 = tpu.memref_slice %arg4[%add3A_144] : memref<160000xi32, #tpu.memory_space<hbm>> -> memref<96xi32, #tpu.memory_space<hbm>>
        tpu.wait_dma2 semaphore(%arg16 : memref<!tpu.dma_semaphore, #tpu.memory_space<semaphore_mem>>) src(%dma_wait3A_180 : memref<96xi32, #tpu.memory_space<hbm>>) dst(%dma_wait3A_179 : memref<96xi32, #tpu.memory_space<vmem>>)
      } else {
      }
      %lt3A_95 = arith.constant 52 : i32
      %lt3A_96 = arith.cmpi slt, %mul3A_90, %lt3A_95 : i32
      %convert_element_type3A_97 = arith.extui %lt3A_96 : i1 to i32
      %cond3A_98 = arith.constant 0 : i32
      %cond3A_99 = arith.cmpi ne, %convert_element_type3A_97, %cond3A_98 : i32
      scf.if %cond3A_99 {
        %dma_wait3A_140 = arith.constant 0 : i32
        %dma_wait3A_141 = arith.constant 0 : i32
        %dma_wait3A_142 = arith.constant 0 : i32
        %dma_wait3A_143 = arith.constant 0 : i32
        %dma_wait3A_144 = tpu.memref_slice %arg9[%dma_wait3A_141, %dma_wait3A_142, %dma_wait3A_143] : memref<2x96x128xf32, #tpu.memory_space<vmem>> -> memref<1x96x128xf32, #tpu.memory_space<vmem>>
        %dma_wait3A_145 = tpu.memref_squeeze %dma_wait3A_144 : memref<1x96x128xf32, #tpu.memory_space<vmem>> -> memref<96x128xf32, #tpu.memory_space<vmem>>
        %dma_wait3A_146 = arith.constant 0 : i32
        %dma_wait3A_147 = tpu.memref_slice %arg6[%dma_wait3A_140, %dma_wait3A_146] : memref<2x96xi32, #tpu.memory_space<vmem>> -> memref<1x96xi32, #tpu.memory_space<vmem>>
        %dma_wait3A_148 = tpu.memref_squeeze %dma_wait3A_147 : memref<1x96xi32, #tpu.memory_space<vmem>> -> memref<96xi32, #tpu.memory_space<vmem>>
        %dma_wait3A_149 = arith.constant 0 : i32
        %dma_wait3A_150 = arith.constant 0 : i32
        %dma_wait3A_151 = tpu.memref_slice %arg2[%dma_wait3A_149, %dma_wait3A_150] : memref<10000x128xf32, #tpu.memory_space<hbm>> -> memref<10000x128xf32, #tpu.memory_space<hbm>>
        tpu.wait_indirect_dma semaphore(%arg17 : memref<!tpu.dma_semaphore, #tpu.memory_space<semaphore_mem>>) src(%dma_wait3A_151 : memref<10000x128xf32, #tpu.memory_space<hbm>>) dst(%dma_wait3A_145 : memref<96x128xf32, #tpu.memory_space<vmem>>)
      } else {
      }
      %add3A_100 = arith.constant 1 : i32
      %add3A_101 = arith.addi %mul3A_90, %add3A_100 : i32
      %lt3A_102 = arith.constant 52 : i32
      %lt3A_103 = arith.cmpi slt, %add3A_101, %lt3A_102 : i32
      %convert_element_type3A_104 = arith.extui %lt3A_103 : i1 to i32
      %cond3A_105 = arith.constant 0 : i32
      %cond3A_106 = arith.cmpi ne, %convert_element_type3A_104, %cond3A_105 : i32
      scf.if %cond3A_106 {
        %dma_start3A_140 = arith.constant 1 : i32
        %dma_start3A_141 = arith.constant 1 : i32
        %dma_start3A_142 = arith.constant 0 : i32
        %dma_start3A_143 = arith.constant 0 : i32
        %dma_start3A_144 = tpu.memref_slice %arg9[%dma_start3A_141, %dma_start3A_142, %dma_start3A_143] : memref<2x96x128xf32, #tpu.memory_space<vmem>> -> memref<1x96x128xf32, #tpu.memory_space<vmem>>
        %dma_start3A_145 = tpu.memref_squeeze %dma_start3A_144 : memref<1x96x128xf32, #tpu.memory_space<vmem>> -> memref<96x128xf32, #tpu.memory_space<vmem>>
        %dma_start3A_146 = arith.constant 0 : i32
        %dma_start3A_147 = tpu.memref_slice %arg6[%dma_start3A_140, %dma_start3A_146] : memref<2x96xi32, #tpu.memory_space<vmem>> -> memref<1x96xi32, #tpu.memory_space<vmem>>
        %dma_start3A_148 = tpu.memref_squeeze %dma_start3A_147 : memref<1x96xi32, #tpu.memory_space<vmem>> -> memref<96xi32, #tpu.memory_space<vmem>>
        %dma_start3A_149 = arith.constant 0 : i32
        %dma_start3A_150 = arith.constant 0 : i32
        %dma_start3A_151 = tpu.memref_slice %arg2[%dma_start3A_149, %dma_start3A_150] : memref<10000x128xf32, #tpu.memory_space<hbm>> -> memref<10000x128xf32, #tpu.memory_space<hbm>>
        tpu.enqueue_indirect_dma source(%dma_start3A_151 : memref<10000x128xf32, #tpu.memory_space<hbm>>) target(%dma_start3A_145 : memref<96x128xf32, #tpu.memory_space<vmem>>) offsets(%dma_start3A_148 : memref<96xi32, #tpu.memory_space<vmem>>) semaphore(%arg18 : memref<!tpu.dma_semaphore, #tpu.memory_space<semaphore_mem>>)
      } else {
      }
      %lt3A_107 = arith.constant 52 : i32
      %lt3A_108 = arith.cmpi slt, %mul3A_90, %lt3A_107 : i32
      %convert_element_type3A_109 = arith.extui %lt3A_108 : i1 to i32
      %cond3A_110 = arith.constant 0 : i32
      %cond3A_111 = arith.cmpi ne, %convert_element_type3A_109, %cond3A_110 : i32
      scf.if %cond3A_111 {
        %run_scoped3A = arith.constant 0 : i32
        %run_scoped3A_140 = arith.constant 0 : i32
        "tpu.region"() ({
          %run_scoped3A_141 = tpu.sem_alloc : memref<!tpu.dma_semaphore, #tpu.memory_space<semaphore_mem>>
          %dma_start3A_142 = arith.constant 0 : i32
          %dma_start3A_143 = arith.constant 0 : i32
          %dma_start3A_144 = tpu.memref_slice %arg9[%run_scoped3A, %dma_start3A_142, %dma_start3A_143] : memref<2x96x128xf32, #tpu.memory_space<vmem>> -> memref<1x96x128xf32, #tpu.memory_space<vmem>>
          %dma_start3A_145 = tpu.memref_squeeze %dma_start3A_144 : memref<1x96x128xf32, #tpu.memory_space<vmem>> -> memref<96x128xf32, #tpu.memory_space<vmem>>
          %dma_start3A_146 = arith.constant 0 : i32
          %dma_start3A_147 = tpu.memref_slice %arg7[%run_scoped3A_140, %dma_start3A_146] : memref<2x96xi32, #tpu.memory_space<vmem>> -> memref<1x96xi32, #tpu.memory_space<vmem>>
          %dma_start3A_148 = tpu.memref_squeeze %dma_start3A_147 : memref<1x96xi32, #tpu.memory_space<vmem>> -> memref<96xi32, #tpu.memory_space<vmem>>
          %dma_start3A_149 = arith.constant 0 : i32
          %dma_start3A_150 = arith.constant 0 : i32
          %dma_start3A_151 = tpu.memref_slice %arg15[%dma_start3A_149, %dma_start3A_150] : memref<10240x128xf32, #tpu.memory_space<vmem_shared>> -> memref<10240x128xf32, #tpu.memory_space<vmem_shared>>
          tpu.enqueue_indirect_dma source(%dma_start3A_145 : memref<96x128xf32, #tpu.memory_space<vmem>>) target(%dma_start3A_151 : memref<10240x128xf32, #tpu.memory_space<vmem_shared>>) offsets(%dma_start3A_148 : memref<96xi32, #tpu.memory_space<vmem>>) semaphore(%run_scoped3A_141 : memref<!tpu.dma_semaphore, #tpu.memory_space<semaphore_mem>>) {add = true}
          %dma_wait3A_152 = arith.constant 0 : i32
          %dma_wait3A_153 = arith.constant 0 : i32
          %dma_wait3A_154 = tpu.memref_slice %arg9[%run_scoped3A, %dma_wait3A_152, %dma_wait3A_153] : memref<2x96x128xf32, #tpu.memory_space<vmem>> -> memref<1x96x128xf32, #tpu.memory_space<vmem>>
          %dma_wait3A_155 = tpu.memref_squeeze %dma_wait3A_154 : memref<1x96x128xf32, #tpu.memory_space<vmem>> -> memref<96x128xf32, #tpu.memory_space<vmem>>
          %dma_wait3A_156 = arith.constant 0 : i32
          %dma_wait3A_157 = tpu.memref_slice %arg7[%run_scoped3A_140, %dma_wait3A_156] : memref<2x96xi32, #tpu.memory_space<vmem>> -> memref<1x96xi32, #tpu.memory_space<vmem>>
          %dma_wait3A_158 = tpu.memref_squeeze %dma_wait3A_157 : memref<1x96xi32, #tpu.memory_space<vmem>> -> memref<96xi32, #tpu.memory_space<vmem>>
          %dma_wait3A_159 = arith.constant 0 : i32
          %dma_wait3A_160 = arith.constant 0 : i32
          %dma_wait3A_161 = tpu.memref_slice %arg15[%dma_wait3A_159, %dma_wait3A_160] : memref<10240x128xf32, #tpu.memory_space<vmem_shared>> -> memref<10240x128xf32, #tpu.memory_space<vmem_shared>>
          tpu.wait_indirect_dma semaphore(%run_scoped3A_141 : memref<!tpu.dma_semaphore, #tpu.memory_space<semaphore_mem>>) src(%dma_wait3A_155 : memref<96x128xf32, #tpu.memory_space<vmem>>) dst(%dma_wait3A_161 : memref<10240x128xf32, #tpu.memory_space<vmem_shared>>)
          tpu.yield
        }) : () -> ()
      } else {
      }
      %mul3A_112 = arith.constant 2 : i32
      %mul3A_113 = arith.muli %mul3A_112, %add3A_88 : i32
      %add3A_114 = arith.constant 1 : i32
      %add3A_115 = arith.addi %mul3A_113, %add3A_114 : i32
      %add3A_116 = arith.constant 1 : i32
      %add3A_117 = arith.addi %add3A_115, %add3A_116 : i32
      %lt3A_118 = arith.constant 52 : i32
      %lt3A_119 = arith.cmpi slt, %add3A_117, %lt3A_118 : i32
      %convert_element_type3A_120 = arith.extui %lt3A_119 : i1 to i32
      %cond3A_121 = arith.constant 0 : i32
      %cond3A_122 = arith.cmpi ne, %convert_element_type3A_120, %cond3A_121 : i32
      scf.if %cond3A_122 {
        %add3A_140 = arith.constant 1 : i32
        %add3A_141 = arith.addi %add3A_115, %add3A_140 : i32
        %mul3A_142 = arith.constant 96 : i32
        %mul3A_143 = arith.muli %add3A_141, %mul3A_142 : i32
        %add3A_144 = arith.addi %mul3A_13, %mul3A_143 : i32
        %dma_start3A_145 = arith.constant 0 : i32
        %dma_start3A_146 = arith.constant 0 : i32
        %dma_start3A_147 = tpu.memref_slice %arg6[%dma_start3A_145, %dma_start3A_146] : memref<2x96xi32, #tpu.memory_space<vmem>> -> memref<1x96xi32, #tpu.memory_space<vmem>>
        %dma_start3A_148 = tpu.memref_squeeze %dma_start3A_147 : memref<1x96xi32, #tpu.memory_space<vmem>> -> memref<96xi32, #tpu.memory_space<vmem>>
        %dma_start3A_149 = tpu.memref_slice %arg3[%add3A_144] : memref<160000xi32, #tpu.memory_space<hbm>> -> memref<96xi32, #tpu.memory_space<hbm>>
        %dma_start3A_150 = arith.constant 0 : i32
        %dma_start3A_151 = tpu.memref_slice %arg6[%dma_start3A_145, %dma_start3A_150] : memref<2x96xi32, #tpu.memory_space<vmem>> -> memref<1x96xi32, #tpu.memory_space<vmem>>
        %dma_start3A_152 = tpu.memref_squeeze %dma_start3A_151 : memref<1x96xi32, #tpu.memory_space<vmem>> -> memref<96xi32, #tpu.memory_space<vmem>>
        %dma_start3A_153 = tpu.memref_slice %arg3[%add3A_144] : memref<160000xi32, #tpu.memory_space<hbm>> -> memref<96xi32, #tpu.memory_space<hbm>>
        tpu.enqueue_dma source(%dma_start3A_153 : memref<96xi32, #tpu.memory_space<hbm>>) target(%dma_start3A_152 : memref<96xi32, #tpu.memory_space<vmem>>) target_semaphore(%arg16 : memref<!tpu.dma_semaphore, #tpu.memory_space<semaphore_mem>>)
        %dma_start3A_154 = arith.constant 0 : i32
        %dma_start3A_155 = arith.constant 0 : i32
        %dma_start3A_156 = tpu.memref_slice %arg7[%dma_start3A_154, %dma_start3A_155] : memref<2x96xi32, #tpu.memory_space<vmem>> -> memref<1x96xi32, #tpu.memory_space<vmem>>
        %dma_start3A_157 = tpu.memref_squeeze %dma_start3A_156 : memref<1x96xi32, #tpu.memory_space<vmem>> -> memref<96xi32, #tpu.memory_space<vmem>>
        %dma_start3A_158 = tpu.memref_slice %arg4[%add3A_144] : memref<160000xi32, #tpu.memory_space<hbm>> -> memref<96xi32, #tpu.memory_space<hbm>>
        %dma_start3A_159 = arith.constant 0 : i32
        %dma_start3A_160 = tpu.memref_slice %arg7[%dma_start3A_154, %dma_start3A_159] : memref<2x96xi32, #tpu.memory_space<vmem>> -> memref<1x96xi32, #tpu.memory_space<vmem>>
        %dma_start3A_161 = tpu.memref_squeeze %dma_start3A_160 : memref<1x96xi32, #tpu.memory_space<vmem>> -> memref<96xi32, #tpu.memory_space<vmem>>
        %dma_start3A_162 = tpu.memref_slice %arg4[%add3A_144] : memref<160000xi32, #tpu.memory_space<hbm>> -> memref<96xi32, #tpu.memory_space<hbm>>
        tpu.enqueue_dma source(%dma_start3A_162 : memref<96xi32, #tpu.memory_space<hbm>>) target(%dma_start3A_161 : memref<96xi32, #tpu.memory_space<vmem>>) target_semaphore(%arg16 : memref<!tpu.dma_semaphore, #tpu.memory_space<semaphore_mem>>)
        %dma_wait3A_163 = arith.constant 0 : i32
        %dma_wait3A_164 = arith.constant 0 : i32
        %dma_wait3A_165 = tpu.memref_slice %arg6[%dma_wait3A_163, %dma_wait3A_164] : memref<2x96xi32, #tpu.memory_space<vmem>> -> memref<1x96xi32, #tpu.memory_space<vmem>>
        %dma_wait3A_166 = tpu.memref_squeeze %dma_wait3A_165 : memref<1x96xi32, #tpu.memory_space<vmem>> -> memref<96xi32, #tpu.memory_space<vmem>>
        %dma_wait3A_167 = tpu.memref_slice %arg3[%add3A_144] : memref<160000xi32, #tpu.memory_space<hbm>> -> memref<96xi32, #tpu.memory_space<hbm>>
        %dma_wait3A_168 = arith.constant 0 : i32
        %dma_wait3A_169 = tpu.memref_slice %arg6[%dma_wait3A_163, %dma_wait3A_168] : memref<2x96xi32, #tpu.memory_space<vmem>> -> memref<1x96xi32, #tpu.memory_space<vmem>>
        %dma_wait3A_170 = tpu.memref_squeeze %dma_wait3A_169 : memref<1x96xi32, #tpu.memory_space<vmem>> -> memref<96xi32, #tpu.memory_space<vmem>>
        %dma_wait3A_171 = tpu.memref_slice %arg3[%add3A_144] : memref<160000xi32, #tpu.memory_space<hbm>> -> memref<96xi32, #tpu.memory_space<hbm>>
        tpu.wait_dma2 semaphore(%arg16 : memref<!tpu.dma_semaphore, #tpu.memory_space<semaphore_mem>>) src(%dma_wait3A_171 : memref<96xi32, #tpu.memory_space<hbm>>) dst(%dma_wait3A_170 : memref<96xi32, #tpu.memory_space<vmem>>)
        %dma_wait3A_172 = arith.constant 0 : i32
        %dma_wait3A_173 = arith.constant 0 : i32
        %dma_wait3A_174 = tpu.memref_slice %arg7[%dma_wait3A_172, %dma_wait3A_173] : memref<2x96xi32, #tpu.memory_space<vmem>> -> memref<1x96xi32, #tpu.memory_space<vmem>>
        %dma_wait3A_175 = tpu.memref_squeeze %dma_wait3A_174 : memref<1x96xi32, #tpu.memory_space<vmem>> -> memref<96xi32, #tpu.memory_space<vmem>>
        %dma_wait3A_176 = tpu.memref_slice %arg4[%add3A_144] : memref<160000xi32, #tpu.memory_space<hbm>> -> memref<96xi32, #tpu.memory_space<hbm>>
        %dma_wait3A_177 = arith.constant 0 : i32
        %dma_wait3A_178 = tpu.memref_slice %arg7[%dma_wait3A_172, %dma_wait3A_177] : memref<2x96xi32, #tpu.memory_space<vmem>> -> memref<1x96xi32, #tpu.memory_space<vmem>>
        %dma_wait3A_179 = tpu.memref_squeeze %dma_wait3A_178 : memref<1x96xi32, #tpu.memory_space<vmem>> -> memref<96xi32, #tpu.memory_space<vmem>>
        %dma_wait3A_180 = tpu.memref_slice %arg4[%add3A_144] : memref<160000xi32, #tpu.memory_space<hbm>> -> memref<96xi32, #tpu.memory_space<hbm>>
        tpu.wait_dma2 semaphore(%arg16 : memref<!tpu.dma_semaphore, #tpu.memory_space<semaphore_mem>>) src(%dma_wait3A_180 : memref<96xi32, #tpu.memory_space<hbm>>) dst(%dma_wait3A_179 : memref<96xi32, #tpu.memory_space<vmem>>)
      } else {
      }
      %lt3A_123 = arith.constant 52 : i32
      %lt3A_124 = arith.cmpi slt, %add3A_115, %lt3A_123 : i32
      %convert_element_type3A_125 = arith.extui %lt3A_124 : i1 to i32
      %cond3A_126 = arith.constant 0 : i32
      %cond3A_127 = arith.cmpi ne, %convert_element_type3A_125, %cond3A_126 : i32
      scf.if %cond3A_127 {
        %dma_wait3A_140 = arith.constant 1 : i32
        %dma_wait3A_141 = arith.constant 1 : i32
        %dma_wait3A_142 = arith.constant 0 : i32
        %dma_wait3A_143 = arith.constant 0 : i32
        %dma_wait3A_144 = tpu.memref_slice %arg9[%dma_wait3A_141, %dma_wait3A_142, %dma_wait3A_143] : memref<2x96x128xf32, #tpu.memory_space<vmem>> -> memref<1x96x128xf32, #tpu.memory_space<vmem>>
        %dma_wait3A_145 = tpu.memref_squeeze %dma_wait3A_144 : memref<1x96x128xf32, #tpu.memory_space<vmem>> -> memref<96x128xf32, #tpu.memory_space<vmem>>
        %dma_wait3A_146 = arith.constant 0 : i32
        %dma_wait3A_147 = tpu.memref_slice %arg6[%dma_wait3A_140, %dma_wait3A_146] : memref<2x96xi32, #tpu.memory_space<vmem>> -> memref<1x96xi32, #tpu.memory_space<vmem>>
        %dma_wait3A_148 = tpu.memref_squeeze %dma_wait3A_147 : memref<1x96xi32, #tpu.memory_space<vmem>> -> memref<96xi32, #tpu.memory_space<vmem>>
        %dma_wait3A_149 = arith.constant 0 : i32
        %dma_wait3A_150 = arith.constant 0 : i32
        %dma_wait3A_151 = tpu.memref_slice %arg2[%dma_wait3A_149, %dma_wait3A_150] : memref<10000x128xf32, #tpu.memory_space<hbm>> -> memref<10000x128xf32, #tpu.memory_space<hbm>>
        tpu.wait_indirect_dma semaphore(%arg18 : memref<!tpu.dma_semaphore, #tpu.memory_space<semaphore_mem>>) src(%dma_wait3A_151 : memref<10000x128xf32, #tpu.memory_space<hbm>>) dst(%dma_wait3A_145 : memref<96x128xf32, #tpu.memory_space<vmem>>)
      } else {
      }
      %add3A_128 = arith.constant 1 : i32
      %add3A_129 = arith.addi %add3A_115, %add3A_128 : i32
      %lt3A_130 = arith.constant 52 : i32
      %lt3A_131 = arith.cmpi slt, %add3A_129, %lt3A_130 : i32
      %convert_element_type3A_132 = arith.extui %lt3A_131 : i1 to i32
      %cond3A_133 = arith.constant 0 : i32
      %cond3A_134 = arith.cmpi ne, %convert_element_type3A_132, %cond3A_133 : i32
      scf.if %cond3A_134 {
        %dma_start3A_140 = arith.constant 0 : i32
        %dma_start3A_141 = arith.constant 0 : i32
        %dma_start3A_142 = arith.constant 0 : i32
        %dma_start3A_143 = arith.constant 0 : i32
        %dma_start3A_144 = tpu.memref_slice %arg9[%dma_start3A_141, %dma_start3A_142, %dma_start3A_143] : memref<2x96x128xf32, #tpu.memory_space<vmem>> -> memref<1x96x128xf32, #tpu.memory_space<vmem>>
        %dma_start3A_145 = tpu.memref_squeeze %dma_start3A_144 : memref<1x96x128xf32, #tpu.memory_space<vmem>> -> memref<96x128xf32, #tpu.memory_space<vmem>>
        %dma_start3A_146 = arith.constant 0 : i32
        %dma_start3A_147 = tpu.memref_slice %arg6[%dma_start3A_140, %dma_start3A_146] : memref<2x96xi32, #tpu.memory_space<vmem>> -> memref<1x96xi32, #tpu.memory_space<vmem>>
        %dma_start3A_148 = tpu.memref_squeeze %dma_start3A_147 : memref<1x96xi32, #tpu.memory_space<vmem>> -> memref<96xi32, #tpu.memory_space<vmem>>
        %dma_start3A_149 = arith.constant 0 : i32
        %dma_start3A_150 = arith.constant 0 : i32
        %dma_start3A_151 = tpu.memref_slice %arg2[%dma_start3A_149, %dma_start3A_150] : memref<10000x128xf32, #tpu.memory_space<hbm>> -> memref<10000x128xf32, #tpu.memory_space<hbm>>
        tpu.enqueue_indirect_dma source(%dma_start3A_151 : memref<10000x128xf32, #tpu.memory_space<hbm>>) target(%dma_start3A_145 : memref<96x128xf32, #tpu.memory_space<vmem>>) offsets(%dma_start3A_148 : memref<96xi32, #tpu.memory_space<vmem>>) semaphore(%arg17 : memref<!tpu.dma_semaphore, #tpu.memory_space<semaphore_mem>>)
      } else {
      }
      %lt3A_135 = arith.constant 52 : i32
      %lt3A_136 = arith.cmpi slt, %add3A_115, %lt3A_135 : i32
      %convert_element_type3A_137 = arith.extui %lt3A_136 : i1 to i32
      %cond3A_138 = arith.constant 0 : i32
      %cond3A_139 = arith.cmpi ne, %convert_element_type3A_137, %cond3A_138 : i32
      scf.if %cond3A_139 {
        %run_scoped3A = arith.constant 1 : i32
        %run_scoped3A_140 = arith.constant 1 : i32
        "tpu.region"() ({
          %run_scoped3A_141 = tpu.sem_alloc : memref<!tpu.dma_semaphore, #tpu.memory_space<semaphore_mem>>
          %dma_start3A_142 = arith.constant 0 : i32
          %dma_start3A_143 = arith.constant 0 : i32
          %dma_start3A_144 = tpu.memref_slice %arg9[%run_scoped3A, %dma_start3A_142, %dma_start3A_143] : memref<2x96x128xf32, #tpu.memory_space<vmem>> -> memref<1x96x128xf32, #tpu.memory_space<vmem>>
          %dma_start3A_145 = tpu.memref_squeeze %dma_start3A_144 : memref<1x96x128xf32, #tpu.memory_space<vmem>> -> memref<96x128xf32, #tpu.memory_space<vmem>>
          %dma_start3A_146 = arith.constant 0 : i32
          %dma_start3A_147 = tpu.memref_slice %arg7[%run_scoped3A_140, %dma_start3A_146] : memref<2x96xi32, #tpu.memory_space<vmem>> -> memref<1x96xi32, #tpu.memory_space<vmem>>
          %dma_start3A_148 = tpu.memref_squeeze %dma_start3A_147 : memref<1x96xi32, #tpu.memory_space<vmem>> -> memref<96xi32, #tpu.memory_space<vmem>>
          %dma_start3A_149 = arith.constant 0 : i32
          %dma_start3A_150 = arith.constant 0 : i32
          %dma_start3A_151 = tpu.memref_slice %arg15[%dma_start3A_149, %dma_start3A_150] : memref<10240x128xf32, #tpu.memory_space<vmem_shared>> -> memref<10240x128xf32, #tpu.memory_space<vmem_shared>>
          tpu.enqueue_indirect_dma source(%dma_start3A_145 : memref<96x128xf32, #tpu.memory_space<vmem>>) target(%dma_start3A_151 : memref<10240x128xf32, #tpu.memory_space<vmem_shared>>) offsets(%dma_start3A_148 : memref<96xi32, #tpu.memory_space<vmem>>) semaphore(%run_scoped3A_141 : memref<!tpu.dma_semaphore, #tpu.memory_space<semaphore_mem>>) {add = true}
          %dma_wait3A_152 = arith.constant 0 : i32
          %dma_wait3A_153 = arith.constant 0 : i32
          %dma_wait3A_154 = tpu.memref_slice %arg9[%run_scoped3A, %dma_wait3A_152, %dma_wait3A_153] : memref<2x96x128xf32, #tpu.memory_space<vmem>> -> memref<1x96x128xf32, #tpu.memory_space<vmem>>
          %dma_wait3A_155 = tpu.memref_squeeze %dma_wait3A_154 : memref<1x96x128xf32, #tpu.memory_space<vmem>> -> memref<96x128xf32, #tpu.memory_space<vmem>>
          %dma_wait3A_156 = arith.constant 0 : i32
          %dma_wait3A_157 = tpu.memref_slice %arg7[%run_scoped3A_140, %dma_wait3A_156] : memref<2x96xi32, #tpu.memory_space<vmem>> -> memref<1x96xi32, #tpu.memory_space<vmem>>
          %dma_wait3A_158 = tpu.memref_squeeze %dma_wait3A_157 : memref<1x96xi32, #tpu.memory_space<vmem>> -> memref<96xi32, #tpu.memory_space<vmem>>
          %dma_wait3A_159 = arith.constant 0 : i32
          %dma_wait3A_160 = arith.constant 0 : i32
          %dma_wait3A_161 = tpu.memref_slice %arg15[%dma_wait3A_159, %dma_wait3A_160] : memref<10240x128xf32, #tpu.memory_space<vmem_shared>> -> memref<10240x128xf32, #tpu.memory_space<vmem_shared>>
          tpu.wait_indirect_dma semaphore(%run_scoped3A_141 : memref<!tpu.dma_semaphore, #tpu.memory_space<semaphore_mem>>) src(%dma_wait3A_155 : memref<96x128xf32, #tpu.memory_space<vmem>>) dst(%dma_wait3A_161 : memref<10240x128xf32, #tpu.memory_space<vmem_shared>>)
          tpu.yield
        }) : () -> ()
      } else {
      }
    }
    %scan3A_66 = arith.constant 26 : i32
    %add3A_67 = arith.constant 4992 : i32
    %add3A_68 = arith.addi %mul3A_13, %add3A_67 : i32
    %dma_start3A_69 = tpu.memref_slice %arg3[%add3A_68] : memref<160000xi32, #tpu.memory_space<hbm>> -> memref<8xi32, #tpu.memory_space<hbm>>
    %dma_start3A_70 = tpu.memref_slice %arg3[%add3A_68] : memref<160000xi32, #tpu.memory_space<hbm>> -> memref<8xi32, #tpu.memory_space<hbm>>
    tpu.enqueue_dma source(%dma_start3A_70 : memref<8xi32, #tpu.memory_space<hbm>>) target(%arg10 : memref<8xi32, #tpu.memory_space<vmem>>) target_semaphore(%arg16 : memref<!tpu.dma_semaphore, #tpu.memory_space<semaphore_mem>>)
    %dma_start3A_71 = tpu.memref_slice %arg4[%add3A_68] : memref<160000xi32, #tpu.memory_space<hbm>> -> memref<8xi32, #tpu.memory_space<hbm>>
    %dma_start3A_72 = tpu.memref_slice %arg4[%add3A_68] : memref<160000xi32, #tpu.memory_space<hbm>> -> memref<8xi32, #tpu.memory_space<hbm>>
    tpu.enqueue_dma source(%dma_start3A_72 : memref<8xi32, #tpu.memory_space<hbm>>) target(%arg11 : memref<8xi32, #tpu.memory_space<vmem>>) target_semaphore(%arg16 : memref<!tpu.dma_semaphore, #tpu.memory_space<semaphore_mem>>)
    %dma_wait3A_73 = tpu.memref_slice %arg3[%add3A_68] : memref<160000xi32, #tpu.memory_space<hbm>> -> memref<8xi32, #tpu.memory_space<hbm>>
    %dma_wait3A_74 = tpu.memref_slice %arg3[%add3A_68] : memref<160000xi32, #tpu.memory_space<hbm>> -> memref<8xi32, #tpu.memory_space<hbm>>
    tpu.wait_dma2 semaphore(%arg16 : memref<!tpu.dma_semaphore, #tpu.memory_space<semaphore_mem>>) src(%dma_wait3A_74 : memref<8xi32, #tpu.memory_space<hbm>>) dst(%arg10 : memref<8xi32, #tpu.memory_space<vmem>>)
    %dma_wait3A_75 = tpu.memref_slice %arg4[%add3A_68] : memref<160000xi32, #tpu.memory_space<hbm>> -> memref<8xi32, #tpu.memory_space<hbm>>
    %dma_wait3A_76 = tpu.memref_slice %arg4[%add3A_68] : memref<160000xi32, #tpu.memory_space<hbm>> -> memref<8xi32, #tpu.memory_space<hbm>>
    tpu.wait_dma2 semaphore(%arg16 : memref<!tpu.dma_semaphore, #tpu.memory_space<semaphore_mem>>) src(%dma_wait3A_76 : memref<8xi32, #tpu.memory_space<hbm>>) dst(%arg11 : memref<8xi32, #tpu.memory_space<vmem>>)
    %dma_start3A_77 = arith.constant 0 : i32
    %dma_start3A_78 = arith.constant 0 : i32
    %dma_start3A_79 = tpu.memref_slice %arg2[%dma_start3A_77, %dma_start3A_78] : memref<10000x128xf32, #tpu.memory_space<hbm>> -> memref<10000x128xf32, #tpu.memory_space<hbm>>
    tpu.enqueue_indirect_dma source(%dma_start3A_79 : memref<10000x128xf32, #tpu.memory_space<hbm>>) target(%arg13 : memref<8x128xf32, #tpu.memory_space<vmem>>) offsets(%arg10 : memref<8xi32, #tpu.memory_space<vmem>>) semaphore(%arg17 : memref<!tpu.dma_semaphore, #tpu.memory_space<semaphore_mem>>)
    %dma_wait3A_80 = arith.constant 0 : i32
    %dma_wait3A_81 = arith.constant 0 : i32
    %dma_wait3A_82 = tpu.memref_slice %arg2[%dma_wait3A_80, %dma_wait3A_81] : memref<10000x128xf32, #tpu.memory_space<hbm>> -> memref<10000x128xf32, #tpu.memory_space<hbm>>
    tpu.wait_indirect_dma semaphore(%arg17 : memref<!tpu.dma_semaphore, #tpu.memory_space<semaphore_mem>>) src(%dma_wait3A_82 : memref<10000x128xf32, #tpu.memory_space<hbm>>) dst(%arg13 : memref<8x128xf32, #tpu.memory_space<vmem>>)
    "tpu.region"() ({
      %run_scoped3A = tpu.sem_alloc : memref<!tpu.dma_semaphore, #tpu.memory_space<semaphore_mem>>
      %dma_start3A_84 = arith.constant 0 : i32
      %dma_start3A_85 = arith.constant 0 : i32
      %dma_start3A_86 = tpu.memref_slice %arg15[%dma_start3A_84, %dma_start3A_85] : memref<10240x128xf32, #tpu.memory_space<vmem_shared>> -> memref<10240x128xf32, #tpu.memory_space<vmem_shared>>
      tpu.enqueue_indirect_dma source(%arg13 : memref<8x128xf32, #tpu.memory_space<vmem>>) target(%dma_start3A_86 : memref<10240x128xf32, #tpu.memory_space<vmem_shared>>) offsets(%arg11 : memref<8xi32, #tpu.memory_space<vmem>>) semaphore(%run_scoped3A : memref<!tpu.dma_semaphore, #tpu.memory_space<semaphore_mem>>) {add = true}
      %dma_wait3A_87 = arith.constant 0 : i32
      %dma_wait3A_88 = arith.constant 0 : i32
      %dma_wait3A_89 = tpu.memref_slice %arg15[%dma_wait3A_87, %dma_wait3A_88] : memref<10240x128xf32, #tpu.memory_space<vmem_shared>> -> memref<10240x128xf32, #tpu.memory_space<vmem_shared>>
      tpu.wait_indirect_dma semaphore(%run_scoped3A : memref<!tpu.dma_semaphore, #tpu.memory_space<semaphore_mem>>) src(%arg13 : memref<8x128xf32, #tpu.memory_space<vmem>>) dst(%dma_wait3A_89 : memref<10240x128xf32, #tpu.memory_space<vmem_shared>>)
      tpu.yield
    }) : () -> ()
    %barrier3A_83 = arith.constant 0 : index
    tpu.barrier barrier_id(%barrier3A_83)
    "tpu.region"() ({
      %run_scoped3A = tpu.sem_alloc : memref<!tpu.dma_semaphore, #tpu.memory_space<semaphore_mem>>
      %dma_start3A_84 = arith.constant 0 : i32
      %dma_start3A_85 = tpu.memref_slice %arg5[%arg0, %mul3A_4, %dma_start3A_84] : memref<2x10240x128xf32, #tpu.memory_space<hbm>> -> memref<1x640x128xf32, #tpu.memory_space<hbm>>
      %dma_start3A_86 = tpu.memref_squeeze %dma_start3A_85 : memref<1x640x128xf32, #tpu.memory_space<hbm>> -> memref<640x128xf32, #tpu.memory_space<hbm>>
      %dma_start3A_87 = arith.constant 0 : i32
      %dma_start3A_88 = tpu.memref_slice %arg15[%mul3A_4, %dma_start3A_87] : memref<10240x128xf32, #tpu.memory_space<vmem_shared>> -> memref<640x128xf32, #tpu.memory_space<vmem_shared>>
      tpu.enqueue_dma source(%dma_start3A_88 : memref<640x128xf32, #tpu.memory_space<vmem_shared>>) target(%dma_start3A_86 : memref<640x128xf32, #tpu.memory_space<hbm>>) target_semaphore(%run_scoped3A : memref<!tpu.dma_semaphore, #tpu.memory_space<semaphore_mem>>)
      %dma_wait3A_89 = arith.constant 0 : i32
      %dma_wait3A_90 = tpu.memref_slice %arg5[%arg0, %mul3A_4, %dma_wait3A_89] : memref<2x10240x128xf32, #tpu.memory_space<hbm>> -> memref<1x640x128xf32, #tpu.memory_space<hbm>>
      %dma_wait3A_91 = tpu.memref_squeeze %dma_wait3A_90 : memref<1x640x128xf32, #tpu.memory_space<hbm>> -> memref<640x128xf32, #tpu.memory_space<hbm>>
      %dma_wait3A_92 = arith.constant 0 : i32
      %dma_wait3A_93 = tpu.memref_slice %arg15[%mul3A_4, %dma_wait3A_92] : memref<10240x128xf32, #tpu.memory_space<vmem_shared>> -> memref<640x128xf32, #tpu.memory_space<vmem_shared>>
      tpu.wait_dma2 semaphore(%run_scoped3A : memref<!tpu.dma_semaphore, #tpu.memory_space<semaphore_mem>>) src(%dma_wait3A_93 : memref<640x128xf32, #tpu.memory_space<vmem_shared>>) dst(%dma_wait3A_91 : memref<640x128xf32, #tpu.memory_space<hbm>>)
      tpu.yield
    }) : () -> ()
    return
  }
}

#map = affine_map<(d0, d1) -> (0, 0)>
#map1 = affine_map<(d0, d1) -> (0)>
#map2 = affine_map<(d0, d1) -> (0, 0, 0)>
module attributes {stable_mosaic.version = 14 : i64} {
  func.func @body(%arg0: i32, %arg1: i32, %arg2: memref<20000x128xf32, #tpu.memory_space<hbm>>, %arg3: memref<160000xi32, #tpu.memory_space<hbm>>, %arg4: memref<160000xi32, #tpu.memory_space<hbm>>, %arg5: memref<2x10240x128xf32, #tpu.memory_space<hbm>>, %arg6: memref<2x96xi32, #tpu.memory_space<vmem>>, %arg7: memref<2x96xi32, #tpu.memory_space<vmem>>, %arg8: memref<2x96xi32, #tpu.memory_space<vmem>>, %arg9: memref<2x96x128xf32, #tpu.memory_space<vmem>>, %arg10: memref<16xi32, #tpu.memory_space<vmem>>, %arg11: memref<16xi32, #tpu.memory_space<vmem>>, %arg12: memref<16xi32, #tpu.memory_space<vmem>>, %arg13: memref<16x128xf32, #tpu.memory_space<vmem>>, %arg14: memref<64x128xf32, #tpu.memory_space<vmem>>, %arg15: memref<10240x128xf32, #tpu.memory_space<vmem_shared>>, %arg16: memref<!tpu.dma_semaphore, #tpu.memory_space<semaphore_mem>>, %arg17: memref<!tpu.dma_semaphore, #tpu.memory_space<semaphore_mem>>, %arg18: memref<!tpu.dma_semaphore, #tpu.memory_space<semaphore_mem>>) attributes {dimension_semantics = [#tpu.dimension_semantics<core_parallel>, #tpu.dimension_semantics<subcore_parallel>], iteration_bounds = array<i64: 2, 16>, scalar_prefetch = 0 : i64, scratch_operands = 13 : i64, tpu.core_type = #tpu.core_type<sc_vector_subcore>, window_params = [{transform_indices = #map}, {transform_indices = #map1}, {transform_indices = #map1}, {transform_indices = #map2}]} {
    %scan3A = arith.constant 0 : i32
    %scan3A_0 = arith.constant 64 : i32
    %scan3A_1 = arith.addi %scan3A, %scan3A_0 : i32
    %scan3A_2 = arith.constant 1 : i32
    scf.for %scan3A_102 = %scan3A to %scan3A_1 step %scan3A_2  : i32 {
      %mul3A_103 = arith.constant 1 : i32
      %mul3A_104 = arith.muli %scan3A_102, %mul3A_103 : i32
      %add3A_105 = arith.constant 0 : i32
      %add3A_106 = arith.addi %add3A_105, %mul3A_104 : i32
      %scan3A_107 = arith.constant 0 : i32
      %scan3A_108 = arith.constant 8 : i32
      %scan3A_109 = arith.addi %scan3A_107, %scan3A_108 : i32
      %scan3A_110 = arith.constant 1 : i32
      scf.for %scan3A_112 = %scan3A_107 to %scan3A_109 step %scan3A_110  : i32 {
        %mul3A_113 = arith.constant 16 : i32
        %mul3A_114 = arith.muli %scan3A_112, %mul3A_113 : i32
        %add3A_115 = arith.constant 0 : i32
        %add3A_116 = arith.addi %add3A_115, %mul3A_114 : i32
        %broadcast_in_dim3A = arith.constant 0.000000e+00 : f32
        %broadcast_in_dim3A_117 = vector.broadcast %broadcast_in_dim3A : f32 to vector<16xf32>
        %swap3A_118 = arith.index_cast %add3A_106 : i32 to index
        %swap3A_119 = arith.index_cast %add3A_116 : i32 to index
        %swap3A_120 = tpu.vector_load %arg14[%swap3A_118, %swap3A_119] {strides = array<i32>} : memref<64x128xf32, #tpu.memory_space<vmem>>, vector<1x16xf32>,
        %swap3A_121 = vector.shape_cast %swap3A_120 : vector<1x16xf32> to vector<16xf32>
        %swap3A_122 = vector.shape_cast %broadcast_in_dim3A_117 : vector<16xf32> to vector<1x16xf32>
        tpu.vector_store %arg14[%swap3A_118, %swap3A_119], %swap3A_122 {strides = array<i32>} : memref<64x128xf32, #tpu.memory_space<vmem>>, vector<1x16xf32>,
      }
      %scan3A_111 = arith.constant 8 : i32
    }
    %scan3A_3 = arith.constant 64 : i32
    %mul3A = arith.constant 640 : i32
    %mul3A_4 = arith.muli %arg1, %mul3A : i32
    %scan3A_5 = arith.constant 0 : i32
    %scan3A_6 = arith.constant 10 : i32
    %scan3A_7 = arith.addi %scan3A_5, %scan3A_6 : i32
    %scan3A_8 = arith.constant 1 : i32
    scf.for %scan3A_102 = %scan3A_5 to %scan3A_7 step %scan3A_8  : i32 {
      %mul3A_103 = arith.constant 1 : i32
      %mul3A_104 = arith.muli %scan3A_102, %mul3A_103 : i32
      %add3A_105 = arith.constant 0 : i32
      %add3A_106 = arith.addi %add3A_105, %mul3A_104 : i32
      %mul3A_107 = arith.constant 64 : i32
      %mul3A_108 = arith.muli %add3A_106, %mul3A_107 : i32
      %add3A_109 = arith.addi %mul3A_4, %mul3A_108 : i32
      "tpu.region"() ({
        %run_scoped3A = tpu.sem_alloc : memref<!tpu.dma_semaphore, #tpu.memory_space<semaphore_mem>>
        %dma_start3A_110 = arith.constant 0 : i32
        %dma_start3A_111 = tpu.memref_slice %arg15[%add3A_109, %dma_start3A_110] : memref<10240x128xf32, #tpu.memory_space<vmem_shared>> -> memref<64x128xf32, #tpu.memory_space<vmem_shared>>
        %dma_start3A_112 = arith.constant 0 : i32
        %dma_start3A_113 = tpu.memref_slice %arg15[%add3A_109, %dma_start3A_112] : memref<10240x128xf32, #tpu.memory_space<vmem_shared>> -> memref<64x128xf32, #tpu.memory_space<vmem_shared>>
        tpu.enqueue_dma source(%arg14 : memref<64x128xf32, #tpu.memory_space<vmem>>) target(%dma_start3A_113 : memref<64x128xf32, #tpu.memory_space<vmem_shared>>) target_semaphore(%run_scoped3A : memref<!tpu.dma_semaphore, #tpu.memory_space<semaphore_mem>>)
        %dma_wait3A_114 = arith.constant 0 : i32
        %dma_wait3A_115 = tpu.memref_slice %arg15[%add3A_109, %dma_wait3A_114] : memref<10240x128xf32, #tpu.memory_space<vmem_shared>> -> memref<64x128xf32, #tpu.memory_space<vmem_shared>>
        %dma_wait3A_116 = arith.constant 0 : i32
        %dma_wait3A_117 = tpu.memref_slice %arg15[%add3A_109, %dma_wait3A_116] : memref<10240x128xf32, #tpu.memory_space<vmem_shared>> -> memref<64x128xf32, #tpu.memory_space<vmem_shared>>
        tpu.wait_dma2 semaphore(%run_scoped3A : memref<!tpu.dma_semaphore, #tpu.memory_space<semaphore_mem>>) src(%arg14 : memref<64x128xf32, #tpu.memory_space<vmem>>) dst(%dma_wait3A_117 : memref<64x128xf32, #tpu.memory_space<vmem_shared>>)
        tpu.yield
      }) : () -> ()
    }
    %scan3A_9 = arith.constant 10 : i32
    %barrier3A = arith.constant 0 : index
    tpu.barrier barrier_id(%barrier3A)
    %mul3A_10 = arith.constant 10000 : i32
    %mul3A_11 = arith.muli %arg1, %mul3A_10 : i32
    %add3A = arith.constant 0 : i32
    %add3A_12 = arith.addi %mul3A_11, %add3A : i32
    %dma_start3A = arith.constant 0 : i32
    %dma_start3A_13 = arith.constant 0 : i32
    %dma_start3A_14 = tpu.memref_slice %arg6[%dma_start3A, %dma_start3A_13] : memref<2x96xi32, #tpu.memory_space<vmem>> -> memref<1x96xi32, #tpu.memory_space<vmem>>
    %dma_start3A_15 = tpu.memref_squeeze %dma_start3A_14 : memref<1x96xi32, #tpu.memory_space<vmem>> -> memref<96xi32, #tpu.memory_space<vmem>>
    %dma_start3A_16 = tpu.memref_slice %arg3[%add3A_12] : memref<160000xi32, #tpu.memory_space<hbm>> -> memref<96xi32, #tpu.memory_space<hbm>>
    %dma_start3A_17 = arith.constant 0 : i32
    %dma_start3A_18 = tpu.memref_slice %arg6[%dma_start3A, %dma_start3A_17] : memref<2x96xi32, #tpu.memory_space<vmem>> -> memref<1x96xi32, #tpu.memory_space<vmem>>
    %dma_start3A_19 = tpu.memref_squeeze %dma_start3A_18 : memref<1x96xi32, #tpu.memory_space<vmem>> -> memref<96xi32, #tpu.memory_space<vmem>>
    %dma_start3A_20 = tpu.memref_slice %arg3[%add3A_12] : memref<160000xi32, #tpu.memory_space<hbm>> -> memref<96xi32, #tpu.memory_space<hbm>>
    tpu.enqueue_dma source(%dma_start3A_20 : memref<96xi32, #tpu.memory_space<hbm>>) target(%dma_start3A_19 : memref<96xi32, #tpu.memory_space<vmem>>) target_semaphore(%arg16 : memref<!tpu.dma_semaphore, #tpu.memory_space<semaphore_mem>>)
    %dma_start3A_21 = arith.constant 0 : i32
    %dma_start3A_22 = arith.constant 0 : i32
    %dma_start3A_23 = tpu.memref_slice %arg7[%dma_start3A_21, %dma_start3A_22] : memref<2x96xi32, #tpu.memory_space<vmem>> -> memref<1x96xi32, #tpu.memory_space<vmem>>
    %dma_start3A_24 = tpu.memref_squeeze %dma_start3A_23 : memref<1x96xi32, #tpu.memory_space<vmem>> -> memref<96xi32, #tpu.memory_space<vmem>>
    %dma_start3A_25 = tpu.memref_slice %arg4[%add3A_12] : memref<160000xi32, #tpu.memory_space<hbm>> -> memref<96xi32, #tpu.memory_space<hbm>>
    %dma_start3A_26 = arith.constant 0 : i32
    %dma_start3A_27 = tpu.memref_slice %arg7[%dma_start3A_21, %dma_start3A_26] : memref<2x96xi32, #tpu.memory_space<vmem>> -> memref<1x96xi32, #tpu.memory_space<vmem>>
    %dma_start3A_28 = tpu.memref_squeeze %dma_start3A_27 : memref<1x96xi32, #tpu.memory_space<vmem>> -> memref<96xi32, #tpu.memory_space<vmem>>
    %dma_start3A_29 = tpu.memref_slice %arg4[%add3A_12] : memref<160000xi32, #tpu.memory_space<hbm>> -> memref<96xi32, #tpu.memory_space<hbm>>
    tpu.enqueue_dma source(%dma_start3A_29 : memref<96xi32, #tpu.memory_space<hbm>>) target(%dma_start3A_28 : memref<96xi32, #tpu.memory_space<vmem>>) target_semaphore(%arg16 : memref<!tpu.dma_semaphore, #tpu.memory_space<semaphore_mem>>)
    %dma_wait3A = arith.constant 0 : i32
    %dma_wait3A_30 = arith.constant 0 : i32
    %dma_wait3A_31 = tpu.memref_slice %arg6[%dma_wait3A, %dma_wait3A_30] : memref<2x96xi32, #tpu.memory_space<vmem>> -> memref<1x96xi32, #tpu.memory_space<vmem>>
    %dma_wait3A_32 = tpu.memref_squeeze %dma_wait3A_31 : memref<1x96xi32, #tpu.memory_space<vmem>> -> memref<96xi32, #tpu.memory_space<vmem>>
    %dma_wait3A_33 = tpu.memref_slice %arg3[%add3A_12] : memref<160000xi32, #tpu.memory_space<hbm>> -> memref<96xi32, #tpu.memory_space<hbm>>
    %dma_wait3A_34 = arith.constant 0 : i32
    %dma_wait3A_35 = tpu.memref_slice %arg6[%dma_wait3A, %dma_wait3A_34] : memref<2x96xi32, #tpu.memory_space<vmem>> -> memref<1x96xi32, #tpu.memory_space<vmem>>
    %dma_wait3A_36 = tpu.memref_squeeze %dma_wait3A_35 : memref<1x96xi32, #tpu.memory_space<vmem>> -> memref<96xi32, #tpu.memory_space<vmem>>
    %dma_wait3A_37 = tpu.memref_slice %arg3[%add3A_12] : memref<160000xi32, #tpu.memory_space<hbm>> -> memref<96xi32, #tpu.memory_space<hbm>>
    tpu.wait_dma2 semaphore(%arg16 : memref<!tpu.dma_semaphore, #tpu.memory_space<semaphore_mem>>) src(%dma_wait3A_37 : memref<96xi32, #tpu.memory_space<hbm>>) dst(%dma_wait3A_36 : memref<96xi32, #tpu.memory_space<vmem>>)
    %dma_wait3A_38 = arith.constant 0 : i32
    %dma_wait3A_39 = arith.constant 0 : i32
    %dma_wait3A_40 = tpu.memref_slice %arg7[%dma_wait3A_38, %dma_wait3A_39] : memref<2x96xi32, #tpu.memory_space<vmem>> -> memref<1x96xi32, #tpu.memory_space<vmem>>
    %dma_wait3A_41 = tpu.memref_squeeze %dma_wait3A_40 : memref<1x96xi32, #tpu.memory_space<vmem>> -> memref<96xi32, #tpu.memory_space<vmem>>
    %dma_wait3A_42 = tpu.memref_slice %arg4[%add3A_12] : memref<160000xi32, #tpu.memory_space<hbm>> -> memref<96xi32, #tpu.memory_space<hbm>>
    %dma_wait3A_43 = arith.constant 0 : i32
    %dma_wait3A_44 = tpu.memref_slice %arg7[%dma_wait3A_38, %dma_wait3A_43] : memref<2x96xi32, #tpu.memory_space<vmem>> -> memref<1x96xi32, #tpu.memory_space<vmem>>
    %dma_wait3A_45 = tpu.memref_squeeze %dma_wait3A_44 : memref<1x96xi32, #tpu.memory_space<vmem>> -> memref<96xi32, #tpu.memory_space<vmem>>
    %dma_wait3A_46 = tpu.memref_slice %arg4[%add3A_12] : memref<160000xi32, #tpu.memory_space<hbm>> -> memref<96xi32, #tpu.memory_space<hbm>>
    tpu.wait_dma2 semaphore(%arg16 : memref<!tpu.dma_semaphore, #tpu.memory_space<semaphore_mem>>) src(%dma_wait3A_46 : memref<96xi32, #tpu.memory_space<hbm>>) dst(%dma_wait3A_45 : memref<96xi32, #tpu.memory_space<vmem>>)
    %scan3A_47 = arith.constant 0 : i32
    %scan3A_48 = arith.constant 6 : i32
    %scan3A_49 = arith.addi %scan3A_47, %scan3A_48 : i32
    %scan3A_50 = arith.constant 1 : i32
    scf.for %scan3A_102 = %scan3A_47 to %scan3A_49 step %scan3A_50  : i32 {
      %mul3A_103 = arith.constant 16 : i32
      %mul3A_104 = arith.muli %scan3A_102, %mul3A_103 : i32
      %add3A_105 = arith.constant 0 : i32
      %add3A_106 = arith.addi %add3A_105, %mul3A_104 : i32
      %get3A_107 = arith.constant 0 : i32
      %get3A_108 = arith.index_cast %get3A_107 : i32 to index
      %get3A_109 = arith.index_cast %add3A_106 : i32 to index
      %get3A_110 = tpu.vector_load %arg6[%get3A_108, %get3A_109] {strides = array<i32>} : memref<2x96xi32, #tpu.memory_space<vmem>>, vector<1x16xi32>,
      %get3A_111 = vector.shape_cast %get3A_110 : vector<1x16xi32> to vector<16xi32>
      %mul3A_112 = arith.constant 2 : i32
      %mul3A_113 = vector.broadcast %mul3A_112 : i32 to vector<16xi32>
      %mul3A_114 = arith.muli %get3A_111, %mul3A_113 : vector<16xi32>
      %add3A_115 = vector.broadcast %arg0 : i32 to vector<16xi32>
      %add3A_116 = arith.addi %mul3A_114, %add3A_115 : vector<16xi32>
      %swap3A_117 = arith.constant 0 : i32
      %swap3A_118 = arith.index_cast %swap3A_117 : i32 to index
      %swap3A_119 = arith.index_cast %add3A_106 : i32 to index
      %swap3A_120 = tpu.vector_load %arg8[%swap3A_118, %swap3A_119] {strides = array<i32>} : memref<2x96xi32, #tpu.memory_space<vmem>>, vector<1x16xi32>,
      %swap3A_121 = vector.shape_cast %swap3A_120 : vector<1x16xi32> to vector<16xi32>
      %swap3A_122 = vector.shape_cast %add3A_116 : vector<16xi32> to vector<1x16xi32>
      tpu.vector_store %arg8[%swap3A_118, %swap3A_119], %swap3A_122 {strides = array<i32>} : memref<2x96xi32, #tpu.memory_space<vmem>>, vector<1x16xi32>,
    }
    %scan3A_51 = arith.constant 6 : i32
    %dma_start3A_52 = arith.constant 0 : i32
    %dma_start3A_53 = arith.constant 0 : i32
    %dma_start3A_54 = arith.constant 0 : i32
    %dma_start3A_55 = arith.constant 0 : i32
    %dma_start3A_56 = tpu.memref_slice %arg9[%dma_start3A_53, %dma_start3A_54, %dma_start3A_55] : memref<2x96x128xf32, #tpu.memory_space<vmem>> -> memref<1x96x128xf32, #tpu.memory_space<vmem>>
    %dma_start3A_57 = tpu.memref_squeeze %dma_start3A_56 : memref<1x96x128xf32, #tpu.memory_space<vmem>> -> memref<96x128xf32, #tpu.memory_space<vmem>>
    %dma_start3A_58 = arith.constant 0 : i32
    %dma_start3A_59 = tpu.memref_slice %arg8[%dma_start3A_52, %dma_start3A_58] : memref<2x96xi32, #tpu.memory_space<vmem>> -> memref<1x96xi32, #tpu.memory_space<vmem>>
    %dma_start3A_60 = tpu.memref_squeeze %dma_start3A_59 : memref<1x96xi32, #tpu.memory_space<vmem>> -> memref<96xi32, #tpu.memory_space<vmem>>
    %dma_start3A_61 = arith.constant 0 : i32
    %dma_start3A_62 = arith.constant 0 : i32
    %dma_start3A_63 = tpu.memref_slice %arg2[%dma_start3A_61, %dma_start3A_62] : memref<20000x128xf32, #tpu.memory_space<hbm>> -> memref<20000x128xf32, #tpu.memory_space<hbm>>
    tpu.enqueue_indirect_dma source(%dma_start3A_63 : memref<20000x128xf32, #tpu.memory_space<hbm>>) target(%dma_start3A_57 : memref<96x128xf32, #tpu.memory_space<vmem>>) offsets(%dma_start3A_60 : memref<96xi32, #tpu.memory_space<vmem>>) semaphore(%arg17 : memref<!tpu.dma_semaphore, #tpu.memory_space<semaphore_mem>>)
    %scan3A_64 = arith.constant 0 : i32
    %scan3A_65 = arith.constant 52 : i32
    %scan3A_66 = arith.addi %scan3A_64, %scan3A_65 : i32
    %scan3A_67 = arith.constant 1 : i32
    scf.for %scan3A_102 = %scan3A_64 to %scan3A_66 step %scan3A_67  : i32 {
      %mul3A_103 = arith.constant 1 : i32
      %mul3A_104 = arith.muli %scan3A_102, %mul3A_103 : i32
      %add3A_105 = arith.constant 0 : i32
      %add3A_106 = arith.addi %add3A_105, %mul3A_104 : i32
      %mul3A_107 = arith.constant 2 : i32
      %mul3A_108 = arith.muli %mul3A_107, %add3A_106 : i32
      %add3A_109 = arith.constant 1 : i32
      %add3A_110 = arith.addi %mul3A_108, %add3A_109 : i32
      %lt3A = arith.constant 104 : i32
      %lt3A_111 = arith.cmpi slt, %add3A_110, %lt3A : i32
      %convert_element_type3A = arith.extui %lt3A_111 : i1 to i32
      %cond3A = arith.constant 0 : i32
      %cond3A_112 = arith.cmpi ne, %convert_element_type3A, %cond3A : i32
      scf.if %cond3A_112 {
        %add3A_158 = arith.constant 1 : i32
        %add3A_159 = arith.addi %mul3A_108, %add3A_158 : i32
        %mul3A_160 = arith.constant 96 : i32
        %mul3A_161 = arith.muli %add3A_159, %mul3A_160 : i32
        %add3A_162 = arith.addi %mul3A_11, %mul3A_161 : i32
        %dma_start3A_163 = arith.constant 1 : i32
        %dma_start3A_164 = arith.constant 0 : i32
        %dma_start3A_165 = tpu.memref_slice %arg6[%dma_start3A_163, %dma_start3A_164] : memref<2x96xi32, #tpu.memory_space<vmem>> -> memref<1x96xi32, #tpu.memory_space<vmem>>
        %dma_start3A_166 = tpu.memref_squeeze %dma_start3A_165 : memref<1x96xi32, #tpu.memory_space<vmem>> -> memref<96xi32, #tpu.memory_space<vmem>>
        %dma_start3A_167 = tpu.memref_slice %arg3[%add3A_162] : memref<160000xi32, #tpu.memory_space<hbm>> -> memref<96xi32, #tpu.memory_space<hbm>>
        %dma_start3A_168 = arith.constant 0 : i32
        %dma_start3A_169 = tpu.memref_slice %arg6[%dma_start3A_163, %dma_start3A_168] : memref<2x96xi32, #tpu.memory_space<vmem>> -> memref<1x96xi32, #tpu.memory_space<vmem>>
        %dma_start3A_170 = tpu.memref_squeeze %dma_start3A_169 : memref<1x96xi32, #tpu.memory_space<vmem>> -> memref<96xi32, #tpu.memory_space<vmem>>
        %dma_start3A_171 = tpu.memref_slice %arg3[%add3A_162] : memref<160000xi32, #tpu.memory_space<hbm>> -> memref<96xi32, #tpu.memory_space<hbm>>
        tpu.enqueue_dma source(%dma_start3A_171 : memref<96xi32, #tpu.memory_space<hbm>>) target(%dma_start3A_170 : memref<96xi32, #tpu.memory_space<vmem>>) target_semaphore(%arg16 : memref<!tpu.dma_semaphore, #tpu.memory_space<semaphore_mem>>)
        %dma_start3A_172 = arith.constant 1 : i32
        %dma_start3A_173 = arith.constant 0 : i32
        %dma_start3A_174 = tpu.memref_slice %arg7[%dma_start3A_172, %dma_start3A_173] : memref<2x96xi32, #tpu.memory_space<vmem>> -> memref<1x96xi32, #tpu.memory_space<vmem>>
        %dma_start3A_175 = tpu.memref_squeeze %dma_start3A_174 : memref<1x96xi32, #tpu.memory_space<vmem>> -> memref<96xi32, #tpu.memory_space<vmem>>
        %dma_start3A_176 = tpu.memref_slice %arg4[%add3A_162] : memref<160000xi32, #tpu.memory_space<hbm>> -> memref<96xi32, #tpu.memory_space<hbm>>
        %dma_start3A_177 = arith.constant 0 : i32
        %dma_start3A_178 = tpu.memref_slice %arg7[%dma_start3A_172, %dma_start3A_177] : memref<2x96xi32, #tpu.memory_space<vmem>> -> memref<1x96xi32, #tpu.memory_space<vmem>>
        %dma_start3A_179 = tpu.memref_squeeze %dma_start3A_178 : memref<1x96xi32, #tpu.memory_space<vmem>> -> memref<96xi32, #tpu.memory_space<vmem>>
        %dma_start3A_180 = tpu.memref_slice %arg4[%add3A_162] : memref<160000xi32, #tpu.memory_space<hbm>> -> memref<96xi32, #tpu.memory_space<hbm>>
        tpu.enqueue_dma source(%dma_start3A_180 : memref<96xi32, #tpu.memory_space<hbm>>) target(%dma_start3A_179 : memref<96xi32, #tpu.memory_space<vmem>>) target_semaphore(%arg16 : memref<!tpu.dma_semaphore, #tpu.memory_space<semaphore_mem>>)
        %dma_wait3A_181 = arith.constant 1 : i32
        %dma_wait3A_182 = arith.constant 0 : i32
        %dma_wait3A_183 = tpu.memref_slice %arg6[%dma_wait3A_181, %dma_wait3A_182] : memref<2x96xi32, #tpu.memory_space<vmem>> -> memref<1x96xi32, #tpu.memory_space<vmem>>
        %dma_wait3A_184 = tpu.memref_squeeze %dma_wait3A_183 : memref<1x96xi32, #tpu.memory_space<vmem>> -> memref<96xi32, #tpu.memory_space<vmem>>
        %dma_wait3A_185 = tpu.memref_slice %arg3[%add3A_162] : memref<160000xi32, #tpu.memory_space<hbm>> -> memref<96xi32, #tpu.memory_space<hbm>>
        %dma_wait3A_186 = arith.constant 0 : i32
        %dma_wait3A_187 = tpu.memref_slice %arg6[%dma_wait3A_181, %dma_wait3A_186] : memref<2x96xi32, #tpu.memory_space<vmem>> -> memref<1x96xi32, #tpu.memory_space<vmem>>
        %dma_wait3A_188 = tpu.memref_squeeze %dma_wait3A_187 : memref<1x96xi32, #tpu.memory_space<vmem>> -> memref<96xi32, #tpu.memory_space<vmem>>
        %dma_wait3A_189 = tpu.memref_slice %arg3[%add3A_162] : memref<160000xi32, #tpu.memory_space<hbm>> -> memref<96xi32, #tpu.memory_space<hbm>>
        tpu.wait_dma2 semaphore(%arg16 : memref<!tpu.dma_semaphore, #tpu.memory_space<semaphore_mem>>) src(%dma_wait3A_189 : memref<96xi32, #tpu.memory_space<hbm>>) dst(%dma_wait3A_188 : memref<96xi32, #tpu.memory_space<vmem>>)
        %dma_wait3A_190 = arith.constant 1 : i32
        %dma_wait3A_191 = arith.constant 0 : i32
        %dma_wait3A_192 = tpu.memref_slice %arg7[%dma_wait3A_190, %dma_wait3A_191] : memref<2x96xi32, #tpu.memory_space<vmem>> -> memref<1x96xi32, #tpu.memory_space<vmem>>
        %dma_wait3A_193 = tpu.memref_squeeze %dma_wait3A_192 : memref<1x96xi32, #tpu.memory_space<vmem>> -> memref<96xi32, #tpu.memory_space<vmem>>
        %dma_wait3A_194 = tpu.memref_slice %arg4[%add3A_162] : memref<160000xi32, #tpu.memory_space<hbm>> -> memref<96xi32, #tpu.memory_space<hbm>>
        %dma_wait3A_195 = arith.constant 0 : i32
        %dma_wait3A_196 = tpu.memref_slice %arg7[%dma_wait3A_190, %dma_wait3A_195] : memref<2x96xi32, #tpu.memory_space<vmem>> -> memref<1x96xi32, #tpu.memory_space<vmem>>
        %dma_wait3A_197 = tpu.memref_squeeze %dma_wait3A_196 : memref<1x96xi32, #tpu.memory_space<vmem>> -> memref<96xi32, #tpu.memory_space<vmem>>
        %dma_wait3A_198 = tpu.memref_slice %arg4[%add3A_162] : memref<160000xi32, #tpu.memory_space<hbm>> -> memref<96xi32, #tpu.memory_space<hbm>>
        tpu.wait_dma2 semaphore(%arg16 : memref<!tpu.dma_semaphore, #tpu.memory_space<semaphore_mem>>) src(%dma_wait3A_198 : memref<96xi32, #tpu.memory_space<hbm>>) dst(%dma_wait3A_197 : memref<96xi32, #tpu.memory_space<vmem>>)
        %scan3A_199 = arith.constant 0 : i32
        %scan3A_200 = arith.constant 6 : i32
        %scan3A_201 = arith.addi %scan3A_199, %scan3A_200 : i32
        %scan3A_202 = arith.constant 1 : i32
        scf.for %scan3A_204 = %scan3A_199 to %scan3A_201 step %scan3A_202  : i32 {
          %mul3A_205 = arith.constant 16 : i32
          %mul3A_206 = arith.muli %scan3A_204, %mul3A_205 : i32
          %add3A_207 = arith.constant 0 : i32
          %add3A_208 = arith.addi %add3A_207, %mul3A_206 : i32
          %get3A_209 = arith.constant 1 : i32
          %get3A_210 = arith.index_cast %get3A_209 : i32 to index
          %get3A_211 = arith.index_cast %add3A_208 : i32 to index
          %get3A_212 = tpu.vector_load %arg6[%get3A_210, %get3A_211] {strides = array<i32>} : memref<2x96xi32, #tpu.memory_space<vmem>>, vector<1x16xi32>,
          %get3A_213 = vector.shape_cast %get3A_212 : vector<1x16xi32> to vector<16xi32>
          %mul3A_214 = arith.constant 2 : i32
          %mul3A_215 = vector.broadcast %mul3A_214 : i32 to vector<16xi32>
          %mul3A_216 = arith.muli %get3A_213, %mul3A_215 : vector<16xi32>
          %add3A_217 = vector.broadcast %arg0 : i32 to vector<16xi32>
          %add3A_218 = arith.addi %mul3A_216, %add3A_217 : vector<16xi32>
          %swap3A_219 = arith.constant 1 : i32
          %swap3A_220 = arith.index_cast %swap3A_219 : i32 to index
          %swap3A_221 = arith.index_cast %add3A_208 : i32 to index
          %swap3A_222 = tpu.vector_load %arg8[%swap3A_220, %swap3A_221] {strides = array<i32>} : memref<2x96xi32, #tpu.memory_space<vmem>>, vector<1x16xi32>,
          %swap3A_223 = vector.shape_cast %swap3A_222 : vector<1x16xi32> to vector<16xi32>
          %swap3A_224 = vector.shape_cast %add3A_218 : vector<16xi32> to vector<1x16xi32>
          tpu.vector_store %arg8[%swap3A_220, %swap3A_221], %swap3A_224 {strides = array<i32>} : memref<2x96xi32, #tpu.memory_space<vmem>>, vector<1x16xi32>,
        }
        %scan3A_203 = arith.constant 6 : i32
      } else {
      }
      %lt3A_113 = arith.constant 104 : i32
      %lt3A_114 = arith.cmpi slt, %mul3A_108, %lt3A_113 : i32
      %convert_element_type3A_115 = arith.extui %lt3A_114 : i1 to i32
      %cond3A_116 = arith.constant 0 : i32
      %cond3A_117 = arith.cmpi ne, %convert_element_type3A_115, %cond3A_116 : i32
      scf.if %cond3A_117 {
        %dma_wait3A_158 = arith.constant 0 : i32
        %dma_wait3A_159 = arith.constant 0 : i32
        %dma_wait3A_160 = arith.constant 0 : i32
        %dma_wait3A_161 = arith.constant 0 : i32
        %dma_wait3A_162 = tpu.memref_slice %arg9[%dma_wait3A_159, %dma_wait3A_160, %dma_wait3A_161] : memref<2x96x128xf32, #tpu.memory_space<vmem>> -> memref<1x96x128xf32, #tpu.memory_space<vmem>>
        %dma_wait3A_163 = tpu.memref_squeeze %dma_wait3A_162 : memref<1x96x128xf32, #tpu.memory_space<vmem>> -> memref<96x128xf32, #tpu.memory_space<vmem>>
        %dma_wait3A_164 = arith.constant 0 : i32
        %dma_wait3A_165 = tpu.memref_slice %arg8[%dma_wait3A_158, %dma_wait3A_164] : memref<2x96xi32, #tpu.memory_space<vmem>> -> memref<1x96xi32, #tpu.memory_space<vmem>>
        %dma_wait3A_166 = tpu.memref_squeeze %dma_wait3A_165 : memref<1x96xi32, #tpu.memory_space<vmem>> -> memref<96xi32, #tpu.memory_space<vmem>>
        %dma_wait3A_167 = arith.constant 0 : i32
        %dma_wait3A_168 = arith.constant 0 : i32
        %dma_wait3A_169 = tpu.memref_slice %arg2[%dma_wait3A_167, %dma_wait3A_168] : memref<20000x128xf32, #tpu.memory_space<hbm>> -> memref<20000x128xf32, #tpu.memory_space<hbm>>
        tpu.wait_indirect_dma semaphore(%arg17 : memref<!tpu.dma_semaphore, #tpu.memory_space<semaphore_mem>>) src(%dma_wait3A_169 : memref<20000x128xf32, #tpu.memory_space<hbm>>) dst(%dma_wait3A_163 : memref<96x128xf32, #tpu.memory_space<vmem>>)
      } else {
      }
      %add3A_118 = arith.constant 1 : i32
      %add3A_119 = arith.addi %mul3A_108, %add3A_118 : i32
      %lt3A_120 = arith.constant 104 : i32
      %lt3A_121 = arith.cmpi slt, %add3A_119, %lt3A_120 : i32
      %convert_element_type3A_122 = arith.extui %lt3A_121 : i1 to i32
      %cond3A_123 = arith.constant 0 : i32
      %cond3A_124 = arith.cmpi ne, %convert_element_type3A_122, %cond3A_123 : i32
      scf.if %cond3A_124 {
        %dma_start3A_158 = arith.constant 1 : i32
        %dma_start3A_159 = arith.constant 1 : i32
        %dma_start3A_160 = arith.constant 0 : i32
        %dma_start3A_161 = arith.constant 0 : i32
        %dma_start3A_162 = tpu.memref_slice %arg9[%dma_start3A_159, %dma_start3A_160, %dma_start3A_161] : memref<2x96x128xf32, #tpu.memory_space<vmem>> -> memref<1x96x128xf32, #tpu.memory_space<vmem>>
        %dma_start3A_163 = tpu.memref_squeeze %dma_start3A_162 : memref<1x96x128xf32, #tpu.memory_space<vmem>> -> memref<96x128xf32, #tpu.memory_space<vmem>>
        %dma_start3A_164 = arith.constant 0 : i32
        %dma_start3A_165 = tpu.memref_slice %arg8[%dma_start3A_158, %dma_start3A_164] : memref<2x96xi32, #tpu.memory_space<vmem>> -> memref<1x96xi32, #tpu.memory_space<vmem>>
        %dma_start3A_166 = tpu.memref_squeeze %dma_start3A_165 : memref<1x96xi32, #tpu.memory_space<vmem>> -> memref<96xi32, #tpu.memory_space<vmem>>
        %dma_start3A_167 = arith.constant 0 : i32
        %dma_start3A_168 = arith.constant 0 : i32
        %dma_start3A_169 = tpu.memref_slice %arg2[%dma_start3A_167, %dma_start3A_168] : memref<20000x128xf32, #tpu.memory_space<hbm>> -> memref<20000x128xf32, #tpu.memory_space<hbm>>
        tpu.enqueue_indirect_dma source(%dma_start3A_169 : memref<20000x128xf32, #tpu.memory_space<hbm>>) target(%dma_start3A_163 : memref<96x128xf32, #tpu.memory_space<vmem>>) offsets(%dma_start3A_166 : memref<96xi32, #tpu.memory_space<vmem>>) semaphore(%arg18 : memref<!tpu.dma_semaphore, #tpu.memory_space<semaphore_mem>>)
      } else {
      }
      %lt3A_125 = arith.constant 104 : i32
      %lt3A_126 = arith.cmpi slt, %mul3A_108, %lt3A_125 : i32
      %convert_element_type3A_127 = arith.extui %lt3A_126 : i1 to i32
      %cond3A_128 = arith.constant 0 : i32
      %cond3A_129 = arith.cmpi ne, %convert_element_type3A_127, %cond3A_128 : i32
      scf.if %cond3A_129 {
        %run_scoped3A = arith.constant 0 : i32
        %run_scoped3A_158 = arith.constant 0 : i32
        "tpu.region"() ({
          %run_scoped3A_159 = tpu.sem_alloc : memref<!tpu.dma_semaphore, #tpu.memory_space<semaphore_mem>>
          %dma_start3A_160 = arith.constant 0 : i32
          %dma_start3A_161 = arith.constant 0 : i32
          %dma_start3A_162 = tpu.memref_slice %arg9[%run_scoped3A, %dma_start3A_160, %dma_start3A_161] : memref<2x96x128xf32, #tpu.memory_space<vmem>> -> memref<1x96x128xf32, #tpu.memory_space<vmem>>
          %dma_start3A_163 = tpu.memref_squeeze %dma_start3A_162 : memref<1x96x128xf32, #tpu.memory_space<vmem>> -> memref<96x128xf32, #tpu.memory_space<vmem>>
          %dma_start3A_164 = arith.constant 0 : i32
          %dma_start3A_165 = tpu.memref_slice %arg7[%run_scoped3A_158, %dma_start3A_164] : memref<2x96xi32, #tpu.memory_space<vmem>> -> memref<1x96xi32, #tpu.memory_space<vmem>>
          %dma_start3A_166 = tpu.memref_squeeze %dma_start3A_165 : memref<1x96xi32, #tpu.memory_space<vmem>> -> memref<96xi32, #tpu.memory_space<vmem>>
          %dma_start3A_167 = arith.constant 0 : i32
          %dma_start3A_168 = arith.constant 0 : i32
          %dma_start3A_169 = tpu.memref_slice %arg15[%dma_start3A_167, %dma_start3A_168] : memref<10240x128xf32, #tpu.memory_space<vmem_shared>> -> memref<10240x128xf32, #tpu.memory_space<vmem_shared>>
          tpu.enqueue_indirect_dma source(%dma_start3A_163 : memref<96x128xf32, #tpu.memory_space<vmem>>) target(%dma_start3A_169 : memref<10240x128xf32, #tpu.memory_space<vmem_shared>>) offsets(%dma_start3A_166 : memref<96xi32, #tpu.memory_space<vmem>>) semaphore(%run_scoped3A_159 : memref<!tpu.dma_semaphore, #tpu.memory_space<semaphore_mem>>) {add = true}
          %dma_wait3A_170 = arith.constant 0 : i32
          %dma_wait3A_171 = arith.constant 0 : i32
          %dma_wait3A_172 = tpu.memref_slice %arg9[%run_scoped3A, %dma_wait3A_170, %dma_wait3A_171] : memref<2x96x128xf32, #tpu.memory_space<vmem>> -> memref<1x96x128xf32, #tpu.memory_space<vmem>>
          %dma_wait3A_173 = tpu.memref_squeeze %dma_wait3A_172 : memref<1x96x128xf32, #tpu.memory_space<vmem>> -> memref<96x128xf32, #tpu.memory_space<vmem>>
          %dma_wait3A_174 = arith.constant 0 : i32
          %dma_wait3A_175 = tpu.memref_slice %arg7[%run_scoped3A_158, %dma_wait3A_174] : memref<2x96xi32, #tpu.memory_space<vmem>> -> memref<1x96xi32, #tpu.memory_space<vmem>>
          %dma_wait3A_176 = tpu.memref_squeeze %dma_wait3A_175 : memref<1x96xi32, #tpu.memory_space<vmem>> -> memref<96xi32, #tpu.memory_space<vmem>>
          %dma_wait3A_177 = arith.constant 0 : i32
          %dma_wait3A_178 = arith.constant 0 : i32
          %dma_wait3A_179 = tpu.memref_slice %arg15[%dma_wait3A_177, %dma_wait3A_178] : memref<10240x128xf32, #tpu.memory_space<vmem_shared>> -> memref<10240x128xf32, #tpu.memory_space<vmem_shared>>
          tpu.wait_indirect_dma semaphore(%run_scoped3A_159 : memref<!tpu.dma_semaphore, #tpu.memory_space<semaphore_mem>>) src(%dma_wait3A_173 : memref<96x128xf32, #tpu.memory_space<vmem>>) dst(%dma_wait3A_179 : memref<10240x128xf32, #tpu.memory_space<vmem_shared>>)
          tpu.yield
        }) : () -> ()
      } else {
      }
      %mul3A_130 = arith.constant 2 : i32
      %mul3A_131 = arith.muli %mul3A_130, %add3A_106 : i32
      %add3A_132 = arith.constant 1 : i32
      %add3A_133 = arith.addi %mul3A_131, %add3A_132 : i32
      %add3A_134 = arith.constant 1 : i32
      %add3A_135 = arith.addi %add3A_133, %add3A_134 : i32
      %lt3A_136 = arith.constant 104 : i32
      %lt3A_137 = arith.cmpi slt, %add3A_135, %lt3A_136 : i32
      %convert_element_type3A_138 = arith.extui %lt3A_137 : i1 to i32
      %cond3A_139 = arith.constant 0 : i32
      %cond3A_140 = arith.cmpi ne, %convert_element_type3A_138, %cond3A_139 : i32
      scf.if %cond3A_140 {
        %add3A_158 = arith.constant 1 : i32
        %add3A_159 = arith.addi %add3A_133, %add3A_158 : i32
        %mul3A_160 = arith.constant 96 : i32
        %mul3A_161 = arith.muli %add3A_159, %mul3A_160 : i32
        %add3A_162 = arith.addi %mul3A_11, %mul3A_161 : i32
        %dma_start3A_163 = arith.constant 0 : i32
        %dma_start3A_164 = arith.constant 0 : i32
        %dma_start3A_165 = tpu.memref_slice %arg6[%dma_start3A_163, %dma_start3A_164] : memref<2x96xi32, #tpu.memory_space<vmem>> -> memref<1x96xi32, #tpu.memory_space<vmem>>
        %dma_start3A_166 = tpu.memref_squeeze %dma_start3A_165 : memref<1x96xi32, #tpu.memory_space<vmem>> -> memref<96xi32, #tpu.memory_space<vmem>>
        %dma_start3A_167 = tpu.memref_slice %arg3[%add3A_162] : memref<160000xi32, #tpu.memory_space<hbm>> -> memref<96xi32, #tpu.memory_space<hbm>>
        %dma_start3A_168 = arith.constant 0 : i32
        %dma_start3A_169 = tpu.memref_slice %arg6[%dma_start3A_163, %dma_start3A_168] : memref<2x96xi32, #tpu.memory_space<vmem>> -> memref<1x96xi32, #tpu.memory_space<vmem>>
        %dma_start3A_170 = tpu.memref_squeeze %dma_start3A_169 : memref<1x96xi32, #tpu.memory_space<vmem>> -> memref<96xi32, #tpu.memory_space<vmem>>
        %dma_start3A_171 = tpu.memref_slice %arg3[%add3A_162] : memref<160000xi32, #tpu.memory_space<hbm>> -> memref<96xi32, #tpu.memory_space<hbm>>
        tpu.enqueue_dma source(%dma_start3A_171 : memref<96xi32, #tpu.memory_space<hbm>>) target(%dma_start3A_170 : memref<96xi32, #tpu.memory_space<vmem>>) target_semaphore(%arg16 : memref<!tpu.dma_semaphore, #tpu.memory_space<semaphore_mem>>)
        %dma_start3A_172 = arith.constant 0 : i32
        %dma_start3A_173 = arith.constant 0 : i32
        %dma_start3A_174 = tpu.memref_slice %arg7[%dma_start3A_172, %dma_start3A_173] : memref<2x96xi32, #tpu.memory_space<vmem>> -> memref<1x96xi32, #tpu.memory_space<vmem>>
        %dma_start3A_175 = tpu.memref_squeeze %dma_start3A_174 : memref<1x96xi32, #tpu.memory_space<vmem>> -> memref<96xi32, #tpu.memory_space<vmem>>
        %dma_start3A_176 = tpu.memref_slice %arg4[%add3A_162] : memref<160000xi32, #tpu.memory_space<hbm>> -> memref<96xi32, #tpu.memory_space<hbm>>
        %dma_start3A_177 = arith.constant 0 : i32
        %dma_start3A_178 = tpu.memref_slice %arg7[%dma_start3A_172, %dma_start3A_177] : memref<2x96xi32, #tpu.memory_space<vmem>> -> memref<1x96xi32, #tpu.memory_space<vmem>>
        %dma_start3A_179 = tpu.memref_squeeze %dma_start3A_178 : memref<1x96xi32, #tpu.memory_space<vmem>> -> memref<96xi32, #tpu.memory_space<vmem>>
        %dma_start3A_180 = tpu.memref_slice %arg4[%add3A_162] : memref<160000xi32, #tpu.memory_space<hbm>> -> memref<96xi32, #tpu.memory_space<hbm>>
        tpu.enqueue_dma source(%dma_start3A_180 : memref<96xi32, #tpu.memory_space<hbm>>) target(%dma_start3A_179 : memref<96xi32, #tpu.memory_space<vmem>>) target_semaphore(%arg16 : memref<!tpu.dma_semaphore, #tpu.memory_space<semaphore_mem>>)
        %dma_wait3A_181 = arith.constant 0 : i32
        %dma_wait3A_182 = arith.constant 0 : i32
        %dma_wait3A_183 = tpu.memref_slice %arg6[%dma_wait3A_181, %dma_wait3A_182] : memref<2x96xi32, #tpu.memory_space<vmem>> -> memref<1x96xi32, #tpu.memory_space<vmem>>
        %dma_wait3A_184 = tpu.memref_squeeze %dma_wait3A_183 : memref<1x96xi32, #tpu.memory_space<vmem>> -> memref<96xi32, #tpu.memory_space<vmem>>
        %dma_wait3A_185 = tpu.memref_slice %arg3[%add3A_162] : memref<160000xi32, #tpu.memory_space<hbm>> -> memref<96xi32, #tpu.memory_space<hbm>>
        %dma_wait3A_186 = arith.constant 0 : i32
        %dma_wait3A_187 = tpu.memref_slice %arg6[%dma_wait3A_181, %dma_wait3A_186] : memref<2x96xi32, #tpu.memory_space<vmem>> -> memref<1x96xi32, #tpu.memory_space<vmem>>
        %dma_wait3A_188 = tpu.memref_squeeze %dma_wait3A_187 : memref<1x96xi32, #tpu.memory_space<vmem>> -> memref<96xi32, #tpu.memory_space<vmem>>
        %dma_wait3A_189 = tpu.memref_slice %arg3[%add3A_162] : memref<160000xi32, #tpu.memory_space<hbm>> -> memref<96xi32, #tpu.memory_space<hbm>>
        tpu.wait_dma2 semaphore(%arg16 : memref<!tpu.dma_semaphore, #tpu.memory_space<semaphore_mem>>) src(%dma_wait3A_189 : memref<96xi32, #tpu.memory_space<hbm>>) dst(%dma_wait3A_188 : memref<96xi32, #tpu.memory_space<vmem>>)
        %dma_wait3A_190 = arith.constant 0 : i32
        %dma_wait3A_191 = arith.constant 0 : i32
        %dma_wait3A_192 = tpu.memref_slice %arg7[%dma_wait3A_190, %dma_wait3A_191] : memref<2x96xi32, #tpu.memory_space<vmem>> -> memref<1x96xi32, #tpu.memory_space<vmem>>
        %dma_wait3A_193 = tpu.memref_squeeze %dma_wait3A_192 : memref<1x96xi32, #tpu.memory_space<vmem>> -> memref<96xi32, #tpu.memory_space<vmem>>
        %dma_wait3A_194 = tpu.memref_slice %arg4[%add3A_162] : memref<160000xi32, #tpu.memory_space<hbm>> -> memref<96xi32, #tpu.memory_space<hbm>>
        %dma_wait3A_195 = arith.constant 0 : i32
        %dma_wait3A_196 = tpu.memref_slice %arg7[%dma_wait3A_190, %dma_wait3A_195] : memref<2x96xi32, #tpu.memory_space<vmem>> -> memref<1x96xi32, #tpu.memory_space<vmem>>
        %dma_wait3A_197 = tpu.memref_squeeze %dma_wait3A_196 : memref<1x96xi32, #tpu.memory_space<vmem>> -> memref<96xi32, #tpu.memory_space<vmem>>
        %dma_wait3A_198 = tpu.memref_slice %arg4[%add3A_162] : memref<160000xi32, #tpu.memory_space<hbm>> -> memref<96xi32, #tpu.memory_space<hbm>>
        tpu.wait_dma2 semaphore(%arg16 : memref<!tpu.dma_semaphore, #tpu.memory_space<semaphore_mem>>) src(%dma_wait3A_198 : memref<96xi32, #tpu.memory_space<hbm>>) dst(%dma_wait3A_197 : memref<96xi32, #tpu.memory_space<vmem>>)
        %scan3A_199 = arith.constant 0 : i32
        %scan3A_200 = arith.constant 6 : i32
        %scan3A_201 = arith.addi %scan3A_199, %scan3A_200 : i32
        %scan3A_202 = arith.constant 1 : i32
        scf.for %scan3A_204 = %scan3A_199 to %scan3A_201 step %scan3A_202  : i32 {
          %mul3A_205 = arith.constant 16 : i32
          %mul3A_206 = arith.muli %scan3A_204, %mul3A_205 : i32
          %add3A_207 = arith.constant 0 : i32
          %add3A_208 = arith.addi %add3A_207, %mul3A_206 : i32
          %get3A_209 = arith.constant 0 : i32
          %get3A_210 = arith.index_cast %get3A_209 : i32 to index
          %get3A_211 = arith.index_cast %add3A_208 : i32 to index
          %get3A_212 = tpu.vector_load %arg6[%get3A_210, %get3A_211] {strides = array<i32>} : memref<2x96xi32, #tpu.memory_space<vmem>>, vector<1x16xi32>,
          %get3A_213 = vector.shape_cast %get3A_212 : vector<1x16xi32> to vector<16xi32>
          %mul3A_214 = arith.constant 2 : i32
          %mul3A_215 = vector.broadcast %mul3A_214 : i32 to vector<16xi32>
          %mul3A_216 = arith.muli %get3A_213, %mul3A_215 : vector<16xi32>
          %add3A_217 = vector.broadcast %arg0 : i32 to vector<16xi32>
          %add3A_218 = arith.addi %mul3A_216, %add3A_217 : vector<16xi32>
          %swap3A_219 = arith.constant 0 : i32
          %swap3A_220 = arith.index_cast %swap3A_219 : i32 to index
          %swap3A_221 = arith.index_cast %add3A_208 : i32 to index
          %swap3A_222 = tpu.vector_load %arg8[%swap3A_220, %swap3A_221] {strides = array<i32>} : memref<2x96xi32, #tpu.memory_space<vmem>>, vector<1x16xi32>,
          %swap3A_223 = vector.shape_cast %swap3A_222 : vector<1x16xi32> to vector<16xi32>
          %swap3A_224 = vector.shape_cast %add3A_218 : vector<16xi32> to vector<1x16xi32>
          tpu.vector_store %arg8[%swap3A_220, %swap3A_221], %swap3A_224 {strides = array<i32>} : memref<2x96xi32, #tpu.memory_space<vmem>>, vector<1x16xi32>,
        }
        %scan3A_203 = arith.constant 6 : i32
      } else {
      }
      %lt3A_141 = arith.constant 104 : i32
      %lt3A_142 = arith.cmpi slt, %add3A_133, %lt3A_141 : i32
      %convert_element_type3A_143 = arith.extui %lt3A_142 : i1 to i32
      %cond3A_144 = arith.constant 0 : i32
      %cond3A_145 = arith.cmpi ne, %convert_element_type3A_143, %cond3A_144 : i32
      scf.if %cond3A_145 {
        %dma_wait3A_158 = arith.constant 1 : i32
        %dma_wait3A_159 = arith.constant 1 : i32
        %dma_wait3A_160 = arith.constant 0 : i32
        %dma_wait3A_161 = arith.constant 0 : i32
        %dma_wait3A_162 = tpu.memref_slice %arg9[%dma_wait3A_159, %dma_wait3A_160, %dma_wait3A_161] : memref<2x96x128xf32, #tpu.memory_space<vmem>> -> memref<1x96x128xf32, #tpu.memory_space<vmem>>
        %dma_wait3A_163 = tpu.memref_squeeze %dma_wait3A_162 : memref<1x96x128xf32, #tpu.memory_space<vmem>> -> memref<96x128xf32, #tpu.memory_space<vmem>>
        %dma_wait3A_164 = arith.constant 0 : i32
        %dma_wait3A_165 = tpu.memref_slice %arg8[%dma_wait3A_158, %dma_wait3A_164] : memref<2x96xi32, #tpu.memory_space<vmem>> -> memref<1x96xi32, #tpu.memory_space<vmem>>
        %dma_wait3A_166 = tpu.memref_squeeze %dma_wait3A_165 : memref<1x96xi32, #tpu.memory_space<vmem>> -> memref<96xi32, #tpu.memory_space<vmem>>
        %dma_wait3A_167 = arith.constant 0 : i32
        %dma_wait3A_168 = arith.constant 0 : i32
        %dma_wait3A_169 = tpu.memref_slice %arg2[%dma_wait3A_167, %dma_wait3A_168] : memref<20000x128xf32, #tpu.memory_space<hbm>> -> memref<20000x128xf32, #tpu.memory_space<hbm>>
        tpu.wait_indirect_dma semaphore(%arg18 : memref<!tpu.dma_semaphore, #tpu.memory_space<semaphore_mem>>) src(%dma_wait3A_169 : memref<20000x128xf32, #tpu.memory_space<hbm>>) dst(%dma_wait3A_163 : memref<96x128xf32, #tpu.memory_space<vmem>>)
      } else {
      }
      %add3A_146 = arith.constant 1 : i32
      %add3A_147 = arith.addi %add3A_133, %add3A_146 : i32
      %lt3A_148 = arith.constant 104 : i32
      %lt3A_149 = arith.cmpi slt, %add3A_147, %lt3A_148 : i32
      %convert_element_type3A_150 = arith.extui %lt3A_149 : i1 to i32
      %cond3A_151 = arith.constant 0 : i32
      %cond3A_152 = arith.cmpi ne, %convert_element_type3A_150, %cond3A_151 : i32
      scf.if %cond3A_152 {
        %dma_start3A_158 = arith.constant 0 : i32
        %dma_start3A_159 = arith.constant 0 : i32
        %dma_start3A_160 = arith.constant 0 : i32
        %dma_start3A_161 = arith.constant 0 : i32
        %dma_start3A_162 = tpu.memref_slice %arg9[%dma_start3A_159, %dma_start3A_160, %dma_start3A_161] : memref<2x96x128xf32, #tpu.memory_space<vmem>> -> memref<1x96x128xf32, #tpu.memory_space<vmem>>
        %dma_start3A_163 = tpu.memref_squeeze %dma_start3A_162 : memref<1x96x128xf32, #tpu.memory_space<vmem>> -> memref<96x128xf32, #tpu.memory_space<vmem>>
        %dma_start3A_164 = arith.constant 0 : i32
        %dma_start3A_165 = tpu.memref_slice %arg8[%dma_start3A_158, %dma_start3A_164] : memref<2x96xi32, #tpu.memory_space<vmem>> -> memref<1x96xi32, #tpu.memory_space<vmem>>
        %dma_start3A_166 = tpu.memref_squeeze %dma_start3A_165 : memref<1x96xi32, #tpu.memory_space<vmem>> -> memref<96xi32, #tpu.memory_space<vmem>>
        %dma_start3A_167 = arith.constant 0 : i32
        %dma_start3A_168 = arith.constant 0 : i32
        %dma_start3A_169 = tpu.memref_slice %arg2[%dma_start3A_167, %dma_start3A_168] : memref<20000x128xf32, #tpu.memory_space<hbm>> -> memref<20000x128xf32, #tpu.memory_space<hbm>>
        tpu.enqueue_indirect_dma source(%dma_start3A_169 : memref<20000x128xf32, #tpu.memory_space<hbm>>) target(%dma_start3A_163 : memref<96x128xf32, #tpu.memory_space<vmem>>) offsets(%dma_start3A_166 : memref<96xi32, #tpu.memory_space<vmem>>) semaphore(%arg17 : memref<!tpu.dma_semaphore, #tpu.memory_space<semaphore_mem>>)
      } else {
      }
      %lt3A_153 = arith.constant 104 : i32
      %lt3A_154 = arith.cmpi slt, %add3A_133, %lt3A_153 : i32
      %convert_element_type3A_155 = arith.extui %lt3A_154 : i1 to i32
      %cond3A_156 = arith.constant 0 : i32
      %cond3A_157 = arith.cmpi ne, %convert_element_type3A_155, %cond3A_156 : i32
      scf.if %cond3A_157 {
        %run_scoped3A = arith.constant 1 : i32
        %run_scoped3A_158 = arith.constant 1 : i32
        "tpu.region"() ({
          %run_scoped3A_159 = tpu.sem_alloc : memref<!tpu.dma_semaphore, #tpu.memory_space<semaphore_mem>>
          %dma_start3A_160 = arith.constant 0 : i32
          %dma_start3A_161 = arith.constant 0 : i32
          %dma_start3A_162 = tpu.memref_slice %arg9[%run_scoped3A, %dma_start3A_160, %dma_start3A_161] : memref<2x96x128xf32, #tpu.memory_space<vmem>> -> memref<1x96x128xf32, #tpu.memory_space<vmem>>
          %dma_start3A_163 = tpu.memref_squeeze %dma_start3A_162 : memref<1x96x128xf32, #tpu.memory_space<vmem>> -> memref<96x128xf32, #tpu.memory_space<vmem>>
          %dma_start3A_164 = arith.constant 0 : i32
          %dma_start3A_165 = tpu.memref_slice %arg7[%run_scoped3A_158, %dma_start3A_164] : memref<2x96xi32, #tpu.memory_space<vmem>> -> memref<1x96xi32, #tpu.memory_space<vmem>>
          %dma_start3A_166 = tpu.memref_squeeze %dma_start3A_165 : memref<1x96xi32, #tpu.memory_space<vmem>> -> memref<96xi32, #tpu.memory_space<vmem>>
          %dma_start3A_167 = arith.constant 0 : i32
          %dma_start3A_168 = arith.constant 0 : i32
          %dma_start3A_169 = tpu.memref_slice %arg15[%dma_start3A_167, %dma_start3A_168] : memref<10240x128xf32, #tpu.memory_space<vmem_shared>> -> memref<10240x128xf32, #tpu.memory_space<vmem_shared>>
          tpu.enqueue_indirect_dma source(%dma_start3A_163 : memref<96x128xf32, #tpu.memory_space<vmem>>) target(%dma_start3A_169 : memref<10240x128xf32, #tpu.memory_space<vmem_shared>>) offsets(%dma_start3A_166 : memref<96xi32, #tpu.memory_space<vmem>>) semaphore(%run_scoped3A_159 : memref<!tpu.dma_semaphore, #tpu.memory_space<semaphore_mem>>) {add = true}
          %dma_wait3A_170 = arith.constant 0 : i32
          %dma_wait3A_171 = arith.constant 0 : i32
          %dma_wait3A_172 = tpu.memref_slice %arg9[%run_scoped3A, %dma_wait3A_170, %dma_wait3A_171] : memref<2x96x128xf32, #tpu.memory_space<vmem>> -> memref<1x96x128xf32, #tpu.memory_space<vmem>>
          %dma_wait3A_173 = tpu.memref_squeeze %dma_wait3A_172 : memref<1x96x128xf32, #tpu.memory_space<vmem>> -> memref<96x128xf32, #tpu.memory_space<vmem>>
          %dma_wait3A_174 = arith.constant 0 : i32
          %dma_wait3A_175 = tpu.memref_slice %arg7[%run_scoped3A_158, %dma_wait3A_174] : memref<2x96xi32, #tpu.memory_space<vmem>> -> memref<1x96xi32, #tpu.memory_space<vmem>>
          %dma_wait3A_176 = tpu.memref_squeeze %dma_wait3A_175 : memref<1x96xi32, #tpu.memory_space<vmem>> -> memref<96xi32, #tpu.memory_space<vmem>>
          %dma_wait3A_177 = arith.constant 0 : i32
          %dma_wait3A_178 = arith.constant 0 : i32
          %dma_wait3A_179 = tpu.memref_slice %arg15[%dma_wait3A_177, %dma_wait3A_178] : memref<10240x128xf32, #tpu.memory_space<vmem_shared>> -> memref<10240x128xf32, #tpu.memory_space<vmem_shared>>
          tpu.wait_indirect_dma semaphore(%run_scoped3A_159 : memref<!tpu.dma_semaphore, #tpu.memory_space<semaphore_mem>>) src(%dma_wait3A_173 : memref<96x128xf32, #tpu.memory_space<vmem>>) dst(%dma_wait3A_179 : memref<10240x128xf32, #tpu.memory_space<vmem_shared>>)
          tpu.yield
        }) : () -> ()
      } else {
      }
    }
    %scan3A_68 = arith.constant 52 : i32
    %add3A_69 = arith.constant 9984 : i32
    %add3A_70 = arith.addi %mul3A_11, %add3A_69 : i32
    %dma_start3A_71 = tpu.memref_slice %arg3[%add3A_70] : memref<160000xi32, #tpu.memory_space<hbm>> -> memref<16xi32, #tpu.memory_space<hbm>>
    %dma_start3A_72 = tpu.memref_slice %arg3[%add3A_70] : memref<160000xi32, #tpu.memory_space<hbm>> -> memref<16xi32, #tpu.memory_space<hbm>>
    tpu.enqueue_dma source(%dma_start3A_72 : memref<16xi32, #tpu.memory_space<hbm>>) target(%arg10 : memref<16xi32, #tpu.memory_space<vmem>>) target_semaphore(%arg16 : memref<!tpu.dma_semaphore, #tpu.memory_space<semaphore_mem>>)
    %dma_start3A_73 = tpu.memref_slice %arg4[%add3A_70] : memref<160000xi32, #tpu.memory_space<hbm>> -> memref<16xi32, #tpu.memory_space<hbm>>
    %dma_start3A_74 = tpu.memref_slice %arg4[%add3A_70] : memref<160000xi32, #tpu.memory_space<hbm>> -> memref<16xi32, #tpu.memory_space<hbm>>
    tpu.enqueue_dma source(%dma_start3A_74 : memref<16xi32, #tpu.memory_space<hbm>>) target(%arg11 : memref<16xi32, #tpu.memory_space<vmem>>) target_semaphore(%arg16 : memref<!tpu.dma_semaphore, #tpu.memory_space<semaphore_mem>>)
    %dma_wait3A_75 = tpu.memref_slice %arg3[%add3A_70] : memref<160000xi32, #tpu.memory_space<hbm>> -> memref<16xi32, #tpu.memory_space<hbm>>
    %dma_wait3A_76 = tpu.memref_slice %arg3[%add3A_70] : memref<160000xi32, #tpu.memory_space<hbm>> -> memref<16xi32, #tpu.memory_space<hbm>>
    tpu.wait_dma2 semaphore(%arg16 : memref<!tpu.dma_semaphore, #tpu.memory_space<semaphore_mem>>) src(%dma_wait3A_76 : memref<16xi32, #tpu.memory_space<hbm>>) dst(%arg10 : memref<16xi32, #tpu.memory_space<vmem>>)
    %dma_wait3A_77 = tpu.memref_slice %arg4[%add3A_70] : memref<160000xi32, #tpu.memory_space<hbm>> -> memref<16xi32, #tpu.memory_space<hbm>>
    %dma_wait3A_78 = tpu.memref_slice %arg4[%add3A_70] : memref<160000xi32, #tpu.memory_space<hbm>> -> memref<16xi32, #tpu.memory_space<hbm>>
    tpu.wait_dma2 semaphore(%arg16 : memref<!tpu.dma_semaphore, #tpu.memory_space<semaphore_mem>>) src(%dma_wait3A_78 : memref<16xi32, #tpu.memory_space<hbm>>) dst(%arg11 : memref<16xi32, #tpu.memory_space<vmem>>)
    %scan3A_79 = arith.constant 0 : i32
    %mul3A_80 = arith.constant 16 : i32
    %mul3A_81 = arith.muli %scan3A_79, %mul3A_80 : i32
    %add3A_82 = arith.constant 0 : i32
    %add3A_83 = arith.addi %add3A_82, %mul3A_81 : i32
    %get3A = arith.index_cast %add3A_83 : i32 to index
    %get3A_84 = tpu.vector_load %arg10[%get3A] {strides = array<i32>} : memref<16xi32, #tpu.memory_space<vmem>>, vector<16xi32>,
    %get3A_85 = vector.shape_cast %get3A_84 : vector<16xi32> to vector<16xi32>
    %mul3A_86 = arith.constant 2 : i32
    %mul3A_87 = vector.broadcast %mul3A_86 : i32 to vector<16xi32>
    %mul3A_88 = arith.muli %get3A_85, %mul3A_87 : vector<16xi32>
    %add3A_89 = vector.broadcast %arg0 : i32 to vector<16xi32>
    %add3A_90 = arith.addi %mul3A_88, %add3A_89 : vector<16xi32>
    %swap3A = arith.index_cast %add3A_83 : i32 to index
    %swap3A_91 = tpu.vector_load %arg12[%swap3A] {strides = array<i32>} : memref<16xi32, #tpu.memory_space<vmem>>, vector<16xi32>,
    %swap3A_92 = vector.shape_cast %swap3A_91 : vector<16xi32> to vector<16xi32>
    %swap3A_93 = vector.shape_cast %add3A_90 : vector<16xi32> to vector<16xi32>
    tpu.vector_store %arg12[%swap3A], %swap3A_93 {strides = array<i32>} : memref<16xi32, #tpu.memory_space<vmem>>, vector<16xi32>,
    %scan3A_94 = arith.constant 1 : i32
    %dma_start3A_95 = arith.constant 0 : i32
    %dma_start3A_96 = arith.constant 0 : i32
    %dma_start3A_97 = tpu.memref_slice %arg2[%dma_start3A_95, %dma_start3A_96] : memref<20000x128xf32, #tpu.memory_space<hbm>> -> memref<20000x128xf32, #tpu.memory_space<hbm>>
    tpu.enqueue_indirect_dma source(%dma_start3A_97 : memref<20000x128xf32, #tpu.memory_space<hbm>>) target(%arg13 : memref<16x128xf32, #tpu.memory_space<vmem>>) offsets(%arg12 : memref<16xi32, #tpu.memory_space<vmem>>) semaphore(%arg17 : memref<!tpu.dma_semaphore, #tpu.memory_space<semaphore_mem>>)
    %dma_wait3A_98 = arith.constant 0 : i32
    %dma_wait3A_99 = arith.constant 0 : i32
    %dma_wait3A_100 = tpu.memref_slice %arg2[%dma_wait3A_98, %dma_wait3A_99] : memref<20000x128xf32, #tpu.memory_space<hbm>> -> memref<20000x128xf32, #tpu.memory_space<hbm>>
    tpu.wait_indirect_dma semaphore(%arg17 : memref<!tpu.dma_semaphore, #tpu.memory_space<semaphore_mem>>) src(%dma_wait3A_100 : memref<20000x128xf32, #tpu.memory_space<hbm>>) dst(%arg13 : memref<16x128xf32, #tpu.memory_space<vmem>>)
    "tpu.region"() ({
      %run_scoped3A = tpu.sem_alloc : memref<!tpu.dma_semaphore, #tpu.memory_space<semaphore_mem>>
      %dma_start3A_102 = arith.constant 0 : i32
      %dma_start3A_103 = arith.constant 0 : i32
      %dma_start3A_104 = tpu.memref_slice %arg15[%dma_start3A_102, %dma_start3A_103] : memref<10240x128xf32, #tpu.memory_space<vmem_shared>> -> memref<10240x128xf32, #tpu.memory_space<vmem_shared>>
      tpu.enqueue_indirect_dma source(%arg13 : memref<16x128xf32, #tpu.memory_space<vmem>>) target(%dma_start3A_104 : memref<10240x128xf32, #tpu.memory_space<vmem_shared>>) offsets(%arg11 : memref<16xi32, #tpu.memory_space<vmem>>) semaphore(%run_scoped3A : memref<!tpu.dma_semaphore, #tpu.memory_space<semaphore_mem>>) {add = true}
      %dma_wait3A_105 = arith.constant 0 : i32
      %dma_wait3A_106 = arith.constant 0 : i32
      %dma_wait3A_107 = tpu.memref_slice %arg15[%dma_wait3A_105, %dma_wait3A_106] : memref<10240x128xf32, #tpu.memory_space<vmem_shared>> -> memref<10240x128xf32, #tpu.memory_space<vmem_shared>>
      tpu.wait_indirect_dma semaphore(%run_scoped3A : memref<!tpu.dma_semaphore, #tpu.memory_space<semaphore_mem>>) src(%arg13 : memref<16x128xf32, #tpu.memory_space<vmem>>) dst(%dma_wait3A_107 : memref<10240x128xf32, #tpu.memory_space<vmem_shared>>)
      tpu.yield
    }) : () -> ()
    %barrier3A_101 = arith.constant 0 : index
    tpu.barrier barrier_id(%barrier3A_101)
    "tpu.region"() ({
      %run_scoped3A = tpu.sem_alloc : memref<!tpu.dma_semaphore, #tpu.memory_space<semaphore_mem>>
      %dma_start3A_102 = arith.constant 0 : i32
      %dma_start3A_103 = tpu.memref_slice %arg5[%arg0, %mul3A_4, %dma_start3A_102] : memref<2x10240x128xf32, #tpu.memory_space<hbm>> -> memref<1x640x128xf32, #tpu.memory_space<hbm>>
      %dma_start3A_104 = tpu.memref_squeeze %dma_start3A_103 : memref<1x640x128xf32, #tpu.memory_space<hbm>> -> memref<640x128xf32, #tpu.memory_space<hbm>>
      %dma_start3A_105 = arith.constant 0 : i32
      %dma_start3A_106 = tpu.memref_slice %arg15[%mul3A_4, %dma_start3A_105] : memref<10240x128xf32, #tpu.memory_space<vmem_shared>> -> memref<640x128xf32, #tpu.memory_space<vmem_shared>>
      tpu.enqueue_dma source(%dma_start3A_106 : memref<640x128xf32, #tpu.memory_space<vmem_shared>>) target(%dma_start3A_104 : memref<640x128xf32, #tpu.memory_space<hbm>>) target_semaphore(%run_scoped3A : memref<!tpu.dma_semaphore, #tpu.memory_space<semaphore_mem>>)
      %dma_wait3A_107 = arith.constant 0 : i32
      %dma_wait3A_108 = tpu.memref_slice %arg5[%arg0, %mul3A_4, %dma_wait3A_107] : memref<2x10240x128xf32, #tpu.memory_space<hbm>> -> memref<1x640x128xf32, #tpu.memory_space<hbm>>
      %dma_wait3A_109 = tpu.memref_squeeze %dma_wait3A_108 : memref<1x640x128xf32, #tpu.memory_space<hbm>> -> memref<640x128xf32, #tpu.memory_space<hbm>>
      %dma_wait3A_110 = arith.constant 0 : i32
      %dma_wait3A_111 = tpu.memref_slice %arg15[%mul3A_4, %dma_wait3A_110] : memref<10240x128xf32, #tpu.memory_space<vmem_shared>> -> memref<640x128xf32, #tpu.memory_space<vmem_shared>>
      tpu.wait_dma2 semaphore(%run_scoped3A : memref<!tpu.dma_semaphore, #tpu.memory_space<semaphore_mem>>) src(%dma_wait3A_111 : memref<640x128xf32, #tpu.memory_space<vmem_shared>>) dst(%dma_wait3A_109 : memref<640x128xf32, #tpu.memory_space<hbm>>)
      tpu.yield
    }) : () -> ()
    return
  }
}

#map = affine_map<(d0, d1) -> (0, 0)>
#map1 = affine_map<(d0, d1) -> (0)>
#map2 = affine_map<(d0, d1) -> (0, 0, 0)>
module attributes {stable_mosaic.version = 14 : i64} {
  func.func @body(%arg0: i32, %arg1: i32, %arg2: memref<20000x128xf32, #tpu.memory_space<hbm>>, %arg3: memref<160000xi32, #tpu.memory_space<hbm>>, %arg4: memref<160000xi32, #tpu.memory_space<hbm>>, %arg5: memref<2x10240x128xf32, #tpu.memory_space<hbm>>, %arg6: memref<2x96xi32, #tpu.memory_space<vmem>>, %arg7: memref<2x96xi32, #tpu.memory_space<vmem>>, %arg8: memref<2x96xi32, #tpu.memory_space<vmem>>, %arg9: memref<2x96x128xf32, #tpu.memory_space<vmem>>, %arg10: memref<16xi32, #tpu.memory_space<vmem>>, %arg11: memref<16xi32, #tpu.memory_space<vmem>>, %arg12: memref<16xi32, #tpu.memory_space<vmem>>, %arg13: memref<16x128xf32, #tpu.memory_space<vmem>>, %arg14: memref<64x128xf32, #tpu.memory_space<vmem>>, %arg15: memref<10240x128xf32, #tpu.memory_space<vmem_shared>>, %arg16: memref<!tpu.dma_semaphore, #tpu.memory_space<semaphore_mem>>, %arg17: memref<!tpu.dma_semaphore, #tpu.memory_space<semaphore_mem>>, %arg18: memref<!tpu.dma_semaphore, #tpu.memory_space<semaphore_mem>>) attributes {dimension_semantics = [#tpu.dimension_semantics<core_parallel>, #tpu.dimension_semantics<subcore_parallel>], iteration_bounds = array<i64: 2, 16>, scalar_prefetch = 0 : i64, scratch_operands = 13 : i64, tpu.core_type = #tpu.core_type<sc_vector_subcore>, window_params = [{transform_indices = #map}, {transform_indices = #map1}, {transform_indices = #map1}, {transform_indices = #map2}]} {
    %scan3A = arith.constant 0 : i32
    %scan3A_0 = arith.constant 64 : i32
    %scan3A_1 = arith.addi %scan3A, %scan3A_0 : i32
    %scan3A_2 = arith.constant 1 : i32
    scf.for %scan3A_102 = %scan3A to %scan3A_1 step %scan3A_2  : i32 {
      %mul3A_103 = arith.constant 1 : i32
      %mul3A_104 = arith.muli %scan3A_102, %mul3A_103 : i32
      %add3A_105 = arith.constant 0 : i32
      %add3A_106 = arith.addi %add3A_105, %mul3A_104 : i32
      %scan3A_107 = arith.constant 0 : i32
      %scan3A_108 = arith.constant 8 : i32
      %scan3A_109 = arith.addi %scan3A_107, %scan3A_108 : i32
      %scan3A_110 = arith.constant 1 : i32
      scf.for %scan3A_112 = %scan3A_107 to %scan3A_109 step %scan3A_110  : i32 {
        %mul3A_113 = arith.constant 16 : i32
        %mul3A_114 = arith.muli %scan3A_112, %mul3A_113 : i32
        %add3A_115 = arith.constant 0 : i32
        %add3A_116 = arith.addi %add3A_115, %mul3A_114 : i32
        %broadcast_in_dim3A = arith.constant 0.000000e+00 : f32
        %broadcast_in_dim3A_117 = vector.broadcast %broadcast_in_dim3A : f32 to vector<16xf32>
        %swap3A_118 = arith.index_cast %add3A_106 : i32 to index
        %swap3A_119 = arith.index_cast %add3A_116 : i32 to index
        %swap3A_120 = tpu.vector_load %arg14[%swap3A_118, %swap3A_119] {strides = array<i32>} : memref<64x128xf32, #tpu.memory_space<vmem>>, vector<1x16xf32>,
        %swap3A_121 = vector.shape_cast %swap3A_120 : vector<1x16xf32> to vector<16xf32>
        %swap3A_122 = vector.shape_cast %broadcast_in_dim3A_117 : vector<16xf32> to vector<1x16xf32>
        tpu.vector_store %arg14[%swap3A_118, %swap3A_119], %swap3A_122 {strides = array<i32>} : memref<64x128xf32, #tpu.memory_space<vmem>>, vector<1x16xf32>,
      }
      %scan3A_111 = arith.constant 8 : i32
    }
    %scan3A_3 = arith.constant 64 : i32
    %mul3A = arith.constant 640 : i32
    %mul3A_4 = arith.muli %arg1, %mul3A : i32
    %scan3A_5 = arith.constant 0 : i32
    %scan3A_6 = arith.constant 10 : i32
    %scan3A_7 = arith.addi %scan3A_5, %scan3A_6 : i32
    %scan3A_8 = arith.constant 1 : i32
    scf.for %scan3A_102 = %scan3A_5 to %scan3A_7 step %scan3A_8  : i32 {
      %mul3A_103 = arith.constant 1 : i32
      %mul3A_104 = arith.muli %scan3A_102, %mul3A_103 : i32
      %add3A_105 = arith.constant 0 : i32
      %add3A_106 = arith.addi %add3A_105, %mul3A_104 : i32
      %mul3A_107 = arith.constant 64 : i32
      %mul3A_108 = arith.muli %add3A_106, %mul3A_107 : i32
      %add3A_109 = arith.addi %mul3A_4, %mul3A_108 : i32
      "tpu.region"() ({
        %run_scoped3A = tpu.sem_alloc : memref<!tpu.dma_semaphore, #tpu.memory_space<semaphore_mem>>
        %dma_start3A_110 = arith.constant 0 : i32
        %dma_start3A_111 = tpu.memref_slice %arg15[%add3A_109, %dma_start3A_110] : memref<10240x128xf32, #tpu.memory_space<vmem_shared>> -> memref<64x128xf32, #tpu.memory_space<vmem_shared>>
        %dma_start3A_112 = arith.constant 0 : i32
        %dma_start3A_113 = tpu.memref_slice %arg15[%add3A_109, %dma_start3A_112] : memref<10240x128xf32, #tpu.memory_space<vmem_shared>> -> memref<64x128xf32, #tpu.memory_space<vmem_shared>>
        tpu.enqueue_dma source(%arg14 : memref<64x128xf32, #tpu.memory_space<vmem>>) target(%dma_start3A_113 : memref<64x128xf32, #tpu.memory_space<vmem_shared>>) target_semaphore(%run_scoped3A : memref<!tpu.dma_semaphore, #tpu.memory_space<semaphore_mem>>)
        %dma_wait3A_114 = arith.constant 0 : i32
        %dma_wait3A_115 = tpu.memref_slice %arg15[%add3A_109, %dma_wait3A_114] : memref<10240x128xf32, #tpu.memory_space<vmem_shared>> -> memref<64x128xf32, #tpu.memory_space<vmem_shared>>
        %dma_wait3A_116 = arith.constant 0 : i32
        %dma_wait3A_117 = tpu.memref_slice %arg15[%add3A_109, %dma_wait3A_116] : memref<10240x128xf32, #tpu.memory_space<vmem_shared>> -> memref<64x128xf32, #tpu.memory_space<vmem_shared>>
        tpu.wait_dma2 semaphore(%run_scoped3A : memref<!tpu.dma_semaphore, #tpu.memory_space<semaphore_mem>>) src(%arg14 : memref<64x128xf32, #tpu.memory_space<vmem>>) dst(%dma_wait3A_117 : memref<64x128xf32, #tpu.memory_space<vmem_shared>>)
        tpu.yield
      }) : () -> ()
    }
    %scan3A_9 = arith.constant 10 : i32
    %barrier3A = arith.constant 0 : index
    tpu.barrier barrier_id(%barrier3A)
    %mul3A_10 = arith.constant 10000 : i32
    %mul3A_11 = arith.muli %arg1, %mul3A_10 : i32
    %add3A = arith.constant 0 : i32
    %add3A_12 = arith.addi %mul3A_11, %add3A : i32
    %dma_start3A = arith.constant 0 : i32
    %dma_start3A_13 = arith.constant 0 : i32
    %dma_start3A_14 = tpu.memref_slice %arg6[%dma_start3A, %dma_start3A_13] : memref<2x96xi32, #tpu.memory_space<vmem>> -> memref<1x96xi32, #tpu.memory_space<vmem>>
    %dma_start3A_15 = tpu.memref_squeeze %dma_start3A_14 : memref<1x96xi32, #tpu.memory_space<vmem>> -> memref<96xi32, #tpu.memory_space<vmem>>
    %dma_start3A_16 = tpu.memref_slice %arg3[%add3A_12] : memref<160000xi32, #tpu.memory_space<hbm>> -> memref<96xi32, #tpu.memory_space<hbm>>
    %dma_start3A_17 = arith.constant 0 : i32
    %dma_start3A_18 = tpu.memref_slice %arg6[%dma_start3A, %dma_start3A_17] : memref<2x96xi32, #tpu.memory_space<vmem>> -> memref<1x96xi32, #tpu.memory_space<vmem>>
    %dma_start3A_19 = tpu.memref_squeeze %dma_start3A_18 : memref<1x96xi32, #tpu.memory_space<vmem>> -> memref<96xi32, #tpu.memory_space<vmem>>
    %dma_start3A_20 = tpu.memref_slice %arg3[%add3A_12] : memref<160000xi32, #tpu.memory_space<hbm>> -> memref<96xi32, #tpu.memory_space<hbm>>
    tpu.enqueue_dma source(%dma_start3A_20 : memref<96xi32, #tpu.memory_space<hbm>>) target(%dma_start3A_19 : memref<96xi32, #tpu.memory_space<vmem>>) target_semaphore(%arg16 : memref<!tpu.dma_semaphore, #tpu.memory_space<semaphore_mem>>)
    %dma_start3A_21 = arith.constant 0 : i32
    %dma_start3A_22 = arith.constant 0 : i32
    %dma_start3A_23 = tpu.memref_slice %arg7[%dma_start3A_21, %dma_start3A_22] : memref<2x96xi32, #tpu.memory_space<vmem>> -> memref<1x96xi32, #tpu.memory_space<vmem>>
    %dma_start3A_24 = tpu.memref_squeeze %dma_start3A_23 : memref<1x96xi32, #tpu.memory_space<vmem>> -> memref<96xi32, #tpu.memory_space<vmem>>
    %dma_start3A_25 = tpu.memref_slice %arg4[%add3A_12] : memref<160000xi32, #tpu.memory_space<hbm>> -> memref<96xi32, #tpu.memory_space<hbm>>
    %dma_start3A_26 = arith.constant 0 : i32
    %dma_start3A_27 = tpu.memref_slice %arg7[%dma_start3A_21, %dma_start3A_26] : memref<2x96xi32, #tpu.memory_space<vmem>> -> memref<1x96xi32, #tpu.memory_space<vmem>>
    %dma_start3A_28 = tpu.memref_squeeze %dma_start3A_27 : memref<1x96xi32, #tpu.memory_space<vmem>> -> memref<96xi32, #tpu.memory_space<vmem>>
    %dma_start3A_29 = tpu.memref_slice %arg4[%add3A_12] : memref<160000xi32, #tpu.memory_space<hbm>> -> memref<96xi32, #tpu.memory_space<hbm>>
    tpu.enqueue_dma source(%dma_start3A_29 : memref<96xi32, #tpu.memory_space<hbm>>) target(%dma_start3A_28 : memref<96xi32, #tpu.memory_space<vmem>>) target_semaphore(%arg16 : memref<!tpu.dma_semaphore, #tpu.memory_space<semaphore_mem>>)
    %dma_wait3A = arith.constant 0 : i32
    %dma_wait3A_30 = arith.constant 0 : i32
    %dma_wait3A_31 = tpu.memref_slice %arg6[%dma_wait3A, %dma_wait3A_30] : memref<2x96xi32, #tpu.memory_space<vmem>> -> memref<1x96xi32, #tpu.memory_space<vmem>>
    %dma_wait3A_32 = tpu.memref_squeeze %dma_wait3A_31 : memref<1x96xi32, #tpu.memory_space<vmem>> -> memref<96xi32, #tpu.memory_space<vmem>>
    %dma_wait3A_33 = tpu.memref_slice %arg3[%add3A_12] : memref<160000xi32, #tpu.memory_space<hbm>> -> memref<96xi32, #tpu.memory_space<hbm>>
    %dma_wait3A_34 = arith.constant 0 : i32
    %dma_wait3A_35 = tpu.memref_slice %arg6[%dma_wait3A, %dma_wait3A_34] : memref<2x96xi32, #tpu.memory_space<vmem>> -> memref<1x96xi32, #tpu.memory_space<vmem>>
    %dma_wait3A_36 = tpu.memref_squeeze %dma_wait3A_35 : memref<1x96xi32, #tpu.memory_space<vmem>> -> memref<96xi32, #tpu.memory_space<vmem>>
    %dma_wait3A_37 = tpu.memref_slice %arg3[%add3A_12] : memref<160000xi32, #tpu.memory_space<hbm>> -> memref<96xi32, #tpu.memory_space<hbm>>
    tpu.wait_dma2 semaphore(%arg16 : memref<!tpu.dma_semaphore, #tpu.memory_space<semaphore_mem>>) src(%dma_wait3A_37 : memref<96xi32, #tpu.memory_space<hbm>>) dst(%dma_wait3A_36 : memref<96xi32, #tpu.memory_space<vmem>>)
    %dma_wait3A_38 = arith.constant 0 : i32
    %dma_wait3A_39 = arith.constant 0 : i32
    %dma_wait3A_40 = tpu.memref_slice %arg7[%dma_wait3A_38, %dma_wait3A_39] : memref<2x96xi32, #tpu.memory_space<vmem>> -> memref<1x96xi32, #tpu.memory_space<vmem>>
    %dma_wait3A_41 = tpu.memref_squeeze %dma_wait3A_40 : memref<1x96xi32, #tpu.memory_space<vmem>> -> memref<96xi32, #tpu.memory_space<vmem>>
    %dma_wait3A_42 = tpu.memref_slice %arg4[%add3A_12] : memref<160000xi32, #tpu.memory_space<hbm>> -> memref<96xi32, #tpu.memory_space<hbm>>
    %dma_wait3A_43 = arith.constant 0 : i32
    %dma_wait3A_44 = tpu.memref_slice %arg7[%dma_wait3A_38, %dma_wait3A_43] : memref<2x96xi32, #tpu.memory_space<vmem>> -> memref<1x96xi32, #tpu.memory_space<vmem>>
    %dma_wait3A_45 = tpu.memref_squeeze %dma_wait3A_44 : memref<1x96xi32, #tpu.memory_space<vmem>> -> memref<96xi32, #tpu.memory_space<vmem>>
    %dma_wait3A_46 = tpu.memref_slice %arg4[%add3A_12] : memref<160000xi32, #tpu.memory_space<hbm>> -> memref<96xi32, #tpu.memory_space<hbm>>
    tpu.wait_dma2 semaphore(%arg16 : memref<!tpu.dma_semaphore, #tpu.memory_space<semaphore_mem>>) src(%dma_wait3A_46 : memref<96xi32, #tpu.memory_space<hbm>>) dst(%dma_wait3A_45 : memref<96xi32, #tpu.memory_space<vmem>>)
    %scan3A_47 = arith.constant 0 : i32
    %scan3A_48 = arith.constant 6 : i32
    %scan3A_49 = arith.addi %scan3A_47, %scan3A_48 : i32
    %scan3A_50 = arith.constant 1 : i32
    scf.for %scan3A_102 = %scan3A_47 to %scan3A_49 step %scan3A_50  : i32 {
      %mul3A_103 = arith.constant 16 : i32
      %mul3A_104 = arith.muli %scan3A_102, %mul3A_103 : i32
      %add3A_105 = arith.constant 0 : i32
      %add3A_106 = arith.addi %add3A_105, %mul3A_104 : i32
      %get3A_107 = arith.constant 0 : i32
      %get3A_108 = arith.index_cast %get3A_107 : i32 to index
      %get3A_109 = arith.index_cast %add3A_106 : i32 to index
      %get3A_110 = tpu.vector_load %arg6[%get3A_108, %get3A_109] {strides = array<i32>} : memref<2x96xi32, #tpu.memory_space<vmem>>, vector<1x16xi32>,
      %get3A_111 = vector.shape_cast %get3A_110 : vector<1x16xi32> to vector<16xi32>
      %mul3A_112 = arith.constant 2 : i32
      %mul3A_113 = vector.broadcast %mul3A_112 : i32 to vector<16xi32>
      %mul3A_114 = arith.muli %get3A_111, %mul3A_113 : vector<16xi32>
      %add3A_115 = vector.broadcast %arg0 : i32 to vector<16xi32>
      %add3A_116 = arith.addi %mul3A_114, %add3A_115 : vector<16xi32>
      %swap3A_117 = arith.constant 0 : i32
      %swap3A_118 = arith.index_cast %swap3A_117 : i32 to index
      %swap3A_119 = arith.index_cast %add3A_106 : i32 to index
      %swap3A_120 = tpu.vector_load %arg8[%swap3A_118, %swap3A_119] {strides = array<i32>} : memref<2x96xi32, #tpu.memory_space<vmem>>, vector<1x16xi32>,
      %swap3A_121 = vector.shape_cast %swap3A_120 : vector<1x16xi32> to vector<16xi32>
      %swap3A_122 = vector.shape_cast %add3A_116 : vector<16xi32> to vector<1x16xi32>
      tpu.vector_store %arg8[%swap3A_118, %swap3A_119], %swap3A_122 {strides = array<i32>} : memref<2x96xi32, #tpu.memory_space<vmem>>, vector<1x16xi32>,
    }
    %scan3A_51 = arith.constant 6 : i32
    %dma_start3A_52 = arith.constant 0 : i32
    %dma_start3A_53 = arith.constant 0 : i32
    %dma_start3A_54 = arith.constant 0 : i32
    %dma_start3A_55 = arith.constant 0 : i32
    %dma_start3A_56 = tpu.memref_slice %arg9[%dma_start3A_53, %dma_start3A_54, %dma_start3A_55] : memref<2x96x128xf32, #tpu.memory_space<vmem>> -> memref<1x96x128xf32, #tpu.memory_space<vmem>>
    %dma_start3A_57 = tpu.memref_squeeze %dma_start3A_56 : memref<1x96x128xf32, #tpu.memory_space<vmem>> -> memref<96x128xf32, #tpu.memory_space<vmem>>
    %dma_start3A_58 = arith.constant 0 : i32
    %dma_start3A_59 = tpu.memref_slice %arg8[%dma_start3A_52, %dma_start3A_58] : memref<2x96xi32, #tpu.memory_space<vmem>> -> memref<1x96xi32, #tpu.memory_space<vmem>>
    %dma_start3A_60 = tpu.memref_squeeze %dma_start3A_59 : memref<1x96xi32, #tpu.memory_space<vmem>> -> memref<96xi32, #tpu.memory_space<vmem>>
    %dma_start3A_61 = arith.constant 0 : i32
    %dma_start3A_62 = arith.constant 0 : i32
    %dma_start3A_63 = tpu.memref_slice %arg2[%dma_start3A_61, %dma_start3A_62] : memref<20000x128xf32, #tpu.memory_space<hbm>> -> memref<20000x128xf32, #tpu.memory_space<hbm>>
    tpu.enqueue_indirect_dma source(%dma_start3A_63 : memref<20000x128xf32, #tpu.memory_space<hbm>>) target(%dma_start3A_57 : memref<96x128xf32, #tpu.memory_space<vmem>>) offsets(%dma_start3A_60 : memref<96xi32, #tpu.memory_space<vmem>>) semaphore(%arg17 : memref<!tpu.dma_semaphore, #tpu.memory_space<semaphore_mem>>)
    %scan3A_64 = arith.constant 0 : i32
    %scan3A_65 = arith.constant 52 : i32
    %scan3A_66 = arith.addi %scan3A_64, %scan3A_65 : i32
    %scan3A_67 = arith.constant 1 : i32
    scf.for %scan3A_102 = %scan3A_64 to %scan3A_66 step %scan3A_67  : i32 {
      %mul3A_103 = arith.constant 1 : i32
      %mul3A_104 = arith.muli %scan3A_102, %mul3A_103 : i32
      %add3A_105 = arith.constant 0 : i32
      %add3A_106 = arith.addi %add3A_105, %mul3A_104 : i32
      %mul3A_107 = arith.constant 2 : i32
      %mul3A_108 = arith.muli %mul3A_107, %add3A_106 : i32
      %add3A_109 = arith.constant 1 : i32
      %add3A_110 = arith.addi %mul3A_108, %add3A_109 : i32
      %lt3A = arith.constant 104 : i32
      %lt3A_111 = arith.cmpi slt, %add3A_110, %lt3A : i32
      %convert_element_type3A = arith.extui %lt3A_111 : i1 to i32
      %cond3A = arith.constant 0 : i32
      %cond3A_112 = arith.cmpi ne, %convert_element_type3A, %cond3A : i32
      scf.if %cond3A_112 {
        %add3A_158 = arith.constant 1 : i32
        %add3A_159 = arith.addi %mul3A_108, %add3A_158 : i32
        %mul3A_160 = arith.constant 96 : i32
        %mul3A_161 = arith.muli %add3A_159, %mul3A_160 : i32
        %add3A_162 = arith.addi %mul3A_11, %mul3A_161 : i32
        %dma_start3A_163 = arith.constant 1 : i32
        %dma_start3A_164 = arith.constant 0 : i32
        %dma_start3A_165 = tpu.memref_slice %arg6[%dma_start3A_163, %dma_start3A_164] : memref<2x96xi32, #tpu.memory_space<vmem>> -> memref<1x96xi32, #tpu.memory_space<vmem>>
        %dma_start3A_166 = tpu.memref_squeeze %dma_start3A_165 : memref<1x96xi32, #tpu.memory_space<vmem>> -> memref<96xi32, #tpu.memory_space<vmem>>
        %dma_start3A_167 = tpu.memref_slice %arg3[%add3A_162] : memref<160000xi32, #tpu.memory_space<hbm>> -> memref<96xi32, #tpu.memory_space<hbm>>
        %dma_start3A_168 = arith.constant 0 : i32
        %dma_start3A_169 = tpu.memref_slice %arg6[%dma_start3A_163, %dma_start3A_168] : memref<2x96xi32, #tpu.memory_space<vmem>> -> memref<1x96xi32, #tpu.memory_space<vmem>>
        %dma_start3A_170 = tpu.memref_squeeze %dma_start3A_169 : memref<1x96xi32, #tpu.memory_space<vmem>> -> memref<96xi32, #tpu.memory_space<vmem>>
        %dma_start3A_171 = tpu.memref_slice %arg3[%add3A_162] : memref<160000xi32, #tpu.memory_space<hbm>> -> memref<96xi32, #tpu.memory_space<hbm>>
        tpu.enqueue_dma source(%dma_start3A_171 : memref<96xi32, #tpu.memory_space<hbm>>) target(%dma_start3A_170 : memref<96xi32, #tpu.memory_space<vmem>>) target_semaphore(%arg16 : memref<!tpu.dma_semaphore, #tpu.memory_space<semaphore_mem>>)
        %dma_start3A_172 = arith.constant 1 : i32
        %dma_start3A_173 = arith.constant 0 : i32
        %dma_start3A_174 = tpu.memref_slice %arg7[%dma_start3A_172, %dma_start3A_173] : memref<2x96xi32, #tpu.memory_space<vmem>> -> memref<1x96xi32, #tpu.memory_space<vmem>>
        %dma_start3A_175 = tpu.memref_squeeze %dma_start3A_174 : memref<1x96xi32, #tpu.memory_space<vmem>> -> memref<96xi32, #tpu.memory_space<vmem>>
        %dma_start3A_176 = tpu.memref_slice %arg4[%add3A_162] : memref<160000xi32, #tpu.memory_space<hbm>> -> memref<96xi32, #tpu.memory_space<hbm>>
        %dma_start3A_177 = arith.constant 0 : i32
        %dma_start3A_178 = tpu.memref_slice %arg7[%dma_start3A_172, %dma_start3A_177] : memref<2x96xi32, #tpu.memory_space<vmem>> -> memref<1x96xi32, #tpu.memory_space<vmem>>
        %dma_start3A_179 = tpu.memref_squeeze %dma_start3A_178 : memref<1x96xi32, #tpu.memory_space<vmem>> -> memref<96xi32, #tpu.memory_space<vmem>>
        %dma_start3A_180 = tpu.memref_slice %arg4[%add3A_162] : memref<160000xi32, #tpu.memory_space<hbm>> -> memref<96xi32, #tpu.memory_space<hbm>>
        tpu.enqueue_dma source(%dma_start3A_180 : memref<96xi32, #tpu.memory_space<hbm>>) target(%dma_start3A_179 : memref<96xi32, #tpu.memory_space<vmem>>) target_semaphore(%arg16 : memref<!tpu.dma_semaphore, #tpu.memory_space<semaphore_mem>>)
        %dma_wait3A_181 = arith.constant 1 : i32
        %dma_wait3A_182 = arith.constant 0 : i32
        %dma_wait3A_183 = tpu.memref_slice %arg6[%dma_wait3A_181, %dma_wait3A_182] : memref<2x96xi32, #tpu.memory_space<vmem>> -> memref<1x96xi32, #tpu.memory_space<vmem>>
        %dma_wait3A_184 = tpu.memref_squeeze %dma_wait3A_183 : memref<1x96xi32, #tpu.memory_space<vmem>> -> memref<96xi32, #tpu.memory_space<vmem>>
        %dma_wait3A_185 = tpu.memref_slice %arg3[%add3A_162] : memref<160000xi32, #tpu.memory_space<hbm>> -> memref<96xi32, #tpu.memory_space<hbm>>
        %dma_wait3A_186 = arith.constant 0 : i32
        %dma_wait3A_187 = tpu.memref_slice %arg6[%dma_wait3A_181, %dma_wait3A_186] : memref<2x96xi32, #tpu.memory_space<vmem>> -> memref<1x96xi32, #tpu.memory_space<vmem>>
        %dma_wait3A_188 = tpu.memref_squeeze %dma_wait3A_187 : memref<1x96xi32, #tpu.memory_space<vmem>> -> memref<96xi32, #tpu.memory_space<vmem>>
        %dma_wait3A_189 = tpu.memref_slice %arg3[%add3A_162] : memref<160000xi32, #tpu.memory_space<hbm>> -> memref<96xi32, #tpu.memory_space<hbm>>
        tpu.wait_dma2 semaphore(%arg16 : memref<!tpu.dma_semaphore, #tpu.memory_space<semaphore_mem>>) src(%dma_wait3A_189 : memref<96xi32, #tpu.memory_space<hbm>>) dst(%dma_wait3A_188 : memref<96xi32, #tpu.memory_space<vmem>>)
        %dma_wait3A_190 = arith.constant 1 : i32
        %dma_wait3A_191 = arith.constant 0 : i32
        %dma_wait3A_192 = tpu.memref_slice %arg7[%dma_wait3A_190, %dma_wait3A_191] : memref<2x96xi32, #tpu.memory_space<vmem>> -> memref<1x96xi32, #tpu.memory_space<vmem>>
        %dma_wait3A_193 = tpu.memref_squeeze %dma_wait3A_192 : memref<1x96xi32, #tpu.memory_space<vmem>> -> memref<96xi32, #tpu.memory_space<vmem>>
        %dma_wait3A_194 = tpu.memref_slice %arg4[%add3A_162] : memref<160000xi32, #tpu.memory_space<hbm>> -> memref<96xi32, #tpu.memory_space<hbm>>
        %dma_wait3A_195 = arith.constant 0 : i32
        %dma_wait3A_196 = tpu.memref_slice %arg7[%dma_wait3A_190, %dma_wait3A_195] : memref<2x96xi32, #tpu.memory_space<vmem>> -> memref<1x96xi32, #tpu.memory_space<vmem>>
        %dma_wait3A_197 = tpu.memref_squeeze %dma_wait3A_196 : memref<1x96xi32, #tpu.memory_space<vmem>> -> memref<96xi32, #tpu.memory_space<vmem>>
        %dma_wait3A_198 = tpu.memref_slice %arg4[%add3A_162] : memref<160000xi32, #tpu.memory_space<hbm>> -> memref<96xi32, #tpu.memory_space<hbm>>
        tpu.wait_dma2 semaphore(%arg16 : memref<!tpu.dma_semaphore, #tpu.memory_space<semaphore_mem>>) src(%dma_wait3A_198 : memref<96xi32, #tpu.memory_space<hbm>>) dst(%dma_wait3A_197 : memref<96xi32, #tpu.memory_space<vmem>>)
        %scan3A_199 = arith.constant 0 : i32
        %scan3A_200 = arith.constant 6 : i32
        %scan3A_201 = arith.addi %scan3A_199, %scan3A_200 : i32
        %scan3A_202 = arith.constant 1 : i32
        scf.for %scan3A_204 = %scan3A_199 to %scan3A_201 step %scan3A_202  : i32 {
          %mul3A_205 = arith.constant 16 : i32
          %mul3A_206 = arith.muli %scan3A_204, %mul3A_205 : i32
          %add3A_207 = arith.constant 0 : i32
          %add3A_208 = arith.addi %add3A_207, %mul3A_206 : i32
          %get3A_209 = arith.constant 1 : i32
          %get3A_210 = arith.index_cast %get3A_209 : i32 to index
          %get3A_211 = arith.index_cast %add3A_208 : i32 to index
          %get3A_212 = tpu.vector_load %arg6[%get3A_210, %get3A_211] {strides = array<i32>} : memref<2x96xi32, #tpu.memory_space<vmem>>, vector<1x16xi32>,
          %get3A_213 = vector.shape_cast %get3A_212 : vector<1x16xi32> to vector<16xi32>
          %mul3A_214 = arith.constant 2 : i32
          %mul3A_215 = vector.broadcast %mul3A_214 : i32 to vector<16xi32>
          %mul3A_216 = arith.muli %get3A_213, %mul3A_215 : vector<16xi32>
          %add3A_217 = vector.broadcast %arg0 : i32 to vector<16xi32>
          %add3A_218 = arith.addi %mul3A_216, %add3A_217 : vector<16xi32>
          %swap3A_219 = arith.constant 1 : i32
          %swap3A_220 = arith.index_cast %swap3A_219 : i32 to index
          %swap3A_221 = arith.index_cast %add3A_208 : i32 to index
          %swap3A_222 = tpu.vector_load %arg8[%swap3A_220, %swap3A_221] {strides = array<i32>} : memref<2x96xi32, #tpu.memory_space<vmem>>, vector<1x16xi32>,
          %swap3A_223 = vector.shape_cast %swap3A_222 : vector<1x16xi32> to vector<16xi32>
          %swap3A_224 = vector.shape_cast %add3A_218 : vector<16xi32> to vector<1x16xi32>
          tpu.vector_store %arg8[%swap3A_220, %swap3A_221], %swap3A_224 {strides = array<i32>} : memref<2x96xi32, #tpu.memory_space<vmem>>, vector<1x16xi32>,
        }
        %scan3A_203 = arith.constant 6 : i32
      } else {
      }
      %lt3A_113 = arith.constant 104 : i32
      %lt3A_114 = arith.cmpi slt, %mul3A_108, %lt3A_113 : i32
      %convert_element_type3A_115 = arith.extui %lt3A_114 : i1 to i32
      %cond3A_116 = arith.constant 0 : i32
      %cond3A_117 = arith.cmpi ne, %convert_element_type3A_115, %cond3A_116 : i32
      scf.if %cond3A_117 {
        %dma_wait3A_158 = arith.constant 0 : i32
        %dma_wait3A_159 = arith.constant 0 : i32
        %dma_wait3A_160 = arith.constant 0 : i32
        %dma_wait3A_161 = arith.constant 0 : i32
        %dma_wait3A_162 = tpu.memref_slice %arg9[%dma_wait3A_159, %dma_wait3A_160, %dma_wait3A_161] : memref<2x96x128xf32, #tpu.memory_space<vmem>> -> memref<1x96x128xf32, #tpu.memory_space<vmem>>
        %dma_wait3A_163 = tpu.memref_squeeze %dma_wait3A_162 : memref<1x96x128xf32, #tpu.memory_space<vmem>> -> memref<96x128xf32, #tpu.memory_space<vmem>>
        %dma_wait3A_164 = arith.constant 0 : i32
        %dma_wait3A_165 = tpu.memref_slice %arg8[%dma_wait3A_158, %dma_wait3A_164] : memref<2x96xi32, #tpu.memory_space<vmem>> -> memref<1x96xi32, #tpu.memory_space<vmem>>
        %dma_wait3A_166 = tpu.memref_squeeze %dma_wait3A_165 : memref<1x96xi32, #tpu.memory_space<vmem>> -> memref<96xi32, #tpu.memory_space<vmem>>
        %dma_wait3A_167 = arith.constant 0 : i32
        %dma_wait3A_168 = arith.constant 0 : i32
        %dma_wait3A_169 = tpu.memref_slice %arg2[%dma_wait3A_167, %dma_wait3A_168] : memref<20000x128xf32, #tpu.memory_space<hbm>> -> memref<20000x128xf32, #tpu.memory_space<hbm>>
        tpu.wait_indirect_dma semaphore(%arg17 : memref<!tpu.dma_semaphore, #tpu.memory_space<semaphore_mem>>) src(%dma_wait3A_169 : memref<20000x128xf32, #tpu.memory_space<hbm>>) dst(%dma_wait3A_163 : memref<96x128xf32, #tpu.memory_space<vmem>>)
      } else {
      }
      %add3A_118 = arith.constant 1 : i32
      %add3A_119 = arith.addi %mul3A_108, %add3A_118 : i32
      %lt3A_120 = arith.constant 104 : i32
      %lt3A_121 = arith.cmpi slt, %add3A_119, %lt3A_120 : i32
      %convert_element_type3A_122 = arith.extui %lt3A_121 : i1 to i32
      %cond3A_123 = arith.constant 0 : i32
      %cond3A_124 = arith.cmpi ne, %convert_element_type3A_122, %cond3A_123 : i32
      scf.if %cond3A_124 {
        %dma_start3A_158 = arith.constant 1 : i32
        %dma_start3A_159 = arith.constant 1 : i32
        %dma_start3A_160 = arith.constant 0 : i32
        %dma_start3A_161 = arith.constant 0 : i32
        %dma_start3A_162 = tpu.memref_slice %arg9[%dma_start3A_159, %dma_start3A_160, %dma_start3A_161] : memref<2x96x128xf32, #tpu.memory_space<vmem>> -> memref<1x96x128xf32, #tpu.memory_space<vmem>>
        %dma_start3A_163 = tpu.memref_squeeze %dma_start3A_162 : memref<1x96x128xf32, #tpu.memory_space<vmem>> -> memref<96x128xf32, #tpu.memory_space<vmem>>
        %dma_start3A_164 = arith.constant 0 : i32
        %dma_start3A_165 = tpu.memref_slice %arg8[%dma_start3A_158, %dma_start3A_164] : memref<2x96xi32, #tpu.memory_space<vmem>> -> memref<1x96xi32, #tpu.memory_space<vmem>>
        %dma_start3A_166 = tpu.memref_squeeze %dma_start3A_165 : memref<1x96xi32, #tpu.memory_space<vmem>> -> memref<96xi32, #tpu.memory_space<vmem>>
        %dma_start3A_167 = arith.constant 0 : i32
        %dma_start3A_168 = arith.constant 0 : i32
        %dma_start3A_169 = tpu.memref_slice %arg2[%dma_start3A_167, %dma_start3A_168] : memref<20000x128xf32, #tpu.memory_space<hbm>> -> memref<20000x128xf32, #tpu.memory_space<hbm>>
        tpu.enqueue_indirect_dma source(%dma_start3A_169 : memref<20000x128xf32, #tpu.memory_space<hbm>>) target(%dma_start3A_163 : memref<96x128xf32, #tpu.memory_space<vmem>>) offsets(%dma_start3A_166 : memref<96xi32, #tpu.memory_space<vmem>>) semaphore(%arg18 : memref<!tpu.dma_semaphore, #tpu.memory_space<semaphore_mem>>)
      } else {
      }
      %lt3A_125 = arith.constant 104 : i32
      %lt3A_126 = arith.cmpi slt, %mul3A_108, %lt3A_125 : i32
      %convert_element_type3A_127 = arith.extui %lt3A_126 : i1 to i32
      %cond3A_128 = arith.constant 0 : i32
      %cond3A_129 = arith.cmpi ne, %convert_element_type3A_127, %cond3A_128 : i32
      scf.if %cond3A_129 {
        %run_scoped3A = arith.constant 0 : i32
        %run_scoped3A_158 = arith.constant 0 : i32
        "tpu.region"() ({
          %run_scoped3A_159 = tpu.sem_alloc : memref<!tpu.dma_semaphore, #tpu.memory_space<semaphore_mem>>
          %dma_start3A_160 = arith.constant 0 : i32
          %dma_start3A_161 = arith.constant 0 : i32
          %dma_start3A_162 = tpu.memref_slice %arg9[%run_scoped3A, %dma_start3A_160, %dma_start3A_161] : memref<2x96x128xf32, #tpu.memory_space<vmem>> -> memref<1x96x128xf32, #tpu.memory_space<vmem>>
          %dma_start3A_163 = tpu.memref_squeeze %dma_start3A_162 : memref<1x96x128xf32, #tpu.memory_space<vmem>> -> memref<96x128xf32, #tpu.memory_space<vmem>>
          %dma_start3A_164 = arith.constant 0 : i32
          %dma_start3A_165 = tpu.memref_slice %arg7[%run_scoped3A_158, %dma_start3A_164] : memref<2x96xi32, #tpu.memory_space<vmem>> -> memref<1x96xi32, #tpu.memory_space<vmem>>
          %dma_start3A_166 = tpu.memref_squeeze %dma_start3A_165 : memref<1x96xi32, #tpu.memory_space<vmem>> -> memref<96xi32, #tpu.memory_space<vmem>>
          %dma_start3A_167 = arith.constant 0 : i32
          %dma_start3A_168 = arith.constant 0 : i32
          %dma_start3A_169 = tpu.memref_slice %arg15[%dma_start3A_167, %dma_start3A_168] : memref<10240x128xf32, #tpu.memory_space<vmem_shared>> -> memref<10240x128xf32, #tpu.memory_space<vmem_shared>>
          tpu.enqueue_indirect_dma source(%dma_start3A_163 : memref<96x128xf32, #tpu.memory_space<vmem>>) target(%dma_start3A_169 : memref<10240x128xf32, #tpu.memory_space<vmem_shared>>) offsets(%dma_start3A_166 : memref<96xi32, #tpu.memory_space<vmem>>) semaphore(%run_scoped3A_159 : memref<!tpu.dma_semaphore, #tpu.memory_space<semaphore_mem>>) {add = true}
          %dma_wait3A_170 = arith.constant 0 : i32
          %dma_wait3A_171 = arith.constant 0 : i32
          %dma_wait3A_172 = tpu.memref_slice %arg9[%run_scoped3A, %dma_wait3A_170, %dma_wait3A_171] : memref<2x96x128xf32, #tpu.memory_space<vmem>> -> memref<1x96x128xf32, #tpu.memory_space<vmem>>
          %dma_wait3A_173 = tpu.memref_squeeze %dma_wait3A_172 : memref<1x96x128xf32, #tpu.memory_space<vmem>> -> memref<96x128xf32, #tpu.memory_space<vmem>>
          %dma_wait3A_174 = arith.constant 0 : i32
          %dma_wait3A_175 = tpu.memref_slice %arg7[%run_scoped3A_158, %dma_wait3A_174] : memref<2x96xi32, #tpu.memory_space<vmem>> -> memref<1x96xi32, #tpu.memory_space<vmem>>
          %dma_wait3A_176 = tpu.memref_squeeze %dma_wait3A_175 : memref<1x96xi32, #tpu.memory_space<vmem>> -> memref<96xi32, #tpu.memory_space<vmem>>
          %dma_wait3A_177 = arith.constant 0 : i32
          %dma_wait3A_178 = arith.constant 0 : i32
          %dma_wait3A_179 = tpu.memref_slice %arg15[%dma_wait3A_177, %dma_wait3A_178] : memref<10240x128xf32, #tpu.memory_space<vmem_shared>> -> memref<10240x128xf32, #tpu.memory_space<vmem_shared>>
          tpu.wait_indirect_dma semaphore(%run_scoped3A_159 : memref<!tpu.dma_semaphore, #tpu.memory_space<semaphore_mem>>) src(%dma_wait3A_173 : memref<96x128xf32, #tpu.memory_space<vmem>>) dst(%dma_wait3A_179 : memref<10240x128xf32, #tpu.memory_space<vmem_shared>>)
          tpu.yield
        }) : () -> ()
      } else {
      }
      %mul3A_130 = arith.constant 2 : i32
      %mul3A_131 = arith.muli %mul3A_130, %add3A_106 : i32
      %add3A_132 = arith.constant 1 : i32
      %add3A_133 = arith.addi %mul3A_131, %add3A_132 : i32
      %add3A_134 = arith.constant 1 : i32
      %add3A_135 = arith.addi %add3A_133, %add3A_134 : i32
      %lt3A_136 = arith.constant 104 : i32
      %lt3A_137 = arith.cmpi slt, %add3A_135, %lt3A_136 : i32
      %convert_element_type3A_138 = arith.extui %lt3A_137 : i1 to i32
      %cond3A_139 = arith.constant 0 : i32
      %cond3A_140 = arith.cmpi ne, %convert_element_type3A_138, %cond3A_139 : i32
      scf.if %cond3A_140 {
        %add3A_158 = arith.constant 1 : i32
        %add3A_159 = arith.addi %add3A_133, %add3A_158 : i32
        %mul3A_160 = arith.constant 96 : i32
        %mul3A_161 = arith.muli %add3A_159, %mul3A_160 : i32
        %add3A_162 = arith.addi %mul3A_11, %mul3A_161 : i32
        %dma_start3A_163 = arith.constant 0 : i32
        %dma_start3A_164 = arith.constant 0 : i32
        %dma_start3A_165 = tpu.memref_slice %arg6[%dma_start3A_163, %dma_start3A_164] : memref<2x96xi32, #tpu.memory_space<vmem>> -> memref<1x96xi32, #tpu.memory_space<vmem>>
        %dma_start3A_166 = tpu.memref_squeeze %dma_start3A_165 : memref<1x96xi32, #tpu.memory_space<vmem>> -> memref<96xi32, #tpu.memory_space<vmem>>
        %dma_start3A_167 = tpu.memref_slice %arg3[%add3A_162] : memref<160000xi32, #tpu.memory_space<hbm>> -> memref<96xi32, #tpu.memory_space<hbm>>
        %dma_start3A_168 = arith.constant 0 : i32
        %dma_start3A_169 = tpu.memref_slice %arg6[%dma_start3A_163, %dma_start3A_168] : memref<2x96xi32, #tpu.memory_space<vmem>> -> memref<1x96xi32, #tpu.memory_space<vmem>>
        %dma_start3A_170 = tpu.memref_squeeze %dma_start3A_169 : memref<1x96xi32, #tpu.memory_space<vmem>> -> memref<96xi32, #tpu.memory_space<vmem>>
        %dma_start3A_171 = tpu.memref_slice %arg3[%add3A_162] : memref<160000xi32, #tpu.memory_space<hbm>> -> memref<96xi32, #tpu.memory_space<hbm>>
        tpu.enqueue_dma source(%dma_start3A_171 : memref<96xi32, #tpu.memory_space<hbm>>) target(%dma_start3A_170 : memref<96xi32, #tpu.memory_space<vmem>>) target_semaphore(%arg16 : memref<!tpu.dma_semaphore, #tpu.memory_space<semaphore_mem>>)
        %dma_start3A_172 = arith.constant 0 : i32
        %dma_start3A_173 = arith.constant 0 : i32
        %dma_start3A_174 = tpu.memref_slice %arg7[%dma_start3A_172, %dma_start3A_173] : memref<2x96xi32, #tpu.memory_space<vmem>> -> memref<1x96xi32, #tpu.memory_space<vmem>>
        %dma_start3A_175 = tpu.memref_squeeze %dma_start3A_174 : memref<1x96xi32, #tpu.memory_space<vmem>> -> memref<96xi32, #tpu.memory_space<vmem>>
        %dma_start3A_176 = tpu.memref_slice %arg4[%add3A_162] : memref<160000xi32, #tpu.memory_space<hbm>> -> memref<96xi32, #tpu.memory_space<hbm>>
        %dma_start3A_177 = arith.constant 0 : i32
        %dma_start3A_178 = tpu.memref_slice %arg7[%dma_start3A_172, %dma_start3A_177] : memref<2x96xi32, #tpu.memory_space<vmem>> -> memref<1x96xi32, #tpu.memory_space<vmem>>
        %dma_start3A_179 = tpu.memref_squeeze %dma_start3A_178 : memref<1x96xi32, #tpu.memory_space<vmem>> -> memref<96xi32, #tpu.memory_space<vmem>>
        %dma_start3A_180 = tpu.memref_slice %arg4[%add3A_162] : memref<160000xi32, #tpu.memory_space<hbm>> -> memref<96xi32, #tpu.memory_space<hbm>>
        tpu.enqueue_dma source(%dma_start3A_180 : memref<96xi32, #tpu.memory_space<hbm>>) target(%dma_start3A_179 : memref<96xi32, #tpu.memory_space<vmem>>) target_semaphore(%arg16 : memref<!tpu.dma_semaphore, #tpu.memory_space<semaphore_mem>>)
        %dma_wait3A_181 = arith.constant 0 : i32
        %dma_wait3A_182 = arith.constant 0 : i32
        %dma_wait3A_183 = tpu.memref_slice %arg6[%dma_wait3A_181, %dma_wait3A_182] : memref<2x96xi32, #tpu.memory_space<vmem>> -> memref<1x96xi32, #tpu.memory_space<vmem>>
        %dma_wait3A_184 = tpu.memref_squeeze %dma_wait3A_183 : memref<1x96xi32, #tpu.memory_space<vmem>> -> memref<96xi32, #tpu.memory_space<vmem>>
        %dma_wait3A_185 = tpu.memref_slice %arg3[%add3A_162] : memref<160000xi32, #tpu.memory_space<hbm>> -> memref<96xi32, #tpu.memory_space<hbm>>
        %dma_wait3A_186 = arith.constant 0 : i32
        %dma_wait3A_187 = tpu.memref_slice %arg6[%dma_wait3A_181, %dma_wait3A_186] : memref<2x96xi32, #tpu.memory_space<vmem>> -> memref<1x96xi32, #tpu.memory_space<vmem>>
        %dma_wait3A_188 = tpu.memref_squeeze %dma_wait3A_187 : memref<1x96xi32, #tpu.memory_space<vmem>> -> memref<96xi32, #tpu.memory_space<vmem>>
        %dma_wait3A_189 = tpu.memref_slice %arg3[%add3A_162] : memref<160000xi32, #tpu.memory_space<hbm>> -> memref<96xi32, #tpu.memory_space<hbm>>
        tpu.wait_dma2 semaphore(%arg16 : memref<!tpu.dma_semaphore, #tpu.memory_space<semaphore_mem>>) src(%dma_wait3A_189 : memref<96xi32, #tpu.memory_space<hbm>>) dst(%dma_wait3A_188 : memref<96xi32, #tpu.memory_space<vmem>>)
        %dma_wait3A_190 = arith.constant 0 : i32
        %dma_wait3A_191 = arith.constant 0 : i32
        %dma_wait3A_192 = tpu.memref_slice %arg7[%dma_wait3A_190, %dma_wait3A_191] : memref<2x96xi32, #tpu.memory_space<vmem>> -> memref<1x96xi32, #tpu.memory_space<vmem>>
        %dma_wait3A_193 = tpu.memref_squeeze %dma_wait3A_192 : memref<1x96xi32, #tpu.memory_space<vmem>> -> memref<96xi32, #tpu.memory_space<vmem>>
        %dma_wait3A_194 = tpu.memref_slice %arg4[%add3A_162] : memref<160000xi32, #tpu.memory_space<hbm>> -> memref<96xi32, #tpu.memory_space<hbm>>
        %dma_wait3A_195 = arith.constant 0 : i32
        %dma_wait3A_196 = tpu.memref_slice %arg7[%dma_wait3A_190, %dma_wait3A_195] : memref<2x96xi32, #tpu.memory_space<vmem>> -> memref<1x96xi32, #tpu.memory_space<vmem>>
        %dma_wait3A_197 = tpu.memref_squeeze %dma_wait3A_196 : memref<1x96xi32, #tpu.memory_space<vmem>> -> memref<96xi32, #tpu.memory_space<vmem>>
        %dma_wait3A_198 = tpu.memref_slice %arg4[%add3A_162] : memref<160000xi32, #tpu.memory_space<hbm>> -> memref<96xi32, #tpu.memory_space<hbm>>
        tpu.wait_dma2 semaphore(%arg16 : memref<!tpu.dma_semaphore, #tpu.memory_space<semaphore_mem>>) src(%dma_wait3A_198 : memref<96xi32, #tpu.memory_space<hbm>>) dst(%dma_wait3A_197 : memref<96xi32, #tpu.memory_space<vmem>>)
        %scan3A_199 = arith.constant 0 : i32
        %scan3A_200 = arith.constant 6 : i32
        %scan3A_201 = arith.addi %scan3A_199, %scan3A_200 : i32
        %scan3A_202 = arith.constant 1 : i32
        scf.for %scan3A_204 = %scan3A_199 to %scan3A_201 step %scan3A_202  : i32 {
          %mul3A_205 = arith.constant 16 : i32
          %mul3A_206 = arith.muli %scan3A_204, %mul3A_205 : i32
          %add3A_207 = arith.constant 0 : i32
          %add3A_208 = arith.addi %add3A_207, %mul3A_206 : i32
          %get3A_209 = arith.constant 0 : i32
          %get3A_210 = arith.index_cast %get3A_209 : i32 to index
          %get3A_211 = arith.index_cast %add3A_208 : i32 to index
          %get3A_212 = tpu.vector_load %arg6[%get3A_210, %get3A_211] {strides = array<i32>} : memref<2x96xi32, #tpu.memory_space<vmem>>, vector<1x16xi32>,
          %get3A_213 = vector.shape_cast %get3A_212 : vector<1x16xi32> to vector<16xi32>
          %mul3A_214 = arith.constant 2 : i32
          %mul3A_215 = vector.broadcast %mul3A_214 : i32 to vector<16xi32>
          %mul3A_216 = arith.muli %get3A_213, %mul3A_215 : vector<16xi32>
          %add3A_217 = vector.broadcast %arg0 : i32 to vector<16xi32>
          %add3A_218 = arith.addi %mul3A_216, %add3A_217 : vector<16xi32>
          %swap3A_219 = arith.constant 0 : i32
          %swap3A_220 = arith.index_cast %swap3A_219 : i32 to index
          %swap3A_221 = arith.index_cast %add3A_208 : i32 to index
          %swap3A_222 = tpu.vector_load %arg8[%swap3A_220, %swap3A_221] {strides = array<i32>} : memref<2x96xi32, #tpu.memory_space<vmem>>, vector<1x16xi32>,
          %swap3A_223 = vector.shape_cast %swap3A_222 : vector<1x16xi32> to vector<16xi32>
          %swap3A_224 = vector.shape_cast %add3A_218 : vector<16xi32> to vector<1x16xi32>
          tpu.vector_store %arg8[%swap3A_220, %swap3A_221], %swap3A_224 {strides = array<i32>} : memref<2x96xi32, #tpu.memory_space<vmem>>, vector<1x16xi32>,
        }
        %scan3A_203 = arith.constant 6 : i32
      } else {
      }
      %lt3A_141 = arith.constant 104 : i32
      %lt3A_142 = arith.cmpi slt, %add3A_133, %lt3A_141 : i32
      %convert_element_type3A_143 = arith.extui %lt3A_142 : i1 to i32
      %cond3A_144 = arith.constant 0 : i32
      %cond3A_145 = arith.cmpi ne, %convert_element_type3A_143, %cond3A_144 : i32
      scf.if %cond3A_145 {
        %dma_wait3A_158 = arith.constant 1 : i32
        %dma_wait3A_159 = arith.constant 1 : i32
        %dma_wait3A_160 = arith.constant 0 : i32
        %dma_wait3A_161 = arith.constant 0 : i32
        %dma_wait3A_162 = tpu.memref_slice %arg9[%dma_wait3A_159, %dma_wait3A_160, %dma_wait3A_161] : memref<2x96x128xf32, #tpu.memory_space<vmem>> -> memref<1x96x128xf32, #tpu.memory_space<vmem>>
        %dma_wait3A_163 = tpu.memref_squeeze %dma_wait3A_162 : memref<1x96x128xf32, #tpu.memory_space<vmem>> -> memref<96x128xf32, #tpu.memory_space<vmem>>
        %dma_wait3A_164 = arith.constant 0 : i32
        %dma_wait3A_165 = tpu.memref_slice %arg8[%dma_wait3A_158, %dma_wait3A_164] : memref<2x96xi32, #tpu.memory_space<vmem>> -> memref<1x96xi32, #tpu.memory_space<vmem>>
        %dma_wait3A_166 = tpu.memref_squeeze %dma_wait3A_165 : memref<1x96xi32, #tpu.memory_space<vmem>> -> memref<96xi32, #tpu.memory_space<vmem>>
        %dma_wait3A_167 = arith.constant 0 : i32
        %dma_wait3A_168 = arith.constant 0 : i32
        %dma_wait3A_169 = tpu.memref_slice %arg2[%dma_wait3A_167, %dma_wait3A_168] : memref<20000x128xf32, #tpu.memory_space<hbm>> -> memref<20000x128xf32, #tpu.memory_space<hbm>>
        tpu.wait_indirect_dma semaphore(%arg18 : memref<!tpu.dma_semaphore, #tpu.memory_space<semaphore_mem>>) src(%dma_wait3A_169 : memref<20000x128xf32, #tpu.memory_space<hbm>>) dst(%dma_wait3A_163 : memref<96x128xf32, #tpu.memory_space<vmem>>)
      } else {
      }
      %add3A_146 = arith.constant 1 : i32
      %add3A_147 = arith.addi %add3A_133, %add3A_146 : i32
      %lt3A_148 = arith.constant 104 : i32
      %lt3A_149 = arith.cmpi slt, %add3A_147, %lt3A_148 : i32
      %convert_element_type3A_150 = arith.extui %lt3A_149 : i1 to i32
      %cond3A_151 = arith.constant 0 : i32
      %cond3A_152 = arith.cmpi ne, %convert_element_type3A_150, %cond3A_151 : i32
      scf.if %cond3A_152 {
        %dma_start3A_158 = arith.constant 0 : i32
        %dma_start3A_159 = arith.constant 0 : i32
        %dma_start3A_160 = arith.constant 0 : i32
        %dma_start3A_161 = arith.constant 0 : i32
        %dma_start3A_162 = tpu.memref_slice %arg9[%dma_start3A_159, %dma_start3A_160, %dma_start3A_161] : memref<2x96x128xf32, #tpu.memory_space<vmem>> -> memref<1x96x128xf32, #tpu.memory_space<vmem>>
        %dma_start3A_163 = tpu.memref_squeeze %dma_start3A_162 : memref<1x96x128xf32, #tpu.memory_space<vmem>> -> memref<96x128xf32, #tpu.memory_space<vmem>>
        %dma_start3A_164 = arith.constant 0 : i32
        %dma_start3A_165 = tpu.memref_slice %arg8[%dma_start3A_158, %dma_start3A_164] : memref<2x96xi32, #tpu.memory_space<vmem>> -> memref<1x96xi32, #tpu.memory_space<vmem>>
        %dma_start3A_166 = tpu.memref_squeeze %dma_start3A_165 : memref<1x96xi32, #tpu.memory_space<vmem>> -> memref<96xi32, #tpu.memory_space<vmem>>
        %dma_start3A_167 = arith.constant 0 : i32
        %dma_start3A_168 = arith.constant 0 : i32
        %dma_start3A_169 = tpu.memref_slice %arg2[%dma_start3A_167, %dma_start3A_168] : memref<20000x128xf32, #tpu.memory_space<hbm>> -> memref<20000x128xf32, #tpu.memory_space<hbm>>
        tpu.enqueue_indirect_dma source(%dma_start3A_169 : memref<20000x128xf32, #tpu.memory_space<hbm>>) target(%dma_start3A_163 : memref<96x128xf32, #tpu.memory_space<vmem>>) offsets(%dma_start3A_166 : memref<96xi32, #tpu.memory_space<vmem>>) semaphore(%arg17 : memref<!tpu.dma_semaphore, #tpu.memory_space<semaphore_mem>>)
      } else {
      }
      %lt3A_153 = arith.constant 104 : i32
      %lt3A_154 = arith.cmpi slt, %add3A_133, %lt3A_153 : i32
      %convert_element_type3A_155 = arith.extui %lt3A_154 : i1 to i32
      %cond3A_156 = arith.constant 0 : i32
      %cond3A_157 = arith.cmpi ne, %convert_element_type3A_155, %cond3A_156 : i32
      scf.if %cond3A_157 {
        %run_scoped3A = arith.constant 1 : i32
        %run_scoped3A_158 = arith.constant 1 : i32
        "tpu.region"() ({
          %run_scoped3A_159 = tpu.sem_alloc : memref<!tpu.dma_semaphore, #tpu.memory_space<semaphore_mem>>
          %dma_start3A_160 = arith.constant 0 : i32
          %dma_start3A_161 = arith.constant 0 : i32
          %dma_start3A_162 = tpu.memref_slice %arg9[%run_scoped3A, %dma_start3A_160, %dma_start3A_161] : memref<2x96x128xf32, #tpu.memory_space<vmem>> -> memref<1x96x128xf32, #tpu.memory_space<vmem>>
          %dma_start3A_163 = tpu.memref_squeeze %dma_start3A_162 : memref<1x96x128xf32, #tpu.memory_space<vmem>> -> memref<96x128xf32, #tpu.memory_space<vmem>>
          %dma_start3A_164 = arith.constant 0 : i32
          %dma_start3A_165 = tpu.memref_slice %arg7[%run_scoped3A_158, %dma_start3A_164] : memref<2x96xi32, #tpu.memory_space<vmem>> -> memref<1x96xi32, #tpu.memory_space<vmem>>
          %dma_start3A_166 = tpu.memref_squeeze %dma_start3A_165 : memref<1x96xi32, #tpu.memory_space<vmem>> -> memref<96xi32, #tpu.memory_space<vmem>>
          %dma_start3A_167 = arith.constant 0 : i32
          %dma_start3A_168 = arith.constant 0 : i32
          %dma_start3A_169 = tpu.memref_slice %arg15[%dma_start3A_167, %dma_start3A_168] : memref<10240x128xf32, #tpu.memory_space<vmem_shared>> -> memref<10240x128xf32, #tpu.memory_space<vmem_shared>>
          tpu.enqueue_indirect_dma source(%dma_start3A_163 : memref<96x128xf32, #tpu.memory_space<vmem>>) target(%dma_start3A_169 : memref<10240x128xf32, #tpu.memory_space<vmem_shared>>) offsets(%dma_start3A_166 : memref<96xi32, #tpu.memory_space<vmem>>) semaphore(%run_scoped3A_159 : memref<!tpu.dma_semaphore, #tpu.memory_space<semaphore_mem>>) {add = true}
          %dma_wait3A_170 = arith.constant 0 : i32
          %dma_wait3A_171 = arith.constant 0 : i32
          %dma_wait3A_172 = tpu.memref_slice %arg9[%run_scoped3A, %dma_wait3A_170, %dma_wait3A_171] : memref<2x96x128xf32, #tpu.memory_space<vmem>> -> memref<1x96x128xf32, #tpu.memory_space<vmem>>
          %dma_wait3A_173 = tpu.memref_squeeze %dma_wait3A_172 : memref<1x96x128xf32, #tpu.memory_space<vmem>> -> memref<96x128xf32, #tpu.memory_space<vmem>>
          %dma_wait3A_174 = arith.constant 0 : i32
          %dma_wait3A_175 = tpu.memref_slice %arg7[%run_scoped3A_158, %dma_wait3A_174] : memref<2x96xi32, #tpu.memory_space<vmem>> -> memref<1x96xi32, #tpu.memory_space<vmem>>
          %dma_wait3A_176 = tpu.memref_squeeze %dma_wait3A_175 : memref<1x96xi32, #tpu.memory_space<vmem>> -> memref<96xi32, #tpu.memory_space<vmem>>
          %dma_wait3A_177 = arith.constant 0 : i32
          %dma_wait3A_178 = arith.constant 0 : i32
          %dma_wait3A_179 = tpu.memref_slice %arg15[%dma_wait3A_177, %dma_wait3A_178] : memref<10240x128xf32, #tpu.memory_space<vmem_shared>> -> memref<10240x128xf32, #tpu.memory_space<vmem_shared>>
          tpu.wait_indirect_dma semaphore(%run_scoped3A_159 : memref<!tpu.dma_semaphore, #tpu.memory_space<semaphore_mem>>) src(%dma_wait3A_173 : memref<96x128xf32, #tpu.memory_space<vmem>>) dst(%dma_wait3A_179 : memref<10240x128xf32, #tpu.memory_space<vmem_shared>>)
          tpu.yield
        }) : () -> ()
      } else {
      }
    }
    %scan3A_68 = arith.constant 52 : i32
    %add3A_69 = arith.constant 9984 : i32
    %add3A_70 = arith.addi %mul3A_11, %add3A_69 : i32
    %dma_start3A_71 = tpu.memref_slice %arg3[%add3A_70] : memref<160000xi32, #tpu.memory_space<hbm>> -> memref<16xi32, #tpu.memory_space<hbm>>
    %dma_start3A_72 = tpu.memref_slice %arg3[%add3A_70] : memref<160000xi32, #tpu.memory_space<hbm>> -> memref<16xi32, #tpu.memory_space<hbm>>
    tpu.enqueue_dma source(%dma_start3A_72 : memref<16xi32, #tpu.memory_space<hbm>>) target(%arg10 : memref<16xi32, #tpu.memory_space<vmem>>) target_semaphore(%arg16 : memref<!tpu.dma_semaphore, #tpu.memory_space<semaphore_mem>>)
    %dma_start3A_73 = tpu.memref_slice %arg4[%add3A_70] : memref<160000xi32, #tpu.memory_space<hbm>> -> memref<16xi32, #tpu.memory_space<hbm>>
    %dma_start3A_74 = tpu.memref_slice %arg4[%add3A_70] : memref<160000xi32, #tpu.memory_space<hbm>> -> memref<16xi32, #tpu.memory_space<hbm>>
    tpu.enqueue_dma source(%dma_start3A_74 : memref<16xi32, #tpu.memory_space<hbm>>) target(%arg11 : memref<16xi32, #tpu.memory_space<vmem>>) target_semaphore(%arg16 : memref<!tpu.dma_semaphore, #tpu.memory_space<semaphore_mem>>)
    %dma_wait3A_75 = tpu.memref_slice %arg3[%add3A_70] : memref<160000xi32, #tpu.memory_space<hbm>> -> memref<16xi32, #tpu.memory_space<hbm>>
    %dma_wait3A_76 = tpu.memref_slice %arg3[%add3A_70] : memref<160000xi32, #tpu.memory_space<hbm>> -> memref<16xi32, #tpu.memory_space<hbm>>
    tpu.wait_dma2 semaphore(%arg16 : memref<!tpu.dma_semaphore, #tpu.memory_space<semaphore_mem>>) src(%dma_wait3A_76 : memref<16xi32, #tpu.memory_space<hbm>>) dst(%arg10 : memref<16xi32, #tpu.memory_space<vmem>>)
    %dma_wait3A_77 = tpu.memref_slice %arg4[%add3A_70] : memref<160000xi32, #tpu.memory_space<hbm>> -> memref<16xi32, #tpu.memory_space<hbm>>
    %dma_wait3A_78 = tpu.memref_slice %arg4[%add3A_70] : memref<160000xi32, #tpu.memory_space<hbm>> -> memref<16xi32, #tpu.memory_space<hbm>>
    tpu.wait_dma2 semaphore(%arg16 : memref<!tpu.dma_semaphore, #tpu.memory_space<semaphore_mem>>) src(%dma_wait3A_78 : memref<16xi32, #tpu.memory_space<hbm>>) dst(%arg11 : memref<16xi32, #tpu.memory_space<vmem>>)
    %scan3A_79 = arith.constant 0 : i32
    %mul3A_80 = arith.constant 16 : i32
    %mul3A_81 = arith.muli %scan3A_79, %mul3A_80 : i32
    %add3A_82 = arith.constant 0 : i32
    %add3A_83 = arith.addi %add3A_82, %mul3A_81 : i32
    %get3A = arith.index_cast %add3A_83 : i32 to index
    %get3A_84 = tpu.vector_load %arg10[%get3A] {strides = array<i32>} : memref<16xi32, #tpu.memory_space<vmem>>, vector<16xi32>,
    %get3A_85 = vector.shape_cast %get3A_84 : vector<16xi32> to vector<16xi32>
    %mul3A_86 = arith.constant 2 : i32
    %mul3A_87 = vector.broadcast %mul3A_86 : i32 to vector<16xi32>
    %mul3A_88 = arith.muli %get3A_85, %mul3A_87 : vector<16xi32>
    %add3A_89 = vector.broadcast %arg0 : i32 to vector<16xi32>
    %add3A_90 = arith.addi %mul3A_88, %add3A_89 : vector<16xi32>
    %swap3A = arith.index_cast %add3A_83 : i32 to index
    %swap3A_91 = tpu.vector_load %arg12[%swap3A] {strides = array<i32>} : memref<16xi32, #tpu.memory_space<vmem>>, vector<16xi32>,
    %swap3A_92 = vector.shape_cast %swap3A_91 : vector<16xi32> to vector<16xi32>
    %swap3A_93 = vector.shape_cast %add3A_90 : vector<16xi32> to vector<16xi32>
    tpu.vector_store %arg12[%swap3A], %swap3A_93 {strides = array<i32>} : memref<16xi32, #tpu.memory_space<vmem>>, vector<16xi32>,
    %scan3A_94 = arith.constant 1 : i32
    %dma_start3A_95 = arith.constant 0 : i32
    %dma_start3A_96 = arith.constant 0 : i32
    %dma_start3A_97 = tpu.memref_slice %arg2[%dma_start3A_95, %dma_start3A_96] : memref<20000x128xf32, #tpu.memory_space<hbm>> -> memref<20000x128xf32, #tpu.memory_space<hbm>>
    tpu.enqueue_indirect_dma source(%dma_start3A_97 : memref<20000x128xf32, #tpu.memory_space<hbm>>) target(%arg13 : memref<16x128xf32, #tpu.memory_space<vmem>>) offsets(%arg12 : memref<16xi32, #tpu.memory_space<vmem>>) semaphore(%arg17 : memref<!tpu.dma_semaphore, #tpu.memory_space<semaphore_mem>>)
    %dma_wait3A_98 = arith.constant 0 : i32
    %dma_wait3A_99 = arith.constant 0 : i32
    %dma_wait3A_100 = tpu.memref_slice %arg2[%dma_wait3A_98, %dma_wait3A_99] : memref<20000x128xf32, #tpu.memory_space<hbm>> -> memref<20000x128xf32, #tpu.memory_space<hbm>>
    tpu.wait_indirect_dma semaphore(%arg17 : memref<!tpu.dma_semaphore, #tpu.memory_space<semaphore_mem>>) src(%dma_wait3A_100 : memref<20000x128xf32, #tpu.memory_space<hbm>>) dst(%arg13 : memref<16x128xf32, #tpu.memory_space<vmem>>)
    "tpu.region"() ({
      %run_scoped3A = tpu.sem_alloc : memref<!tpu.dma_semaphore, #tpu.memory_space<semaphore_mem>>
      %dma_start3A_102 = arith.constant 0 : i32
      %dma_start3A_103 = arith.constant 0 : i32
      %dma_start3A_104 = tpu.memref_slice %arg15[%dma_start3A_102, %dma_start3A_103] : memref<10240x128xf32, #tpu.memory_space<vmem_shared>> -> memref<10240x128xf32, #tpu.memory_space<vmem_shared>>
      tpu.enqueue_indirect_dma source(%arg13 : memref<16x128xf32, #tpu.memory_space<vmem>>) target(%dma_start3A_104 : memref<10240x128xf32, #tpu.memory_space<vmem_shared>>) offsets(%arg11 : memref<16xi32, #tpu.memory_space<vmem>>) semaphore(%run_scoped3A : memref<!tpu.dma_semaphore, #tpu.memory_space<semaphore_mem>>) {add = true}
      %dma_wait3A_105 = arith.constant 0 : i32
      %dma_wait3A_106 = arith.constant 0 : i32
      %dma_wait3A_107 = tpu.memref_slice %arg15[%dma_wait3A_105, %dma_wait3A_106] : memref<10240x128xf32, #tpu.memory_space<vmem_shared>> -> memref<10240x128xf32, #tpu.memory_space<vmem_shared>>
      tpu.wait_indirect_dma semaphore(%run_scoped3A : memref<!tpu.dma_semaphore, #tpu.memory_space<semaphore_mem>>) src(%arg13 : memref<16x128xf32, #tpu.memory_space<vmem>>) dst(%dma_wait3A_107 : memref<10240x128xf32, #tpu.memory_space<vmem_shared>>)
      tpu.yield
    }) : () -> ()
    %barrier3A_101 = arith.constant 0 : index
    tpu.barrier barrier_id(%barrier3A_101)
    "tpu.region"() ({
      %run_scoped3A = tpu.sem_alloc : memref<!tpu.dma_semaphore, #tpu.memory_space<semaphore_mem>>
      %dma_start3A_102 = arith.constant 0 : i32
      %dma_start3A_103 = tpu.memref_slice %arg5[%arg0, %mul3A_4, %dma_start3A_102] : memref<2x10240x128xf32, #tpu.memory_space<hbm>> -> memref<1x640x128xf32, #tpu.memory_space<hbm>>
      %dma_start3A_104 = tpu.memref_squeeze %dma_start3A_103 : memref<1x640x128xf32, #tpu.memory_space<hbm>> -> memref<640x128xf32, #tpu.memory_space<hbm>>
      %dma_start3A_105 = arith.constant 0 : i32
      %dma_start3A_106 = tpu.memref_slice %arg15[%mul3A_4, %dma_start3A_105] : memref<10240x128xf32, #tpu.memory_space<vmem_shared>> -> memref<640x128xf32, #tpu.memory_space<vmem_shared>>
      tpu.enqueue_dma source(%dma_start3A_106 : memref<640x128xf32, #tpu.memory_space<vmem_shared>>) target(%dma_start3A_104 : memref<640x128xf32, #tpu.memory_space<hbm>>) target_semaphore(%run_scoped3A : memref<!tpu.dma_semaphore, #tpu.memory_space<semaphore_mem>>)
      %dma_wait3A_107 = arith.constant 0 : i32
      %dma_wait3A_108 = tpu.memref_slice %arg5[%arg0, %mul3A_4, %dma_wait3A_107] : memref<2x10240x128xf32, #tpu.memory_space<hbm>> -> memref<1x640x128xf32, #tpu.memory_space<hbm>>
      %dma_wait3A_109 = tpu.memref_squeeze %dma_wait3A_108 : memref<1x640x128xf32, #tpu.memory_space<hbm>> -> memref<640x128xf32, #tpu.memory_space<hbm>>
      %dma_wait3A_110 = arith.constant 0 : i32
      %dma_wait3A_111 = tpu.memref_slice %arg15[%mul3A_4, %dma_wait3A_110] : memref<10240x128xf32, #tpu.memory_space<vmem_shared>> -> memref<640x128xf32, #tpu.memory_space<vmem_shared>>
      tpu.wait_dma2 semaphore(%run_scoped3A : memref<!tpu.dma_semaphore, #tpu.memory_space<semaphore_mem>>) src(%dma_wait3A_111 : memref<640x128xf32, #tpu.memory_space<vmem_shared>>) dst(%dma_wait3A_109 : memref<640x128xf32, #tpu.memory_space<hbm>>)
      tpu.yield
    }) : () -> ()
    return
  }
}

module attributes {stable_mosaic.version = 14 : i64} {
  func.func @_tc_block0_body(%arg0: i32, %arg1: i32, %arg2: memref<1000x1xf32, #tpu.memory_space<vmem>>, %arg3: memref<2x1000x1xf32, #tpu.memory_space<vmem>>, %arg4: memref<1x1xf32, #tpu.memory_space<vmem>>, %arg5: memref<1x256xf32, #tpu.memory_space<vmem>>, %arg6: memref<1x256xf32, #tpu.memory_space<vmem>>, %arg7: memref<256x256xf32, #tpu.memory_space<vmem>>, %arg8: memref<1x256xf32, #tpu.memory_space<vmem>>, %arg9: memref<1x256xf32, #tpu.memory_space<vmem>>, %arg10: memref<1x256xf32, #tpu.memory_space<vmem>>, %arg11: memref<1x256xf32, #tpu.memory_space<vmem>>, %arg12: memref<1x256xf32, #tpu.memory_space<vmem>>, %arg13: memref<1000x256xf32, #tpu.memory_space<vmem>>, %arg14: memref<10000x256xf32, #tpu.memory_space<vmem>>, %arg15: memref<8x256xf32, #tpu.memory_space<vmem>>) attributes {dimension_semantics = [#tpu.dimension_semantics<arbitrary>, #tpu.dimension_semantics<arbitrary>], iteration_bounds = array<i64: 5, 10>, scalar_prefetch = 0 : i64, scratch_operands = 2 : i64, tpu.core_type = #tpu.core_type<tc>, window_params = [{transform_indices = @transform_0, window_bounds = array<i64: 1000, 1>}, {transform_indices = @transform_1, window_bounds = array<i64: 2, 1000, 1>}, {pipeline_mode = #tpu.pipeline_mode<synchronous>, transform_indices = @transform_2, window_bounds = array<i64: 1, 1>}, {pipeline_mode = #tpu.pipeline_mode<synchronous>, transform_indices = @transform_3, window_bounds = array<i64: 1, 256>}, {pipeline_mode = #tpu.pipeline_mode<synchronous>, transform_indices = @transform_4, window_bounds = array<i64: 1, 256>}, {pipeline_mode = #tpu.pipeline_mode<synchronous>, transform_indices = @transform_5, window_bounds = array<i64: 256, 256>}, {pipeline_mode = #tpu.pipeline_mode<synchronous>, transform_indices = @transform_6, window_bounds = array<i64: 1, 256>}, {pipeline_mode = #tpu.pipeline_mode<synchronous>, transform_indices = @transform_7, window_bounds = array<i64: 1, 256>}, {pipeline_mode = #tpu.pipeline_mode<synchronous>, transform_indices = @transform_8, window_bounds = array<i64: 1, 256>}, {pipeline_mode = #tpu.pipeline_mode<synchronous>, transform_indices = @transform_9, window_bounds = array<i64: 1, 256>}, {pipeline_mode = #tpu.pipeline_mode<synchronous>, transform_indices = @transform_10, window_bounds = array<i64: 1, 256>}, {transform_indices = @transform_11, window_bounds = array<i64: 1000, 256>}]} {
    %mul3A = arith.constant 1000 : i32
    %mul3A_0 = arith.muli %arg1, %mul3A : i32
    %eq3A = arith.constant 0 : i32
    %eq3A_1 = arith.cmpi eq, %arg0, %eq3A : i32
    %eq3A_2 = arith.constant 0 : i32
    %eq3A_3 = arith.cmpi eq, %arg1, %eq3A_2 : i32
    %and3A = arith.andi %eq3A_1, %eq3A_3 : i1
    %convert_element_type3A = arith.extui %and3A : i1 to i32
    %cond3A = arith.constant 0 : i32
    %cond3A_4 = arith.cmpi ne, %convert_element_type3A, %cond3A : i32
    scf.if %cond3A_4 {
      %broadcast_in_dim3A = arith.constant 0.000000e+00 : f32
      %broadcast_in_dim3A_34 = vector.broadcast %broadcast_in_dim3A : f32 to vector<8x256xf32>
      %swap3A = arith.constant 0 : index
      %swap3A_35 = arith.constant 0 : index
      %swap3A_36 = vector.load %arg15[%swap3A, %swap3A_35] : memref<8x256xf32, #tpu.memory_space<vmem>>, vector<8x256xf32>
      tpu.vector_store %arg15[%swap3A, %swap3A_35], %broadcast_in_dim3A_34 {strides = array<i32>} : memref<8x256xf32, #tpu.memory_space<vmem>>, vector<8x256xf32>,
    } else {
    }
    %eq3A_5 = arith.constant 0 : i32
    %eq3A_6 = arith.cmpi eq, %arg0, %eq3A_5 : i32
    %convert_element_type3A_7 = arith.extui %eq3A_6 : i1 to i32
    %cond3A_8 = arith.constant 0 : i32
    %cond3A_9 = arith.cmpi ne, %convert_element_type3A_7, %cond3A_8 : i32
    scf.if %cond3A_9 {
      %get3A = arith.constant 0 : index
      %get3A_34 = arith.constant 0 : index
      %get3A_35 = arith.constant 0 : index
      %get3A_36 = vector.load %arg3[%get3A, %get3A_34, %get3A_35] : memref<2x1000x1xf32, #tpu.memory_space<vmem>>, vector<1x1000x1xf32>
      %get3A_37 = vector.shape_cast %get3A_36 : vector<1x1000x1xf32> to vector<1000x1xf32>
      %get3A_38 = arith.constant 1 : index
      %get3A_39 = arith.constant 0 : index
      %get3A_40 = arith.constant 0 : index
      %get3A_41 = vector.load %arg3[%get3A_38, %get3A_39, %get3A_40] : memref<2x1000x1xf32, #tpu.memory_space<vmem>>, vector<1x1000x1xf32>
      %get3A_42 = vector.shape_cast %get3A_41 : vector<1x1000x1xf32> to vector<1000x1xf32>
      %add3A = arith.addf %get3A_37, %get3A_42 : vector<1000x1xf32>
      %get3A_43 = arith.constant 0 : index
      %get3A_44 = arith.constant 0 : index
      %get3A_45 = vector.load %arg2[%get3A_43, %get3A_44] : memref<1000x1xf32, #tpu.memory_space<vmem>>, vector<1000x1xf32>
      %get3A_46 = arith.constant 0 : index
      %get3A_47 = arith.constant 0 : index
      %get3A_48 = vector.load %arg4[%get3A_46, %get3A_47] : memref<1x1xf32, #tpu.memory_space<vmem>>, vector<1x1xf32>
      %mul3A_49 = vector.broadcast %get3A_48 : vector<1x1xf32> to vector<1000x1xf32>
      %mul3A_50 = arith.mulf %get3A_45, %mul3A_49 : vector<1000x1xf32>
      %add3A_51 = arith.addf %mul3A_50, %add3A : vector<1000x1xf32>
      %get3A_52 = arith.constant 0 : index
      %get3A_53 = arith.constant 0 : index
      %get3A_54 = vector.load %arg5[%get3A_52, %get3A_53] : memref<1x256xf32, #tpu.memory_space<vmem>>, vector<1x256xf32>
      %mul3A_55 = vector.broadcast %add3A_51 : vector<1000x1xf32> to vector<1000x256xf32>
      %mul3A_56 = vector.broadcast %get3A_54 : vector<1x256xf32> to vector<1000x256xf32>
      %mul3A_57 = arith.mulf %mul3A_55, %mul3A_56 : vector<1000x256xf32>
      %get3A_58 = arith.constant 0 : index
      %get3A_59 = arith.constant 0 : index
      %get3A_60 = vector.load %arg6[%get3A_58, %get3A_59] : memref<1x256xf32, #tpu.memory_space<vmem>>, vector<1x256xf32>
      %add3A_61 = vector.broadcast %get3A_60 : vector<1x256xf32> to vector<1000x256xf32>
      %add3A_62 = arith.addf %mul3A_57, %add3A_61 : vector<1000x256xf32>
      %max3A = arith.constant 0.000000e+00 : f32
      %max3A_63 = vector.broadcast %max3A : f32 to vector<1000x256xf32>
      %max3A_64 = arith.maximumf %add3A_62, %max3A_63 : vector<1000x256xf32>
      %get3A_65 = arith.constant 0 : index
      %get3A_66 = arith.constant 0 : index
      %get3A_67 = vector.load %arg7[%get3A_65, %get3A_66] : memref<256x256xf32, #tpu.memory_space<vmem>>, vector<256x256xf32>
      %dot_general3A = arith.constant dense<0.000000e+00> : vector<1000x256xf32>
      %dot_general3A_68 = tpu.matmul %max3A_64, %get3A_67, %dot_general3A {dimension_numbers = #tpu.dot_dimension_numbers<[1], [0], [0], [1], [0, 0, 1, 1], [], []>, transpose_lhs_hint = false} : vector<1000x256xf32>, vector<256x256xf32>, vector<1000x256xf32> -> vector<1000x256xf32>
      %get3A_69 = arith.constant 0 : index
      %get3A_70 = arith.constant 0 : index
      %get3A_71 = vector.load %arg8[%get3A_69, %get3A_70] : memref<1x256xf32, #tpu.memory_space<vmem>>, vector<1x256xf32>
      %add3A_72 = vector.broadcast %get3A_71 : vector<1x256xf32> to vector<1000x256xf32>
      %add3A_73 = arith.addf %dot_general3A_68, %add3A_72 : vector<1000x256xf32>
      %max3A_74 = arith.constant 0.000000e+00 : f32
      %max3A_75 = vector.broadcast %max3A_74 : f32 to vector<1000x256xf32>
      %max3A_76 = arith.maximumf %add3A_73, %max3A_75 : vector<1000x256xf32>
      %swap3A = arith.index_cast %mul3A_0 : i32 to index
      %swap3A_77 = arith.constant 0 : index
      %swap3A_78 = vector.load %arg14[%swap3A, %swap3A_77] : memref<10000x256xf32, #tpu.memory_space<vmem>>, vector<1000x256xf32>
      tpu.vector_store %arg14[%swap3A, %swap3A_77], %max3A_76 {strides = array<i32>} : memref<10000x256xf32, #tpu.memory_space<vmem>>, vector<1000x256xf32>,
      %get3A_79 = arith.constant 0 : index
      %get3A_80 = arith.constant 0 : index
      %get3A_81 = vector.load %arg15[%get3A_79, %get3A_80] : memref<8x256xf32, #tpu.memory_space<vmem>>, vector<1x256xf32>
      %reduce_sum3A = arith.constant dense<0.000000e+00> : vector<256xf32>
      %reduce_sum3A_82 = vector.multi_reduction <add>, %max3A_76, %reduce_sum3A [0] : vector<1000x256xf32> to vector<256xf32>
      %broadcast_in_dim3A = vector.shape_cast %reduce_sum3A_82 : vector<256xf32> to vector<1x256xf32>
      %add3A_83 = arith.addf %get3A_81, %broadcast_in_dim3A : vector<1x256xf32>
      %swap3A_84 = arith.constant 0 : index
      %swap3A_85 = arith.constant 0 : index
      %swap3A_86 = vector.load %arg15[%swap3A_84, %swap3A_85] : memref<8x256xf32, #tpu.memory_space<vmem>>, vector<1x256xf32>
      tpu.vector_store %arg15[%swap3A_84, %swap3A_85], %add3A_83 {strides = array<i32>} : memref<8x256xf32, #tpu.memory_space<vmem>>, vector<1x256xf32>,
    } else {
    }
    %eq3A_10 = arith.constant 1 : i32
    %eq3A_11 = arith.cmpi eq, %arg0, %eq3A_10 : i32
    %convert_element_type3A_12 = arith.extui %eq3A_11 : i1 to i32
    %cond3A_13 = arith.constant 1.000000e+04 : f32
    %cond3A_14 = arith.constant 0 : i32
    %cond3A_15 = arith.cmpi ne, %convert_element_type3A_12, %cond3A_14 : i32
    scf.if %cond3A_15 {
      %get3A = arith.index_cast %mul3A_0 : i32 to index
      %get3A_34 = arith.constant 0 : index
      %get3A_35 = vector.load %arg14[%get3A, %get3A_34] : memref<10000x256xf32, #tpu.memory_space<vmem>>, vector<1000x256xf32>
      %get3A_36 = arith.constant 0 : index
      %get3A_37 = arith.constant 0 : index
      %get3A_38 = vector.load %arg15[%get3A_36, %get3A_37] : memref<8x256xf32, #tpu.memory_space<vmem>>, vector<1x256xf32>
      %div3A = vector.broadcast %cond3A_13 : f32 to vector<1x256xf32>
      %div3A_39 = arith.divf %get3A_38, %div3A : vector<1x256xf32>
      %sub3A = vector.broadcast %div3A_39 : vector<1x256xf32> to vector<1000x256xf32>
      %sub3A_40 = arith.subf %get3A_35, %sub3A : vector<1000x256xf32>
      %get3A_41 = arith.constant 1 : index
      %get3A_42 = arith.constant 0 : index
      %get3A_43 = vector.load %arg15[%get3A_41, %get3A_42] : memref<8x256xf32, #tpu.memory_space<vmem>>, vector<1x256xf32>
      %mul3A_44 = arith.mulf %sub3A_40, %sub3A_40 : vector<1000x256xf32>
      %reduce_sum3A = arith.constant dense<0.000000e+00> : vector<256xf32>
      %reduce_sum3A_45 = vector.multi_reduction <add>, %mul3A_44, %reduce_sum3A [0] : vector<1000x256xf32> to vector<256xf32>
      %broadcast_in_dim3A = vector.shape_cast %reduce_sum3A_45 : vector<256xf32> to vector<1x256xf32>
      %add3A = arith.addf %get3A_43, %broadcast_in_dim3A : vector<1x256xf32>
      %swap3A = arith.constant 1 : index
      %swap3A_46 = arith.constant 0 : index
      %swap3A_47 = vector.load %arg15[%swap3A, %swap3A_46] : memref<8x256xf32, #tpu.memory_space<vmem>>, vector<1x256xf32>
      tpu.vector_store %arg15[%swap3A, %swap3A_46], %add3A {strides = array<i32>} : memref<8x256xf32, #tpu.memory_space<vmem>>, vector<1x256xf32>,
    } else {
    }
    %eq3A_16 = arith.constant 2 : i32
    %eq3A_17 = arith.cmpi eq, %arg0, %eq3A_16 : i32
    %convert_element_type3A_18 = arith.extui %eq3A_17 : i1 to i32
    %cond3A_19 = arith.constant 1.000000e+04 : f32
    %cond3A_20 = arith.constant 0 : i32
    %cond3A_21 = arith.cmpi ne, %convert_element_type3A_18, %cond3A_20 : i32
    scf.if %cond3A_21 {
      %get3A = arith.index_cast %mul3A_0 : i32 to index
      %get3A_34 = arith.constant 0 : index
      %get3A_35 = vector.load %arg14[%get3A, %get3A_34] : memref<10000x256xf32, #tpu.memory_space<vmem>>, vector<1000x256xf32>
      %get3A_36 = arith.constant 0 : index
      %get3A_37 = arith.constant 0 : index
      %get3A_38 = vector.load %arg15[%get3A_36, %get3A_37] : memref<8x256xf32, #tpu.memory_space<vmem>>, vector<1x256xf32>
      %div3A = vector.broadcast %cond3A_19 : f32 to vector<1x256xf32>
      %div3A_39 = arith.divf %get3A_38, %div3A : vector<1x256xf32>
      %get3A_40 = arith.constant 1 : index
      %get3A_41 = arith.constant 0 : index
      %get3A_42 = vector.load %arg15[%get3A_40, %get3A_41] : memref<8x256xf32, #tpu.memory_space<vmem>>, vector<1x256xf32>
      %div3A_43 = vector.broadcast %cond3A_19 : f32 to vector<1x256xf32>
      %div3A_44 = arith.divf %get3A_42, %div3A_43 : vector<1x256xf32>
      %add3A = arith.constant 9.99999974E-6 : f32
      %add3A_45 = vector.broadcast %add3A : f32 to vector<1x256xf32>
      %add3A_46 = arith.addf %div3A_44, %add3A_45 : vector<1x256xf32>
      %sqrt3A = math.sqrt %add3A_46 : vector<1x256xf32>
      %sub3A = vector.broadcast %div3A_39 : vector<1x256xf32> to vector<1000x256xf32>
      %sub3A_47 = arith.subf %get3A_35, %sub3A : vector<1000x256xf32>
      %div3A_48 = vector.broadcast %sqrt3A : vector<1x256xf32> to vector<1000x256xf32>
      %div3A_49 = arith.divf %sub3A_47, %div3A_48 : vector<1000x256xf32>
      %get3A_50 = arith.constant 0 : index
      %get3A_51 = arith.constant 0 : index
      %get3A_52 = vector.load %arg9[%get3A_50, %get3A_51] : memref<1x256xf32, #tpu.memory_space<vmem>>, vector<1x256xf32>
      %mul3A_53 = vector.broadcast %get3A_52 : vector<1x256xf32> to vector<1000x256xf32>
      %mul3A_54 = arith.mulf %div3A_49, %mul3A_53 : vector<1000x256xf32>
      %get3A_55 = arith.constant 0 : index
      %get3A_56 = arith.constant 0 : index
      %get3A_57 = vector.load %arg10[%get3A_55, %get3A_56] : memref<1x256xf32, #tpu.memory_space<vmem>>, vector<1x256xf32>
      %add3A_58 = vector.broadcast %get3A_57 : vector<1x256xf32> to vector<1000x256xf32>
      %add3A_59 = arith.addf %mul3A_54, %add3A_58 : vector<1000x256xf32>
      %ge3A = arith.constant 0.000000e+00 : f32
      %ge3A_60 = vector.broadcast %ge3A : f32 to vector<1000x256xf32>
      %ge3A_61 = arith.cmpf oge, %add3A_59, %ge3A_60 : vector<1000x256xf32>
      %mul3A_62 = arith.constant 0.00999999977 : f32
      %mul3A_63 = vector.broadcast %mul3A_62 : f32 to vector<1000x256xf32>
      %mul3A_64 = arith.mulf %mul3A_63, %add3A_59 : vector<1000x256xf32>
      %select_n3A = arith.select %ge3A_61, %add3A_59, %mul3A_64 : vector<1000x256xi1>, vector<1000x256xf32>
      %mul3A_65 = arith.constant 0.00999999977 : f32
      %mul3A_66 = vector.broadcast %mul3A_65 : f32 to vector<1000x256xf32>
      %mul3A_67 = arith.mulf %select_n3A, %mul3A_66 : vector<1000x256xf32>
      %swap3A = arith.index_cast %mul3A_0 : i32 to index
      %swap3A_68 = arith.constant 0 : index
      %swap3A_69 = vector.load %arg14[%swap3A, %swap3A_68] : memref<10000x256xf32, #tpu.memory_space<vmem>>, vector<1000x256xf32>
      tpu.vector_store %arg14[%swap3A, %swap3A_68], %mul3A_67 {strides = array<i32>} : memref<10000x256xf32, #tpu.memory_space<vmem>>, vector<1000x256xf32>,
      %get3A_70 = arith.constant 2 : index
      %get3A_71 = arith.constant 0 : index
      %get3A_72 = vector.load %arg15[%get3A_70, %get3A_71] : memref<8x256xf32, #tpu.memory_space<vmem>>, vector<1x256xf32>
      %reduce_sum3A = arith.constant dense<0.000000e+00> : vector<256xf32>
      %reduce_sum3A_73 = vector.multi_reduction <add>, %mul3A_67, %reduce_sum3A [0] : vector<1000x256xf32> to vector<256xf32>
      %broadcast_in_dim3A = vector.shape_cast %reduce_sum3A_73 : vector<256xf32> to vector<1x256xf32>
      %add3A_74 = arith.addf %get3A_72, %broadcast_in_dim3A : vector<1x256xf32>
      %swap3A_75 = arith.constant 2 : index
      %swap3A_76 = arith.constant 0 : index
      %swap3A_77 = vector.load %arg15[%swap3A_75, %swap3A_76] : memref<8x256xf32, #tpu.memory_space<vmem>>, vector<1x256xf32>
      tpu.vector_store %arg15[%swap3A_75, %swap3A_76], %add3A_74 {strides = array<i32>} : memref<8x256xf32, #tpu.memory_space<vmem>>, vector<1x256xf32>,
    } else {
    }
    %eq3A_22 = arith.constant 3 : i32
    %eq3A_23 = arith.cmpi eq, %arg0, %eq3A_22 : i32
    %convert_element_type3A_24 = arith.extui %eq3A_23 : i1 to i32
    %cond3A_25 = arith.constant 1.000000e+04 : f32
    %cond3A_26 = arith.constant 0 : i32
    %cond3A_27 = arith.cmpi ne, %convert_element_type3A_24, %cond3A_26 : i32
    scf.if %cond3A_27 {
      %get3A = arith.index_cast %mul3A_0 : i32 to index
      %get3A_34 = arith.constant 0 : index
      %get3A_35 = vector.load %arg14[%get3A, %get3A_34] : memref<10000x256xf32, #tpu.memory_space<vmem>>, vector<1000x256xf32>
      %get3A_36 = arith.constant 2 : index
      %get3A_37 = arith.constant 0 : index
      %get3A_38 = vector.load %arg15[%get3A_36, %get3A_37] : memref<8x256xf32, #tpu.memory_space<vmem>>, vector<1x256xf32>
      %div3A = vector.broadcast %cond3A_25 : f32 to vector<1x256xf32>
      %div3A_39 = arith.divf %get3A_38, %div3A : vector<1x256xf32>
      %sub3A = vector.broadcast %div3A_39 : vector<1x256xf32> to vector<1000x256xf32>
      %sub3A_40 = arith.subf %get3A_35, %sub3A : vector<1000x256xf32>
      %get3A_41 = arith.constant 3 : index
      %get3A_42 = arith.constant 0 : index
      %get3A_43 = vector.load %arg15[%get3A_41, %get3A_42] : memref<8x256xf32, #tpu.memory_space<vmem>>, vector<1x256xf32>
      %mul3A_44 = arith.mulf %sub3A_40, %sub3A_40 : vector<1000x256xf32>
      %reduce_sum3A = arith.constant dense<0.000000e+00> : vector<256xf32>
      %reduce_sum3A_45 = vector.multi_reduction <add>, %mul3A_44, %reduce_sum3A [0] : vector<1000x256xf32> to vector<256xf32>
      %broadcast_in_dim3A = vector.shape_cast %reduce_sum3A_45 : vector<256xf32> to vector<1x256xf32>
      %add3A = arith.addf %get3A_43, %broadcast_in_dim3A : vector<1x256xf32>
      %swap3A = arith.constant 3 : index
      %swap3A_46 = arith.constant 0 : index
      %swap3A_47 = vector.load %arg15[%swap3A, %swap3A_46] : memref<8x256xf32, #tpu.memory_space<vmem>>, vector<1x256xf32>
      tpu.vector_store %arg15[%swap3A, %swap3A_46], %add3A {strides = array<i32>} : memref<8x256xf32, #tpu.memory_space<vmem>>, vector<1x256xf32>,
    } else {
    }
    %eq3A_28 = arith.constant 4 : i32
    %eq3A_29 = arith.cmpi eq, %arg0, %eq3A_28 : i32
    %convert_element_type3A_30 = arith.extui %eq3A_29 : i1 to i32
    %cond3A_31 = arith.constant 1.000000e+04 : f32
    %cond3A_32 = arith.constant 0 : i32
    %cond3A_33 = arith.cmpi ne, %convert_element_type3A_30, %cond3A_32 : i32
    scf.if %cond3A_33 {
      %get3A = arith.index_cast %mul3A_0 : i32 to index
      %get3A_34 = arith.constant 0 : index
      %get3A_35 = vector.load %arg14[%get3A, %get3A_34] : memref<10000x256xf32, #tpu.memory_space<vmem>>, vector<1000x256xf32>
      %get3A_36 = arith.constant 2 : index
      %get3A_37 = arith.constant 0 : index
      %get3A_38 = vector.load %arg15[%get3A_36, %get3A_37] : memref<8x256xf32, #tpu.memory_space<vmem>>, vector<1x256xf32>
      %div3A = vector.broadcast %cond3A_31 : f32 to vector<1x256xf32>
      %div3A_39 = arith.divf %get3A_38, %div3A : vector<1x256xf32>
      %get3A_40 = arith.constant 3 : index
      %get3A_41 = arith.constant 0 : index
      %get3A_42 = vector.load %arg15[%get3A_40, %get3A_41] : memref<8x256xf32, #tpu.memory_space<vmem>>, vector<1x256xf32>
      %div3A_43 = vector.broadcast %cond3A_31 : f32 to vector<1x256xf32>
      %div3A_44 = arith.divf %get3A_42, %div3A_43 : vector<1x256xf32>
      %add3A = arith.constant 9.99999974E-6 : f32
      %add3A_45 = vector.broadcast %add3A : f32 to vector<1x256xf32>
      %add3A_46 = arith.addf %div3A_44, %add3A_45 : vector<1x256xf32>
      %sqrt3A = math.sqrt %add3A_46 : vector<1x256xf32>
      %sub3A = vector.broadcast %div3A_39 : vector<1x256xf32> to vector<1000x256xf32>
      %sub3A_47 = arith.subf %get3A_35, %sub3A : vector<1000x256xf32>
      %div3A_48 = vector.broadcast %sqrt3A : vector<1x256xf32> to vector<1000x256xf32>
      %div3A_49 = arith.divf %sub3A_47, %div3A_48 : vector<1000x256xf32>
      %get3A_50 = arith.constant 0 : index
      %get3A_51 = arith.constant 0 : index
      %get3A_52 = vector.load %arg11[%get3A_50, %get3A_51] : memref<1x256xf32, #tpu.memory_space<vmem>>, vector<1x256xf32>
      %mul3A_53 = vector.broadcast %get3A_52 : vector<1x256xf32> to vector<1000x256xf32>
      %mul3A_54 = arith.mulf %div3A_49, %mul3A_53 : vector<1000x256xf32>
      %get3A_55 = arith.constant 0 : index
      %get3A_56 = arith.constant 0 : index
      %get3A_57 = vector.load %arg12[%get3A_55, %get3A_56] : memref<1x256xf32, #tpu.memory_space<vmem>>, vector<1x256xf32>
      %add3A_58 = vector.broadcast %get3A_57 : vector<1x256xf32> to vector<1000x256xf32>
      %add3A_59 = arith.addf %mul3A_54, %add3A_58 : vector<1000x256xf32>
      %swap3A = arith.constant 0 : index
      %swap3A_60 = arith.constant 0 : index
      %swap3A_61 = vector.load %arg13[%swap3A, %swap3A_60] : memref<1000x256xf32, #tpu.memory_space<vmem>>, vector<1000x256xf32>
      tpu.vector_store %arg13[%swap3A, %swap3A_60], %add3A_59 {strides = array<i32>} : memref<1000x256xf32, #tpu.memory_space<vmem>>, vector<1000x256xf32>,
    } else {
    }
    return
  }
  func.func @transform_0(%arg0: i32, %arg1: i32) -> (i32, i32) {
    %eq3A = arith.constant 0 : i32
    %eq3A_0 = arith.cmpi eq, %arg0, %eq3A : i32
    %jit3A = arith.constant 0 : i32
    %select_n3A = arith.select %eq3A_0, %arg1, %jit3A : i32
    %c0_i32 = arith.constant 0 : i32
    %c0_i32_1 = arith.constant 0 : i32
    return %select_n3A, %c0_i32 : i32, i32
  }
  func.func @transform_1(%arg0: i32, %arg1: i32) -> (i32, i32, i32) {
    %eq3A = arith.constant 0 : i32
    %eq3A_0 = arith.cmpi eq, %arg0, %eq3A : i32
    %jit3A = arith.constant 0 : i32
    %select_n3A = arith.select %eq3A_0, %arg1, %jit3A : i32
    %c0_i32 = arith.constant 0 : i32
    %c0_i32_1 = arith.constant 0 : i32
    %c0_i32_2 = arith.constant 0 : i32
    return %c0_i32, %select_n3A, %c0_i32_1 : i32, i32, i32
  }
  func.func @transform_2(%arg0: i32, %arg1: i32) -> (i32, i32) {
    %c0_i32 = arith.constant 0 : i32
    %c0_i32_0 = arith.constant 0 : i32
    %c0_i32_1 = arith.constant 0 : i32
    return %c0_i32, %c0_i32_0 : i32, i32
  }
  func.func @transform_3(%arg0: i32, %arg1: i32) -> (i32, i32) {
    %c0_i32 = arith.constant 0 : i32
    %c0_i32_0 = arith.constant 0 : i32
    %c0_i32_1 = arith.constant 0 : i32
    return %c0_i32, %c0_i32_0 : i32, i32
  }
  func.func @transform_4(%arg0: i32, %arg1: i32) -> (i32, i32) {
    %c0_i32 = arith.constant 0 : i32
    %c0_i32_0 = arith.constant 0 : i32
    %c0_i32_1 = arith.constant 0 : i32
    return %c0_i32, %c0_i32_0 : i32, i32
  }
  func.func @transform_5(%arg0: i32, %arg1: i32) -> (i32, i32) {
    %c0_i32 = arith.constant 0 : i32
    %c0_i32_0 = arith.constant 0 : i32
    %c0_i32_1 = arith.constant 0 : i32
    return %c0_i32, %c0_i32_0 : i32, i32
  }
  func.func @transform_6(%arg0: i32, %arg1: i32) -> (i32, i32) {
    %c0_i32 = arith.constant 0 : i32
    %c0_i32_0 = arith.constant 0 : i32
    %c0_i32_1 = arith.constant 0 : i32
    return %c0_i32, %c0_i32_0 : i32, i32
  }
  func.func @transform_7(%arg0: i32, %arg1: i32) -> (i32, i32) {
    %c0_i32 = arith.constant 0 : i32
    %c0_i32_0 = arith.constant 0 : i32
    %c0_i32_1 = arith.constant 0 : i32
    return %c0_i32, %c0_i32_0 : i32, i32
  }
  func.func @transform_8(%arg0: i32, %arg1: i32) -> (i32, i32) {
    %c0_i32 = arith.constant 0 : i32
    %c0_i32_0 = arith.constant 0 : i32
    %c0_i32_1 = arith.constant 0 : i32
    return %c0_i32, %c0_i32_0 : i32, i32
  }
  func.func @transform_9(%arg0: i32, %arg1: i32) -> (i32, i32) {
    %c0_i32 = arith.constant 0 : i32
    %c0_i32_0 = arith.constant 0 : i32
    %c0_i32_1 = arith.constant 0 : i32
    return %c0_i32, %c0_i32_0 : i32, i32
  }
  func.func @transform_10(%arg0: i32, %arg1: i32) -> (i32, i32) {
    %c0_i32 = arith.constant 0 : i32
    %c0_i32_0 = arith.constant 0 : i32
    %c0_i32_1 = arith.constant 0 : i32
    return %c0_i32, %c0_i32_0 : i32, i32
  }
  func.func @transform_11(%arg0: i32, %arg1: i32) -> (i32, i32) {
    %eq3A = arith.constant 4 : i32
    %eq3A_0 = arith.cmpi eq, %arg0, %eq3A : i32
    %jit3A = arith.constant 0 : i32
    %select_n3A = arith.select %eq3A_0, %arg1, %jit3A : i32
    %c0_i32 = arith.constant 0 : i32
    %c0_i32_1 = arith.constant 0 : i32
    return %select_n3A, %c0_i32 : i32, i32
  }
}

module attributes {stable_mosaic.version = 14 : i64} {
  func.func @_tc_block_body(%arg0: i32, %arg1: i32, %arg2: memref<1000x256xf32, #tpu.memory_space<vmem>>, %arg3: memref<2x1000x128xf32, #tpu.memory_space<vmem>>, %arg4: memref<1x256xf32, #tpu.memory_space<vmem>>, %arg5: memref<256x256xf32, #tpu.memory_space<vmem>>, %arg6: memref<1x256xf32, #tpu.memory_space<vmem>>, %arg7: memref<256x256xf32, #tpu.memory_space<vmem>>, %arg8: memref<1x256xf32, #tpu.memory_space<vmem>>, %arg9: memref<1x256xf32, #tpu.memory_space<vmem>>, %arg10: memref<1x256xf32, #tpu.memory_space<vmem>>, %arg11: memref<1x256xf32, #tpu.memory_space<vmem>>, %arg12: memref<1x256xf32, #tpu.memory_space<vmem>>, %arg13: memref<1000x256xf32, #tpu.memory_space<vmem>>, %arg14: memref<10000x256xf32, #tpu.memory_space<vmem>>, %arg15: memref<8x256xf32, #tpu.memory_space<vmem>>) attributes {dimension_semantics = [#tpu.dimension_semantics<arbitrary>, #tpu.dimension_semantics<arbitrary>], iteration_bounds = array<i64: 5, 10>, scalar_prefetch = 0 : i64, scratch_operands = 2 : i64, tpu.core_type = #tpu.core_type<tc>, window_params = [{transform_indices = @transform_0, window_bounds = array<i64: 1000, 256>}, {transform_indices = @transform_1, window_bounds = array<i64: 2, 1000, 128>}, {pipeline_mode = #tpu.pipeline_mode<synchronous>, transform_indices = @transform_2, window_bounds = array<i64: 1, 256>}, {pipeline_mode = #tpu.pipeline_mode<synchronous>, transform_indices = @transform_3, window_bounds = array<i64: 256, 256>}, {pipeline_mode = #tpu.pipeline_mode<synchronous>, transform_indices = @transform_4, window_bounds = array<i64: 1, 256>}, {pipeline_mode = #tpu.pipeline_mode<synchronous>, transform_indices = @transform_5, window_bounds = array<i64: 256, 256>}, {pipeline_mode = #tpu.pipeline_mode<synchronous>, transform_indices = @transform_6, window_bounds = array<i64: 1, 256>}, {pipeline_mode = #tpu.pipeline_mode<synchronous>, transform_indices = @transform_7, window_bounds = array<i64: 1, 256>}, {pipeline_mode = #tpu.pipeline_mode<synchronous>, transform_indices = @transform_8, window_bounds = array<i64: 1, 256>}, {pipeline_mode = #tpu.pipeline_mode<synchronous>, transform_indices = @transform_9, window_bounds = array<i64: 1, 256>}, {pipeline_mode = #tpu.pipeline_mode<synchronous>, transform_indices = @transform_10, window_bounds = array<i64: 1, 256>}, {transform_indices = @transform_11, window_bounds = array<i64: 1000, 256>}]} {
    %mul3A = arith.constant 1000 : i32
    %mul3A_0 = arith.muli %arg1, %mul3A : i32
    %eq3A = arith.constant 0 : i32
    %eq3A_1 = arith.cmpi eq, %arg0, %eq3A : i32
    %eq3A_2 = arith.constant 0 : i32
    %eq3A_3 = arith.cmpi eq, %arg1, %eq3A_2 : i32
    %and3A = arith.andi %eq3A_1, %eq3A_3 : i1
    %convert_element_type3A = arith.extui %and3A : i1 to i32
    %cond3A = arith.constant 0 : i32
    %cond3A_4 = arith.cmpi ne, %convert_element_type3A, %cond3A : i32
    scf.if %cond3A_4 {
      %broadcast_in_dim3A = arith.constant 0.000000e+00 : f32
      %broadcast_in_dim3A_34 = vector.broadcast %broadcast_in_dim3A : f32 to vector<8x256xf32>
      %swap3A = arith.constant 0 : index
      %swap3A_35 = arith.constant 0 : index
      %swap3A_36 = vector.load %arg15[%swap3A, %swap3A_35] : memref<8x256xf32, #tpu.memory_space<vmem>>, vector<8x256xf32>
      tpu.vector_store %arg15[%swap3A, %swap3A_35], %broadcast_in_dim3A_34 {strides = array<i32>} : memref<8x256xf32, #tpu.memory_space<vmem>>, vector<8x256xf32>,
    } else {
    }
    %eq3A_5 = arith.constant 0 : i32
    %eq3A_6 = arith.cmpi eq, %arg0, %eq3A_5 : i32
    %convert_element_type3A_7 = arith.extui %eq3A_6 : i1 to i32
    %cond3A_8 = arith.constant 0 : i32
    %cond3A_9 = arith.cmpi ne, %convert_element_type3A_7, %cond3A_8 : i32
    scf.if %cond3A_9 {
      %get3A = arith.constant 0 : index
      %get3A_34 = arith.constant 0 : index
      %get3A_35 = arith.constant 0 : index
      %get3A_36 = vector.load %arg3[%get3A, %get3A_34, %get3A_35] : memref<2x1000x128xf32, #tpu.memory_space<vmem>>, vector<1x1000x128xf32>
      %get3A_37 = vector.shape_cast %get3A_36 : vector<1x1000x128xf32> to vector<1000x128xf32>
      %get3A_38 = arith.constant 1 : index
      %get3A_39 = arith.constant 0 : index
      %get3A_40 = arith.constant 0 : index
      %get3A_41 = vector.load %arg3[%get3A_38, %get3A_39, %get3A_40] : memref<2x1000x128xf32, #tpu.memory_space<vmem>>, vector<1x1000x128xf32>
      %get3A_42 = vector.shape_cast %get3A_41 : vector<1x1000x128xf32> to vector<1000x128xf32>
      %concatenate3A = tpu.concatenate %get3A_37, %get3A_42 in 1 : vector<1000x128xf32>, vector<1000x128xf32> -> vector<1000x256xf32>
      %get3A_43 = arith.constant 0 : index
      %get3A_44 = arith.constant 0 : index
      %get3A_45 = vector.load %arg2[%get3A_43, %get3A_44] : memref<1000x256xf32, #tpu.memory_space<vmem>>, vector<1000x256xf32>
      %get3A_46 = arith.constant 0 : index
      %get3A_47 = arith.constant 0 : index
      %get3A_48 = vector.load %arg4[%get3A_46, %get3A_47] : memref<1x256xf32, #tpu.memory_space<vmem>>, vector<1x256xf32>
      %mul3A_49 = vector.broadcast %get3A_48 : vector<1x256xf32> to vector<1000x256xf32>
      %mul3A_50 = arith.mulf %get3A_45, %mul3A_49 : vector<1000x256xf32>
      %add3A = arith.addf %mul3A_50, %concatenate3A : vector<1000x256xf32>
      %get3A_51 = arith.constant 0 : index
      %get3A_52 = arith.constant 0 : index
      %get3A_53 = vector.load %arg5[%get3A_51, %get3A_52] : memref<256x256xf32, #tpu.memory_space<vmem>>, vector<256x256xf32>
      %dot_general3A = arith.constant dense<0.000000e+00> : vector<1000x256xf32>
      %dot_general3A_54 = tpu.matmul %add3A, %get3A_53, %dot_general3A {dimension_numbers = #tpu.dot_dimension_numbers<[1], [0], [0], [1], [0, 0, 1, 1], [], []>, transpose_lhs_hint = false} : vector<1000x256xf32>, vector<256x256xf32>, vector<1000x256xf32> -> vector<1000x256xf32>
      %get3A_55 = arith.constant 0 : index
      %get3A_56 = arith.constant 0 : index
      %get3A_57 = vector.load %arg6[%get3A_55, %get3A_56] : memref<1x256xf32, #tpu.memory_space<vmem>>, vector<1x256xf32>
      %add3A_58 = vector.broadcast %get3A_57 : vector<1x256xf32> to vector<1000x256xf32>
      %add3A_59 = arith.addf %dot_general3A_54, %add3A_58 : vector<1000x256xf32>
      %max3A = arith.constant 0.000000e+00 : f32
      %max3A_60 = vector.broadcast %max3A : f32 to vector<1000x256xf32>
      %max3A_61 = arith.maximumf %add3A_59, %max3A_60 : vector<1000x256xf32>
      %get3A_62 = arith.constant 0 : index
      %get3A_63 = arith.constant 0 : index
      %get3A_64 = vector.load %arg7[%get3A_62, %get3A_63] : memref<256x256xf32, #tpu.memory_space<vmem>>, vector<256x256xf32>
      %dot_general3A_65 = arith.constant dense<0.000000e+00> : vector<1000x256xf32>
      %dot_general3A_66 = tpu.matmul %max3A_61, %get3A_64, %dot_general3A_65 {dimension_numbers = #tpu.dot_dimension_numbers<[1], [0], [0], [1], [0, 0, 1, 1], [], []>, transpose_lhs_hint = false} : vector<1000x256xf32>, vector<256x256xf32>, vector<1000x256xf32> -> vector<1000x256xf32>
      %get3A_67 = arith.constant 0 : index
      %get3A_68 = arith.constant 0 : index
      %get3A_69 = vector.load %arg8[%get3A_67, %get3A_68] : memref<1x256xf32, #tpu.memory_space<vmem>>, vector<1x256xf32>
      %add3A_70 = vector.broadcast %get3A_69 : vector<1x256xf32> to vector<1000x256xf32>
      %add3A_71 = arith.addf %dot_general3A_66, %add3A_70 : vector<1000x256xf32>
      %max3A_72 = arith.constant 0.000000e+00 : f32
      %max3A_73 = vector.broadcast %max3A_72 : f32 to vector<1000x256xf32>
      %max3A_74 = arith.maximumf %add3A_71, %max3A_73 : vector<1000x256xf32>
      %swap3A = arith.index_cast %mul3A_0 : i32 to index
      %swap3A_75 = arith.constant 0 : index
      %swap3A_76 = vector.load %arg14[%swap3A, %swap3A_75] : memref<10000x256xf32, #tpu.memory_space<vmem>>, vector<1000x256xf32>
      tpu.vector_store %arg14[%swap3A, %swap3A_75], %max3A_74 {strides = array<i32>} : memref<10000x256xf32, #tpu.memory_space<vmem>>, vector<1000x256xf32>,
      %get3A_77 = arith.constant 0 : index
      %get3A_78 = arith.constant 0 : index
      %get3A_79 = vector.load %arg15[%get3A_77, %get3A_78] : memref<8x256xf32, #tpu.memory_space<vmem>>, vector<1x256xf32>
      %reduce_sum3A = arith.constant dense<0.000000e+00> : vector<256xf32>
      %reduce_sum3A_80 = vector.multi_reduction <add>, %max3A_74, %reduce_sum3A [0] : vector<1000x256xf32> to vector<256xf32>
      %broadcast_in_dim3A = vector.shape_cast %reduce_sum3A_80 : vector<256xf32> to vector<1x256xf32>
      %add3A_81 = arith.addf %get3A_79, %broadcast_in_dim3A : vector<1x256xf32>
      %swap3A_82 = arith.constant 0 : index
      %swap3A_83 = arith.constant 0 : index
      %swap3A_84 = vector.load %arg15[%swap3A_82, %swap3A_83] : memref<8x256xf32, #tpu.memory_space<vmem>>, vector<1x256xf32>
      tpu.vector_store %arg15[%swap3A_82, %swap3A_83], %add3A_81 {strides = array<i32>} : memref<8x256xf32, #tpu.memory_space<vmem>>, vector<1x256xf32>,
    } else {
    }
    %eq3A_10 = arith.constant 1 : i32
    %eq3A_11 = arith.cmpi eq, %arg0, %eq3A_10 : i32
    %convert_element_type3A_12 = arith.extui %eq3A_11 : i1 to i32
    %cond3A_13 = arith.constant 1.000000e+04 : f32
    %cond3A_14 = arith.constant 0 : i32
    %cond3A_15 = arith.cmpi ne, %convert_element_type3A_12, %cond3A_14 : i32
    scf.if %cond3A_15 {
      %get3A = arith.index_cast %mul3A_0 : i32 to index
      %get3A_34 = arith.constant 0 : index
      %get3A_35 = vector.load %arg14[%get3A, %get3A_34] : memref<10000x256xf32, #tpu.memory_space<vmem>>, vector<1000x256xf32>
      %get3A_36 = arith.constant 0 : index
      %get3A_37 = arith.constant 0 : index
      %get3A_38 = vector.load %arg15[%get3A_36, %get3A_37] : memref<8x256xf32, #tpu.memory_space<vmem>>, vector<1x256xf32>
      %div3A = vector.broadcast %cond3A_13 : f32 to vector<1x256xf32>
      %div3A_39 = arith.divf %get3A_38, %div3A : vector<1x256xf32>
      %sub3A = vector.broadcast %div3A_39 : vector<1x256xf32> to vector<1000x256xf32>
      %sub3A_40 = arith.subf %get3A_35, %sub3A : vector<1000x256xf32>
      %get3A_41 = arith.constant 1 : index
      %get3A_42 = arith.constant 0 : index
      %get3A_43 = vector.load %arg15[%get3A_41, %get3A_42] : memref<8x256xf32, #tpu.memory_space<vmem>>, vector<1x256xf32>
      %mul3A_44 = arith.mulf %sub3A_40, %sub3A_40 : vector<1000x256xf32>
      %reduce_sum3A = arith.constant dense<0.000000e+00> : vector<256xf32>
      %reduce_sum3A_45 = vector.multi_reduction <add>, %mul3A_44, %reduce_sum3A [0] : vector<1000x256xf32> to vector<256xf32>
      %broadcast_in_dim3A = vector.shape_cast %reduce_sum3A_45 : vector<256xf32> to vector<1x256xf32>
      %add3A = arith.addf %get3A_43, %broadcast_in_dim3A : vector<1x256xf32>
      %swap3A = arith.constant 1 : index
      %swap3A_46 = arith.constant 0 : index
      %swap3A_47 = vector.load %arg15[%swap3A, %swap3A_46] : memref<8x256xf32, #tpu.memory_space<vmem>>, vector<1x256xf32>
      tpu.vector_store %arg15[%swap3A, %swap3A_46], %add3A {strides = array<i32>} : memref<8x256xf32, #tpu.memory_space<vmem>>, vector<1x256xf32>,
    } else {
    }
    %eq3A_16 = arith.constant 2 : i32
    %eq3A_17 = arith.cmpi eq, %arg0, %eq3A_16 : i32
    %convert_element_type3A_18 = arith.extui %eq3A_17 : i1 to i32
    %cond3A_19 = arith.constant 1.000000e+04 : f32
    %cond3A_20 = arith.constant 0 : i32
    %cond3A_21 = arith.cmpi ne, %convert_element_type3A_18, %cond3A_20 : i32
    scf.if %cond3A_21 {
      %get3A = arith.index_cast %mul3A_0 : i32 to index
      %get3A_34 = arith.constant 0 : index
      %get3A_35 = vector.load %arg14[%get3A, %get3A_34] : memref<10000x256xf32, #tpu.memory_space<vmem>>, vector<1000x256xf32>
      %get3A_36 = arith.constant 0 : index
      %get3A_37 = arith.constant 0 : index
      %get3A_38 = vector.load %arg15[%get3A_36, %get3A_37] : memref<8x256xf32, #tpu.memory_space<vmem>>, vector<1x256xf32>
      %div3A = vector.broadcast %cond3A_19 : f32 to vector<1x256xf32>
      %div3A_39 = arith.divf %get3A_38, %div3A : vector<1x256xf32>
      %get3A_40 = arith.constant 1 : index
      %get3A_41 = arith.constant 0 : index
      %get3A_42 = vector.load %arg15[%get3A_40, %get3A_41] : memref<8x256xf32, #tpu.memory_space<vmem>>, vector<1x256xf32>
      %div3A_43 = vector.broadcast %cond3A_19 : f32 to vector<1x256xf32>
      %div3A_44 = arith.divf %get3A_42, %div3A_43 : vector<1x256xf32>
      %add3A = arith.constant 9.99999974E-6 : f32
      %add3A_45 = vector.broadcast %add3A : f32 to vector<1x256xf32>
      %add3A_46 = arith.addf %div3A_44, %add3A_45 : vector<1x256xf32>
      %sqrt3A = math.sqrt %add3A_46 : vector<1x256xf32>
      %sub3A = vector.broadcast %div3A_39 : vector<1x256xf32> to vector<1000x256xf32>
      %sub3A_47 = arith.subf %get3A_35, %sub3A : vector<1000x256xf32>
      %div3A_48 = vector.broadcast %sqrt3A : vector<1x256xf32> to vector<1000x256xf32>
      %div3A_49 = arith.divf %sub3A_47, %div3A_48 : vector<1000x256xf32>
      %get3A_50 = arith.constant 0 : index
      %get3A_51 = arith.constant 0 : index
      %get3A_52 = vector.load %arg9[%get3A_50, %get3A_51] : memref<1x256xf32, #tpu.memory_space<vmem>>, vector<1x256xf32>
      %mul3A_53 = vector.broadcast %get3A_52 : vector<1x256xf32> to vector<1000x256xf32>
      %mul3A_54 = arith.mulf %div3A_49, %mul3A_53 : vector<1000x256xf32>
      %get3A_55 = arith.constant 0 : index
      %get3A_56 = arith.constant 0 : index
      %get3A_57 = vector.load %arg10[%get3A_55, %get3A_56] : memref<1x256xf32, #tpu.memory_space<vmem>>, vector<1x256xf32>
      %add3A_58 = vector.broadcast %get3A_57 : vector<1x256xf32> to vector<1000x256xf32>
      %add3A_59 = arith.addf %mul3A_54, %add3A_58 : vector<1000x256xf32>
      %ge3A = arith.constant 0.000000e+00 : f32
      %ge3A_60 = vector.broadcast %ge3A : f32 to vector<1000x256xf32>
      %ge3A_61 = arith.cmpf oge, %add3A_59, %ge3A_60 : vector<1000x256xf32>
      %mul3A_62 = arith.constant 0.00999999977 : f32
      %mul3A_63 = vector.broadcast %mul3A_62 : f32 to vector<1000x256xf32>
      %mul3A_64 = arith.mulf %mul3A_63, %add3A_59 : vector<1000x256xf32>
      %select_n3A = arith.select %ge3A_61, %add3A_59, %mul3A_64 : vector<1000x256xi1>, vector<1000x256xf32>
      %mul3A_65 = arith.constant 0.00999999977 : f32
      %mul3A_66 = vector.broadcast %mul3A_65 : f32 to vector<1000x256xf32>
      %mul3A_67 = arith.mulf %select_n3A, %mul3A_66 : vector<1000x256xf32>
      %swap3A = arith.index_cast %mul3A_0 : i32 to index
      %swap3A_68 = arith.constant 0 : index
      %swap3A_69 = vector.load %arg14[%swap3A, %swap3A_68] : memref<10000x256xf32, #tpu.memory_space<vmem>>, vector<1000x256xf32>
      tpu.vector_store %arg14[%swap3A, %swap3A_68], %mul3A_67 {strides = array<i32>} : memref<10000x256xf32, #tpu.memory_space<vmem>>, vector<1000x256xf32>,
      %get3A_70 = arith.constant 2 : index
      %get3A_71 = arith.constant 0 : index
      %get3A_72 = vector.load %arg15[%get3A_70, %get3A_71] : memref<8x256xf32, #tpu.memory_space<vmem>>, vector<1x256xf32>
      %reduce_sum3A = arith.constant dense<0.000000e+00> : vector<256xf32>
      %reduce_sum3A_73 = vector.multi_reduction <add>, %mul3A_67, %reduce_sum3A [0] : vector<1000x256xf32> to vector<256xf32>
      %broadcast_in_dim3A = vector.shape_cast %reduce_sum3A_73 : vector<256xf32> to vector<1x256xf32>
      %add3A_74 = arith.addf %get3A_72, %broadcast_in_dim3A : vector<1x256xf32>
      %swap3A_75 = arith.constant 2 : index
      %swap3A_76 = arith.constant 0 : index
      %swap3A_77 = vector.load %arg15[%swap3A_75, %swap3A_76] : memref<8x256xf32, #tpu.memory_space<vmem>>, vector<1x256xf32>
      tpu.vector_store %arg15[%swap3A_75, %swap3A_76], %add3A_74 {strides = array<i32>} : memref<8x256xf32, #tpu.memory_space<vmem>>, vector<1x256xf32>,
    } else {
    }
    %eq3A_22 = arith.constant 3 : i32
    %eq3A_23 = arith.cmpi eq, %arg0, %eq3A_22 : i32
    %convert_element_type3A_24 = arith.extui %eq3A_23 : i1 to i32
    %cond3A_25 = arith.constant 1.000000e+04 : f32
    %cond3A_26 = arith.constant 0 : i32
    %cond3A_27 = arith.cmpi ne, %convert_element_type3A_24, %cond3A_26 : i32
    scf.if %cond3A_27 {
      %get3A = arith.index_cast %mul3A_0 : i32 to index
      %get3A_34 = arith.constant 0 : index
      %get3A_35 = vector.load %arg14[%get3A, %get3A_34] : memref<10000x256xf32, #tpu.memory_space<vmem>>, vector<1000x256xf32>
      %get3A_36 = arith.constant 2 : index
      %get3A_37 = arith.constant 0 : index
      %get3A_38 = vector.load %arg15[%get3A_36, %get3A_37] : memref<8x256xf32, #tpu.memory_space<vmem>>, vector<1x256xf32>
      %div3A = vector.broadcast %cond3A_25 : f32 to vector<1x256xf32>
      %div3A_39 = arith.divf %get3A_38, %div3A : vector<1x256xf32>
      %sub3A = vector.broadcast %div3A_39 : vector<1x256xf32> to vector<1000x256xf32>
      %sub3A_40 = arith.subf %get3A_35, %sub3A : vector<1000x256xf32>
      %get3A_41 = arith.constant 3 : index
      %get3A_42 = arith.constant 0 : index
      %get3A_43 = vector.load %arg15[%get3A_41, %get3A_42] : memref<8x256xf32, #tpu.memory_space<vmem>>, vector<1x256xf32>
      %mul3A_44 = arith.mulf %sub3A_40, %sub3A_40 : vector<1000x256xf32>
      %reduce_sum3A = arith.constant dense<0.000000e+00> : vector<256xf32>
      %reduce_sum3A_45 = vector.multi_reduction <add>, %mul3A_44, %reduce_sum3A [0] : vector<1000x256xf32> to vector<256xf32>
      %broadcast_in_dim3A = vector.shape_cast %reduce_sum3A_45 : vector<256xf32> to vector<1x256xf32>
      %add3A = arith.addf %get3A_43, %broadcast_in_dim3A : vector<1x256xf32>
      %swap3A = arith.constant 3 : index
      %swap3A_46 = arith.constant 0 : index
      %swap3A_47 = vector.load %arg15[%swap3A, %swap3A_46] : memref<8x256xf32, #tpu.memory_space<vmem>>, vector<1x256xf32>
      tpu.vector_store %arg15[%swap3A, %swap3A_46], %add3A {strides = array<i32>} : memref<8x256xf32, #tpu.memory_space<vmem>>, vector<1x256xf32>,
    } else {
    }
    %eq3A_28 = arith.constant 4 : i32
    %eq3A_29 = arith.cmpi eq, %arg0, %eq3A_28 : i32
    %convert_element_type3A_30 = arith.extui %eq3A_29 : i1 to i32
    %cond3A_31 = arith.constant 1.000000e+04 : f32
    %cond3A_32 = arith.constant 0 : i32
    %cond3A_33 = arith.cmpi ne, %convert_element_type3A_30, %cond3A_32 : i32
    scf.if %cond3A_33 {
      %get3A = arith.index_cast %mul3A_0 : i32 to index
      %get3A_34 = arith.constant 0 : index
      %get3A_35 = vector.load %arg14[%get3A, %get3A_34] : memref<10000x256xf32, #tpu.memory_space<vmem>>, vector<1000x256xf32>
      %get3A_36 = arith.constant 2 : index
      %get3A_37 = arith.constant 0 : index
      %get3A_38 = vector.load %arg15[%get3A_36, %get3A_37] : memref<8x256xf32, #tpu.memory_space<vmem>>, vector<1x256xf32>
      %div3A = vector.broadcast %cond3A_31 : f32 to vector<1x256xf32>
      %div3A_39 = arith.divf %get3A_38, %div3A : vector<1x256xf32>
      %get3A_40 = arith.constant 3 : index
      %get3A_41 = arith.constant 0 : index
      %get3A_42 = vector.load %arg15[%get3A_40, %get3A_41] : memref<8x256xf32, #tpu.memory_space<vmem>>, vector<1x256xf32>
      %div3A_43 = vector.broadcast %cond3A_31 : f32 to vector<1x256xf32>
      %div3A_44 = arith.divf %get3A_42, %div3A_43 : vector<1x256xf32>
      %add3A = arith.constant 9.99999974E-6 : f32
      %add3A_45 = vector.broadcast %add3A : f32 to vector<1x256xf32>
      %add3A_46 = arith.addf %div3A_44, %add3A_45 : vector<1x256xf32>
      %sqrt3A = math.sqrt %add3A_46 : vector<1x256xf32>
      %sub3A = vector.broadcast %div3A_39 : vector<1x256xf32> to vector<1000x256xf32>
      %sub3A_47 = arith.subf %get3A_35, %sub3A : vector<1000x256xf32>
      %div3A_48 = vector.broadcast %sqrt3A : vector<1x256xf32> to vector<1000x256xf32>
      %div3A_49 = arith.divf %sub3A_47, %div3A_48 : vector<1000x256xf32>
      %get3A_50 = arith.constant 0 : index
      %get3A_51 = arith.constant 0 : index
      %get3A_52 = vector.load %arg11[%get3A_50, %get3A_51] : memref<1x256xf32, #tpu.memory_space<vmem>>, vector<1x256xf32>
      %mul3A_53 = vector.broadcast %get3A_52 : vector<1x256xf32> to vector<1000x256xf32>
      %mul3A_54 = arith.mulf %div3A_49, %mul3A_53 : vector<1000x256xf32>
      %get3A_55 = arith.constant 0 : index
      %get3A_56 = arith.constant 0 : index
      %get3A_57 = vector.load %arg12[%get3A_55, %get3A_56] : memref<1x256xf32, #tpu.memory_space<vmem>>, vector<1x256xf32>
      %add3A_58 = vector.broadcast %get3A_57 : vector<1x256xf32> to vector<1000x256xf32>
      %add3A_59 = arith.addf %mul3A_54, %add3A_58 : vector<1000x256xf32>
      %swap3A = arith.constant 0 : index
      %swap3A_60 = arith.constant 0 : index
      %swap3A_61 = vector.load %arg13[%swap3A, %swap3A_60] : memref<1000x256xf32, #tpu.memory_space<vmem>>, vector<1000x256xf32>
      tpu.vector_store %arg13[%swap3A, %swap3A_60], %add3A_59 {strides = array<i32>} : memref<1000x256xf32, #tpu.memory_space<vmem>>, vector<1000x256xf32>,
    } else {
    }
    return
  }
  func.func @transform_0(%arg0: i32, %arg1: i32) -> (i32, i32) {
    %eq3A = arith.constant 0 : i32
    %eq3A_0 = arith.cmpi eq, %arg0, %eq3A : i32
    %jit3A = arith.constant 0 : i32
    %select_n3A = arith.select %eq3A_0, %arg1, %jit3A : i32
    %c0_i32 = arith.constant 0 : i32
    %c0_i32_1 = arith.constant 0 : i32
    return %select_n3A, %c0_i32 : i32, i32
  }
  func.func @transform_1(%arg0: i32, %arg1: i32) -> (i32, i32, i32) {
    %eq3A = arith.constant 0 : i32
    %eq3A_0 = arith.cmpi eq, %arg0, %eq3A : i32
    %jit3A = arith.constant 0 : i32
    %select_n3A = arith.select %eq3A_0, %arg1, %jit3A : i32
    %c0_i32 = arith.constant 0 : i32
    %c0_i32_1 = arith.constant 0 : i32
    %c0_i32_2 = arith.constant 0 : i32
    return %c0_i32, %select_n3A, %c0_i32_1 : i32, i32, i32
  }
  func.func @transform_2(%arg0: i32, %arg1: i32) -> (i32, i32) {
    %c0_i32 = arith.constant 0 : i32
    %c0_i32_0 = arith.constant 0 : i32
    %c0_i32_1 = arith.constant 0 : i32
    return %c0_i32, %c0_i32_0 : i32, i32
  }
  func.func @transform_3(%arg0: i32, %arg1: i32) -> (i32, i32) {
    %c0_i32 = arith.constant 0 : i32
    %c0_i32_0 = arith.constant 0 : i32
    %c0_i32_1 = arith.constant 0 : i32
    return %c0_i32, %c0_i32_0 : i32, i32
  }
  func.func @transform_4(%arg0: i32, %arg1: i32) -> (i32, i32) {
    %c0_i32 = arith.constant 0 : i32
    %c0_i32_0 = arith.constant 0 : i32
    %c0_i32_1 = arith.constant 0 : i32
    return %c0_i32, %c0_i32_0 : i32, i32
  }
  func.func @transform_5(%arg0: i32, %arg1: i32) -> (i32, i32) {
    %c0_i32 = arith.constant 0 : i32
    %c0_i32_0 = arith.constant 0 : i32
    %c0_i32_1 = arith.constant 0 : i32
    return %c0_i32, %c0_i32_0 : i32, i32
  }
  func.func @transform_6(%arg0: i32, %arg1: i32) -> (i32, i32) {
    %c0_i32 = arith.constant 0 : i32
    %c0_i32_0 = arith.constant 0 : i32
    %c0_i32_1 = arith.constant 0 : i32
    return %c0_i32, %c0_i32_0 : i32, i32
  }
  func.func @transform_7(%arg0: i32, %arg1: i32) -> (i32, i32) {
    %c0_i32 = arith.constant 0 : i32
    %c0_i32_0 = arith.constant 0 : i32
    %c0_i32_1 = arith.constant 0 : i32
    return %c0_i32, %c0_i32_0 : i32, i32
  }
  func.func @transform_8(%arg0: i32, %arg1: i32) -> (i32, i32) {
    %c0_i32 = arith.constant 0 : i32
    %c0_i32_0 = arith.constant 0 : i32
    %c0_i32_1 = arith.constant 0 : i32
    return %c0_i32, %c0_i32_0 : i32, i32
  }
  func.func @transform_9(%arg0: i32, %arg1: i32) -> (i32, i32) {
    %c0_i32 = arith.constant 0 : i32
    %c0_i32_0 = arith.constant 0 : i32
    %c0_i32_1 = arith.constant 0 : i32
    return %c0_i32, %c0_i32_0 : i32, i32
  }
  func.func @transform_10(%arg0: i32, %arg1: i32) -> (i32, i32) {
    %c0_i32 = arith.constant 0 : i32
    %c0_i32_0 = arith.constant 0 : i32
    %c0_i32_1 = arith.constant 0 : i32
    return %c0_i32, %c0_i32_0 : i32, i32
  }
  func.func @transform_11(%arg0: i32, %arg1: i32) -> (i32, i32) {
    %eq3A = arith.constant 4 : i32
    %eq3A_0 = arith.cmpi eq, %arg0, %eq3A : i32
    %jit3A = arith.constant 0 : i32
    %select_n3A = arith.select %eq3A_0, %arg1, %jit3A : i32
    %c0_i32 = arith.constant 0 : i32
    %c0_i32_1 = arith.constant 0 : i32
    return %select_n3A, %c0_i32 : i32, i32
  }
}

module attributes {stable_mosaic.version = 14 : i64} {
  func.func @_tc_final_body(%arg0: i32, %arg1: i32, %arg2: memref<1000x256xf32, #tpu.memory_space<vmem>>, %arg3: memref<2x1000x128xf32, #tpu.memory_space<vmem>>, %arg4: memref<1x256xf32, #tpu.memory_space<vmem>>, %arg5: memref<256x256xf32, #tpu.memory_space<vmem>>, %arg6: memref<1x256xf32, #tpu.memory_space<vmem>>, %arg7: memref<256x256xf32, #tpu.memory_space<vmem>>, %arg8: memref<1x256xf32, #tpu.memory_space<vmem>>, %arg9: memref<1x256xf32, #tpu.memory_space<vmem>>, %arg10: memref<1x256xf32, #tpu.memory_space<vmem>>, %arg11: memref<1x256xf32, #tpu.memory_space<vmem>>, %arg12: memref<1x256xf32, #tpu.memory_space<vmem>>, %arg13: memref<256x32xf32, #tpu.memory_space<vmem>>, %arg14: memref<1x32xf32, #tpu.memory_space<vmem>>, %arg15: memref<32x1xf32, #tpu.memory_space<vmem>>, %arg16: memref<1x1xf32, #tpu.memory_space<vmem>>, %arg17: memref<1000x1xf32, #tpu.memory_space<vmem>>, %arg18: memref<10000x256xf32, #tpu.memory_space<vmem>>, %arg19: memref<10000x1xf32, #tpu.memory_space<vmem>>, %arg20: memref<8x256xf32, #tpu.memory_space<vmem>>) attributes {dimension_semantics = [#tpu.dimension_semantics<arbitrary>, #tpu.dimension_semantics<arbitrary>], iteration_bounds = array<i64: 6, 10>, scalar_prefetch = 0 : i64, scratch_operands = 3 : i64, tpu.core_type = #tpu.core_type<tc>, window_params = [{transform_indices = @transform_0, window_bounds = array<i64: 1000, 256>}, {transform_indices = @transform_1, window_bounds = array<i64: 2, 1000, 128>}, {pipeline_mode = #tpu.pipeline_mode<synchronous>, transform_indices = @transform_2, window_bounds = array<i64: 1, 256>}, {pipeline_mode = #tpu.pipeline_mode<synchronous>, transform_indices = @transform_3, window_bounds = array<i64: 256, 256>}, {pipeline_mode = #tpu.pipeline_mode<synchronous>, transform_indices = @transform_4, window_bounds = array<i64: 1, 256>}, {pipeline_mode = #tpu.pipeline_mode<synchronous>, transform_indices = @transform_5, window_bounds = array<i64: 256, 256>}, {pipeline_mode = #tpu.pipeline_mode<synchronous>, transform_indices = @transform_6, window_bounds = array<i64: 1, 256>}, {pipeline_mode = #tpu.pipeline_mode<synchronous>, transform_indices = @transform_7, window_bounds = array<i64: 1, 256>}, {pipeline_mode = #tpu.pipeline_mode<synchronous>, transform_indices = @transform_8, window_bounds = array<i64: 1, 256>}, {pipeline_mode = #tpu.pipeline_mode<synchronous>, transform_indices = @transform_9, window_bounds = array<i64: 1, 256>}, {pipeline_mode = #tpu.pipeline_mode<synchronous>, transform_indices = @transform_10, window_bounds = array<i64: 1, 256>}, {pipeline_mode = #tpu.pipeline_mode<synchronous>, transform_indices = @transform_11, window_bounds = array<i64: 256, 32>}, {pipeline_mode = #tpu.pipeline_mode<synchronous>, transform_indices = @transform_12, window_bounds = array<i64: 1, 32>}, {pipeline_mode = #tpu.pipeline_mode<synchronous>, transform_indices = @transform_13, window_bounds = array<i64: 32, 1>}, {pipeline_mode = #tpu.pipeline_mode<synchronous>, transform_indices = @transform_14, window_bounds = array<i64: 1, 1>}, {transform_indices = @transform_15, window_bounds = array<i64: 1000, 1>}]} {
    %mul3A = arith.constant 1000 : i32
    %mul3A_0 = arith.muli %arg1, %mul3A : i32
    %eq3A = arith.constant 0 : i32
    %eq3A_1 = arith.cmpi eq, %arg0, %eq3A : i32
    %eq3A_2 = arith.constant 0 : i32
    %eq3A_3 = arith.cmpi eq, %arg1, %eq3A_2 : i32
    %and3A = arith.andi %eq3A_1, %eq3A_3 : i1
    %convert_element_type3A = arith.extui %and3A : i1 to i32
    %cond3A = arith.constant 0 : i32
    %cond3A_4 = arith.cmpi ne, %convert_element_type3A, %cond3A : i32
    scf.if %cond3A_4 {
      %broadcast_in_dim3A = arith.constant 0.000000e+00 : f32
      %broadcast_in_dim3A_39 = vector.broadcast %broadcast_in_dim3A : f32 to vector<8x256xf32>
      %swap3A = arith.constant 0 : index
      %swap3A_40 = arith.constant 0 : index
      %swap3A_41 = vector.load %arg20[%swap3A, %swap3A_40] : memref<8x256xf32, #tpu.memory_space<vmem>>, vector<8x256xf32>
      tpu.vector_store %arg20[%swap3A, %swap3A_40], %broadcast_in_dim3A_39 {strides = array<i32>} : memref<8x256xf32, #tpu.memory_space<vmem>>, vector<8x256xf32>,
      %broadcast_in_dim3A_42 = arith.constant 3.000000e+38 : f32
      %broadcast_in_dim3A_43 = vector.broadcast %broadcast_in_dim3A_42 : f32 to vector<1x256xf32>
      %swap3A_44 = arith.constant 4 : index
      %swap3A_45 = arith.constant 0 : index
      %swap3A_46 = vector.load %arg20[%swap3A_44, %swap3A_45] : memref<8x256xf32, #tpu.memory_space<vmem>>, vector<1x256xf32>
      tpu.vector_store %arg20[%swap3A_44, %swap3A_45], %broadcast_in_dim3A_43 {strides = array<i32>} : memref<8x256xf32, #tpu.memory_space<vmem>>, vector<1x256xf32>,
      %broadcast_in_dim3A_47 = arith.constant -3.000000e+38 : f32
      %broadcast_in_dim3A_48 = vector.broadcast %broadcast_in_dim3A_47 : f32 to vector<1x256xf32>
      %swap3A_49 = arith.constant 5 : index
      %swap3A_50 = arith.constant 0 : index
      %swap3A_51 = vector.load %arg20[%swap3A_49, %swap3A_50] : memref<8x256xf32, #tpu.memory_space<vmem>>, vector<1x256xf32>
      tpu.vector_store %arg20[%swap3A_49, %swap3A_50], %broadcast_in_dim3A_48 {strides = array<i32>} : memref<8x256xf32, #tpu.memory_space<vmem>>, vector<1x256xf32>,
    } else {
    }
    %eq3A_5 = arith.constant 0 : i32
    %eq3A_6 = arith.cmpi eq, %arg0, %eq3A_5 : i32
    %convert_element_type3A_7 = arith.extui %eq3A_6 : i1 to i32
    %cond3A_8 = arith.constant 0 : i32
    %cond3A_9 = arith.cmpi ne, %convert_element_type3A_7, %cond3A_8 : i32
    scf.if %cond3A_9 {
      %get3A = arith.constant 0 : index
      %get3A_39 = arith.constant 0 : index
      %get3A_40 = arith.constant 0 : index
      %get3A_41 = vector.load %arg3[%get3A, %get3A_39, %get3A_40] : memref<2x1000x128xf32, #tpu.memory_space<vmem>>, vector<1x1000x128xf32>
      %get3A_42 = vector.shape_cast %get3A_41 : vector<1x1000x128xf32> to vector<1000x128xf32>
      %get3A_43 = arith.constant 1 : index
      %get3A_44 = arith.constant 0 : index
      %get3A_45 = arith.constant 0 : index
      %get3A_46 = vector.load %arg3[%get3A_43, %get3A_44, %get3A_45] : memref<2x1000x128xf32, #tpu.memory_space<vmem>>, vector<1x1000x128xf32>
      %get3A_47 = vector.shape_cast %get3A_46 : vector<1x1000x128xf32> to vector<1000x128xf32>
      %concatenate3A = tpu.concatenate %get3A_42, %get3A_47 in 1 : vector<1000x128xf32>, vector<1000x128xf32> -> vector<1000x256xf32>
      %get3A_48 = arith.constant 0 : index
      %get3A_49 = arith.constant 0 : index
      %get3A_50 = vector.load %arg2[%get3A_48, %get3A_49] : memref<1000x256xf32, #tpu.memory_space<vmem>>, vector<1000x256xf32>
      %get3A_51 = arith.constant 0 : index
      %get3A_52 = arith.constant 0 : index
      %get3A_53 = vector.load %arg4[%get3A_51, %get3A_52] : memref<1x256xf32, #tpu.memory_space<vmem>>, vector<1x256xf32>
      %mul3A_54 = vector.broadcast %get3A_53 : vector<1x256xf32> to vector<1000x256xf32>
      %mul3A_55 = arith.mulf %get3A_50, %mul3A_54 : vector<1000x256xf32>
      %add3A = arith.addf %mul3A_55, %concatenate3A : vector<1000x256xf32>
      %get3A_56 = arith.constant 0 : index
      %get3A_57 = arith.constant 0 : index
      %get3A_58 = vector.load %arg5[%get3A_56, %get3A_57] : memref<256x256xf32, #tpu.memory_space<vmem>>, vector<256x256xf32>
      %dot_general3A = arith.constant dense<0.000000e+00> : vector<1000x256xf32>
      %dot_general3A_59 = tpu.matmul %add3A, %get3A_58, %dot_general3A {dimension_numbers = #tpu.dot_dimension_numbers<[1], [0], [0], [1], [0, 0, 1, 1], [], []>, transpose_lhs_hint = false} : vector<1000x256xf32>, vector<256x256xf32>, vector<1000x256xf32> -> vector<1000x256xf32>
      %get3A_60 = arith.constant 0 : index
      %get3A_61 = arith.constant 0 : index
      %get3A_62 = vector.load %arg6[%get3A_60, %get3A_61] : memref<1x256xf32, #tpu.memory_space<vmem>>, vector<1x256xf32>
      %add3A_63 = vector.broadcast %get3A_62 : vector<1x256xf32> to vector<1000x256xf32>
      %add3A_64 = arith.addf %dot_general3A_59, %add3A_63 : vector<1000x256xf32>
      %max3A = arith.constant 0.000000e+00 : f32
      %max3A_65 = vector.broadcast %max3A : f32 to vector<1000x256xf32>
      %max3A_66 = arith.maximumf %add3A_64, %max3A_65 : vector<1000x256xf32>
      %get3A_67 = arith.constant 0 : index
      %get3A_68 = arith.constant 0 : index
      %get3A_69 = vector.load %arg7[%get3A_67, %get3A_68] : memref<256x256xf32, #tpu.memory_space<vmem>>, vector<256x256xf32>
      %dot_general3A_70 = arith.constant dense<0.000000e+00> : vector<1000x256xf32>
      %dot_general3A_71 = tpu.matmul %max3A_66, %get3A_69, %dot_general3A_70 {dimension_numbers = #tpu.dot_dimension_numbers<[1], [0], [0], [1], [0, 0, 1, 1], [], []>, transpose_lhs_hint = false} : vector<1000x256xf32>, vector<256x256xf32>, vector<1000x256xf32> -> vector<1000x256xf32>
      %get3A_72 = arith.constant 0 : index
      %get3A_73 = arith.constant 0 : index
      %get3A_74 = vector.load %arg8[%get3A_72, %get3A_73] : memref<1x256xf32, #tpu.memory_space<vmem>>, vector<1x256xf32>
      %add3A_75 = vector.broadcast %get3A_74 : vector<1x256xf32> to vector<1000x256xf32>
      %add3A_76 = arith.addf %dot_general3A_71, %add3A_75 : vector<1000x256xf32>
      %max3A_77 = arith.constant 0.000000e+00 : f32
      %max3A_78 = vector.broadcast %max3A_77 : f32 to vector<1000x256xf32>
      %max3A_79 = arith.maximumf %add3A_76, %max3A_78 : vector<1000x256xf32>
      %swap3A = arith.index_cast %mul3A_0 : i32 to index
      %swap3A_80 = arith.constant 0 : index
      %swap3A_81 = vector.load %arg18[%swap3A, %swap3A_80] : memref<10000x256xf32, #tpu.memory_space<vmem>>, vector<1000x256xf32>
      tpu.vector_store %arg18[%swap3A, %swap3A_80], %max3A_79 {strides = array<i32>} : memref<10000x256xf32, #tpu.memory_space<vmem>>, vector<1000x256xf32>,
      %get3A_82 = arith.constant 0 : index
      %get3A_83 = arith.constant 0 : index
      %get3A_84 = vector.load %arg20[%get3A_82, %get3A_83] : memref<8x256xf32, #tpu.memory_space<vmem>>, vector<1x256xf32>
      %reduce_sum3A = arith.constant dense<0.000000e+00> : vector<256xf32>
      %reduce_sum3A_85 = vector.multi_reduction <add>, %max3A_79, %reduce_sum3A [0] : vector<1000x256xf32> to vector<256xf32>
      %broadcast_in_dim3A = vector.shape_cast %reduce_sum3A_85 : vector<256xf32> to vector<1x256xf32>
      %add3A_86 = arith.addf %get3A_84, %broadcast_in_dim3A : vector<1x256xf32>
      %swap3A_87 = arith.constant 0 : index
      %swap3A_88 = arith.constant 0 : index
      %swap3A_89 = vector.load %arg20[%swap3A_87, %swap3A_88] : memref<8x256xf32, #tpu.memory_space<vmem>>, vector<1x256xf32>
      tpu.vector_store %arg20[%swap3A_87, %swap3A_88], %add3A_86 {strides = array<i32>} : memref<8x256xf32, #tpu.memory_space<vmem>>, vector<1x256xf32>,
    } else {
    }
    %eq3A_10 = arith.constant 1 : i32
    %eq3A_11 = arith.cmpi eq, %arg0, %eq3A_10 : i32
    %convert_element_type3A_12 = arith.extui %eq3A_11 : i1 to i32
    %cond3A_13 = arith.constant 1.000000e+04 : f32
    %cond3A_14 = arith.constant 0 : i32
    %cond3A_15 = arith.cmpi ne, %convert_element_type3A_12, %cond3A_14 : i32
    scf.if %cond3A_15 {
      %get3A = arith.index_cast %mul3A_0 : i32 to index
      %get3A_39 = arith.constant 0 : index
      %get3A_40 = vector.load %arg18[%get3A, %get3A_39] : memref<10000x256xf32, #tpu.memory_space<vmem>>, vector<1000x256xf32>
      %get3A_41 = arith.constant 0 : index
      %get3A_42 = arith.constant 0 : index
      %get3A_43 = vector.load %arg20[%get3A_41, %get3A_42] : memref<8x256xf32, #tpu.memory_space<vmem>>, vector<1x256xf32>
      %div3A = vector.broadcast %cond3A_13 : f32 to vector<1x256xf32>
      %div3A_44 = arith.divf %get3A_43, %div3A : vector<1x256xf32>
      %sub3A = vector.broadcast %div3A_44 : vector<1x256xf32> to vector<1000x256xf32>
      %sub3A_45 = arith.subf %get3A_40, %sub3A : vector<1000x256xf32>
      %get3A_46 = arith.constant 1 : index
      %get3A_47 = arith.constant 0 : index
      %get3A_48 = vector.load %arg20[%get3A_46, %get3A_47] : memref<8x256xf32, #tpu.memory_space<vmem>>, vector<1x256xf32>
      %mul3A_49 = arith.mulf %sub3A_45, %sub3A_45 : vector<1000x256xf32>
      %reduce_sum3A = arith.constant dense<0.000000e+00> : vector<256xf32>
      %reduce_sum3A_50 = vector.multi_reduction <add>, %mul3A_49, %reduce_sum3A [0] : vector<1000x256xf32> to vector<256xf32>
      %broadcast_in_dim3A = vector.shape_cast %reduce_sum3A_50 : vector<256xf32> to vector<1x256xf32>
      %add3A = arith.addf %get3A_48, %broadcast_in_dim3A : vector<1x256xf32>
      %swap3A = arith.constant 1 : index
      %swap3A_51 = arith.constant 0 : index
      %swap3A_52 = vector.load %arg20[%swap3A, %swap3A_51] : memref<8x256xf32, #tpu.memory_space<vmem>>, vector<1x256xf32>
      tpu.vector_store %arg20[%swap3A, %swap3A_51], %add3A {strides = array<i32>} : memref<8x256xf32, #tpu.memory_space<vmem>>, vector<1x256xf32>,
    } else {
    }
    %eq3A_16 = arith.constant 2 : i32
    %eq3A_17 = arith.cmpi eq, %arg0, %eq3A_16 : i32
    %convert_element_type3A_18 = arith.extui %eq3A_17 : i1 to i32
    %cond3A_19 = arith.constant 1.000000e+04 : f32
    %cond3A_20 = arith.constant 0 : i32
    %cond3A_21 = arith.cmpi ne, %convert_element_type3A_18, %cond3A_20 : i32
    scf.if %cond3A_21 {
      %get3A = arith.index_cast %mul3A_0 : i32 to index
      %get3A_39 = arith.constant 0 : index
      %get3A_40 = vector.load %arg18[%get3A, %get3A_39] : memref<10000x256xf32, #tpu.memory_space<vmem>>, vector<1000x256xf32>
      %get3A_41 = arith.constant 0 : index
      %get3A_42 = arith.constant 0 : index
      %get3A_43 = vector.load %arg20[%get3A_41, %get3A_42] : memref<8x256xf32, #tpu.memory_space<vmem>>, vector<1x256xf32>
      %div3A = vector.broadcast %cond3A_19 : f32 to vector<1x256xf32>
      %div3A_44 = arith.divf %get3A_43, %div3A : vector<1x256xf32>
      %get3A_45 = arith.constant 1 : index
      %get3A_46 = arith.constant 0 : index
      %get3A_47 = vector.load %arg20[%get3A_45, %get3A_46] : memref<8x256xf32, #tpu.memory_space<vmem>>, vector<1x256xf32>
      %div3A_48 = vector.broadcast %cond3A_19 : f32 to vector<1x256xf32>
      %div3A_49 = arith.divf %get3A_47, %div3A_48 : vector<1x256xf32>
      %add3A = arith.constant 9.99999974E-6 : f32
      %add3A_50 = vector.broadcast %add3A : f32 to vector<1x256xf32>
      %add3A_51 = arith.addf %div3A_49, %add3A_50 : vector<1x256xf32>
      %sqrt3A = math.sqrt %add3A_51 : vector<1x256xf32>
      %sub3A = vector.broadcast %div3A_44 : vector<1x256xf32> to vector<1000x256xf32>
      %sub3A_52 = arith.subf %get3A_40, %sub3A : vector<1000x256xf32>
      %div3A_53 = vector.broadcast %sqrt3A : vector<1x256xf32> to vector<1000x256xf32>
      %div3A_54 = arith.divf %sub3A_52, %div3A_53 : vector<1000x256xf32>
      %get3A_55 = arith.constant 0 : index
      %get3A_56 = arith.constant 0 : index
      %get3A_57 = vector.load %arg9[%get3A_55, %get3A_56] : memref<1x256xf32, #tpu.memory_space<vmem>>, vector<1x256xf32>
      %mul3A_58 = vector.broadcast %get3A_57 : vector<1x256xf32> to vector<1000x256xf32>
      %mul3A_59 = arith.mulf %div3A_54, %mul3A_58 : vector<1000x256xf32>
      %get3A_60 = arith.constant 0 : index
      %get3A_61 = arith.constant 0 : index
      %get3A_62 = vector.load %arg10[%get3A_60, %get3A_61] : memref<1x256xf32, #tpu.memory_space<vmem>>, vector<1x256xf32>
      %add3A_63 = vector.broadcast %get3A_62 : vector<1x256xf32> to vector<1000x256xf32>
      %add3A_64 = arith.addf %mul3A_59, %add3A_63 : vector<1000x256xf32>
      %ge3A = arith.constant 0.000000e+00 : f32
      %ge3A_65 = vector.broadcast %ge3A : f32 to vector<1000x256xf32>
      %ge3A_66 = arith.cmpf oge, %add3A_64, %ge3A_65 : vector<1000x256xf32>
      %mul3A_67 = arith.constant 0.00999999977 : f32
      %mul3A_68 = vector.broadcast %mul3A_67 : f32 to vector<1000x256xf32>
      %mul3A_69 = arith.mulf %mul3A_68, %add3A_64 : vector<1000x256xf32>
      %select_n3A = arith.select %ge3A_66, %add3A_64, %mul3A_69 : vector<1000x256xi1>, vector<1000x256xf32>
      %mul3A_70 = arith.constant 0.00999999977 : f32
      %mul3A_71 = vector.broadcast %mul3A_70 : f32 to vector<1000x256xf32>
      %mul3A_72 = arith.mulf %select_n3A, %mul3A_71 : vector<1000x256xf32>
      %swap3A = arith.index_cast %mul3A_0 : i32 to index
      %swap3A_73 = arith.constant 0 : index
      %swap3A_74 = vector.load %arg18[%swap3A, %swap3A_73] : memref<10000x256xf32, #tpu.memory_space<vmem>>, vector<1000x256xf32>
      tpu.vector_store %arg18[%swap3A, %swap3A_73], %mul3A_72 {strides = array<i32>} : memref<10000x256xf32, #tpu.memory_space<vmem>>, vector<1000x256xf32>,
      %get3A_75 = arith.constant 2 : index
      %get3A_76 = arith.constant 0 : index
      %get3A_77 = vector.load %arg20[%get3A_75, %get3A_76] : memref<8x256xf32, #tpu.memory_space<vmem>>, vector<1x256xf32>
      %reduce_sum3A = arith.constant dense<0.000000e+00> : vector<256xf32>
      %reduce_sum3A_78 = vector.multi_reduction <add>, %mul3A_72, %reduce_sum3A [0] : vector<1000x256xf32> to vector<256xf32>
      %broadcast_in_dim3A = vector.shape_cast %reduce_sum3A_78 : vector<256xf32> to vector<1x256xf32>
      %add3A_79 = arith.addf %get3A_77, %broadcast_in_dim3A : vector<1x256xf32>
      %swap3A_80 = arith.constant 2 : index
      %swap3A_81 = arith.constant 0 : index
      %swap3A_82 = vector.load %arg20[%swap3A_80, %swap3A_81] : memref<8x256xf32, #tpu.memory_space<vmem>>, vector<1x256xf32>
      tpu.vector_store %arg20[%swap3A_80, %swap3A_81], %add3A_79 {strides = array<i32>} : memref<8x256xf32, #tpu.memory_space<vmem>>, vector<1x256xf32>,
    } else {
    }
    %eq3A_22 = arith.constant 3 : i32
    %eq3A_23 = arith.cmpi eq, %arg0, %eq3A_22 : i32
    %convert_element_type3A_24 = arith.extui %eq3A_23 : i1 to i32
    %cond3A_25 = arith.constant 1.000000e+04 : f32
    %cond3A_26 = arith.constant 0 : i32
    %cond3A_27 = arith.cmpi ne, %convert_element_type3A_24, %cond3A_26 : i32
    scf.if %cond3A_27 {
      %get3A = arith.index_cast %mul3A_0 : i32 to index
      %get3A_39 = arith.constant 0 : index
      %get3A_40 = vector.load %arg18[%get3A, %get3A_39] : memref<10000x256xf32, #tpu.memory_space<vmem>>, vector<1000x256xf32>
      %get3A_41 = arith.constant 2 : index
      %get3A_42 = arith.constant 0 : index
      %get3A_43 = vector.load %arg20[%get3A_41, %get3A_42] : memref<8x256xf32, #tpu.memory_space<vmem>>, vector<1x256xf32>
      %div3A = vector.broadcast %cond3A_25 : f32 to vector<1x256xf32>
      %div3A_44 = arith.divf %get3A_43, %div3A : vector<1x256xf32>
      %sub3A = vector.broadcast %div3A_44 : vector<1x256xf32> to vector<1000x256xf32>
      %sub3A_45 = arith.subf %get3A_40, %sub3A : vector<1000x256xf32>
      %get3A_46 = arith.constant 3 : index
      %get3A_47 = arith.constant 0 : index
      %get3A_48 = vector.load %arg20[%get3A_46, %get3A_47] : memref<8x256xf32, #tpu.memory_space<vmem>>, vector<1x256xf32>
      %mul3A_49 = arith.mulf %sub3A_45, %sub3A_45 : vector<1000x256xf32>
      %reduce_sum3A = arith.constant dense<0.000000e+00> : vector<256xf32>
      %reduce_sum3A_50 = vector.multi_reduction <add>, %mul3A_49, %reduce_sum3A [0] : vector<1000x256xf32> to vector<256xf32>
      %broadcast_in_dim3A = vector.shape_cast %reduce_sum3A_50 : vector<256xf32> to vector<1x256xf32>
      %add3A = arith.addf %get3A_48, %broadcast_in_dim3A : vector<1x256xf32>
      %swap3A = arith.constant 3 : index
      %swap3A_51 = arith.constant 0 : index
      %swap3A_52 = vector.load %arg20[%swap3A, %swap3A_51] : memref<8x256xf32, #tpu.memory_space<vmem>>, vector<1x256xf32>
      tpu.vector_store %arg20[%swap3A, %swap3A_51], %add3A {strides = array<i32>} : memref<8x256xf32, #tpu.memory_space<vmem>>, vector<1x256xf32>,
    } else {
    }
    %eq3A_28 = arith.constant 4 : i32
    %eq3A_29 = arith.cmpi eq, %arg0, %eq3A_28 : i32
    %convert_element_type3A_30 = arith.extui %eq3A_29 : i1 to i32
    %cond3A_31 = arith.constant 1.000000e+04 : f32
    %cond3A_32 = arith.constant 0 : i32
    %cond3A_33 = arith.cmpi ne, %convert_element_type3A_30, %cond3A_32 : i32
    scf.if %cond3A_33 {
      %get3A = arith.index_cast %mul3A_0 : i32 to index
      %get3A_39 = arith.constant 0 : index
      %get3A_40 = vector.load %arg18[%get3A, %get3A_39] : memref<10000x256xf32, #tpu.memory_space<vmem>>, vector<1000x256xf32>
      %get3A_41 = arith.constant 2 : index
      %get3A_42 = arith.constant 0 : index
      %get3A_43 = vector.load %arg20[%get3A_41, %get3A_42] : memref<8x256xf32, #tpu.memory_space<vmem>>, vector<1x256xf32>
      %div3A = vector.broadcast %cond3A_31 : f32 to vector<1x256xf32>
      %div3A_44 = arith.divf %get3A_43, %div3A : vector<1x256xf32>
      %get3A_45 = arith.constant 3 : index
      %get3A_46 = arith.constant 0 : index
      %get3A_47 = vector.load %arg20[%get3A_45, %get3A_46] : memref<8x256xf32, #tpu.memory_space<vmem>>, vector<1x256xf32>
      %div3A_48 = vector.broadcast %cond3A_31 : f32 to vector<1x256xf32>
      %div3A_49 = arith.divf %get3A_47, %div3A_48 : vector<1x256xf32>
      %add3A = arith.constant 9.99999974E-6 : f32
      %add3A_50 = vector.broadcast %add3A : f32 to vector<1x256xf32>
      %add3A_51 = arith.addf %div3A_49, %add3A_50 : vector<1x256xf32>
      %sqrt3A = math.sqrt %add3A_51 : vector<1x256xf32>
      %sub3A = vector.broadcast %div3A_44 : vector<1x256xf32> to vector<1000x256xf32>
      %sub3A_52 = arith.subf %get3A_40, %sub3A : vector<1000x256xf32>
      %div3A_53 = vector.broadcast %sqrt3A : vector<1x256xf32> to vector<1000x256xf32>
      %div3A_54 = arith.divf %sub3A_52, %div3A_53 : vector<1000x256xf32>
      %get3A_55 = arith.constant 0 : index
      %get3A_56 = arith.constant 0 : index
      %get3A_57 = vector.load %arg11[%get3A_55, %get3A_56] : memref<1x256xf32, #tpu.memory_space<vmem>>, vector<1x256xf32>
      %mul3A_58 = vector.broadcast %get3A_57 : vector<1x256xf32> to vector<1000x256xf32>
      %mul3A_59 = arith.mulf %div3A_54, %mul3A_58 : vector<1000x256xf32>
      %get3A_60 = arith.constant 0 : index
      %get3A_61 = arith.constant 0 : index
      %get3A_62 = vector.load %arg12[%get3A_60, %get3A_61] : memref<1x256xf32, #tpu.memory_space<vmem>>, vector<1x256xf32>
      %add3A_63 = vector.broadcast %get3A_62 : vector<1x256xf32> to vector<1000x256xf32>
      %add3A_64 = arith.addf %mul3A_59, %add3A_63 : vector<1000x256xf32>
      %get3A_65 = arith.constant 0 : index
      %get3A_66 = arith.constant 0 : index
      %get3A_67 = vector.load %arg13[%get3A_65, %get3A_66] : memref<256x32xf32, #tpu.memory_space<vmem>>, vector<256x32xf32>
      %dot_general3A = arith.constant dense<0.000000e+00> : vector<1000x32xf32>
      %dot_general3A_68 = tpu.matmul %add3A_64, %get3A_67, %dot_general3A {dimension_numbers = #tpu.dot_dimension_numbers<[1], [0], [0], [1], [0, 0, 1, 1], [], []>, transpose_lhs_hint = false} : vector<1000x256xf32>, vector<256x32xf32>, vector<1000x32xf32> -> vector<1000x32xf32>
      %get3A_69 = arith.constant 0 : index
      %get3A_70 = arith.constant 0 : index
      %get3A_71 = vector.load %arg14[%get3A_69, %get3A_70] : memref<1x32xf32, #tpu.memory_space<vmem>>, vector<1x32xf32>
      %add3A_72 = vector.broadcast %get3A_71 : vector<1x32xf32> to vector<1000x32xf32>
      %add3A_73 = arith.addf %dot_general3A_68, %add3A_72 : vector<1000x32xf32>
      %ge3A = arith.constant 0.000000e+00 : f32
      %ge3A_74 = vector.broadcast %ge3A : f32 to vector<1000x32xf32>
      %ge3A_75 = arith.cmpf oge, %add3A_73, %ge3A_74 : vector<1000x32xf32>
      %mul3A_76 = arith.constant 0.00999999977 : f32
      %mul3A_77 = vector.broadcast %mul3A_76 : f32 to vector<1000x32xf32>
      %mul3A_78 = arith.mulf %mul3A_77, %add3A_73 : vector<1000x32xf32>
      %select_n3A = arith.select %ge3A_75, %add3A_73, %mul3A_78 : vector<1000x32xi1>, vector<1000x32xf32>
      %get3A_79 = arith.constant 0 : index
      %get3A_80 = arith.constant 0 : index
      %get3A_81 = vector.load %arg15[%get3A_79, %get3A_80] : memref<32x1xf32, #tpu.memory_space<vmem>>, vector<32x1xf32>
      %dot_general3A_82 = arith.constant dense<0.000000e+00> : vector<1000x1xf32>
      %dot_general3A_83 = tpu.matmul %select_n3A, %get3A_81, %dot_general3A_82 {dimension_numbers = #tpu.dot_dimension_numbers<[1], [0], [0], [1], [0, 0, 1, 1], [], []>, transpose_lhs_hint = false} : vector<1000x32xf32>, vector<32x1xf32>, vector<1000x1xf32> -> vector<1000x1xf32>
      %get3A_84 = arith.constant 0 : index
      %get3A_85 = arith.constant 0 : index
      %get3A_86 = vector.load %arg16[%get3A_84, %get3A_85] : memref<1x1xf32, #tpu.memory_space<vmem>>, vector<1x1xf32>
      %add3A_87 = vector.broadcast %get3A_86 : vector<1x1xf32> to vector<1000x1xf32>
      %add3A_88 = arith.addf %dot_general3A_83, %add3A_87 : vector<1000x1xf32>
      %ge3A_89 = arith.constant 0.000000e+00 : f32
      %ge3A_90 = vector.broadcast %ge3A_89 : f32 to vector<1000x1xf32>
      %ge3A_91 = arith.cmpf oge, %add3A_88, %ge3A_90 : vector<1000x1xf32>
      %mul3A_92 = arith.constant 0.00999999977 : f32
      %mul3A_93 = vector.broadcast %mul3A_92 : f32 to vector<1000x1xf32>
      %mul3A_94 = arith.mulf %mul3A_93, %add3A_88 : vector<1000x1xf32>
      %select_n3A_95 = arith.select %ge3A_91, %add3A_88, %mul3A_94 : vector<1000x1xi1>, vector<1000x1xf32>
      %swap3A = arith.index_cast %mul3A_0 : i32 to index
      %swap3A_96 = arith.constant 0 : index
      %swap3A_97 = vector.load %arg19[%swap3A, %swap3A_96] : memref<10000x1xf32, #tpu.memory_space<vmem>>, vector<1000x1xf32>
      tpu.vector_store %arg19[%swap3A, %swap3A_96], %select_n3A_95 {strides = array<i32>} : memref<10000x1xf32, #tpu.memory_space<vmem>>, vector<1000x1xf32>,
      %get3A_98 = arith.constant 4 : index
      %get3A_99 = arith.constant 0 : index
      %get3A_100 = vector.load %arg20[%get3A_98, %get3A_99] : memref<8x256xf32, #tpu.memory_space<vmem>>, vector<1x256xf32>
      %reduce_min3A = vector.shape_cast %select_n3A_95 : vector<1000x1xf32> to vector<1x1000x1xf32>
      %reduce_min3A_101 = arith.constant dense<0x7F800000> : vector<1xf32>
      %reduce_min3A_102 = vector.multi_reduction <minimumf>, %reduce_min3A, %reduce_min3A_101 [1, 2] : vector<1x1000x1xf32> to vector<1xf32>
      %reduce_min3A_103 = vector.shape_cast %reduce_min3A_102 : vector<1xf32> to vector<1x1x1xf32>
      %reduce_min3A_104 = vector.extract %reduce_min3A_103[0, 0, 0] : f32 from vector<1x1x1xf32>
      %min3A = vector.broadcast %reduce_min3A_104 : f32 to vector<1x256xf32>
      %min3A_105 = arith.minimumf %get3A_100, %min3A : vector<1x256xf32>
      %swap3A_106 = arith.constant 4 : index
      %swap3A_107 = arith.constant 0 : index
      %swap3A_108 = vector.load %arg20[%swap3A_106, %swap3A_107] : memref<8x256xf32, #tpu.memory_space<vmem>>, vector<1x256xf32>
      tpu.vector_store %arg20[%swap3A_106, %swap3A_107], %min3A_105 {strides = array<i32>} : memref<8x256xf32, #tpu.memory_space<vmem>>, vector<1x256xf32>,
      %get3A_109 = arith.constant 5 : index
      %get3A_110 = arith.constant 0 : index
      %get3A_111 = vector.load %arg20[%get3A_109, %get3A_110] : memref<8x256xf32, #tpu.memory_space<vmem>>, vector<1x256xf32>
      %reduce_max3A = vector.shape_cast %select_n3A_95 : vector<1000x1xf32> to vector<1x1000x1xf32>
      %reduce_max3A_112 = arith.constant dense<0xFF800000> : vector<1xf32>
      %reduce_max3A_113 = vector.multi_reduction <maximumf>, %reduce_max3A, %reduce_max3A_112 [1, 2] : vector<1x1000x1xf32> to vector<1xf32>
      %reduce_max3A_114 = vector.shape_cast %reduce_max3A_113 : vector<1xf32> to vector<1x1x1xf32>
      %reduce_max3A_115 = vector.extract %reduce_max3A_114[0, 0, 0] : f32 from vector<1x1x1xf32>
      %max3A = vector.broadcast %reduce_max3A_115 : f32 to vector<1x256xf32>
      %max3A_116 = arith.maximumf %get3A_111, %max3A : vector<1x256xf32>
      %swap3A_117 = arith.constant 5 : index
      %swap3A_118 = arith.constant 0 : index
      %swap3A_119 = vector.load %arg20[%swap3A_117, %swap3A_118] : memref<8x256xf32, #tpu.memory_space<vmem>>, vector<1x256xf32>
      tpu.vector_store %arg20[%swap3A_117, %swap3A_118], %max3A_116 {strides = array<i32>} : memref<8x256xf32, #tpu.memory_space<vmem>>, vector<1x256xf32>,
    } else {
    }
    %eq3A_34 = arith.constant 5 : i32
    %eq3A_35 = arith.cmpi eq, %arg0, %eq3A_34 : i32
    %convert_element_type3A_36 = arith.extui %eq3A_35 : i1 to i32
    %cond3A_37 = arith.constant 0 : i32
    %cond3A_38 = arith.cmpi ne, %convert_element_type3A_36, %cond3A_37 : i32
    scf.if %cond3A_38 {
      %get3A = arith.index_cast %mul3A_0 : i32 to index
      %get3A_39 = arith.constant 0 : index
      %get3A_40 = vector.load %arg19[%get3A, %get3A_39] : memref<10000x1xf32, #tpu.memory_space<vmem>>, vector<1000x1xf32>
      %get3A_41 = arith.constant 4 : index
      %get3A_42 = arith.constant 0 : index
      %get3A_43 = vector.load %arg20[%get3A_41, %get3A_42] : memref<8x256xf32, #tpu.memory_space<vmem>>, vector<1x1xf32>
      %get3A_44 = arith.constant 5 : index
      %get3A_45 = arith.constant 0 : index
      %get3A_46 = vector.load %arg20[%get3A_44, %get3A_45] : memref<8x256xf32, #tpu.memory_space<vmem>>, vector<1x1xf32>
      %ne3A = arith.cmpf one, %get3A_43, %get3A_46 : vector<1x1xf32>
      %sub3A = vector.broadcast %get3A_43 : vector<1x1xf32> to vector<1000x1xf32>
      %sub3A_47 = arith.subf %get3A_40, %sub3A : vector<1000x1xf32>
      %add3A = arith.constant 9.99999997E-7 : f32
      %add3A_48 = vector.broadcast %add3A : f32 to vector<1x1xf32>
      %add3A_49 = arith.addf %get3A_46, %add3A_48 : vector<1x1xf32>
      %sub3A_50 = arith.subf %add3A_49, %get3A_43 : vector<1x1xf32>
      %div3A = vector.broadcast %sub3A_50 : vector<1x1xf32> to vector<1000x1xf32>
      %div3A_51 = arith.divf %sub3A_47, %div3A : vector<1000x1xf32>
      %broadcast_in_dim3A = vector.shape_cast %ne3A : vector<1x1xi1> to vector<1x1xi1>
      %broadcast_in_dim3A_52 = vector.broadcast %broadcast_in_dim3A : vector<1x1xi1> to vector<1000x1xi1>
      %select_n3A = arith.select %broadcast_in_dim3A_52, %div3A_51, %get3A_40 : vector<1000x1xi1>, vector<1000x1xf32>
      %swap3A = arith.constant 0 : index
      %swap3A_53 = arith.constant 0 : index
      %swap3A_54 = vector.load %arg17[%swap3A, %swap3A_53] : memref<1000x1xf32, #tpu.memory_space<vmem>>, vector<1000x1xf32>
      tpu.vector_store %arg17[%swap3A, %swap3A_53], %select_n3A {strides = array<i32>} : memref<1000x1xf32, #tpu.memory_space<vmem>>, vector<1000x1xf32>,
    } else {
    }
    return
  }
  func.func @transform_0(%arg0: i32, %arg1: i32) -> (i32, i32) {
    %eq3A = arith.constant 0 : i32
    %eq3A_0 = arith.cmpi eq, %arg0, %eq3A : i32
    %jit3A = arith.constant 0 : i32
    %select_n3A = arith.select %eq3A_0, %arg1, %jit3A : i32
    %c0_i32 = arith.constant 0 : i32
    %c0_i32_1 = arith.constant 0 : i32
    return %select_n3A, %c0_i32 : i32, i32
  }
  func.func @transform_1(%arg0: i32, %arg1: i32) -> (i32, i32, i32) {
    %eq3A = arith.constant 0 : i32
    %eq3A_0 = arith.cmpi eq, %arg0, %eq3A : i32
    %jit3A = arith.constant 0 : i32
    %select_n3A = arith.select %eq3A_0, %arg1, %jit3A : i32
    %c0_i32 = arith.constant 0 : i32
    %c0_i32_1 = arith.constant 0 : i32
    %c0_i32_2 = arith.constant 0 : i32
    return %c0_i32, %select_n3A, %c0_i32_1 : i32, i32, i32
  }
  func.func @transform_2(%arg0: i32, %arg1: i32) -> (i32, i32) {
    %c0_i32 = arith.constant 0 : i32
    %c0_i32_0 = arith.constant 0 : i32
    %c0_i32_1 = arith.constant 0 : i32
    return %c0_i32, %c0_i32_0 : i32, i32
  }
  func.func @transform_3(%arg0: i32, %arg1: i32) -> (i32, i32) {
    %c0_i32 = arith.constant 0 : i32
    %c0_i32_0 = arith.constant 0 : i32
    %c0_i32_1 = arith.constant 0 : i32
    return %c0_i32, %c0_i32_0 : i32, i32
  }
  func.func @transform_4(%arg0: i32, %arg1: i32) -> (i32, i32) {
    %c0_i32 = arith.constant 0 : i32
    %c0_i32_0 = arith.constant 0 : i32
    %c0_i32_1 = arith.constant 0 : i32
    return %c0_i32, %c0_i32_0 : i32, i32
  }
  func.func @transform_5(%arg0: i32, %arg1: i32) -> (i32, i32) {
    %c0_i32 = arith.constant 0 : i32
    %c0_i32_0 = arith.constant 0 : i32
    %c0_i32_1 = arith.constant 0 : i32
    return %c0_i32, %c0_i32_0 : i32, i32
  }
  func.func @transform_6(%arg0: i32, %arg1: i32) -> (i32, i32) {
    %c0_i32 = arith.constant 0 : i32
    %c0_i32_0 = arith.constant 0 : i32
    %c0_i32_1 = arith.constant 0 : i32
    return %c0_i32, %c0_i32_0 : i32, i32
  }
  func.func @transform_7(%arg0: i32, %arg1: i32) -> (i32, i32) {
    %c0_i32 = arith.constant 0 : i32
    %c0_i32_0 = arith.constant 0 : i32
    %c0_i32_1 = arith.constant 0 : i32
    return %c0_i32, %c0_i32_0 : i32, i32
  }
  func.func @transform_8(%arg0: i32, %arg1: i32) -> (i32, i32) {
    %c0_i32 = arith.constant 0 : i32
    %c0_i32_0 = arith.constant 0 : i32
    %c0_i32_1 = arith.constant 0 : i32
    return %c0_i32, %c0_i32_0 : i32, i32
  }
  func.func @transform_9(%arg0: i32, %arg1: i32) -> (i32, i32) {
    %c0_i32 = arith.constant 0 : i32
    %c0_i32_0 = arith.constant 0 : i32
    %c0_i32_1 = arith.constant 0 : i32
    return %c0_i32, %c0_i32_0 : i32, i32
  }
  func.func @transform_10(%arg0: i32, %arg1: i32) -> (i32, i32) {
    %c0_i32 = arith.constant 0 : i32
    %c0_i32_0 = arith.constant 0 : i32
    %c0_i32_1 = arith.constant 0 : i32
    return %c0_i32, %c0_i32_0 : i32, i32
  }
  func.func @transform_11(%arg0: i32, %arg1: i32) -> (i32, i32) {
    %c0_i32 = arith.constant 0 : i32
    %c0_i32_0 = arith.constant 0 : i32
    %c0_i32_1 = arith.constant 0 : i32
    return %c0_i32, %c0_i32_0 : i32, i32
  }
  func.func @transform_12(%arg0: i32, %arg1: i32) -> (i32, i32) {
    %c0_i32 = arith.constant 0 : i32
    %c0_i32_0 = arith.constant 0 : i32
    %c0_i32_1 = arith.constant 0 : i32
    return %c0_i32, %c0_i32_0 : i32, i32
  }
  func.func @transform_13(%arg0: i32, %arg1: i32) -> (i32, i32) {
    %c0_i32 = arith.constant 0 : i32
    %c0_i32_0 = arith.constant 0 : i32
    %c0_i32_1 = arith.constant 0 : i32
    return %c0_i32, %c0_i32_0 : i32, i32
  }
  func.func @transform_14(%arg0: i32, %arg1: i32) -> (i32, i32) {
    %c0_i32 = arith.constant 0 : i32
    %c0_i32_0 = arith.constant 0 : i32
    %c0_i32_1 = arith.constant 0 : i32
    return %c0_i32, %c0_i32_0 : i32, i32
  }
  func.func @transform_15(%arg0: i32, %arg1: i32) -> (i32, i32) {
    %eq3A = arith.constant 5 : i32
    %eq3A_0 = arith.cmpi eq, %arg0, %eq3A : i32
    %jit3A = arith.constant 0 : i32
    %select_n3A = arith.select %eq3A_0, %arg1, %jit3A : i32
    %c0_i32 = arith.constant 0 : i32
    %c0_i32_1 = arith.constant 0 : i32
    return %select_n3A, %c0_i32 : i32, i32
  }
}

</mosaic_0001>

<sc_bundles>
// kernel: kernel.10.cloned.1.call-start
scs
__scs_entry_jumppad:
0x0: {  	(pc) =	sbr.rel $0x88, $3  }
0x1: {  	(tag) =	ssettag $0x0;
	lr =	simm.s32 $0x1  }
0x2: {  	[smem:$0x3F89] =	sst lr;
	_ =	strace $0xD0000000  }
0x3: {  	_ = 	snop  }
0x4: {  	_ = 	snop  }
0x5: {  	_ = 	snop  }
0x6: {  	_ = 	snop  }
0x7: {  	_ = 	snop  }
__scs_overlays_trampoline_lowered:
0x8: {  	[smem:$0x3F98] =	sst s0  }
0x9: {  	[smem:$0x3F99] =	sst s1  }
0xa: {  	[smem:$0x3F9A] =	sst s2  }
0xb: {  	[smem:$0x3F9B] =	sst s3  }
0xc: {  	[smem:$0x3F9C] =	sst s4  }
0xd: {  	[smem:$0x3F9D] =	sst s5  }
0xe: {  	[smem:$0x3F9E] =	sst s6  }
0xf: {  	[smem:$0x3F9F] =	sst s7  }
0x10: {  	[smem:$0x3FA0] =	sst s8  }
0x11: {  	[smem:$0x3FA1] =	sst s9;
	s0 =	simm.s32 @!p0 $0x0  }
0x12: {  	s1 =	sld [smem:$0x3F87];
	s0 =	simm.s32 @p0 $0x1  }
0x13: {  	[smem:$0x3FA2] =	sst s0;
	s0 =	simm.s32 @!p1 $0x0  }
0x14: {  	s2 =	sld [smem:$0x3F86];
	s0 =	simm.s32 @p1 $0x1  }
0x15: {  	[smem:$0x3FA3] =	sst s0;
	s0 =	simm.s32 @!p2 $0x0  }
0x16: {  	s3 =	sld [smem:$0x3FDB];
	s0 =	simm.s32 @p2 $0x1  }
0x17: {  	s4 =	simm.s32 $0x1BF5;
	[smem:$0x3FA5] =	sst s0  }
0x18: {  	s0 =	sld [smem:$0x3F88];
	_ =	swait.ge [sflag:s4], $0x0  }
0x19: {  	s7 =	sld [smem:$0x3F89]  }
0x1a: {  	s8 =	sadd.s32 $0xFFFFE003, lr  }
0x1b: {  	s9 =	sadd.s32 $0xFFFFFEF7, lr;
	s5 =	simm.s32 $0xFFFFFFFF;
	p2 =	slt.u32 s8, $0xFFFFF086  }
0x1c: {  	p1 =	slt.u32 s9, $0xF7A;
	s5 =	simm.s32 @!p2 $0x0  }
0x1d: {  	s5 =	simm.s32 @p1 $0x1;
	p0 =	seq.s32 s7, s2  }
0x1e: {  	s7 =	smul.u32 @!p0 $0xF7A, s2;
	p2 =	seq.s32 @!p0 s5, $0x0  }
0x1f: {  	s9 =	smul.u32 $0xF7A, s1;
	s8 =	simm.s32 @!p0 $0x1BF5;
	p2 =	por !p2, p0  }
0x20: {  	[sflag:s8] =	ssyncset.s32 @!p0 $0xFFFFF086;
	s6 =	sadd.s32 @!p0 s3, s7;
	s7 =	simm.s32 @!p0 $0x108  }
0x21: {  	s3 =	sadd.s32 s3, s9;
	s6 =	sadd.s32 @!p0 $0x88, s6;
	s7 =	simm.s32 @p2 $0x1082  }
0x22: {  	[simem:s7], [sflag:s8] =	dma.local @!p0 [hbm:s6], $0xF7A  }
0x23: {  	s9 =	sor.u32 $0xD0000000, s2;
	s6 =	simm.s32 $0x108;
	_ =	swait.ge @!p0 [sflag:s8], $0x0  }
0x24: {  	s3 =	sadd.s32 $0x88, s3;
	s6 =	simm.s32 @!p1 $0x1082;
	[sflag:s4] =	ssyncset.s32 $0xFFFFF086  }
0x25: {  	[simem:s6], [sflag:s4] =	dma.local [hbm:s3], $0xF7A  }
0x26: {  	[smem:$0x3F89] =	sst s1;
	(tag) =	ssettag s2;
	_ =	strace s9  }
0x27: {  	s1 =	sld [smem:$0x3F99]  }
0x28: {  	s2 =	sld [smem:$0x3F9A]  }
0x29: {  	s4 =	sld [smem:$0x3F9C]  }
0x2a: {  	p0 =	seq.s32 s5, $0x0;
	s5 =	sld [smem:$0x3F9D]  }
0x2b: {  	s6 =	sld [smem:$0x3F9E]  }
0x2c: {  	s7 =	sld [smem:$0x3F9F]  }
0x2d: {  	s3 =	simm.s32 $0x108;
	s8 =	sld [smem:$0x3FA0]  }
0x2e: {  	s3 =	simm.s32 @!p0 $0x1082;
	s9 =	sld [smem:$0x3FA1]  }
0x2f: {  	lr =	sadd.s32 s0, s3;
	s0 =	sld [smem:$0x3F98]  }
0x30: {  	s3 =	sld [smem:$0x3F9B]  }
0x31: {  	[smem:$0x3FA4] =	sst s10  }
0x32: {  	s10 =	sld [smem:$0x3FA2];
	_ =	sdelay $0x3  }
0x33: {  	p0 =	seq.s32 s10, $0x1;
	s10 =	sld [smem:$0x3FA4];
	_ =	sdelay $0x3  }
0x34: {  	[smem:$0x3FA4] =	sst s10  }
0x35: {  	s10 =	sld [smem:$0x3FA3];
	_ =	sdelay $0x3  }
0x36: {  	p1 =	seq.s32 s10, $0x1;
	s10 =	sld [smem:$0x3FA4];
	_ =	sdelay $0x3  }
0x37: {  	[smem:$0x3FA4] =	sst s10  }
0x38: {  	s10 =	sld [smem:$0x3FA5]  }
0x39: {  	_ = 	snop;
	(pc) =	sbr.ind lr, $3  }
0x3a: {  	_ = 	snop  }
0x3b: {  	_ = 	snop  }
0x3c: {  	p2 =	seq.s32 s10, $0x1;
	s10 =	sld [smem:$0x3FA4]  }
0x3d: {  	_ =	shalt  }
0x3e: {  	_ =	shalt  }
0x3f: {  	_ =	shalt  }
0x40: {  	_ =	shalt  }
0x41: {  	_ =	shalt  }
0x42: {  	_ =	shalt  }
0x43: {  	_ =	shalt  }
0x44: {  	_ =	shalt  }
0x45: {  	_ =	shalt  }
0x46: {  	_ =	shalt  }
0x47: {  	_ =	shalt  }
0x48: {  	_ =	shalt  }
0x49: {  	_ =	shalt  }
0x4a: {  	_ =	shalt  }
0x4b: {  	_ =	shalt  }
0x4c: {  	_ =	shalt  }
0x4d: {  	_ =	shalt  }
0x4e: {  	_ =	shalt  }
0x4f: {  	_ =	shalt  }
0x50: {  	_ =	shalt  }
0x51: {  	_ =	shalt  }
0x52: {  	_ =	shalt  }
0x53: {  	_ =	shalt  }
0x54: {  	_ =	shalt  }
0x55: {  	_ =	shalt  }
0x56: {  	_ =	shalt  }
0x57: {  	_ =	shalt  }
0x58: {  	_ =	shalt  }
0x59: {  	_ =	shalt  }
0x5a: {  	_ =	shalt  }
0x5b: {  	_ =	shalt  }
0x5c: {  	_ =	shalt  }
0x5d: {  	_ =	shalt  }
0x5e: {  	_ =	shalt  }
0x5f: {  	_ =	shalt  }
0x60: {  	_ =	shalt  }
0x61: {  	_ =	shalt  }
0x62: {  	_ =	shalt  }
0x63: {  	_ =	shalt  }
0x64: {  	_ =	shalt  }
0x65: {  	_ =	shalt  }
0x66: {  	_ =	shalt  }
0x67: {  	_ =	shalt  }
0x68: {  	_ =	shalt  }
0x69: {  	_ =	shalt  }
0x6a: {  	_ =	shalt  }
0x6b: {  	_ =	shalt  }
0x6c: {  	_ =	shalt  }
0x6d: {  	_ =	shalt  }
0x6e: {  	_ =	shalt  }
0x6f: {  	_ =	shalt  }
0x70: {  	_ =	shalt  }
0x71: {  	_ =	shalt  }
0x72: {  	_ =	shalt  }
0x73: {  	_ =	shalt  }
0x74: {  	_ =	shalt  }
0x75: {  	_ =	shalt  }
0x76: {  	_ =	shalt  }
0x77: {  	_ =	shalt  }
0x78: {  	_ =	shalt  }
0x79: {  	_ =	shalt  }
0x7a: {  	_ =	shalt  }
0x7b: {  	_ =	shalt  }
0x7c: {  	_ =	shalt  }
0x7d: {  	_ =	shalt  }
0x7e: {  	_ =	shalt  }
0x7f: {  	_ =	shalt  }
0x80: {  	_ =	shalt  }
0x81: {  	_ =	shalt  }
0x82: {  	_ =	shalt  }
0x83: {  	_ =	shalt  }
0x84: {  	_ =	shalt  }
0x85: {  	_ =	shalt  }
0x86: {  	_ =	shalt  }
0x87: {  	_ =	shalt  }
.Lfunc_end0:
.L_simem_size_0:
called_computation_lowered:
.L_overlay_start_0:
0x88: {  	s2 =	sld [smem:$0x3FD9]  }
0x89: {  	s3 =	sld [smem:$0x3FFE];
	_ =	sdelay $0x1  }
0x8a: {  	s1 =	srdreg.scid  }
0x8b: {  	s0 =	sand.u32 $0x1, s1  }
0x8c: {  	s16 =	sshll.u32 s0, $0xA;
	s2 =	sadd.s32 s3, s2  }
0x8d: {  	s2 =	sadd.s32 s2, s16  }
0x8e: {  	[smem:$0x3FB0] =	sst s2  }
0x8f: {  	_ = 	snop  }
0x90: {  	(tm) =	ssettm $0x1  }
0x91: {  	s17 =	sld [smem:$0x3FFB];
	_ =	sdelay $0x3  }
0x92: {  	_ =	strace s17  }
0x93: {  	s2 =	sld [smem:$0x3FFC];
	_ =	sdelay $0x3  }
0x94: {  	_ =	strace s2  }
0x95: {  	s2 =	sld [smem:$0x3FFD];
	_ =	sdelay $0x3  }
0x96: {  	_ =	strace s2  }
0x97: {  	_ =	strace $0x8FFFFFFF  }
0x98: {  	s18 =	sld [smem:$0x3FDB];
	_ =	sdelay $0x1  }
0x99: {  	s19 =	simm.s32 $_scs_section_size  }
0x9a: {  	s4 =	simm.s32 $_size__tile_overlayer_lowered;
	s5 =	simm.s32 $_tile_overlayer_lowered  }
0x9b: {  	s22 =	simm.s32 $0x1BFF;
	s21 =	sshll.u32 s5, $0x1;
	s2 =	sadd.s32 s19, s18  }
0x9c: {  	s6 =	simm.s32 $0x0;
	s20 =	sshll.u32 s4, $0x1;
	s4 =	sadd.s32 s21, s2  }
0x9d: {  	[timem:s6], [sflag:s22] =	dma.local [hbm:s4], s20  }
0x9e: {  	_ =	swait.ge [sflag:s22], s20  }
0x9f: {  	s3 =	ssub.s32 $0x0, s20;
	[sflag:s22] =	ssyncset.done $0x0  }
0xa0: {  	[sflag:s22] =	ssyncadd.s32 s3;
	_ =	sdelay $0x1  }
0xa1: {  	s23 =	simm.s32 $0x1B8B  }
0xa2: {  	_ =	swait.ge [sflag:s23], $0x1  }
0xa3: {  	[sflag:s23] =	ssyncset.done $0x0  }
0xa4: {  	s25 =	simm.s32 $0x1B8E;
	s24 =	sld [smem:$0x3FFE];
	[sflag:s23] =	ssyncadd.s32 $0xFFFFFFFF  }
0xa5: {  	s26 =	simm.s32 $execute0_lowered;
	[smem:$0x3FD2] =	sst s25  }
0xa6: {  	s4 =	sshll.u32 s26, $0x1;
	_ =	strace $0x80000046;
	[dreg:$0x1] =	wrdreg $0xFFFFFFFF  }
0xa7: {  	s28 =	simm.s32 $_size_execute0_lowered;
	s2 =	sadd.s32 s2, s4;
	[dreg:$0x0] =	wrdreg $0x0  }
0xa8: {  	s4 =	sshll.u32 s28, $0x1;
	[dreg:$0x2] =	wrdreg s2  }
0xa9: {  	[dreg:$0x3] =	wrdreg s4  }
0xaa: {  	[dreg:$0x4] =	wrdreg $0xC0  }
0xab: {  	_ =	task [dreg:s6], $0x5FFFF  }
0xac: {  	[dreg:$0x1] =	wrdreg $0xFFFFFFFF  }
0xad: {  	[dreg:$0x0] =	wrdreg $0x60  }
0xae: {  	[dreg:$0x2] =	wrdreg s24  }
0xaf: {  	[dreg:$0x3] =	wrdreg $0x87000  }
0xb0: {  	[dreg:$0x4] =	wrdreg $0x9  }
0xb1: {  	_ =	task.clear_ibuf [dreg:s6], $0x5FFFF;
	_ =	strace $0x90000046  }
0xb2: {  	s29 =	simm.s32 $0x9;
	_ =	strace $0x80000048  }
0xb3: {  	_ =	swait.ge [sflag:s29], $0x1  }
0xb4: {  	[sflag:s29] =	ssyncadd.s32 $0xFFFFFFFF  }
0xb5: {  	_ =	strace $0x90000048  }
0xb6: {  	_ =	sfence  }
0xb7: {  	s30 =	sld [smem:$0x0];
	_ =	sdelay $0x2  }
0xb8: {  	s31 =	sshll.u32 s1, $0xD;
	s1 =	sshrl.u32 s1, $0x2  }
0xb9: {  	s3 =	sand.u32 $0x4000, s31;
	s1 =	sadd.s32 s1, s30  }
0xba: {  	s0 =	sor.u32 s3, s0;
	s1 =	sshll.u32 s1, $0x11  }
0xbb: {  	s0 =	sor.u32 s1, s0  }
0xbc: {  	s0 =	sadd.s32 $0x8F2B, s0  }
0xbd: {  	[sflag:s0] =	ssyncadd.remote.s32 $0x1  }
0xbe: {  	_ =	sfence.sel $0xFFFF  }
0xbf: {  	[dreg:$0x0] =	wrdreg $0xFFFFFFFF;
	(pc) =	sbr.abs _section_cstart, $3  }
0xc0: {  	[dreg:$0x1] =	wrdreg $0xFFFFFFFF  }
0xc1: {  	_ =	task.clear_ibuf [dreg:s6], $0x2FFFF;
	_ =	strace $0x9FFFFFFF  }
0xc2: {  	(tm) =	ssettm $0x7FFFFFFF  }
0xc3: {  	_ =	shalt  }
tec
execute0_lowered:
.L_overlay_start_1:
0x0: {  	(tag) =	ssettag $0x1  }
0x1: {  	s0 =	rddreg [dreg:$0x0]  }
0x2: {  	s1 =	rddreg [dreg:$0x1]  }
0x3: {  	s3 =	simm.s32 $0x0;
	s2 =	srdreg.scid;
	s11 =	stileid.u32  }
0x4: {  	s29 =	simm.s32 $0x6700;
	s30 =	simm.s32 $0x4;
	s7 =	smul.u32 $0x14000, s11  }
0x5: {  	s31 =	simm.s32 $0x100;
	[smem:$0x7FF] =	sst s3;
	s22 =	smul.u32 $0x50000, s11  }
0x6: {  	s2 =	sand.u32 $0x1, s2;
	s4 =	sadd.s32 $0xDC00, s0;
	s16 =	smul.u32 $0x1388, s11  }
0x7: {  	s5 =	sadd.s32 $0x8C00, s0;
	s6 =	smul.u32 $0x140000, s2;
	_ =	strace $0x80000047  }
0x8: {  	s8 =	sshll.u32 s2, $0x4;
	s10 =	ssub.s32 $0x2, s2;
	s2 =	smul.u32 $0x13880, s2  }
0x9: {  	s8 =	sor.u32 s11, s8;
	s23 =	sshrl.u32 s10, $0x1;
	s11 =	simm.s32 $0x2  }
0xa: {  	s6 =	sadd.s32 s7, s6;
	s8 =	smul.u32 $0x1388, s8;
	s7 =	sshrl.u32 s22, $0x2  }
0xb: {  	s2 =	sadd.s32 s16, s2;
	s16 =	simm.s32 $0x6280;
	s9 =	sshrl.u32 s6, $0x3  }
0xc: {  	s6 =	sadd.s32 $0x3C00, s0;
	s7 =	sadd.s32 s7, s1;
	s0 =	sadd.s32 s9, s0  }
0xd: {  	s9 =	ssub.s32 s10, s23;
	s8 =	sshrl.u32 s8, $0x3;
	s17 =	sadd.s32 $0x2000, s7  }
0xe: {  	s18 =	sadd.s32 $0x4000, s7;
	s19 =	sadd.s32 $0x6000, s7;
	[dreg:$0xa] =	wrdreg s17  }
0xf: {  	s20 =	sadd.s32 $0x8000, s7;
	s21 =	sadd.s32 $0xA000, s7;
	[dreg:$0xb] =	wrdreg s18  }
0x10: {  	s22 =	sadd.s32 $0xC000, s7;
	s23 =	sadd.s32 $0xE000, s7;
	[dreg:$0xc] =	wrdreg s19  }
0x11: {  	s28 =	sadd.s32 $0x12000, s7;
	s24 =	sadd.s32 s5, s8;
	[dreg:$0xd] =	wrdreg s20  }
0x12: {  	s25 =	sadd.s32 $0x270, s8;
	s12 =	sadd.s32 s6, s8;
	[dreg:$0xe] =	wrdreg s21  }
0x13: {  	s0 =	sadd.s32 $0x34E00, s0;
	s13 =	sadd.s32 $0x264, s8;
	[dreg:$0xf] =	wrdreg s22  }
0x14: {  	s14 =	smax.u32 s9, $0x1;
	[dreg:$0x10] =	wrdreg s23;
	s21 =	sadd.s32 $0xC0, s2  }
0x15: {  	s8 =	simm.s32 $0x200;
	s9 =	simm.s32 $0x80;
	[dreg:$0x3] =	wrdreg s24  }
0x16: {  	s17 =	simm.s32 $0x8;
	s18 =	simm.s32 $0x6300;
	[dreg:$0x4] =	wrdreg s12  }
0x17: {  	s19 =	simm.s32 $0x0;
	s26 =	sadd.s32 s5, s25;
	[dreg:$0x7] =	wrdreg s0  }
0x18: {  	s10 =	sadd.s32 s6, s25;
	[dreg:$0x8] =	wrdreg s14;
	s15 =	sadd.s32 s5, s13  }
0x19: {  	s24 =	sadd.s32 $0x60, s2;
	s0 =	sadd.s32 s6, s13;
	[dreg:$0x5] =	wrdreg s26  }
0x1a: {  	s2 =	simm.s32 $0x60;
	s12 =	simm.s32 $0x3200;
	[dreg:$0x6] =	wrdreg s10  }
0x1b: {  	s13 =	simm.s32 $0x5;
	s14 =	simm.s32 $0x3;
	[dreg:$0x9] =	wrdreg s15  }
0x1c: {  	[dreg:$0x11] =	wrdreg s0;
	s25 =	sshrl.u32 s24, $0x3;
	s26 =	sadd.s32 $0x10000, s7  }
0x1d: {  	s0 =	simm.s32 $0x1;
	s10 =	simm.s32 $0x180;
	s15 =	simm.s32 $0x6200  }
0x1e: {  	v0 =	vimm.f32 $0.0e+00;
	s24 =	sadd.s32 s25, s6;
	s25 =	sadd.s32 s25, s5;
	[dreg:$0x12] =	wrdreg s26  }
.LBB2_1:
0x1f: {  	s20 =	simm.s32 $0x0;
	s23 =	simm.s32 $0x200  }
.LBB2_2:
0x20: {  	p0 =	sne.s32 s23, $0x7E00;
	[tilespmem:s20+$0x6770] =	vst v0  }
0x21: {  	[tilespmem:s20+$0x6700] =	vst v0  }
0x22: {  	[tilespmem:s20+$0x6710] =	vst v0  }
.Ltmp0:
0x23: {  	[tilespmem:s20+$0x6720] =	vst v0;
	(pc) =	sbr.rel @p0 .LBB2_2-.Ltmp0, $4  }
0x24: {  	[tilespmem:s20+$0x6730] =	vst v0  }
0x25: {  	[tilespmem:s20+$0x6740] =	vst v0  }
0x26: {  	[tilespmem:s20+$0x6750] =	vst v0  }
0x27: {  	[tilespmem:s20+$0x6760] =	vst v0;
	s20 =	sshra.s32 s23, $0x2;
	s23 =	sadd.s32 $0x200, s23  }
0x28: {  	[tilespmem:s20+$0x6770] =	vst v0  }
0x29: {  	[tilespmem:s20+$0x6700] =	vst v0  }
0x2a: {  	[tilespmem:s20+$0x6710] =	vst v0  }
0x2b: {  	[tilespmem:s20+$0x6720] =	vst v0  }
0x2c: {  	[tilespmem:s20+$0x6730] =	vst v0  }
0x2d: {  	[tilespmem:s20+$0x6740] =	vst v0  }
0x2e: {  	[tilespmem:s20+$0x6750] =	vst v0  }
0x2f: {  	[tilespmem:s20+$0x6760] =	vst v0  }
0x30: {  	[spmem:s7] =	stream.linear.scatter [tilespmem:s29], [sflag:$0x4], $0x2000, $0x38;
	[tilespmem:$0x1C700] =	vst v63  }
0x31: {  	_ =	swait.ge [sflag:s30], $0x2000  }
0x32: {  	[sflag:s30] =	ssyncset.done $0x0  }
0x33: {  	s26 =	rddreg [dreg:$0xa];
	[sflag:s30] =	ssyncadd.s32 $0xFFFFE000  }
0x34: {  	[spmem:s26] =	stream.linear.scatter [tilespmem:s29], [sflag:$0x4], $0x2000, $0x38;
	[tilespmem:$0x1C700] =	vst v63  }
0x35: {  	_ =	swait.ge [sflag:s30], $0x2000  }
0x36: {  	[sflag:s30] =	ssyncset.done $0x0  }
0x37: {  	s22 =	rddreg [dreg:$0xb];
	[sflag:s30] =	ssyncadd.s32 $0xFFFFE000  }
0x38: {  	[spmem:s22] =	stream.linear.scatter [tilespmem:s29], [sflag:$0x4], $0x2000, $0x38;
	[tilespmem:$0x1C700] =	vst v63  }
0x39: {  	_ =	swait.ge [sflag:s30], $0x2000  }
0x3a: {  	[sflag:s30] =	ssyncset.done $0x0  }
0x3b: {  	s23 =	rddreg [dreg:$0xc];
	[sflag:s30] =	ssyncadd.s32 $0xFFFFE000  }
0x3c: {  	[spmem:s23] =	stream.linear.scatter [tilespmem:s29], [sflag:$0x4], $0x2000, $0x38;
	[tilespmem:$0x1C700] =	vst v63  }
0x3d: {  	_ =	swait.ge [sflag:s30], $0x2000  }
0x3e: {  	[sflag:s30] =	ssyncset.done $0x0  }
0x3f: {  	s26 =	rddreg [dreg:$0xd];
	[sflag:s30] =	ssyncadd.s32 $0xFFFFE000  }
0x40: {  	[spmem:s26] =	stream.linear.scatter [tilespmem:s29], [sflag:$0x4], $0x2000, $0x38;
	[tilespmem:$0x1C700] =	vst v63  }
0x41: {  	_ =	swait.ge [sflag:s30], $0x2000  }
0x42: {  	[sflag:s30] =	ssyncset.done $0x0  }
0x43: {  	s22 =	rddreg [dreg:$0xe];
	[sflag:s30] =	ssyncadd.s32 $0xFFFFE000  }
0x44: {  	[spmem:s22] =	stream.linear.scatter [tilespmem:s29], [sflag:$0x4], $0x2000, $0x38;
	[tilespmem:$0x1C700] =	vst v63  }
0x45: {  	_ =	swait.ge [sflag:s30], $0x2000  }
0x46: {  	[sflag:s30] =	ssyncset.done $0x0  }
0x47: {  	s23 =	rddreg [dreg:$0xf];
	[sflag:s30] =	ssyncadd.s32 $0xFFFFE000  }
0x48: {  	[spmem:s23] =	stream.linear.scatter [tilespmem:s29], [sflag:$0x4], $0x2000, $0x38;
	[tilespmem:$0x1C700] =	vst v63  }
0x49: {  	_ =	swait.ge [sflag:s30], $0x2000  }
0x4a: {  	[sflag:s30] =	ssyncset.done $0x0  }
0x4b: {  	s26 =	rddreg [dreg:$0x10];
	[sflag:s30] =	ssyncadd.s32 $0xFFFFE000  }
0x4c: {  	[spmem:s26] =	stream.linear.scatter [tilespmem:s29], [sflag:$0x4], $0x2000, $0x38;
	[tilespmem:$0x1C700] =	vst v63  }
0x4d: {  	_ =	swait.ge [sflag:s30], $0x2000  }
0x4e: {  	[sflag:s30] =	ssyncset.done $0x0  }
0x4f: {  	s22 =	rddreg [dreg:$0x12];
	[sflag:s30] =	ssyncadd.s32 $0xFFFFE000  }
0x50: {  	[spmem:s22] =	stream.linear.scatter [tilespmem:s29], [sflag:$0x4], $0x2000, $0x38;
	[tilespmem:$0x1C700] =	vst v63  }
0x51: {  	_ =	swait.ge [sflag:s30], $0x2000  }
0x52: {  	[sflag:s30] =	ssyncset.done $0x0  }
0x53: {  	[sflag:s30] =	ssyncadd.s32 $0xFFFFE000  }
0x54: {  	[spmem:s28] =	stream.linear.scatter [tilespmem:s29], [sflag:$0x4], $0x2000, $0x38;
	[tilespmem:$0x1C700] =	vst v63  }
0x55: {  	_ =	swait.ge [sflag:s30], $0x2000  }
0x56: {  	[sflag:s30] =	ssyncset.done $0x0  }
0x57: {  	[sflag:s30] =	ssyncadd.s32 $0xFFFFE000  }
0x58: {  	[bflag:$0x0] =	sbarrier.arrive $0xFFFF  }
0x59: {  	s23 =	simm.s32 $0x0;
	s22 =	rddreg [dreg:$0x3]  }
0x5a: {  	[tilespmem:s23], [sflag:$0x1] =	stream.linear.gather [hbm4b:s22+s23], $0x60, $0x38;
	[tilespmem:$0x1C700] =	vst v63  }
0x5b: {  	s26 =	rddreg [dreg:$0x4]  }
0x5c: {  	[tilespmem:s31], [sflag:$0x1] =	stream.linear.gather [hbm4b:s26+s23], $0x60, $0x38;
	[tilespmem:$0x1C700] =	vst v63  }
0x5d: {  	_ =	swait.ge [sflag:s0], $0x60  }
0x5e: {  	[sflag:s0] =	ssyncset.done $0x0  }
0x5f: {  	[sflag:s0] =	ssyncadd.s32 $0xFFFFFFA0  }
0x60: {  	_ =	swait.ge [sflag:s0], $0x60  }
0x61: {  	[sflag:s0] =	ssyncset.done $0x0  }
0x62: {  	[sflag:s0] =	ssyncadd.s32 $0xFFFFFFA0  }
0x63: {  	[tilespmem:s8], [sflag:$0x2] =	stream.indirect.gather [hbm4b:s4+s2], $0x80, s23, s2, $0xb8;
	[tilespmem:$0x1C700] =	vst v63  }
0x64: {  	s22 =	sadd.s32 $0x0, s25  }
0x65: {  	[tilespmem:s9], [sflag:$0x1] =	stream.linear.gather [hbm4b:s22+s3], $0x60, $0x38;
	[tilespmem:$0x1C700] =	vst v63  }
0x66: {  	s23 =	sadd.s32 $0x0, s24  }
0x67: {  	[tilespmem:s10], [sflag:$0x1] =	stream.linear.gather [hbm4b:s23+s3], $0x60, $0x38;
	[tilespmem:$0x1C700] =	vst v63  }
0x68: {  	_ =	swait.ge [sflag:s0], $0x60  }
0x69: {  	[sflag:s0] =	ssyncset.done $0x0  }
0x6a: {  	[sflag:s0] =	ssyncadd.s32 $0xFFFFFFA0  }
0x6b: {  	_ =	swait.ge [sflag:s0], $0x60  }
0x6c: {  	[sflag:s0] =	ssyncset.done $0x0  }
0x6d: {  	[sflag:s0] =	ssyncadd.s32 $0xFFFFFFA0  }
0x6e: {  	_ =	swait.ge [sflag:s11], $0x3000  }
0x6f: {  	[sflag:s11] =	ssyncset.done $0x0  }
0x70: {  	[sflag:s11] =	ssyncadd.s32 $0xFFFFD000  }
0x71: {  	[tilespmem:s12], [sflag:$0x3] =	stream.indirect.gather [hbm4b:s4+s2], $0x80, s9, s2, $0xb8;
	[tilespmem:$0x1C700] =	vst v63  }
0x72: {  	_ = 	snop  }
0x73: {  	[spmem:s1] =	stream.indirect.scatter.add.f32 [tilespmem:s8], [sflag:$0x5], $0x80, s31, s2, $0xb8;
	[tilespmem:$0x1C700] =	vst v63  }
0x74: {  	_ =	swait.ge [sflag:s13], $0x3000  }
0x75: {  	s26 =	sshrl.u32 s21, $0x3;
	[sflag:s13] =	ssyncset.done $0x0  }
0x76: {  	s23 =	sadd.s32 s5, s26;
	[sflag:s13] =	ssyncadd.s32 $0xFFFFD000  }
0x77: {  	[tilespmem:s3], [sflag:$0x1] =	stream.linear.gather [hbm4b:s23+s3], $0x60, $0x38;
	[tilespmem:$0x1C700] =	vst v63  }
0x78: {  	s20 =	sadd.s32 s6, s26  }
0x79: {  	[tilespmem:s31], [sflag:$0x1] =	stream.linear.gather [hbm4b:s20+s3], $0x60, $0x38;
	[tilespmem:$0x1C700] =	vst v63  }
0x7a: {  	_ =	swait.ge [sflag:s0], $0x60  }
0x7b: {  	[sflag:s0] =	ssyncset.done $0x0  }
0x7c: {  	[sflag:s0] =	ssyncadd.s32 $0xFFFFFFA0  }
0x7d: {  	_ =	swait.ge [sflag:s0], $0x60  }
0x7e: {  	[sflag:s0] =	ssyncset.done $0x0  }
0x7f: {  	[sflag:s0] =	ssyncadd.s32 $0xFFFFFFA0  }
0x80: {  	_ =	swait.ge [sflag:s14], $0x3000  }
0x81: {  	[sflag:s14] =	ssyncset.done $0x0  }
0x82: {  	[sflag:s14] =	ssyncadd.s32 $0xFFFFD000  }
0x83: {  	[tilespmem:s8], [sflag:$0x2] =	stream.indirect.gather [hbm4b:s4+s2], $0x80, s3, s2, $0xb8;
	[tilespmem:$0x1C700] =	vst v63  }
0x84: {  	_ = 	snop  }
0x85: {  	[spmem:s1] =	stream.indirect.scatter.add.f32 [tilespmem:s12], [sflag:$0x4], $0x80, s10, s2, $0xb8;
	[tilespmem:$0x1C700] =	vst v63  }
0x86: {  	_ =	swait.ge [sflag:s30], $0x3000  }
0x87: {  	s23 =	smov.u32 s21;
	s20 =	simm.s32 $0x18;
	[sflag:s30] =	ssyncset.done $0x0  }
.LBB2_4:
0x88: {  	p0 =	sne.s32 s20, $0x240;
	[sflag:s30] =	ssyncadd.s32 $0xFFFFD000;
	s23 =	sadd.s32 $0xC0, s23  }
0x89: {  	s22 =	sadd.s32 s20, s25;
	s26 =	smov.u32 s20;
	s20 =	sadd.s32 $0x18, s20  }
0x8a: {  	[tilespmem:s9], [sflag:$0x1] =	stream.linear.gather [hbm4b:s22+s3], $0x60, $0x38;
	[tilespmem:$0x1C700] =	vst v63  }
0x8b: {  	s22 =	sadd.s32 s26, s24  }
0x8c: {  	[tilespmem:s10], [sflag:$0x1] =	stream.linear.gather [hbm4b:s22+s3], $0x60, $0x38;
	[tilespmem:$0x1C700] =	vst v63  }
0x8d: {  	_ =	swait.ge [sflag:s0], $0x60  }
0x8e: {  	[sflag:s0] =	ssyncset.done $0x0  }
0x8f: {  	[sflag:s0] =	ssyncadd.s32 $0xFFFFFFA0  }
0x90: {  	_ =	swait.ge [sflag:s0], $0x60  }
0x91: {  	[sflag:s0] =	ssyncset.done $0x0  }
0x92: {  	[sflag:s0] =	ssyncadd.s32 $0xFFFFFFA0  }
0x93: {  	_ =	swait.ge [sflag:s11], $0x3000  }
0x94: {  	[sflag:s11] =	ssyncset.done $0x0  }
0x95: {  	[sflag:s11] =	ssyncadd.s32 $0xFFFFD000  }
0x96: {  	[tilespmem:s12], [sflag:$0x3] =	stream.indirect.gather [hbm4b:s4+s2], $0x80, s9, s2, $0xb8;
	[tilespmem:$0x1C700] =	vst v63  }
0x97: {  	_ = 	snop  }
0x98: {  	[spmem:s1] =	stream.indirect.scatter.add.f32 [tilespmem:s8], [sflag:$0x5], $0x80, s31, s2, $0xb8;
	[tilespmem:$0x1C700] =	vst v63  }
0x99: {  	_ =	swait.ge [sflag:s13], $0x3000  }
0x9a: {  	s22 =	sshrl.u32 s23, $0x3;
	[sflag:s13] =	ssyncset.done $0x0  }
0x9b: {  	s26 =	sadd.s32 s5, s22;
	[sflag:s13] =	ssyncadd.s32 $0xFFFFD000  }
0x9c: {  	[tilespmem:s3], [sflag:$0x1] =	stream.linear.gather [hbm4b:s26+s3], $0x60, $0x38;
	[tilespmem:$0x1C700] =	vst v63  }
0x9d: {  	s22 =	sadd.s32 s6, s22  }
0x9e: {  	[tilespmem:s31], [sflag:$0x1] =	stream.linear.gather [hbm4b:s22+s3], $0x60, $0x38;
	[tilespmem:$0x1C700] =	vst v63  }
0x9f: {  	_ =	swait.ge [sflag:s0], $0x60  }
0xa0: {  	[sflag:s0] =	ssyncset.done $0x0  }
0xa1: {  	[sflag:s0] =	ssyncadd.s32 $0xFFFFFFA0  }
0xa2: {  	_ =	swait.ge [sflag:s0], $0x60  }
0xa3: {  	[sflag:s0] =	ssyncset.done $0x0  }
0xa4: {  	[sflag:s0] =	ssyncadd.s32 $0xFFFFFFA0  }
0xa5: {  	_ =	swait.ge [sflag:s14], $0x3000  }
0xa6: {  	[sflag:s14] =	ssyncset.done $0x0  }
0xa7: {  	[sflag:s14] =	ssyncadd.s32 $0xFFFFD000  }
0xa8: {  	[tilespmem:s8], [sflag:$0x2] =	stream.indirect.gather [hbm4b:s4+s2], $0x80, s3, s2, $0xb8;
	[tilespmem:$0x1C700] =	vst v63  }
.Ltmp1:
0xa9: {  	_ = 	snop;
	(pc) =	sbr.rel @p0 .LBB2_4-.Ltmp1, $4  }
0xaa: {  	_ = 	snop  }
0xab: {  	[spmem:s1] =	stream.indirect.scatter.add.f32 [tilespmem:s12], [sflag:$0x4], $0x80, s10, s2, $0xb8;
	[tilespmem:$0x1C700] =	vst v63  }
0xac: {  	_ =	swait.ge [sflag:s30], $0x3000  }
0xad: {  	[sflag:s30] =	ssyncset.done $0x0  }
0xae: {  	[sflag:s30] =	ssyncadd.s32 $0xFFFFD000;
	s20 =	rddreg [dreg:$0x9]  }
0xaf: {  	[tilespmem:s9], [sflag:$0x1] =	stream.linear.gather [hbm4b:s20+s3], $0x60, $0x38;
	[tilespmem:$0x1C700] =	vst v63  }
0xb0: {  	s23 =	rddreg [dreg:$0x11]  }
0xb1: {  	[tilespmem:s10], [sflag:$0x1] =	stream.linear.gather [hbm4b:s23+s3], $0x60, $0x38;
	[tilespmem:$0x1C700] =	vst v63  }
0xb2: {  	_ =	swait.ge [sflag:s0], $0x60  }
0xb3: {  	[sflag:s0] =	ssyncset.done $0x0  }
0xb4: {  	[sflag:s0] =	ssyncadd.s32 $0xFFFFFFA0  }
0xb5: {  	_ =	swait.ge [sflag:s0], $0x60  }
0xb6: {  	[sflag:s0] =	ssyncset.done $0x0  }
0xb7: {  	[sflag:s0] =	ssyncadd.s32 $0xFFFFFFA0  }
0xb8: {  	_ =	swait.ge [sflag:s11], $0x3000  }
0xb9: {  	[sflag:s11] =	ssyncset.done $0x0  }
0xba: {  	[sflag:s11] =	ssyncadd.s32 $0xFFFFD000  }
0xbb: {  	[tilespmem:s12], [sflag:$0x3] =	stream.indirect.gather [hbm4b:s4+s2], $0x80, s9, s2, $0xb8;
	[tilespmem:$0x1C700] =	vst v63  }
0xbc: {  	_ = 	snop  }
0xbd: {  	[spmem:s1] =	stream.indirect.scatter.add.f32 [tilespmem:s8], [sflag:$0x5], $0x80, s31, s2, $0xb8;
	[tilespmem:$0x1C700] =	vst v63  }
0xbe: {  	_ =	swait.ge [sflag:s13], $0x3000  }
0xbf: {  	[sflag:s13] =	ssyncset.done $0x0  }
0xc0: {  	[sflag:s13] =	ssyncadd.s32 $0xFFFFD000  }
0xc1: {  	_ =	swait.ge [sflag:s14], $0x3000  }
0xc2: {  	[sflag:s14] =	ssyncset.done $0x0  }
0xc3: {  	[sflag:s14] =	ssyncadd.s32 $0xFFFFD000  }
0xc4: {  	[spmem:s1] =	stream.indirect.scatter.add.f32 [tilespmem:s12], [sflag:$0x4], $0x80, s10, s2, $0xb8;
	[tilespmem:$0x1C700] =	vst v63  }
0xc5: {  	_ =	swait.ge [sflag:s30], $0x3000  }
0xc6: {  	[sflag:s30] =	ssyncset.done $0x0  }
0xc7: {  	s26 =	rddreg [dreg:$0x5];
	[sflag:s30] =	ssyncadd.s32 $0xFFFFD000  }
0xc8: {  	[tilespmem:s15], [sflag:$0x1] =	stream.linear.gather [hbm4b:s26+s3], $0x8, $0x38;
	[tilespmem:$0x1C700] =	vst v63  }
0xc9: {  	s22 =	rddreg [dreg:$0x6]  }
0xca: {  	[tilespmem:s16], [sflag:$0x1] =	stream.linear.gather [hbm4b:s22+s3], $0x8, $0x38;
	[tilespmem:$0x1C700] =	vst v63  }
0xcb: {  	_ =	swait.ge [sflag:s0], $0x8  }
0xcc: {  	[sflag:s0] =	ssyncset.done $0x0  }
0xcd: {  	[sflag:s0] =	ssyncadd.s32 $0xFFFFFFF8  }
0xce: {  	_ =	swait.ge [sflag:s0], $0x8  }
0xcf: {  	[sflag:s0] =	ssyncset.done $0x0  }
0xd0: {  	[sflag:s0] =	ssyncadd.s32 $0xFFFFFFF8  }
0xd1: {  	[tilespmem:s18], [sflag:$0x2] =	stream.indirect.gather [hbm4b:s4+s17], $0x80, s15, s17, $0xb8;
	[tilespmem:$0x1C700] =	vst v63  }
0xd2: {  	_ =	swait.ge [sflag:s11], $0x400  }
0xd3: {  	[sflag:s11] =	ssyncset.done $0x0  }
0xd4: {  	[sflag:s11] =	ssyncadd.s32 $0xFFFFFC00  }
0xd5: {  	[spmem:s1] =	stream.indirect.scatter.add.f32 [tilespmem:s18], [sflag:$0x4], $0x80, s16, s17, $0xb8;
	[tilespmem:$0x1C700] =	vst v63  }
0xd6: {  	_ =	swait.ge [sflag:s30], $0x400  }
0xd7: {  	[sflag:s30] =	ssyncset.done $0x0  }
0xd8: {  	s23 =	stileid.u32;
	[sflag:s30] =	ssyncadd.s32 $0xFFFFFC00  }
0xd9: {  	s20 =	sshll.u32 s23, $0x6;
	[bflag:$0x0] =	sbarrier.arrive $0xFFFF  }
0xda: {  	s20 =	sor.u32 $0x1C04, s20;
	s22 =	sshrl.u32 s7, $0x3;
	s23 =	rddreg [dreg:$0x7]  }
0xdb: {  	[hbm:s23], [sflag:s20] =	dma.local [spmem:s22], $0x2800  }
0xdc: {  	_ =	swait.ge [sflag:s30], $0x2800  }
0xdd: {  	s19 =	sadd.s32 $0x1, s19;
	s26 =	rddreg [dreg:$0x8]  }
0xde: {  	p0 =	sne.s32 s19, s26  }
.Ltmp2:
0xdf: {  	_ = 	snop;
	(pc) =	sbr.rel @p0 .LBB2_1-.Ltmp2, $3  }
0xe0: {  	_ =	sdelay $0x1  }
0xe1: {  	[sflag:s30] =	ssyncset.done $0x0  }
0xe2: {  	[sflag:s30] =	ssyncadd.s32 $0xFFFFD800  }
0xe3: {  	_ =	sfence.sel $0x180000  }
0xe4: {  	[bflag:$0x0] =	sbarrier.arrive $0xFFFF  }
0xe5: {  	_ =	strace $0x90000047  }
0xe6: {  	s0 =	stileid.u32;
	[bflag:$0x2] =	sbarrier.arrive $0xFFFF  }
0xe7: {  	p0 =	sne.s32 s0, $0x0;
	s0 =	rddreg [dreg:$0x2]  }
0xe8: {  	s0 =	sadd.s32 @!p0 $0x100000, s0  }
0xe9: {  	[sflag:s0] =	ssyncadd.tile.s32 @!p0 $0x1;
	_ =	shalt  }
.Lfunc_end2:
_tile_overlayer_lowered:
.L_overlay_start_2:
0xea: {  	(tag) =	ssettag $0x2  }
0xeb: {  	s0 =	rddreg [dreg:$0x0];
	s2 =	stileid.u32  }
0xec: {  	s1 =	rddreg [dreg:$0x1];
	p0 =	sne.s32 s2, $0x0  }
0xed: {  	s3 =	rddreg [dreg:$0x2];
	[bflag:$0x3] =	sbarrier.arrive $0xFFFF;
	s2 =	simm.s32 @!p0 $0x1C04  }
0xee: {  	[timem:s3], [sflag:s2] =	dma.local @!p0 [hbm:s0], s1  }
0xef: {  	s0 =	simm.s32 @!p0 $0x4  }
0xf0: {  	_ =	swait.ge @!p0 [sflag:s0], s1  }
0xf1: {  	s1 =	ssub.s32 @!p0 $0x0, s1;
	[sflag:s0] =	ssyncset.done @!p0 $0x0  }
0xf2: {  	[sflag:s0] =	ssyncadd.s32 @!p0 s1  }
0xf3: {  	[bflag:$0x3] =	sbarrier.arrive $0xFFFF  }
0xf4: {  	_ =	shalt  }

// kernel: kernel.13.cloned.1.call-start
scs
__scs_entry_jumppad:
0x0: {  	(pc) =	sbr.rel $0x88, $3  }
0x1: {  	(tag) =	ssettag $0x0;
	lr =	simm.s32 $0x1  }
0x2: {  	[smem:$0x3F89] =	sst lr;
	_ =	strace $0xD0000000  }
0x3: {  	_ = 	snop  }
0x4: {  	_ = 	snop  }
0x5: {  	_ = 	snop  }
0x6: {  	_ = 	snop  }
0x7: {  	_ = 	snop  }
__scs_overlays_trampoline_lowered:
0x8: {  	[smem:$0x3F98] =	sst s0  }
0x9: {  	[smem:$0x3F99] =	sst s1  }
0xa: {  	[smem:$0x3F9A] =	sst s2  }
0xb: {  	[smem:$0x3F9B] =	sst s3  }
0xc: {  	[smem:$0x3F9C] =	sst s4  }
0xd: {  	[smem:$0x3F9D] =	sst s5  }
0xe: {  	[smem:$0x3F9E] =	sst s6  }
0xf: {  	[smem:$0x3F9F] =	sst s7  }
0x10: {  	[smem:$0x3FA0] =	sst s8  }
0x11: {  	[smem:$0x3FA1] =	sst s9;
	s0 =	simm.s32 @!p0 $0x0  }
0x12: {  	s1 =	sld [smem:$0x3F87];
	s0 =	simm.s32 @p0 $0x1  }
0x13: {  	[smem:$0x3FA2] =	sst s0;
	s0 =	simm.s32 @!p1 $0x0  }
0x14: {  	s2 =	sld [smem:$0x3F86];
	s0 =	simm.s32 @p1 $0x1  }
0x15: {  	[smem:$0x3FA3] =	sst s0;
	s0 =	simm.s32 @!p2 $0x0  }
0x16: {  	s3 =	sld [smem:$0x3FDB];
	s0 =	simm.s32 @p2 $0x1  }
0x17: {  	s4 =	simm.s32 $0x1BF5;
	[smem:$0x3FA5] =	sst s0  }
0x18: {  	s0 =	sld [smem:$0x3F88];
	_ =	swait.ge [sflag:s4], $0x0  }
0x19: {  	s7 =	sld [smem:$0x3F89]  }
0x1a: {  	s8 =	sadd.s32 $0xFFFFE003, lr  }
0x1b: {  	s9 =	sadd.s32 $0xFFFFFEF7, lr;
	s5 =	simm.s32 $0xFFFFFFFF;
	p2 =	slt.u32 s8, $0xFFFFF086  }
0x1c: {  	p1 =	slt.u32 s9, $0xF7A;
	s5 =	simm.s32 @!p2 $0x0  }
0x1d: {  	s5 =	simm.s32 @p1 $0x1;
	p0 =	seq.s32 s7, s2  }
0x1e: {  	s7 =	smul.u32 @!p0 $0xF7A, s2;
	p2 =	seq.s32 @!p0 s5, $0x0  }
0x1f: {  	s9 =	smul.u32 $0xF7A, s1;
	s8 =	simm.s32 @!p0 $0x1BF5;
	p2 =	por !p2, p0  }
0x20: {  	[sflag:s8] =	ssyncset.s32 @!p0 $0xFFFFF086;
	s6 =	sadd.s32 @!p0 s3, s7;
	s7 =	simm.s32 @!p0 $0x108  }
0x21: {  	s3 =	sadd.s32 s3, s9;
	s6 =	sadd.s32 @!p0 $0x88, s6;
	s7 =	simm.s32 @p2 $0x1082  }
0x22: {  	[simem:s7], [sflag:s8] =	dma.local @!p0 [hbm:s6], $0xF7A  }
0x23: {  	s9 =	sor.u32 $0xD0000000, s2;
	s6 =	simm.s32 $0x108;
	_ =	swait.ge @!p0 [sflag:s8], $0x0  }
0x24: {  	s3 =	sadd.s32 $0x88, s3;
	s6 =	simm.s32 @!p1 $0x1082;
	[sflag:s4] =	ssyncset.s32 $0xFFFFF086  }
0x25: {  	[simem:s6], [sflag:s4] =	dma.local [hbm:s3], $0xF7A  }
0x26: {  	[smem:$0x3F89] =	sst s1;
	(tag) =	ssettag s2;
	_ =	strace s9  }
0x27: {  	s1 =	sld [smem:$0x3F99]  }
0x28: {  	s2 =	sld [smem:$0x3F9A]  }
0x29: {  	s4 =	sld [smem:$0x3F9C]  }
0x2a: {  	p0 =	seq.s32 s5, $0x0;
	s5 =	sld [smem:$0x3F9D]  }
0x2b: {  	s6 =	sld [smem:$0x3F9E]  }
0x2c: {  	s7 =	sld [smem:$0x3F9F]  }
0x2d: {  	s3 =	simm.s32 $0x108;
	s8 =	sld [smem:$0x3FA0]  }
0x2e: {  	s3 =	simm.s32 @!p0 $0x1082;
	s9 =	sld [smem:$0x3FA1]  }
0x2f: {  	lr =	sadd.s32 s0, s3;
	s0 =	sld [smem:$0x3F98]  }
0x30: {  	s3 =	sld [smem:$0x3F9B]  }
0x31: {  	[smem:$0x3FA4] =	sst s10  }
0x32: {  	s10 =	sld [smem:$0x3FA2];
	_ =	sdelay $0x3  }
0x33: {  	p0 =	seq.s32 s10, $0x1;
	s10 =	sld [smem:$0x3FA4];
	_ =	sdelay $0x3  }
0x34: {  	[smem:$0x3FA4] =	sst s10  }
0x35: {  	s10 =	sld [smem:$0x3FA3];
	_ =	sdelay $0x3  }
0x36: {  	p1 =	seq.s32 s10, $0x1;
	s10 =	sld [smem:$0x3FA4];
	_ =	sdelay $0x3  }
0x37: {  	[smem:$0x3FA4] =	sst s10  }
0x38: {  	s10 =	sld [smem:$0x3FA5]  }
0x39: {  	_ = 	snop;
	(pc) =	sbr.ind lr, $3  }
0x3a: {  	_ = 	snop  }
0x3b: {  	_ = 	snop  }
0x3c: {  	p2 =	seq.s32 s10, $0x1;
	s10 =	sld [smem:$0x3FA4]  }
0x3d: {  	_ =	shalt  }
0x3e: {  	_ =	shalt  }
0x3f: {  	_ =	shalt  }
0x40: {  	_ =	shalt  }
0x41: {  	_ =	shalt  }
0x42: {  	_ =	shalt  }
0x43: {  	_ =	shalt  }
0x44: {  	_ =	shalt  }
0x45: {  	_ =	shalt  }
0x46: {  	_ =	shalt  }
0x47: {  	_ =	shalt  }
0x48: {  	_ =	shalt  }
0x49: {  	_ =	shalt  }
0x4a: {  	_ =	shalt  }
0x4b: {  	_ =	shalt  }
0x4c: {  	_ =	shalt  }
0x4d: {  	_ =	shalt  }
0x4e: {  	_ =	shalt  }
0x4f: {  	_ =	shalt  }
0x50: {  	_ =	shalt  }
0x51: {  	_ =	shalt  }
0x52: {  	_ =	shalt  }
0x53: {  	_ =	shalt  }
0x54: {  	_ =	shalt  }
0x55: {  	_ =	shalt  }
0x56: {  	_ =	shalt  }
0x57: {  	_ =	shalt  }
0x58: {  	_ =	shalt  }
0x59: {  	_ =	shalt  }
0x5a: {  	_ =	shalt  }
0x5b: {  	_ =	shalt  }
0x5c: {  	_ =	shalt  }
0x5d: {  	_ =	shalt  }
0x5e: {  	_ =	shalt  }
0x5f: {  	_ =	shalt  }
0x60: {  	_ =	shalt  }
0x61: {  	_ =	shalt  }
0x62: {  	_ =	shalt  }
0x63: {  	_ =	shalt  }
0x64: {  	_ =	shalt  }
0x65: {  	_ =	shalt  }
0x66: {  	_ =	shalt  }
0x67: {  	_ =	shalt  }
0x68: {  	_ =	shalt  }
0x69: {  	_ =	shalt  }
0x6a: {  	_ =	shalt  }
0x6b: {  	_ =	shalt  }
0x6c: {  	_ =	shalt  }
0x6d: {  	_ =	shalt  }
0x6e: {  	_ =	shalt  }
0x6f: {  	_ =	shalt  }
0x70: {  	_ =	shalt  }
0x71: {  	_ =	shalt  }
0x72: {  	_ =	shalt  }
0x73: {  	_ =	shalt  }
0x74: {  	_ =	shalt  }
0x75: {  	_ =	shalt  }
0x76: {  	_ =	shalt  }
0x77: {  	_ =	shalt  }
0x78: {  	_ =	shalt  }
0x79: {  	_ =	shalt  }
0x7a: {  	_ =	shalt  }
0x7b: {  	_ =	shalt  }
0x7c: {  	_ =	shalt  }
0x7d: {  	_ =	shalt  }
0x7e: {  	_ =	shalt  }
0x7f: {  	_ =	shalt  }
0x80: {  	_ =	shalt  }
0x81: {  	_ =	shalt  }
0x82: {  	_ =	shalt  }
0x83: {  	_ =	shalt  }
0x84: {  	_ =	shalt  }
0x85: {  	_ =	shalt  }
0x86: {  	_ =	shalt  }
0x87: {  	_ =	shalt  }
.Lfunc_end0:
.L_simem_size_0:
called_computation.1_lowered:
.L_overlay_start_0:
0x88: {  	s2 =	sld [smem:$0x3FD9]  }
0x89: {  	s3 =	sld [smem:$0x3FFE];
	_ =	sdelay $0x1  }
0x8a: {  	s1 =	srdreg.scid  }
0x8b: {  	s0 =	sand.u32 $0x1, s1  }
0x8c: {  	s16 =	sshll.u32 s0, $0xA;
	s2 =	sadd.s32 s3, s2  }
0x8d: {  	s2 =	sadd.s32 s2, s16  }
0x8e: {  	[smem:$0x3FB0] =	sst s2  }
0x8f: {  	_ = 	snop  }
0x90: {  	(tm) =	ssettm $0x1  }
0x91: {  	s17 =	sld [smem:$0x3FFB];
	_ =	sdelay $0x3  }
0x92: {  	_ =	strace s17  }
0x93: {  	s2 =	sld [smem:$0x3FFC];
	_ =	sdelay $0x3  }
0x94: {  	_ =	strace s2  }
0x95: {  	s2 =	sld [smem:$0x3FFD];
	_ =	sdelay $0x3  }
0x96: {  	_ =	strace s2  }
0x97: {  	_ =	strace $0x8FFFFFFF  }
0x98: {  	s18 =	sld [smem:$0x3FDB];
	_ =	sdelay $0x1  }
0x99: {  	s19 =	simm.s32 $_scs_section_size  }
0x9a: {  	s4 =	simm.s32 $_size__tile_overlayer_lowered;
	s5 =	simm.s32 $_tile_overlayer_lowered  }
0x9b: {  	s22 =	simm.s32 $0x1BFF;
	s21 =	sshll.u32 s5, $0x1;
	s2 =	sadd.s32 s19, s18  }
0x9c: {  	s6 =	simm.s32 $0x0;
	s20 =	sshll.u32 s4, $0x1;
	s4 =	sadd.s32 s21, s2  }
0x9d: {  	[timem:s6], [sflag:s22] =	dma.local [hbm:s4], s20  }
0x9e: {  	_ =	swait.ge [sflag:s22], s20  }
0x9f: {  	s3 =	ssub.s32 $0x0, s20;
	[sflag:s22] =	ssyncset.done $0x0  }
0xa0: {  	[sflag:s22] =	ssyncadd.s32 s3;
	_ =	sdelay $0x1  }
0xa1: {  	s23 =	simm.s32 $0x1B8B  }
0xa2: {  	_ =	swait.ge [sflag:s23], $0x1  }
0xa3: {  	[sflag:s23] =	ssyncset.done $0x0  }
0xa4: {  	s25 =	simm.s32 $0x1B8E;
	s24 =	sld [smem:$0x3FFE];
	[sflag:s23] =	ssyncadd.s32 $0xFFFFFFFF  }
0xa5: {  	s26 =	simm.s32 $execute0_lowered;
	[smem:$0x3FD2] =	sst s25  }
0xa6: {  	s4 =	sshll.u32 s26, $0x1;
	_ =	strace $0x80000049;
	[dreg:$0x1] =	wrdreg $0xFFFFFFFF  }
0xa7: {  	s28 =	simm.s32 $_size_execute0_lowered;
	s2 =	sadd.s32 s2, s4;
	[dreg:$0x0] =	wrdreg $0x0  }
0xa8: {  	s4 =	sshll.u32 s28, $0x1;
	[dreg:$0x2] =	wrdreg s2  }
0xa9: {  	[dreg:$0x3] =	wrdreg s4  }
0xaa: {  	[dreg:$0x4] =	wrdreg $0xC0  }
0xab: {  	_ =	task [dreg:s6], $0x5FFFF  }
0xac: {  	[dreg:$0x1] =	wrdreg $0xFFFFFFFF  }
0xad: {  	[dreg:$0x0] =	wrdreg $0x60  }
0xae: {  	[dreg:$0x2] =	wrdreg s24  }
0xaf: {  	[dreg:$0x3] =	wrdreg $0x8C800  }
0xb0: {  	[dreg:$0x4] =	wrdreg $0x9  }
0xb1: {  	_ =	task.clear_ibuf [dreg:s6], $0x5FFFF;
	_ =	strace $0x90000049  }
0xb2: {  	s29 =	simm.s32 $0x9;
	_ =	strace $0x8000004B  }
0xb3: {  	_ =	swait.ge [sflag:s29], $0x1  }
0xb4: {  	[sflag:s29] =	ssyncadd.s32 $0xFFFFFFFF  }
0xb5: {  	_ =	strace $0x9000004B  }
0xb6: {  	_ =	sfence  }
0xb7: {  	s30 =	sld [smem:$0x0];
	_ =	sdelay $0x2  }
0xb8: {  	s31 =	sshll.u32 s1, $0xD;
	s1 =	sshrl.u32 s1, $0x2  }
0xb9: {  	s3 =	sand.u32 $0x4000, s31;
	s1 =	sadd.s32 s1, s30  }
0xba: {  	s0 =	sor.u32 s3, s0;
	s1 =	sshll.u32 s1, $0x11  }
0xbb: {  	s0 =	sor.u32 s1, s0  }
0xbc: {  	s0 =	sadd.s32 $0x8F2B, s0  }
0xbd: {  	[sflag:s0] =	ssyncadd.remote.s32 $0x1  }
0xbe: {  	_ =	sfence.sel $0xFFFF  }
0xbf: {  	[dreg:$0x0] =	wrdreg $0xFFFFFFFF;
	(pc) =	sbr.abs _section_cstart, $3  }
0xc0: {  	[dreg:$0x1] =	wrdreg $0xFFFFFFFF  }
0xc1: {  	_ =	task.clear_ibuf [dreg:s6], $0x2FFFF;
	_ =	strace $0x9FFFFFFF  }
0xc2: {  	(tm) =	ssettm $0x7FFFFFFF  }
0xc3: {  	_ =	shalt  }
tec
execute0_lowered:
.L_overlay_start_1:
0x0: {  	(tag) =	ssettag $0x1  }
0x1: {  	s0 =	rddreg [dreg:$0x0]  }
0x2: {  	s1 =	rddreg [dreg:$0x1];
	s2 =	srdreg.scid;
	s3 =	simm.s32 $0x0  }
0x3: {  	s11 =	stileid.u32;
	s26 =	simm.s32 $0x80;
	s28 =	simm.s32 $0x60  }
0x4: {  	s30 =	simm.s32 $0x300;
	s31 =	simm.s32 $0x180;
	s5 =	smul.u32 $0x14000, s11  }
0x5: {  	s29 =	simm.s32 $0x280;
	s9 =	sand.u32 $0x1, s2;
	s15 =	smul.u32 $0x50000, s11  }
0x6: {  	[smem:$0x7FF] =	sst s3;
	s4 =	sadd.s32 $0xDC00, s0;
	s10 =	smul.u32 $0x2710, s11  }
0x7: {  	s6 =	sadd.s32 $0x8C00, s0;
	s7 =	sadd.s32 $0x3C00, s0;
	s25 =	smul.u32 $0x4E2, s11  }
0x8: {  	s2 =	smul.u32 $0x140000, s9;
	_ =	strace $0x8000004A;
	s8 =	ssub.s32 $0x2, s9  }
0x9: {  	[dreg:$0x3] =	wrdreg s26;
	s26 =	simm.s32 $0x1;
	v0 =	vmov s9;
	s9 =	simm.s32 $0x6480  }
0xa: {  	s16 =	sshrl.u32 s8, $0x1;
	s17 =	sshrl.u32 s10, $0x3;
	s2 =	sadd.s32 s5, s2  }
0xb: {  	s5 =	sshrl.u32 s15, $0x2;
	s10 =	sadd.s32 s6, s17;
	s18 =	sadd.s32 s7, s17  }
0xc: {  	s2 =	sshrl.u32 s2, $0x3;
	s5 =	sadd.s32 s5, s1;
	[dreg:$0x4] =	wrdreg s10  }
0xd: {  	[dreg:$0x5] =	wrdreg s18;
	s10 =	simm.s32 $0x0;
	s0 =	sadd.s32 s2, s0  }
0xe: {  	s2 =	ssub.s32 s8, s16;
	s8 =	sadd.s32 $0x4E0, s17;
	s21 =	sadd.s32 $0x2000, s5  }
0xf: {  	s22 =	sadd.s32 $0x4000, s5;
	s23 =	sadd.s32 $0x6000, s5;
	s24 =	sadd.s32 $0x8000, s5  }
0x10: {  	s16 =	sadd.s32 $0xA000, s5;
	s17 =	sadd.s32 $0xC000, s5;
	[dreg:$0xa] =	wrdreg s21  }
0x11: {  	s18 =	sadd.s32 $0xE000, s5;
	s19 =	sadd.s32 s6, s8;
	[dreg:$0xb] =	wrdreg s22  }
0x12: {  	s8 =	sadd.s32 s7, s8;
	s0 =	sadd.s32 $0x5BE00, s0;
	[dreg:$0xc] =	wrdreg s23  }
0x13: {  	s20 =	smax.u32 s2, $0x1;
	[dreg:$0xd] =	wrdreg s24;
	s21 =	sadd.s32 s25, s7  }
0x14: {  	s22 =	sadd.s32 s25, s6;
	s23 =	simm.s32 $0x6C80;
	[dreg:$0x6] =	wrdreg s19  }
0x15: {  	s24 =	simm.s32 $0x4;
	s25 =	simm.s32 $0x100;
	[dreg:$0x7] =	wrdreg s8  }
0x16: {  	s2 =	simm.s32 $0x3300;
	s6 =	simm.s32 $0x5;
	[dreg:$0x8] =	wrdreg s0  }
0x17: {  	s7 =	simm.s32 $0x6380;
	[dreg:$0x9] =	wrdreg s20;
	s19 =	sadd.s32 $0x10000, s5  }
0x18: {  	v1 =	vimm.f32 $0.0e+00;
	s20 =	sadd.s32 $0x12000, s5;
	s0 =	simm.s32 $0x2;
	s8 =	simm.s32 $0x10  }
.LBB2_1:
0x19: {  	s11 =	simm.s32 $0x0;
	s12 =	simm.s32 $0x200  }
.LBB2_2:
0x1a: {  	p0 =	sne.s32 s12, $0x7E00;
	[tilespmem:s11+$0x6CF0] =	vst v1  }
0x1b: {  	[tilespmem:s11+$0x6C80] =	vst v1  }
0x1c: {  	[tilespmem:s11+$0x6C90] =	vst v1  }
.Ltmp0:
0x1d: {  	[tilespmem:s11+$0x6CA0] =	vst v1;
	(pc) =	sbr.rel @p0 .LBB2_2-.Ltmp0, $4  }
0x1e: {  	[tilespmem:s11+$0x6CB0] =	vst v1  }
0x1f: {  	[tilespmem:s11+$0x6CC0] =	vst v1  }
0x20: {  	[tilespmem:s11+$0x6CD0] =	vst v1  }
0x21: {  	[tilespmem:s11+$0x6CE0] =	vst v1;
	s11 =	sshra.s32 s12, $0x2;
	s12 =	sadd.s32 $0x200, s12  }
0x22: {  	[tilespmem:s11+$0x6CF0] =	vst v1  }
0x23: {  	[tilespmem:s11+$0x6C80] =	vst v1  }
0x24: {  	[tilespmem:s11+$0x6C90] =	vst v1  }
0x25: {  	[tilespmem:s11+$0x6CA0] =	vst v1  }
0x26: {  	[tilespmem:s11+$0x6CB0] =	vst v1  }
0x27: {  	[tilespmem:s11+$0x6CC0] =	vst v1  }
0x28: {  	[tilespmem:s11+$0x6CD0] =	vst v1  }
0x29: {  	[tilespmem:s11+$0x6CE0] =	vst v1  }
0x2a: {  	[spmem:s5] =	stream.linear.scatter [tilespmem:s23], [sflag:$0x4], $0x2000, $0x38;
	[tilespmem:$0x1CC80] =	vst v63  }
0x2b: {  	_ =	swait.ge [sflag:s24], $0x2000  }
0x2c: {  	[sflag:s24] =	ssyncset.done $0x0  }
0x2d: {  	s15 =	rddreg [dreg:$0xa];
	[sflag:s24] =	ssyncadd.s32 $0xFFFFE000  }
0x2e: {  	[spmem:s15] =	stream.linear.scatter [tilespmem:s23], [sflag:$0x4], $0x2000, $0x38;
	[tilespmem:$0x1CC80] =	vst v63  }
0x2f: {  	_ =	swait.ge [sflag:s24], $0x2000  }
0x30: {  	[sflag:s24] =	ssyncset.done $0x0  }
0x31: {  	s12 =	rddreg [dreg:$0xb];
	[sflag:s24] =	ssyncadd.s32 $0xFFFFE000  }
0x32: {  	[spmem:s12] =	stream.linear.scatter [tilespmem:s23], [sflag:$0x4], $0x2000, $0x38;
	[tilespmem:$0x1CC80] =	vst v63  }
0x33: {  	_ =	swait.ge [sflag:s24], $0x2000  }
0x34: {  	[sflag:s24] =	ssyncset.done $0x0  }
0x35: {  	s13 =	rddreg [dreg:$0xc];
	[sflag:s24] =	ssyncadd.s32 $0xFFFFE000  }
0x36: {  	[spmem:s13] =	stream.linear.scatter [tilespmem:s23], [sflag:$0x4], $0x2000, $0x38;
	[tilespmem:$0x1CC80] =	vst v63  }
0x37: {  	_ =	swait.ge [sflag:s24], $0x2000  }
0x38: {  	[sflag:s24] =	ssyncset.done $0x0  }
0x39: {  	s14 =	rddreg [dreg:$0xd];
	[sflag:s24] =	ssyncadd.s32 $0xFFFFE000  }
0x3a: {  	[spmem:s14] =	stream.linear.scatter [tilespmem:s23], [sflag:$0x4], $0x2000, $0x38;
	[tilespmem:$0x1CC80] =	vst v63  }
0x3b: {  	_ =	swait.ge [sflag:s24], $0x2000  }
0x3c: {  	[sflag:s24] =	ssyncset.done $0x0  }
0x3d: {  	[sflag:s24] =	ssyncadd.s32 $0xFFFFE000  }
0x3e: {  	[spmem:s16] =	stream.linear.scatter [tilespmem:s23], [sflag:$0x4], $0x2000, $0x38;
	[tilespmem:$0x1CC80] =	vst v63  }
0x3f: {  	_ =	swait.ge [sflag:s24], $0x2000  }
0x40: {  	[sflag:s24] =	ssyncset.done $0x0  }
0x41: {  	[sflag:s24] =	ssyncadd.s32 $0xFFFFE000  }
0x42: {  	[spmem:s17] =	stream.linear.scatter [tilespmem:s23], [sflag:$0x4], $0x2000, $0x38;
	[tilespmem:$0x1CC80] =	vst v63  }
0x43: {  	_ =	swait.ge [sflag:s24], $0x2000  }
0x44: {  	[sflag:s24] =	ssyncset.done $0x0  }
0x45: {  	[sflag:s24] =	ssyncadd.s32 $0xFFFFE000  }
0x46: {  	[spmem:s18] =	stream.linear.scatter [tilespmem:s23], [sflag:$0x4], $0x2000, $0x38;
	[tilespmem:$0x1CC80] =	vst v63  }
0x47: {  	_ =	swait.ge [sflag:s24], $0x2000  }
0x48: {  	[sflag:s24] =	ssyncset.done $0x0  }
0x49: {  	[sflag:s24] =	ssyncadd.s32 $0xFFFFE000  }
0x4a: {  	[spmem:s19] =	stream.linear.scatter [tilespmem:s23], [sflag:$0x4], $0x2000, $0x38;
	[tilespmem:$0x1CC80] =	vst v63  }
0x4b: {  	_ =	swait.ge [sflag:s24], $0x2000  }
0x4c: {  	[sflag:s24] =	ssyncset.done $0x0  }
0x4d: {  	[sflag:s24] =	ssyncadd.s32 $0xFFFFE000  }
0x4e: {  	[spmem:s20] =	stream.linear.scatter [tilespmem:s23], [sflag:$0x4], $0x2000, $0x38;
	[tilespmem:$0x1CC80] =	vst v63  }
0x4f: {  	_ =	swait.ge [sflag:s24], $0x2000  }
0x50: {  	[sflag:s24] =	ssyncset.done $0x0  }
0x51: {  	[sflag:s24] =	ssyncadd.s32 $0xFFFFE000  }
0x52: {  	[bflag:$0x0] =	sbarrier.arrive $0xFFFF  }
0x53: {  	s15 =	simm.s32 $0x0;
	s12 =	rddreg [dreg:$0x4]  }
0x54: {  	[tilespmem:s15], [sflag:$0x1] =	stream.linear.gather [hbm4b:s12+s15], $0x60, $0x38;
	[tilespmem:$0x1CC80] =	vst v63  }
0x55: {  	s13 =	rddreg [dreg:$0x5]  }
0x56: {  	[tilespmem:s25], [sflag:$0x1] =	stream.linear.gather [hbm4b:s13+s15], $0x60, $0x38;
	[tilespmem:$0x1CC80] =	vst v63  }
0x57: {  	_ =	swait.ge [sflag:s26], $0x60  }
0x58: {  	[sflag:s26] =	ssyncset.done $0x0  }
0x59: {  	[sflag:s26] =	ssyncadd.s32 $0xFFFFFFA0  }
0x5a: {  	_ =	swait.ge [sflag:s26], $0x60  }
0x5b: {  	[sflag:s26] =	ssyncset.done $0x0  }
0x5c: {  	[sflag:s26] =	ssyncadd.s32 $0xFFFFFFA0  }
0x5d: {  	v2 =	vld [tilespmem:$0x0]  }
0x5e: {  	v3 =	vld [tilespmem:$0x10]  }
0x5f: {  	v4 =	vld [tilespmem:$0x20]  }
0x60: {  	v5 =	vld [tilespmem:$0x30]  }
0x61: {  	v6 =	vld [tilespmem:$0x40]  }
0x62: {  	v7 =	vld [tilespmem:$0x50];
	v2 =	vshll.u32 v2, $0x1  }
0x63: {  	v3 =	vshll.u32 v3, $0x1;
	v2 =	vor.u32 v0, v2  }
0x64: {  	[tilespmem:$0x200] =	vst v2;
	v2 =	vor.u32 v0, v3;
	v3 =	vshll.u32 v4, $0x1  }
0x65: {  	[tilespmem:$0x210] =	vst v2;
	v2 =	vor.u32 v0, v3;
	v3 =	vshll.u32 v5, $0x1  }
0x66: {  	[tilespmem:$0x220] =	vst v2;
	v2 =	vor.u32 v0, v3;
	v3 =	vshll.u32 v6, $0x1  }
0x67: {  	[tilespmem:$0x230] =	vst v2;
	v2 =	vor.u32 v0, v3;
	v3 =	vshll.u32 v7, $0x1  }
0x68: {  	[tilespmem:$0x240] =	vst v2;
	v2 =	vor.u32 v0, v3  }
0x69: {  	s14 =	simm.s32 $0x200;
	[tilespmem:$0x250] =	vst v2  }
0x6a: {  	[tilespmem:s30], [sflag:$0x2] =	stream.indirect.gather [hbm4b:s4+s28], $0x80, s14, s28, $0xb8;
	[tilespmem:$0x1CC80] =	vst v63  }
0x6b: {  	s14 =	sadd.s32 $0x0, s22  }
0x6c: {  	s13 =	sadd.s32 $0x0, s21;
	s15 =	rddreg [dreg:$0x3];
	s12 =	sadd.s32 $0xC, s14  }
0x6d: {  	[tilespmem:s15], [sflag:$0x1] =	stream.linear.gather [hbm4b:s12+s3], $0x60, $0x38;
	[tilespmem:$0x1CC80] =	vst v63  }
0x6e: {  	s15 =	sadd.s32 $0xC, s13  }
0x6f: {  	[tilespmem:s31], [sflag:$0x1] =	stream.linear.gather [hbm4b:s15+s3], $0x60, $0x38;
	[tilespmem:$0x1CC80] =	vst v63  }
0x70: {  	_ =	swait.ge [sflag:s26], $0x60  }
0x71: {  	[sflag:s26] =	ssyncset.done $0x0  }
0x72: {  	[sflag:s26] =	ssyncadd.s32 $0xFFFFFFA0  }
0x73: {  	_ =	swait.ge [sflag:s26], $0x60  }
0x74: {  	[sflag:s26] =	ssyncset.done $0x0  }
0x75: {  	[sflag:s26] =	ssyncadd.s32 $0xFFFFFFA0  }
0x76: {  	v2 =	vld [tilespmem:$0xD0]  }
0x77: {  	v3 =	vld [tilespmem:$0xB0]  }
0x78: {  	v4 =	vld [tilespmem:$0xA0]  }
0x79: {  	v5 =	vld [tilespmem:$0x80]  }
0x7a: {  	v62 =	vld [tilespmem:$0xC0]  }
0x7b: {  	v63 =	vld [tilespmem:$0x90];
	v2 =	vshll.u32 v2, $0x1  }
0x7c: {  	v3 =	vshll.u32 v3, $0x1;
	v2 =	vor.u32 v0, v2  }
0x7d: {  	v4 =	vshll.u32 v4, $0x1;
	v3 =	vor.u32 v0, v3;
	[tilespmem:$0x2D0] =	vst v2  }
0x7e: {  	v4 =	vor.u32 v0, v4;
	v2 =	vshll.u32 v5, $0x1;
	[tilespmem:$0x2B0] =	vst v3  }
0x7f: {  	[tilespmem:$0x2A0] =	vst v4;
	v3 =	vshll.u32 v62, $0x1;
	v2 =	vor.u32 v0, v2  }
0x80: {  	v3 =	vor.u32 v0, v3;
	[tilespmem:$0x280] =	vst v2;
	v2 =	vshll.u32 v63, $0x1  }
0x81: {  	[tilespmem:$0x2C0] =	vst v3;
	v2 =	vor.u32 v0, v2  }
0x82: {  	[tilespmem:$0x290] =	vst v2  }
0x83: {  	_ =	swait.ge [sflag:s0], $0x3000  }
0x84: {  	[sflag:s0] =	ssyncset.done $0x0  }
0x85: {  	[sflag:s0] =	ssyncadd.s32 $0xFFFFD000  }
0x86: {  	[tilespmem:s2], [sflag:$0x3] =	stream.indirect.gather [hbm4b:s4+s28], $0x80, s29, s28, $0xb8;
	[tilespmem:$0x1CC80] =	vst v63  }
0x87: {  	_ = 	snop  }
0x88: {  	[spmem:s1] =	stream.indirect.scatter.add.f32 [tilespmem:s30], [sflag:$0x5], $0x80, s25, s28, $0xb8;
	[tilespmem:$0x1CC80] =	vst v63  }
0x89: {  	_ =	swait.ge [sflag:s6], $0x3000  }
0x8a: {  	p1 =	por $0x0, $0x0;
	[sflag:s6] =	ssyncset.done $0x0  }
0x8b: {  	s11 =	simm.s32 @p1 $0x3;
	[sflag:s6] =	ssyncadd.s32 $0xFFFFD000  }
0x8c: {  	_ =	swait.ge @p1 [sflag:s11], $0x3000  }
0x8d: {  	s12 =	sadd.s32 @!p1 $0x0, s22;
	s13 =	sadd.s32 @!p1 $0x0, s21;
	[sflag:s11] =	ssyncset.done @p1 $0x0  }
0x8e: {  	s12 =	sadd.s32 @!p1 $0x18, s12;
	[sflag:s11] =	ssyncadd.s32 @p1 $0xFFFFD000;
	s11 =	simm.s32 @!p1 $0x0  }
0x8f: {  	[tilespmem:s11], [sflag:$0x1] =	stream.linear.gather @!p1 [hbm4b:s12+s11], $0x60, $0x38;
	[tilespmem:$0x1CC80] =	vst v63  }
0x90: {  	s12 =	sadd.s32 @!p1 $0x18, s13;
	s13 =	simm.s32 @!p1 $0x100  }
0x91: {  	[tilespmem:s13], [sflag:$0x1] =	stream.linear.gather @!p1 [hbm4b:s12+s11], $0x60, $0x38;
	[tilespmem:$0x1CC80] =	vst v63  }
0x92: {  	s11 =	simm.s32 @!p1 $0x1  }
0x93: {  	_ =	swait.ge @!p1 [sflag:s11], $0x60  }
0x94: {  	[sflag:s11] =	ssyncset.done @!p1 $0x0  }
0x95: {  	[sflag:s11] =	ssyncadd.s32 @!p1 $0xFFFFFFA0  }
0x96: {  	_ =	swait.ge @!p1 [sflag:s11], $0x60  }
0x97: {  	[sflag:s11] =	ssyncset.done @!p1 $0x0  }
0x98: {  	[sflag:s11] =	ssyncadd.s32 @!p1 $0xFFFFFFA0  }
0x99: {  	v2 =	vld @!p1 [tilespmem:$0x50]  }
0x9a: {  	v3 =	vld @!p1 [tilespmem:$0x0]  }
0x9b: {  	v4 =	vld @!p1 [tilespmem:$0x40]  }
0x9c: {  	v5 =	vld @!p1 [tilespmem:$0x30]  }
0x9d: {  	v6 =	vld @!p1 [tilespmem:$0x10]  }
0x9e: {  	v7 =	vld @!p1 [tilespmem:$0x20];
	v2 =	vshll.u32 @!p1 v2, $0x1  }
0x9f: {  	v3 =	vshll.u32 @!p1 v3, $0x1;
	v2 =	vor.u32 @!p1 v0, v2  }
0xa0: {  	v4 =	vshll.u32 @!p1 v4, $0x1;
	v3 =	vor.u32 @!p1 v0, v3;
	[tilespmem:$0x250] =	vst @!p1 v2  }
0xa1: {  	[tilespmem:$0x200] =	vst @!p1 v3;
	v2 =	vshll.u32 @!p1 v5, $0x1;
	v3 =	vor.u32 @!p1 v0, v4  }
0xa2: {  	v4 =	vshll.u32 @!p1 v6, $0x1;
	v5 =	vor.u32 @!p1 v0, v2;
	[tilespmem:$0x240] =	vst @!p1 v3  }
0xa3: {  	s11 =	simm.s32 $0x18;
	v2 =	vor.u32 @!p1 v0, v4;
	v3 =	vshll.u32 @!p1 v7, $0x1;
	[tilespmem:$0x230] =	vst @!p1 v5  }
.LBB2_4:
0xa4: {  	[tilespmem:$0x210] =	vst @!p1 v2;
	v2 =	vor.u32 @!p1 v0, v3  }
0xa5: {  	s13 =	simm.s32 @!p1 $0x3;
	[tilespmem:$0x220] =	vst @!p1 v2  }
0xa6: {  	_ =	swait.ge @!p1 [sflag:s13], $0x3000  }
0xa7: {  	s14 =	simm.s32 @!p1 $0x300;
	[sflag:s13] =	ssyncset.done @!p1 $0x0  }
0xa8: {  	s15 =	simm.s32 @!p1 $0x200;
	[sflag:s13] =	ssyncadd.s32 @!p1 $0xFFFFD000;
	s13 =	simm.s32 @!p1 $0x60  }
0xa9: {  	[tilespmem:s14], [sflag:$0x2] =	stream.indirect.gather @!p1 [hbm4b:s4+s13], $0x80, s15, s13, $0xb8;
	[tilespmem:$0x1CC80] =	vst v63  }
0xaa: {  	s12 =	smov.u32 s11  }
0xab: {  	[spmem:s1] =	stream.indirect.scatter.add.f32 [tilespmem:s2], [sflag:$0x4], $0x80, s31, s28, $0xb8;
	[tilespmem:$0x1CC80] =	vst v63  }
0xac: {  	s15 =	sadd.s32 s12, s22;
	_ =	swait.ge [sflag:s24], $0x3000  }
0xad: {  	s14 =	sadd.s32 $0xC, s15;
	[sflag:s24] =	ssyncset.done $0x0  }
0xae: {  	s15 =	sadd.s32 s12, s21;
	s13 =	rddreg [dreg:$0x3];
	[sflag:s24] =	ssyncadd.s32 $0xFFFFD000  }
0xaf: {  	[tilespmem:s13], [sflag:$0x1] =	stream.linear.gather [hbm4b:s14+s3], $0x60, $0x38;
	[tilespmem:$0x1CC80] =	vst v63  }
0xb0: {  	s15 =	sadd.s32 $0xC, s15  }
0xb1: {  	[tilespmem:s31], [sflag:$0x1] =	stream.linear.gather [hbm4b:s15+s3], $0x60, $0x38;
	[tilespmem:$0x1CC80] =	vst v63  }
0xb2: {  	_ =	swait.ge [sflag:s26], $0x60  }
0xb3: {  	[sflag:s26] =	ssyncset.done $0x0  }
0xb4: {  	[sflag:s26] =	ssyncadd.s32 $0xFFFFFFA0  }
0xb5: {  	_ =	swait.ge [sflag:s26], $0x60  }
0xb6: {  	[sflag:s26] =	ssyncset.done $0x0  }
0xb7: {  	[sflag:s26] =	ssyncadd.s32 $0xFFFFFFA0  }
0xb8: {  	v2 =	vld [tilespmem:$0xD0]  }
0xb9: {  	v3 =	vld [tilespmem:$0xB0]  }
0xba: {  	v4 =	vld [tilespmem:$0xA0]  }
0xbb: {  	v5 =	vld [tilespmem:$0x80]  }
0xbc: {  	v6 =	vld [tilespmem:$0xC0]  }
0xbd: {  	v7 =	vld [tilespmem:$0x90];
	v2 =	vshll.u32 v2, $0x1  }
0xbe: {  	v3 =	vshll.u32 v3, $0x1;
	v2 =	vor.u32 v0, v2  }
0xbf: {  	v4 =	vshll.u32 v4, $0x1;
	v3 =	vor.u32 v0, v3;
	[tilespmem:$0x2D0] =	vst v2  }
0xc0: {  	v4 =	vor.u32 v0, v4;
	v2 =	vshll.u32 v5, $0x1;
	[tilespmem:$0x2B0] =	vst v3  }
0xc1: {  	[tilespmem:$0x2A0] =	vst v4;
	v3 =	vshll.u32 v6, $0x1;
	v2 =	vor.u32 v0, v2  }
0xc2: {  	v3 =	vor.u32 v0, v3;
	[tilespmem:$0x280] =	vst v2;
	v2 =	vshll.u32 v7, $0x1  }
0xc3: {  	[tilespmem:$0x2C0] =	vst v3;
	v2 =	vor.u32 v0, v2  }
0xc4: {  	[tilespmem:$0x290] =	vst v2  }
0xc5: {  	_ =	swait.ge [sflag:s0], $0x3000  }
0xc6: {  	[sflag:s0] =	ssyncset.done $0x0  }
0xc7: {  	[sflag:s0] =	ssyncadd.s32 $0xFFFFD000  }
0xc8: {  	[tilespmem:s2], [sflag:$0x3] =	stream.indirect.gather [hbm4b:s4+s28], $0x80, s29, s28, $0xb8;
	[tilespmem:$0x1CC80] =	vst v63  }
0xc9: {  	_ = 	snop  }
0xca: {  	[spmem:s1] =	stream.indirect.scatter.add.f32 [tilespmem:s30], [sflag:$0x5], $0x80, s25, s28, $0xb8;
	[tilespmem:$0x1CC80] =	vst v63  }
0xcb: {  	_ =	swait.ge [sflag:s6], $0x3000  }
0xcc: {  	p1 =	seq.s32 s12, $0x4C8;
	[sflag:s6] =	ssyncset.done $0x0  }
0xcd: {  	s13 =	simm.s32 @p1 $0x3;
	[sflag:s6] =	ssyncadd.s32 $0xFFFFD000  }
0xce: {  	_ =	swait.ge @p1 [sflag:s13], $0x3000  }
0xcf: {  	s14 =	sadd.s32 @!p1 s12, s22;
	s12 =	sadd.s32 @!p1 s12, s21;
	[sflag:s13] =	ssyncset.done @p1 $0x0  }
0xd0: {  	s14 =	sadd.s32 @!p1 $0x18, s14;
	[sflag:s13] =	ssyncadd.s32 @p1 $0xFFFFD000;
	s13 =	simm.s32 @!p1 $0x0  }
0xd1: {  	[tilespmem:s13], [sflag:$0x1] =	stream.linear.gather @!p1 [hbm4b:s14+s13], $0x60, $0x38;
	[tilespmem:$0x1CC80] =	vst v63  }
0xd2: {  	s12 =	sadd.s32 @!p1 $0x18, s12;
	s15 =	simm.s32 @!p1 $0x1;
	s14 =	simm.s32 @!p1 $0x100  }
0xd3: {  	[tilespmem:s14], [sflag:$0x1] =	stream.linear.gather @!p1 [hbm4b:s12+s13], $0x60, $0x38;
	[tilespmem:$0x1CC80] =	vst v63  }
0xd4: {  	_ =	swait.ge @!p1 [sflag:s15], $0x60  }
0xd5: {  	[sflag:s15] =	ssyncset.done @!p1 $0x0  }
0xd6: {  	[sflag:s15] =	ssyncadd.s32 @!p1 $0xFFFFFFA0  }
0xd7: {  	_ =	swait.ge @!p1 [sflag:s15], $0x60  }
0xd8: {  	[sflag:s15] =	ssyncset.done @!p1 $0x0  }
0xd9: {  	[sflag:s15] =	ssyncadd.s32 @!p1 $0xFFFFFFA0  }
0xda: {  	v2 =	vld @!p1 [tilespmem:$0x50]  }
0xdb: {  	v3 =	vld @!p1 [tilespmem:$0x0]  }
0xdc: {  	v4 =	vld @!p1 [tilespmem:$0x40]  }
0xdd: {  	v5 =	vld @!p1 [tilespmem:$0x30]  }
0xde: {  	s11 =	sadd.s32 $0x18, s11;
	v6 =	vld @!p1 [tilespmem:$0x10]  }
0xdf: {  	p0 =	sne.s32 s11, $0x4E0;
	v7 =	vld @!p1 [tilespmem:$0x20];
	v2 =	vshll.u32 @!p1 v2, $0x1  }
.Ltmp1:
0xe0: {  	v3 =	vshll.u32 @!p1 v3, $0x1;
	v2 =	vor.u32 @!p1 v0, v2;
	(pc) =	sbr.rel @p0 .LBB2_4-.Ltmp1, $4  }
0xe1: {  	v4 =	vshll.u32 @!p1 v4, $0x1;
	v3 =	vor.u32 @!p1 v0, v3;
	[tilespmem:$0x250] =	vst @!p1 v2  }
0xe2: {  	[tilespmem:$0x200] =	vst @!p1 v3;
	v2 =	vshll.u32 @!p1 v5, $0x1;
	v3 =	vor.u32 @!p1 v0, v4  }
0xe3: {  	v4 =	vshll.u32 @!p1 v6, $0x1;
	v5 =	vor.u32 @!p1 v0, v2;
	[tilespmem:$0x240] =	vst @!p1 v3  }
0xe4: {  	v2 =	vor.u32 @!p1 v0, v4;
	v3 =	vshll.u32 @!p1 v7, $0x1;
	[tilespmem:$0x230] =	vst @!p1 v5  }
0xe5: {  	[tilespmem:$0x210] =	vst @!p1 v2;
	v2 =	vor.u32 @!p1 v0, v3  }
0xe6: {  	s11 =	simm.s32 @!p1 $0x3;
	[tilespmem:$0x220] =	vst @!p1 v2  }
0xe7: {  	_ =	swait.ge @!p1 [sflag:s11], $0x3000  }
0xe8: {  	s12 =	simm.s32 @!p1 $0x300;
	[sflag:s11] =	ssyncset.done @!p1 $0x0  }
0xe9: {  	s13 =	simm.s32 @!p1 $0x200;
	[sflag:s11] =	ssyncadd.s32 @!p1 $0xFFFFD000;
	s11 =	simm.s32 @!p1 $0x60  }
0xea: {  	[tilespmem:s12], [sflag:$0x2] =	stream.indirect.gather @!p1 [hbm4b:s4+s11], $0x80, s13, s11, $0xb8;
	[tilespmem:$0x1CC80] =	vst v63  }
0xeb: {  	_ = 	snop  }
0xec: {  	[spmem:s1] =	stream.indirect.scatter.add.f32 [tilespmem:s2], [sflag:$0x4], $0x80, s31, s28, $0xb8;
	[tilespmem:$0x1CC80] =	vst v63  }
0xed: {  	_ =	swait.ge [sflag:s24], $0x3000  }
0xee: {  	[sflag:s24] =	ssyncset.done $0x0  }
0xef: {  	s13 =	simm.s32 $0x6300;
	s12 =	rddreg [dreg:$0x6];
	[sflag:s24] =	ssyncadd.s32 $0xFFFFD000  }
0xf0: {  	[tilespmem:s13], [sflag:$0x1] =	stream.linear.gather [hbm4b:s12+s3], $0x10, $0x38;
	[tilespmem:$0x1CC80] =	vst v63  }
0xf1: {  	s14 =	rddreg [dreg:$0x7]  }
0xf2: {  	[tilespmem:s7], [sflag:$0x1] =	stream.linear.gather [hbm4b:s14+s3], $0x10, $0x38;
	[tilespmem:$0x1CC80] =	vst v63  }
0xf3: {  	_ =	swait.ge [sflag:s26], $0x10  }
0xf4: {  	[sflag:s26] =	ssyncset.done $0x0  }
0xf5: {  	[sflag:s26] =	ssyncadd.s32 $0xFFFFFFF0  }
0xf6: {  	_ =	swait.ge [sflag:s26], $0x10  }
0xf7: {  	[sflag:s26] =	ssyncset.done $0x0  }
0xf8: {  	[sflag:s26] =	ssyncadd.s32 $0xFFFFFFF0  }
0xf9: {  	v2 =	vld [tilespmem:$0x6300];
	_ =	sdelay $0x4  }
0xfa: {  	v2 =	vshll.u32 v2, $0x1  }
0xfb: {  	v2 =	vor.u32 v0, v2  }
0xfc: {  	s15 =	simm.s32 $0x6400;
	[tilespmem:$0x6400] =	vst v2  }
0xfd: {  	[tilespmem:s9], [sflag:$0x2] =	stream.indirect.gather [hbm4b:s4+s8], $0x80, s15, s8, $0xb8;
	[tilespmem:$0x1CC80] =	vst v63  }
0xfe: {  	_ =	swait.ge [sflag:s0], $0x800  }
0xff: {  	[sflag:s0] =	ssyncset.done $0x0  }
0x100: {  	[sflag:s0] =	ssyncadd.s32 $0xFFFFF800  }
0x101: {  	[spmem:s1] =	stream.indirect.scatter.add.f32 [tilespmem:s9], [sflag:$0x4], $0x80, s7, s8, $0xb8;
	[tilespmem:$0x1CC80] =	vst v63  }
0x102: {  	_ =	swait.ge [sflag:s24], $0x800  }
0x103: {  	[sflag:s24] =	ssyncset.done $0x0  }
0x104: {  	s12 =	stileid.u32;
	[sflag:s24] =	ssyncadd.s32 $0xFFFFF800  }
0x105: {  	s11 =	sshll.u32 s12, $0x6;
	[bflag:$0x0] =	sbarrier.arrive $0xFFFF  }
0x106: {  	s13 =	sshrl.u32 s5, $0x3;
	s11 =	sor.u32 $0x1C04, s11;
	s14 =	rddreg [dreg:$0x8]  }
0x107: {  	[hbm:s14], [sflag:s11] =	dma.local [spmem:s13], $0x2800  }
0x108: {  	_ =	swait.ge [sflag:s24], $0x2800  }
0x109: {  	s10 =	sadd.s32 $0x1, s10;
	s15 =	rddreg [dreg:$0x9]  }
0x10a: {  	p0 =	sne.s32 s10, s15  }
.Ltmp2:
0x10b: {  	_ = 	snop;
	(pc) =	sbr.rel @p0 .LBB2_1-.Ltmp2, $3  }
0x10c: {  	_ =	sdelay $0x1  }
0x10d: {  	[sflag:s24] =	ssyncset.done $0x0  }
0x10e: {  	[sflag:s24] =	ssyncadd.s32 $0xFFFFD800  }
0x10f: {  	_ =	sfence.sel $0x180000  }
0x110: {  	[bflag:$0x0] =	sbarrier.arrive $0xFFFF  }
0x111: {  	_ =	strace $0x9000004A  }
0x112: {  	s0 =	stileid.u32;
	[bflag:$0x2] =	sbarrier.arrive $0xFFFF  }
0x113: {  	p0 =	sne.s32 s0, $0x0;
	s0 =	rddreg [dreg:$0x2]  }
0x114: {  	s0 =	sadd.s32 @!p0 $0x100000, s0  }
0x115: {  	[sflag:s0] =	ssyncadd.tile.s32 @!p0 $0x1;
	_ =	shalt  }
.Lfunc_end2:
_tile_overlayer_lowered:
.L_overlay_start_2:
0x116: {  	(tag) =	ssettag $0x2  }
0x117: {  	s0 =	rddreg [dreg:$0x0];
	s2 =	stileid.u32  }
0x118: {  	s1 =	rddreg [dreg:$0x1];
	p0 =	sne.s32 s2, $0x0  }
0x119: {  	s3 =	rddreg [dreg:$0x2];
	[bflag:$0x3] =	sbarrier.arrive $0xFFFF;
	s2 =	simm.s32 @!p0 $0x1C04  }
0x11a: {  	[timem:s3], [sflag:s2] =	dma.local @!p0 [hbm:s0], s1  }
0x11b: {  	s0 =	simm.s32 @!p0 $0x4  }
0x11c: {  	_ =	swait.ge @!p0 [sflag:s0], s1  }
0x11d: {  	s1 =	ssub.s32 @!p0 $0x0, s1;
	[sflag:s0] =	ssyncset.done @!p0 $0x0  }
0x11e: {  	[sflag:s0] =	ssyncadd.s32 @!p0 s1  }
0x11f: {  	[bflag:$0x3] =	sbarrier.arrive $0xFFFF  }
0x120: {  	_ =	shalt  }

// kernel: kernel.16.cloned.1.call-start
scs
__scs_entry_jumppad:
0x0: {  	(pc) =	sbr.rel $0x88, $3  }
0x1: {  	(tag) =	ssettag $0x0;
	lr =	simm.s32 $0x1  }
0x2: {  	[smem:$0x3F89] =	sst lr;
	_ =	strace $0xD0000000  }
0x3: {  	_ = 	snop  }
0x4: {  	_ = 	snop  }
0x5: {  	_ = 	snop  }
0x6: {  	_ = 	snop  }
0x7: {  	_ = 	snop  }
__scs_overlays_trampoline_lowered:
0x8: {  	[smem:$0x3F98] =	sst s0  }
0x9: {  	[smem:$0x3F99] =	sst s1  }
0xa: {  	[smem:$0x3F9A] =	sst s2  }
0xb: {  	[smem:$0x3F9B] =	sst s3  }
0xc: {  	[smem:$0x3F9C] =	sst s4  }
0xd: {  	[smem:$0x3F9D] =	sst s5  }
0xe: {  	[smem:$0x3F9E] =	sst s6  }
0xf: {  	[smem:$0x3F9F] =	sst s7  }
0x10: {  	[smem:$0x3FA0] =	sst s8  }
0x11: {  	[smem:$0x3FA1] =	sst s9;
	s0 =	simm.s32 @!p0 $0x0  }
0x12: {  	s1 =	sld [smem:$0x3F87];
	s0 =	simm.s32 @p0 $0x1  }
0x13: {  	[smem:$0x3FA2] =	sst s0;
	s0 =	simm.s32 @!p1 $0x0  }
0x14: {  	s2 =	sld [smem:$0x3F86];
	s0 =	simm.s32 @p1 $0x1  }
0x15: {  	[smem:$0x3FA3] =	sst s0;
	s0 =	simm.s32 @!p2 $0x0  }
0x16: {  	s3 =	sld [smem:$0x3FDB];
	s0 =	simm.s32 @p2 $0x1  }
0x17: {  	s4 =	simm.s32 $0x1BF5;
	[smem:$0x3FA5] =	sst s0  }
0x18: {  	s0 =	sld [smem:$0x3F88];
	_ =	swait.ge [sflag:s4], $0x0  }
0x19: {  	s7 =	sld [smem:$0x3F89]  }
0x1a: {  	s8 =	sadd.s32 $0xFFFFE003, lr  }
0x1b: {  	s9 =	sadd.s32 $0xFFFFFEF7, lr;
	s5 =	simm.s32 $0xFFFFFFFF;
	p2 =	slt.u32 s8, $0xFFFFF086  }
0x1c: {  	p1 =	slt.u32 s9, $0xF7A;
	s5 =	simm.s32 @!p2 $0x0  }
0x1d: {  	s5 =	simm.s32 @p1 $0x1;
	p0 =	seq.s32 s7, s2  }
0x1e: {  	s7 =	smul.u32 @!p0 $0xF7A, s2;
	p2 =	seq.s32 @!p0 s5, $0x0  }
0x1f: {  	s9 =	smul.u32 $0xF7A, s1;
	s8 =	simm.s32 @!p0 $0x1BF5;
	p2 =	por !p2, p0  }
0x20: {  	[sflag:s8] =	ssyncset.s32 @!p0 $0xFFFFF086;
	s6 =	sadd.s32 @!p0 s3, s7;
	s7 =	simm.s32 @!p0 $0x108  }
0x21: {  	s3 =	sadd.s32 s3, s9;
	s6 =	sadd.s32 @!p0 $0x88, s6;
	s7 =	simm.s32 @p2 $0x1082  }
0x22: {  	[simem:s7], [sflag:s8] =	dma.local @!p0 [hbm:s6], $0xF7A  }
0x23: {  	s9 =	sor.u32 $0xD0000000, s2;
	s6 =	simm.s32 $0x108;
	_ =	swait.ge @!p0 [sflag:s8], $0x0  }
0x24: {  	s3 =	sadd.s32 $0x88, s3;
	s6 =	simm.s32 @!p1 $0x1082;
	[sflag:s4] =	ssyncset.s32 $0xFFFFF086  }
0x25: {  	[simem:s6], [sflag:s4] =	dma.local [hbm:s3], $0xF7A  }
0x26: {  	[smem:$0x3F89] =	sst s1;
	(tag) =	ssettag s2;
	_ =	strace s9  }
0x27: {  	s1 =	sld [smem:$0x3F99]  }
0x28: {  	s2 =	sld [smem:$0x3F9A]  }
0x29: {  	s4 =	sld [smem:$0x3F9C]  }
0x2a: {  	p0 =	seq.s32 s5, $0x0;
	s5 =	sld [smem:$0x3F9D]  }
0x2b: {  	s6 =	sld [smem:$0x3F9E]  }
0x2c: {  	s7 =	sld [smem:$0x3F9F]  }
0x2d: {  	s3 =	simm.s32 $0x108;
	s8 =	sld [smem:$0x3FA0]  }
0x2e: {  	s3 =	simm.s32 @!p0 $0x1082;
	s9 =	sld [smem:$0x3FA1]  }
0x2f: {  	lr =	sadd.s32 s0, s3;
	s0 =	sld [smem:$0x3F98]  }
0x30: {  	s3 =	sld [smem:$0x3F9B]  }
0x31: {  	[smem:$0x3FA4] =	sst s10  }
0x32: {  	s10 =	sld [smem:$0x3FA2];
	_ =	sdelay $0x3  }
0x33: {  	p0 =	seq.s32 s10, $0x1;
	s10 =	sld [smem:$0x3FA4];
	_ =	sdelay $0x3  }
0x34: {  	[smem:$0x3FA4] =	sst s10  }
0x35: {  	s10 =	sld [smem:$0x3FA3];
	_ =	sdelay $0x3  }
0x36: {  	p1 =	seq.s32 s10, $0x1;
	s10 =	sld [smem:$0x3FA4];
	_ =	sdelay $0x3  }
0x37: {  	[smem:$0x3FA4] =	sst s10  }
0x38: {  	s10 =	sld [smem:$0x3FA5]  }
0x39: {  	_ = 	snop;
	(pc) =	sbr.ind lr, $3  }
0x3a: {  	_ = 	snop  }
0x3b: {  	_ = 	snop  }
0x3c: {  	p2 =	seq.s32 s10, $0x1;
	s10 =	sld [smem:$0x3FA4]  }
0x3d: {  	_ =	shalt  }
0x3e: {  	_ =	shalt  }
0x3f: {  	_ =	shalt  }
0x40: {  	_ =	shalt  }
0x41: {  	_ =	shalt  }
0x42: {  	_ =	shalt  }
0x43: {  	_ =	shalt  }
0x44: {  	_ =	shalt  }
0x45: {  	_ =	shalt  }
0x46: {  	_ =	shalt  }
0x47: {  	_ =	shalt  }
0x48: {  	_ =	shalt  }
0x49: {  	_ =	shalt  }
0x4a: {  	_ =	shalt  }
0x4b: {  	_ =	shalt  }
0x4c: {  	_ =	shalt  }
0x4d: {  	_ =	shalt  }
0x4e: {  	_ =	shalt  }
0x4f: {  	_ =	shalt  }
0x50: {  	_ =	shalt  }
0x51: {  	_ =	shalt  }
0x52: {  	_ =	shalt  }
0x53: {  	_ =	shalt  }
0x54: {  	_ =	shalt  }
0x55: {  	_ =	shalt  }
0x56: {  	_ =	shalt  }
0x57: {  	_ =	shalt  }
0x58: {  	_ =	shalt  }
0x59: {  	_ =	shalt  }
0x5a: {  	_ =	shalt  }
0x5b: {  	_ =	shalt  }
0x5c: {  	_ =	shalt  }
0x5d: {  	_ =	shalt  }
0x5e: {  	_ =	shalt  }
0x5f: {  	_ =	shalt  }
0x60: {  	_ =	shalt  }
0x61: {  	_ =	shalt  }
0x62: {  	_ =	shalt  }
0x63: {  	_ =	shalt  }
0x64: {  	_ =	shalt  }
0x65: {  	_ =	shalt  }
0x66: {  	_ =	shalt  }
0x67: {  	_ =	shalt  }
0x68: {  	_ =	shalt  }
0x69: {  	_ =	shalt  }
0x6a: {  	_ =	shalt  }
0x6b: {  	_ =	shalt  }
0x6c: {  	_ =	shalt  }
0x6d: {  	_ =	shalt  }
0x6e: {  	_ =	shalt  }
0x6f: {  	_ =	shalt  }
0x70: {  	_ =	shalt  }
0x71: {  	_ =	shalt  }
0x72: {  	_ =	shalt  }
0x73: {  	_ =	shalt  }
0x74: {  	_ =	shalt  }
0x75: {  	_ =	shalt  }
0x76: {  	_ =	shalt  }
0x77: {  	_ =	shalt  }
0x78: {  	_ =	shalt  }
0x79: {  	_ =	shalt  }
0x7a: {  	_ =	shalt  }
0x7b: {  	_ =	shalt  }
0x7c: {  	_ =	shalt  }
0x7d: {  	_ =	shalt  }
0x7e: {  	_ =	shalt  }
0x7f: {  	_ =	shalt  }
0x80: {  	_ =	shalt  }
0x81: {  	_ =	shalt  }
0x82: {  	_ =	shalt  }
0x83: {  	_ =	shalt  }
0x84: {  	_ =	shalt  }
0x85: {  	_ =	shalt  }
0x86: {  	_ =	shalt  }
0x87: {  	_ =	shalt  }
.Lfunc_end0:
.L_simem_size_0:
called_computation.2_lowered:
.L_overlay_start_0:
0x88: {  	s2 =	sld [smem:$0x3FD9]  }
0x89: {  	s3 =	sld [smem:$0x3FFE];
	_ =	sdelay $0x1  }
0x8a: {  	s1 =	srdreg.scid  }
0x8b: {  	s0 =	sand.u32 $0x1, s1  }
0x8c: {  	s16 =	sshll.u32 s0, $0xA;
	s2 =	sadd.s32 s3, s2  }
0x8d: {  	s2 =	sadd.s32 s2, s16  }
0x8e: {  	[smem:$0x3FB0] =	sst s2  }
0x8f: {  	_ = 	snop  }
0x90: {  	(tm) =	ssettm $0x1  }
0x91: {  	s17 =	sld [smem:$0x3FFB];
	_ =	sdelay $0x3  }
0x92: {  	_ =	strace s17  }
0x93: {  	s2 =	sld [smem:$0x3FFC];
	_ =	sdelay $0x3  }
0x94: {  	_ =	strace s2  }
0x95: {  	s2 =	sld [smem:$0x3FFD];
	_ =	sdelay $0x3  }
0x96: {  	_ =	strace s2  }
0x97: {  	_ =	strace $0x8FFFFFFF  }
0x98: {  	s18 =	sld [smem:$0x3FDB];
	_ =	sdelay $0x1  }
0x99: {  	s19 =	simm.s32 $_scs_section_size  }
0x9a: {  	s4 =	simm.s32 $_size__tile_overlayer_lowered;
	s5 =	simm.s32 $_tile_overlayer_lowered  }
0x9b: {  	s22 =	simm.s32 $0x1BFF;
	s21 =	sshll.u32 s5, $0x1;
	s2 =	sadd.s32 s19, s18  }
0x9c: {  	s6 =	simm.s32 $0x0;
	s20 =	sshll.u32 s4, $0x1;
	s4 =	sadd.s32 s21, s2  }
0x9d: {  	[timem:s6], [sflag:s22] =	dma.local [hbm:s4], s20  }
0x9e: {  	_ =	swait.ge [sflag:s22], s20  }
0x9f: {  	s3 =	ssub.s32 $0x0, s20;
	[sflag:s22] =	ssyncset.done $0x0  }
0xa0: {  	[sflag:s22] =	ssyncadd.s32 s3;
	_ =	sdelay $0x1  }
0xa1: {  	s23 =	simm.s32 $0x1B8B  }
0xa2: {  	_ =	swait.ge [sflag:s23], $0x1  }
0xa3: {  	[sflag:s23] =	ssyncset.done $0x0  }
0xa4: {  	s25 =	simm.s32 $0x1B8E;
	s24 =	sld [smem:$0x3FFE];
	[sflag:s23] =	ssyncadd.s32 $0xFFFFFFFF  }
0xa5: {  	s26 =	simm.s32 $execute0_lowered;
	[smem:$0x3FD2] =	sst s25  }
0xa6: {  	s4 =	sshll.u32 s26, $0x1;
	_ =	strace $0x8000004C;
	[dreg:$0x1] =	wrdreg $0xFFFFFFFF  }
0xa7: {  	s28 =	simm.s32 $_size_execute0_lowered;
	s2 =	sadd.s32 s2, s4;
	[dreg:$0x0] =	wrdreg $0x0  }
0xa8: {  	s4 =	sshll.u32 s28, $0x1;
	[dreg:$0x2] =	wrdreg s2  }
0xa9: {  	[dreg:$0x3] =	wrdreg s4  }
0xaa: {  	[dreg:$0x4] =	wrdreg $0xC0  }
0xab: {  	_ =	task [dreg:s6], $0x5FFFF  }
0xac: {  	[dreg:$0x1] =	wrdreg $0xFFFFFFFF  }
0xad: {  	[dreg:$0x0] =	wrdreg $0x60  }
0xae: {  	[dreg:$0x2] =	wrdreg s24  }
0xaf: {  	[dreg:$0x3] =	wrdreg $0x8C800  }
0xb0: {  	[dreg:$0x4] =	wrdreg $0x9  }
0xb1: {  	_ =	task.clear_ibuf [dreg:s6], $0x5FFFF;
	_ =	strace $0x9000004C  }
0xb2: {  	s29 =	simm.s32 $0x9;
	_ =	strace $0x8000004E  }
0xb3: {  	_ =	swait.ge [sflag:s29], $0x1  }
0xb4: {  	[sflag:s29] =	ssyncadd.s32 $0xFFFFFFFF  }
0xb5: {  	_ =	strace $0x9000004E  }
0xb6: {  	_ =	sfence  }
0xb7: {  	s30 =	sld [smem:$0x0];
	_ =	sdelay $0x2  }
0xb8: {  	s31 =	sshll.u32 s1, $0xD;
	s1 =	sshrl.u32 s1, $0x2  }
0xb9: {  	s3 =	sand.u32 $0x4000, s31;
	s1 =	sadd.s32 s1, s30  }
0xba: {  	s0 =	sor.u32 s3, s0;
	s1 =	sshll.u32 s1, $0x11  }
0xbb: {  	s0 =	sor.u32 s1, s0  }
0xbc: {  	s0 =	sadd.s32 $0x8F2B, s0  }
0xbd: {  	[sflag:s0] =	ssyncadd.remote.s32 $0x1  }
0xbe: {  	_ =	sfence.sel $0xFFFF  }
0xbf: {  	[dreg:$0x0] =	wrdreg $0xFFFFFFFF;
	(pc) =	sbr.abs _section_cstart, $3  }
0xc0: {  	[dreg:$0x1] =	wrdreg $0xFFFFFFFF  }
0xc1: {  	_ =	task.clear_ibuf [dreg:s6], $0x2FFFF;
	_ =	strace $0x9FFFFFFF  }
0xc2: {  	(tm) =	ssettm $0x7FFFFFFF  }
0xc3: {  	_ =	shalt  }
tec
execute0_lowered:
.L_overlay_start_1:
0x0: {  	(tag) =	ssettag $0x1  }
0x1: {  	s0 =	rddreg [dreg:$0x0]  }
0x2: {  	s1 =	rddreg [dreg:$0x1];
	s2 =	srdreg.scid;
	s3 =	simm.s32 $0x0  }
0x3: {  	s11 =	stileid.u32;
	s26 =	simm.s32 $0x80;
	s28 =	simm.s32 $0x60  }
0x4: {  	s30 =	simm.s32 $0x300;
	s31 =	simm.s32 $0x180;
	s5 =	smul.u32 $0x14000, s11  }
0x5: {  	s29 =	simm.s32 $0x280;
	s9 =	sand.u32 $0x1, s2;
	s15 =	smul.u32 $0x50000, s11  }
0x6: {  	[smem:$0x7FF] =	sst s3;
	s4 =	sadd.s32 $0xDC00, s0;
	s10 =	smul.u32 $0x2710, s11  }
0x7: {  	s6 =	sadd.s32 $0x8C00, s0;
	s7 =	sadd.s32 $0x3C00, s0;
	s25 =	smul.u32 $0x4E2, s11  }
0x8: {  	s2 =	smul.u32 $0x140000, s9;
	_ =	strace $0x8000004D;
	s8 =	ssub.s32 $0x2, s9  }
0x9: {  	[dreg:$0x3] =	wrdreg s26;
	s26 =	simm.s32 $0x1;
	v0 =	vmov s9;
	s9 =	simm.s32 $0x6480  }
0xa: {  	s16 =	sshrl.u32 s8, $0x1;
	s17 =	sshrl.u32 s10, $0x3;
	s2 =	sadd.s32 s5, s2  }
0xb: {  	s5 =	sshrl.u32 s15, $0x2;
	s10 =	sadd.s32 s6, s17;
	s18 =	sadd.s32 s7, s17  }
0xc: {  	s2 =	sshrl.u32 s2, $0x3;
	s5 =	sadd.s32 s5, s1;
	[dreg:$0x4] =	wrdreg s10  }
0xd: {  	[dreg:$0x5] =	wrdreg s18;
	s10 =	simm.s32 $0x0;
	s0 =	sadd.s32 s2, s0  }
0xe: {  	s2 =	ssub.s32 s8, s16;
	s8 =	sadd.s32 $0x4E0, s17;
	s21 =	sadd.s32 $0x2000, s5  }
0xf: {  	s22 =	sadd.s32 $0x4000, s5;
	s23 =	sadd.s32 $0x6000, s5;
	s24 =	sadd.s32 $0x8000, s5  }
0x10: {  	s16 =	sadd.s32 $0xA000, s5;
	s17 =	sadd.s32 $0xC000, s5;
	[dreg:$0xa] =	wrdreg s21  }
0x11: {  	s18 =	sadd.s32 $0xE000, s5;
	s19 =	sadd.s32 s6, s8;
	[dreg:$0xb] =	wrdreg s22  }
0x12: {  	s8 =	sadd.s32 s7, s8;
	s0 =	sadd.s32 $0x5BE00, s0;
	[dreg:$0xc] =	wrdreg s23  }
0x13: {  	s20 =	smax.u32 s2, $0x1;
	[dreg:$0xd] =	wrdreg s24;
	s21 =	sadd.s32 s25, s7  }
0x14: {  	s22 =	sadd.s32 s25, s6;
	s23 =	simm.s32 $0x6C80;
	[dreg:$0x6] =	wrdreg s19  }
0x15: {  	s24 =	simm.s32 $0x4;
	s25 =	simm.s32 $0x100;
	[dreg:$0x7] =	wrdreg s8  }
0x16: {  	s2 =	simm.s32 $0x3300;
	s6 =	simm.s32 $0x5;
	[dreg:$0x8] =	wrdreg s0  }
0x17: {  	s7 =	simm.s32 $0x6380;
	[dreg:$0x9] =	wrdreg s20;
	s19 =	sadd.s32 $0x10000, s5  }
0x18: {  	v1 =	vimm.f32 $0.0e+00;
	s20 =	sadd.s32 $0x12000, s5;
	s0 =	simm.s32 $0x2;
	s8 =	simm.s32 $0x10  }
.LBB2_1:
0x19: {  	s11 =	simm.s32 $0x0;
	s12 =	simm.s32 $0x200  }
.LBB2_2:
0x1a: {  	p0 =	sne.s32 s12, $0x7E00;
	[tilespmem:s11+$0x6CF0] =	vst v1  }
0x1b: {  	[tilespmem:s11+$0x6C80] =	vst v1  }
0x1c: {  	[tilespmem:s11+$0x6C90] =	vst v1  }
.Ltmp0:
0x1d: {  	[tilespmem:s11+$0x6CA0] =	vst v1;
	(pc) =	sbr.rel @p0 .LBB2_2-.Ltmp0, $4  }
0x1e: {  	[tilespmem:s11+$0x6CB0] =	vst v1  }
0x1f: {  	[tilespmem:s11+$0x6CC0] =	vst v1  }
0x20: {  	[tilespmem:s11+$0x6CD0] =	vst v1  }
0x21: {  	[tilespmem:s11+$0x6CE0] =	vst v1;
	s11 =	sshra.s32 s12, $0x2;
	s12 =	sadd.s32 $0x200, s12  }
0x22: {  	[tilespmem:s11+$0x6CF0] =	vst v1  }
0x23: {  	[tilespmem:s11+$0x6C80] =	vst v1  }
0x24: {  	[tilespmem:s11+$0x6C90] =	vst v1  }
0x25: {  	[tilespmem:s11+$0x6CA0] =	vst v1  }
0x26: {  	[tilespmem:s11+$0x6CB0] =	vst v1  }
0x27: {  	[tilespmem:s11+$0x6CC0] =	vst v1  }
0x28: {  	[tilespmem:s11+$0x6CD0] =	vst v1  }
0x29: {  	[tilespmem:s11+$0x6CE0] =	vst v1  }
0x2a: {  	[spmem:s5] =	stream.linear.scatter [tilespmem:s23], [sflag:$0x4], $0x2000, $0x38;
	[tilespmem:$0x1CC80] =	vst v63  }
0x2b: {  	_ =	swait.ge [sflag:s24], $0x2000  }
0x2c: {  	[sflag:s24] =	ssyncset.done $0x0  }
0x2d: {  	s15 =	rddreg [dreg:$0xa];
	[sflag:s24] =	ssyncadd.s32 $0xFFFFE000  }
0x2e: {  	[spmem:s15] =	stream.linear.scatter [tilespmem:s23], [sflag:$0x4], $0x2000, $0x38;
	[tilespmem:$0x1CC80] =	vst v63  }
0x2f: {  	_ =	swait.ge [sflag:s24], $0x2000  }
0x30: {  	[sflag:s24] =	ssyncset.done $0x0  }
0x31: {  	s12 =	rddreg [dreg:$0xb];
	[sflag:s24] =	ssyncadd.s32 $0xFFFFE000  }
0x32: {  	[spmem:s12] =	stream.linear.scatter [tilespmem:s23], [sflag:$0x4], $0x2000, $0x38;
	[tilespmem:$0x1CC80] =	vst v63  }
0x33: {  	_ =	swait.ge [sflag:s24], $0x2000  }
0x34: {  	[sflag:s24] =	ssyncset.done $0x0  }
0x35: {  	s13 =	rddreg [dreg:$0xc];
	[sflag:s24] =	ssyncadd.s32 $0xFFFFE000  }
0x36: {  	[spmem:s13] =	stream.linear.scatter [tilespmem:s23], [sflag:$0x4], $0x2000, $0x38;
	[tilespmem:$0x1CC80] =	vst v63  }
0x37: {  	_ =	swait.ge [sflag:s24], $0x2000  }
0x38: {  	[sflag:s24] =	ssyncset.done $0x0  }
0x39: {  	s14 =	rddreg [dreg:$0xd];
	[sflag:s24] =	ssyncadd.s32 $0xFFFFE000  }
0x3a: {  	[spmem:s14] =	stream.linear.scatter [tilespmem:s23], [sflag:$0x4], $0x2000, $0x38;
	[tilespmem:$0x1CC80] =	vst v63  }
0x3b: {  	_ =	swait.ge [sflag:s24], $0x2000  }
0x3c: {  	[sflag:s24] =	ssyncset.done $0x0  }
0x3d: {  	[sflag:s24] =	ssyncadd.s32 $0xFFFFE000  }
0x3e: {  	[spmem:s16] =	stream.linear.scatter [tilespmem:s23], [sflag:$0x4], $0x2000, $0x38;
	[tilespmem:$0x1CC80] =	vst v63  }
0x3f: {  	_ =	swait.ge [sflag:s24], $0x2000  }
0x40: {  	[sflag:s24] =	ssyncset.done $0x0  }
0x41: {  	[sflag:s24] =	ssyncadd.s32 $0xFFFFE000  }
0x42: {  	[spmem:s17] =	stream.linear.scatter [tilespmem:s23], [sflag:$0x4], $0x2000, $0x38;
	[tilespmem:$0x1CC80] =	vst v63  }
0x43: {  	_ =	swait.ge [sflag:s24], $0x2000  }
0x44: {  	[sflag:s24] =	ssyncset.done $0x0  }
0x45: {  	[sflag:s24] =	ssyncadd.s32 $0xFFFFE000  }
0x46: {  	[spmem:s18] =	stream.linear.scatter [tilespmem:s23], [sflag:$0x4], $0x2000, $0x38;
	[tilespmem:$0x1CC80] =	vst v63  }
0x47: {  	_ =	swait.ge [sflag:s24], $0x2000  }
0x48: {  	[sflag:s24] =	ssyncset.done $0x0  }
0x49: {  	[sflag:s24] =	ssyncadd.s32 $0xFFFFE000  }
0x4a: {  	[spmem:s19] =	stream.linear.scatter [tilespmem:s23], [sflag:$0x4], $0x2000, $0x38;
	[tilespmem:$0x1CC80] =	vst v63  }
0x4b: {  	_ =	swait.ge [sflag:s24], $0x2000  }
0x4c: {  	[sflag:s24] =	ssyncset.done $0x0  }
0x4d: {  	[sflag:s24] =	ssyncadd.s32 $0xFFFFE000  }
0x4e: {  	[spmem:s20] =	stream.linear.scatter [tilespmem:s23], [sflag:$0x4], $0x2000, $0x38;
	[tilespmem:$0x1CC80] =	vst v63  }
0x4f: {  	_ =	swait.ge [sflag:s24], $0x2000  }
0x50: {  	[sflag:s24] =	ssyncset.done $0x0  }
0x51: {  	[sflag:s24] =	ssyncadd.s32 $0xFFFFE000  }
0x52: {  	[bflag:$0x0] =	sbarrier.arrive $0xFFFF  }
0x53: {  	s15 =	simm.s32 $0x0;
	s12 =	rddreg [dreg:$0x4]  }
0x54: {  	[tilespmem:s15], [sflag:$0x1] =	stream.linear.gather [hbm4b:s12+s15], $0x60, $0x38;
	[tilespmem:$0x1CC80] =	vst v63  }
0x55: {  	s13 =	rddreg [dreg:$0x5]  }
0x56: {  	[tilespmem:s25], [sflag:$0x1] =	stream.linear.gather [hbm4b:s13+s15], $0x60, $0x38;
	[tilespmem:$0x1CC80] =	vst v63  }
0x57: {  	_ =	swait.ge [sflag:s26], $0x60  }
0x58: {  	[sflag:s26] =	ssyncset.done $0x0  }
0x59: {  	[sflag:s26] =	ssyncadd.s32 $0xFFFFFFA0  }
0x5a: {  	_ =	swait.ge [sflag:s26], $0x60  }
0x5b: {  	[sflag:s26] =	ssyncset.done $0x0  }
0x5c: {  	[sflag:s26] =	ssyncadd.s32 $0xFFFFFFA0  }
0x5d: {  	v2 =	vld [tilespmem:$0x0]  }
0x5e: {  	v3 =	vld [tilespmem:$0x10]  }
0x5f: {  	v4 =	vld [tilespmem:$0x20]  }
0x60: {  	v5 =	vld [tilespmem:$0x30]  }
0x61: {  	v6 =	vld [tilespmem:$0x40]  }
0x62: {  	v7 =	vld [tilespmem:$0x50];
	v2 =	vshll.u32 v2, $0x1  }
0x63: {  	v3 =	vshll.u32 v3, $0x1;
	v2 =	vor.u32 v0, v2  }
0x64: {  	[tilespmem:$0x200] =	vst v2;
	v2 =	vor.u32 v0, v3;
	v3 =	vshll.u32 v4, $0x1  }
0x65: {  	[tilespmem:$0x210] =	vst v2;
	v2 =	vor.u32 v0, v3;
	v3 =	vshll.u32 v5, $0x1  }
0x66: {  	[tilespmem:$0x220] =	vst v2;
	v2 =	vor.u32 v0, v3;
	v3 =	vshll.u32 v6, $0x1  }
0x67: {  	[tilespmem:$0x230] =	vst v2;
	v2 =	vor.u32 v0, v3;
	v3 =	vshll.u32 v7, $0x1  }
0x68: {  	[tilespmem:$0x240] =	vst v2;
	v2 =	vor.u32 v0, v3  }
0x69: {  	s14 =	simm.s32 $0x200;
	[tilespmem:$0x250] =	vst v2  }
0x6a: {  	[tilespmem:s30], [sflag:$0x2] =	stream.indirect.gather [hbm4b:s4+s28], $0x80, s14, s28, $0xb8;
	[tilespmem:$0x1CC80] =	vst v63  }
0x6b: {  	s14 =	sadd.s32 $0x0, s22  }
0x6c: {  	s13 =	sadd.s32 $0x0, s21;
	s15 =	rddreg [dreg:$0x3];
	s12 =	sadd.s32 $0xC, s14  }
0x6d: {  	[tilespmem:s15], [sflag:$0x1] =	stream.linear.gather [hbm4b:s12+s3], $0x60, $0x38;
	[tilespmem:$0x1CC80] =	vst v63  }
0x6e: {  	s15 =	sadd.s32 $0xC, s13  }
0x6f: {  	[tilespmem:s31], [sflag:$0x1] =	stream.linear.gather [hbm4b:s15+s3], $0x60, $0x38;
	[tilespmem:$0x1CC80] =	vst v63  }
0x70: {  	_ =	swait.ge [sflag:s26], $0x60  }
0x71: {  	[sflag:s26] =	ssyncset.done $0x0  }
0x72: {  	[sflag:s26] =	ssyncadd.s32 $0xFFFFFFA0  }
0x73: {  	_ =	swait.ge [sflag:s26], $0x60  }
0x74: {  	[sflag:s26] =	ssyncset.done $0x0  }
0x75: {  	[sflag:s26] =	ssyncadd.s32 $0xFFFFFFA0  }
0x76: {  	v2 =	vld [tilespmem:$0xD0]  }
0x77: {  	v3 =	vld [tilespmem:$0xB0]  }
0x78: {  	v4 =	vld [tilespmem:$0xA0]  }
0x79: {  	v5 =	vld [tilespmem:$0x80]  }
0x7a: {  	v62 =	vld [tilespmem:$0xC0]  }
0x7b: {  	v63 =	vld [tilespmem:$0x90];
	v2 =	vshll.u32 v2, $0x1  }
0x7c: {  	v3 =	vshll.u32 v3, $0x1;
	v2 =	vor.u32 v0, v2  }
0x7d: {  	v4 =	vshll.u32 v4, $0x1;
	v3 =	vor.u32 v0, v3;
	[tilespmem:$0x2D0] =	vst v2  }
0x7e: {  	v4 =	vor.u32 v0, v4;
	v2 =	vshll.u32 v5, $0x1;
	[tilespmem:$0x2B0] =	vst v3  }
0x7f: {  	[tilespmem:$0x2A0] =	vst v4;
	v3 =	vshll.u32 v62, $0x1;
	v2 =	vor.u32 v0, v2  }
0x80: {  	v3 =	vor.u32 v0, v3;
	[tilespmem:$0x280] =	vst v2;
	v2 =	vshll.u32 v63, $0x1  }
0x81: {  	[tilespmem:$0x2C0] =	vst v3;
	v2 =	vor.u32 v0, v2  }
0x82: {  	[tilespmem:$0x290] =	vst v2  }
0x83: {  	_ =	swait.ge [sflag:s0], $0x3000  }
0x84: {  	[sflag:s0] =	ssyncset.done $0x0  }
0x85: {  	[sflag:s0] =	ssyncadd.s32 $0xFFFFD000  }
0x86: {  	[tilespmem:s2], [sflag:$0x3] =	stream.indirect.gather [hbm4b:s4+s28], $0x80, s29, s28, $0xb8;
	[tilespmem:$0x1CC80] =	vst v63  }
0x87: {  	_ = 	snop  }
0x88: {  	[spmem:s1] =	stream.indirect.scatter.add.f32 [tilespmem:s30], [sflag:$0x5], $0x80, s25, s28, $0xb8;
	[tilespmem:$0x1CC80] =	vst v63  }
0x89: {  	_ =	swait.ge [sflag:s6], $0x3000  }
0x8a: {  	p1 =	por $0x0, $0x0;
	[sflag:s6] =	ssyncset.done $0x0  }
0x8b: {  	s11 =	simm.s32 @p1 $0x3;
	[sflag:s6] =	ssyncadd.s32 $0xFFFFD000  }
0x8c: {  	_ =	swait.ge @p1 [sflag:s11], $0x3000  }
0x8d: {  	s12 =	sadd.s32 @!p1 $0x0, s22;
	s13 =	sadd.s32 @!p1 $0x0, s21;
	[sflag:s11] =	ssyncset.done @p1 $0x0  }
0x8e: {  	s12 =	sadd.s32 @!p1 $0x18, s12;
	[sflag:s11] =	ssyncadd.s32 @p1 $0xFFFFD000;
	s11 =	simm.s32 @!p1 $0x0  }
0x8f: {  	[tilespmem:s11], [sflag:$0x1] =	stream.linear.gather @!p1 [hbm4b:s12+s11], $0x60, $0x38;
	[tilespmem:$0x1CC80] =	vst v63  }
0x90: {  	s12 =	sadd.s32 @!p1 $0x18, s13;
	s13 =	simm.s32 @!p1 $0x100  }
0x91: {  	[tilespmem:s13], [sflag:$0x1] =	stream.linear.gather @!p1 [hbm4b:s12+s11], $0x60, $0x38;
	[tilespmem:$0x1CC80] =	vst v63  }
0x92: {  	s11 =	simm.s32 @!p1 $0x1  }
0x93: {  	_ =	swait.ge @!p1 [sflag:s11], $0x60  }
0x94: {  	[sflag:s11] =	ssyncset.done @!p1 $0x0  }
0x95: {  	[sflag:s11] =	ssyncadd.s32 @!p1 $0xFFFFFFA0  }
0x96: {  	_ =	swait.ge @!p1 [sflag:s11], $0x60  }
0x97: {  	[sflag:s11] =	ssyncset.done @!p1 $0x0  }
0x98: {  	[sflag:s11] =	ssyncadd.s32 @!p1 $0xFFFFFFA0  }
0x99: {  	v2 =	vld @!p1 [tilespmem:$0x50]  }
0x9a: {  	v3 =	vld @!p1 [tilespmem:$0x0]  }
0x9b: {  	v4 =	vld @!p1 [tilespmem:$0x40]  }
0x9c: {  	v5 =	vld @!p1 [tilespmem:$0x30]  }
0x9d: {  	v6 =	vld @!p1 [tilespmem:$0x10]  }
0x9e: {  	v7 =	vld @!p1 [tilespmem:$0x20];
	v2 =	vshll.u32 @!p1 v2, $0x1  }
0x9f: {  	v3 =	vshll.u32 @!p1 v3, $0x1;
	v2 =	vor.u32 @!p1 v0, v2  }
0xa0: {  	v4 =	vshll.u32 @!p1 v4, $0x1;
	v3 =	vor.u32 @!p1 v0, v3;
	[tilespmem:$0x250] =	vst @!p1 v2  }
0xa1: {  	[tilespmem:$0x200] =	vst @!p1 v3;
	v2 =	vshll.u32 @!p1 v5, $0x1;
	v3 =	vor.u32 @!p1 v0, v4  }
0xa2: {  	v4 =	vshll.u32 @!p1 v6, $0x1;
	v5 =	vor.u32 @!p1 v0, v2;
	[tilespmem:$0x240] =	vst @!p1 v3  }
0xa3: {  	s11 =	simm.s32 $0x18;
	v2 =	vor.u32 @!p1 v0, v4;
	v3 =	vshll.u32 @!p1 v7, $0x1;
	[tilespmem:$0x230] =	vst @!p1 v5  }
.LBB2_4:
0xa4: {  	[tilespmem:$0x210] =	vst @!p1 v2;
	v2 =	vor.u32 @!p1 v0, v3  }
0xa5: {  	s13 =	simm.s32 @!p1 $0x3;
	[tilespmem:$0x220] =	vst @!p1 v2  }
0xa6: {  	_ =	swait.ge @!p1 [sflag:s13], $0x3000  }
0xa7: {  	s14 =	simm.s32 @!p1 $0x300;
	[sflag:s13] =	ssyncset.done @!p1 $0x0  }
0xa8: {  	s15 =	simm.s32 @!p1 $0x200;
	[sflag:s13] =	ssyncadd.s32 @!p1 $0xFFFFD000;
	s13 =	simm.s32 @!p1 $0x60  }
0xa9: {  	[tilespmem:s14], [sflag:$0x2] =	stream.indirect.gather @!p1 [hbm4b:s4+s13], $0x80, s15, s13, $0xb8;
	[tilespmem:$0x1CC80] =	vst v63  }
0xaa: {  	s12 =	smov.u32 s11  }
0xab: {  	[spmem:s1] =	stream.indirect.scatter.add.f32 [tilespmem:s2], [sflag:$0x4], $0x80, s31, s28, $0xb8;
	[tilespmem:$0x1CC80] =	vst v63  }
0xac: {  	s15 =	sadd.s32 s12, s22;
	_ =	swait.ge [sflag:s24], $0x3000  }
0xad: {  	s14 =	sadd.s32 $0xC, s15;
	[sflag:s24] =	ssyncset.done $0x0  }
0xae: {  	s15 =	sadd.s32 s12, s21;
	s13 =	rddreg [dreg:$0x3];
	[sflag:s24] =	ssyncadd.s32 $0xFFFFD000  }
0xaf: {  	[tilespmem:s13], [sflag:$0x1] =	stream.linear.gather [hbm4b:s14+s3], $0x60, $0x38;
	[tilespmem:$0x1CC80] =	vst v63  }
0xb0: {  	s15 =	sadd.s32 $0xC, s15  }
0xb1: {  	[tilespmem:s31], [sflag:$0x1] =	stream.linear.gather [hbm4b:s15+s3], $0x60, $0x38;
	[tilespmem:$0x1CC80] =	vst v63  }
0xb2: {  	_ =	swait.ge [sflag:s26], $0x60  }
0xb3: {  	[sflag:s26] =	ssyncset.done $0x0  }
0xb4: {  	[sflag:s26] =	ssyncadd.s32 $0xFFFFFFA0  }
0xb5: {  	_ =	swait.ge [sflag:s26], $0x60  }
0xb6: {  	[sflag:s26] =	ssyncset.done $0x0  }
0xb7: {  	[sflag:s26] =	ssyncadd.s32 $0xFFFFFFA0  }
0xb8: {  	v2 =	vld [tilespmem:$0xD0]  }
0xb9: {  	v3 =	vld [tilespmem:$0xB0]  }
0xba: {  	v4 =	vld [tilespmem:$0xA0]  }
0xbb: {  	v5 =	vld [tilespmem:$0x80]  }
0xbc: {  	v6 =	vld [tilespmem:$0xC0]  }
0xbd: {  	v7 =	vld [tilespmem:$0x90];
	v2 =	vshll.u32 v2, $0x1  }
0xbe: {  	v3 =	vshll.u32 v3, $0x1;
	v2 =	vor.u32 v0, v2  }
0xbf: {  	v4 =	vshll.u32 v4, $0x1;
	v3 =	vor.u32 v0, v3;
	[tilespmem:$0x2D0] =	vst v2  }
0xc0: {  	v4 =	vor.u32 v0, v4;
	v2 =	vshll.u32 v5, $0x1;
	[tilespmem:$0x2B0] =	vst v3  }
0xc1: {  	[tilespmem:$0x2A0] =	vst v4;
	v3 =	vshll.u32 v6, $0x1;
	v2 =	vor.u32 v0, v2  }
0xc2: {  	v3 =	vor.u32 v0, v3;
	[tilespmem:$0x280] =	vst v2;
	v2 =	vshll.u32 v7, $0x1  }
0xc3: {  	[tilespmem:$0x2C0] =	vst v3;
	v2 =	vor.u32 v0, v2  }
0xc4: {  	[tilespmem:$0x290] =	vst v2  }
0xc5: {  	_ =	swait.ge [sflag:s0], $0x3000  }
0xc6: {  	[sflag:s0] =	ssyncset.done $0x0  }
0xc7: {  	[sflag:s0] =	ssyncadd.s32 $0xFFFFD000  }
0xc8: {  	[tilespmem:s2], [sflag:$0x3] =	stream.indirect.gather [hbm4b:s4+s28], $0x80, s29, s28, $0xb8;
	[tilespmem:$0x1CC80] =	vst v63  }
0xc9: {  	_ = 	snop  }
0xca: {  	[spmem:s1] =	stream.indirect.scatter.add.f32 [tilespmem:s30], [sflag:$0x5], $0x80, s25, s28, $0xb8;
	[tilespmem:$0x1CC80] =	vst v63  }
0xcb: {  	_ =	swait.ge [sflag:s6], $0x3000  }
0xcc: {  	p1 =	seq.s32 s12, $0x4C8;
	[sflag:s6] =	ssyncset.done $0x0  }
0xcd: {  	s13 =	simm.s32 @p1 $0x3;
	[sflag:s6] =	ssyncadd.s32 $0xFFFFD000  }
0xce: {  	_ =	swait.ge @p1 [sflag:s13], $0x3000  }
0xcf: {  	s14 =	sadd.s32 @!p1 s12, s22;
	s12 =	sadd.s32 @!p1 s12, s21;
	[sflag:s13] =	ssyncset.done @p1 $0x0  }
0xd0: {  	s14 =	sadd.s32 @!p1 $0x18, s14;
	[sflag:s13] =	ssyncadd.s32 @p1 $0xFFFFD000;
	s13 =	simm.s32 @!p1 $0x0  }
0xd1: {  	[tilespmem:s13], [sflag:$0x1] =	stream.linear.gather @!p1 [hbm4b:s14+s13], $0x60, $0x38;
	[tilespmem:$0x1CC80] =	vst v63  }
0xd2: {  	s12 =	sadd.s32 @!p1 $0x18, s12;
	s15 =	simm.s32 @!p1 $0x1;
	s14 =	simm.s32 @!p1 $0x100  }
0xd3: {  	[tilespmem:s14], [sflag:$0x1] =	stream.linear.gather @!p1 [hbm4b:s12+s13], $0x60, $0x38;
	[tilespmem:$0x1CC80] =	vst v63  }
0xd4: {  	_ =	swait.ge @!p1 [sflag:s15], $0x60  }
0xd5: {  	[sflag:s15] =	ssyncset.done @!p1 $0x0  }
0xd6: {  	[sflag:s15] =	ssyncadd.s32 @!p1 $0xFFFFFFA0  }
0xd7: {  	_ =	swait.ge @!p1 [sflag:s15], $0x60  }
0xd8: {  	[sflag:s15] =	ssyncset.done @!p1 $0x0  }
0xd9: {  	[sflag:s15] =	ssyncadd.s32 @!p1 $0xFFFFFFA0  }
0xda: {  	v2 =	vld @!p1 [tilespmem:$0x50]  }
0xdb: {  	v3 =	vld @!p1 [tilespmem:$0x0]  }
0xdc: {  	v4 =	vld @!p1 [tilespmem:$0x40]  }
0xdd: {  	v5 =	vld @!p1 [tilespmem:$0x30]  }
0xde: {  	s11 =	sadd.s32 $0x18, s11;
	v6 =	vld @!p1 [tilespmem:$0x10]  }
0xdf: {  	p0 =	sne.s32 s11, $0x4E0;
	v7 =	vld @!p1 [tilespmem:$0x20];
	v2 =	vshll.u32 @!p1 v2, $0x1  }
.Ltmp1:
0xe0: {  	v3 =	vshll.u32 @!p1 v3, $0x1;
	v2 =	vor.u32 @!p1 v0, v2;
	(pc) =	sbr.rel @p0 .LBB2_4-.Ltmp1, $4  }
0xe1: {  	v4 =	vshll.u32 @!p1 v4, $0x1;
	v3 =	vor.u32 @!p1 v0, v3;
	[tilespmem:$0x250] =	vst @!p1 v2  }
0xe2: {  	[tilespmem:$0x200] =	vst @!p1 v3;
	v2 =	vshll.u32 @!p1 v5, $0x1;
	v3 =	vor.u32 @!p1 v0, v4  }
0xe3: {  	v4 =	vshll.u32 @!p1 v6, $0x1;
	v5 =	vor.u32 @!p1 v0, v2;
	[tilespmem:$0x240] =	vst @!p1 v3  }
0xe4: {  	v2 =	vor.u32 @!p1 v0, v4;
	v3 =	vshll.u32 @!p1 v7, $0x1;
	[tilespmem:$0x230] =	vst @!p1 v5  }
0xe5: {  	[tilespmem:$0x210] =	vst @!p1 v2;
	v2 =	vor.u32 @!p1 v0, v3  }
0xe6: {  	s11 =	simm.s32 @!p1 $0x3;
	[tilespmem:$0x220] =	vst @!p1 v2  }
0xe7: {  	_ =	swait.ge @!p1 [sflag:s11], $0x3000  }
0xe8: {  	s12 =	simm.s32 @!p1 $0x300;
	[sflag:s11] =	ssyncset.done @!p1 $0x0  }
0xe9: {  	s13 =	simm.s32 @!p1 $0x200;
	[sflag:s11] =	ssyncadd.s32 @!p1 $0xFFFFD000;
	s11 =	simm.s32 @!p1 $0x60  }
0xea: {  	[tilespmem:s12], [sflag:$0x2] =	stream.indirect.gather @!p1 [hbm4b:s4+s11], $0x80, s13, s11, $0xb8;
	[tilespmem:$0x1CC80] =	vst v63  }
0xeb: {  	_ = 	snop  }
0xec: {  	[spmem:s1] =	stream.indirect.scatter.add.f32 [tilespmem:s2], [sflag:$0x4], $0x80, s31, s28, $0xb8;
	[tilespmem:$0x1CC80] =	vst v63  }
0xed: {  	_ =	swait.ge [sflag:s24], $0x3000  }
0xee: {  	[sflag:s24] =	ssyncset.done $0x0  }
0xef: {  	s13 =	simm.s32 $0x6300;
	s12 =	rddreg [dreg:$0x6];
	[sflag:s24] =	ssyncadd.s32 $0xFFFFD000  }
0xf0: {  	[tilespmem:s13], [sflag:$0x1] =	stream.linear.gather [hbm4b:s12+s3], $0x10, $0x38;
	[tilespmem:$0x1CC80] =	vst v63  }
0xf1: {  	s14 =	rddreg [dreg:$0x7]  }
0xf2: {  	[tilespmem:s7], [sflag:$0x1] =	stream.linear.gather [hbm4b:s14+s3], $0x10, $0x38;
	[tilespmem:$0x1CC80] =	vst v63  }
0xf3: {  	_ =	swait.ge [sflag:s26], $0x10  }
0xf4: {  	[sflag:s26] =	ssyncset.done $0x0  }
0xf5: {  	[sflag:s26] =	ssyncadd.s32 $0xFFFFFFF0  }
0xf6: {  	_ =	swait.ge [sflag:s26], $0x10  }
0xf7: {  	[sflag:s26] =	ssyncset.done $0x0  }
0xf8: {  	[sflag:s26] =	ssyncadd.s32 $0xFFFFFFF0  }
0xf9: {  	v2 =	vld [tilespmem:$0x6300];
	_ =	sdelay $0x4  }
0xfa: {  	v2 =	vshll.u32 v2, $0x1  }
0xfb: {  	v2 =	vor.u32 v0, v2  }
0xfc: {  	s15 =	simm.s32 $0x6400;
	[tilespmem:$0x6400] =	vst v2  }
0xfd: {  	[tilespmem:s9], [sflag:$0x2] =	stream.indirect.gather [hbm4b:s4+s8], $0x80, s15, s8, $0xb8;
	[tilespmem:$0x1CC80] =	vst v63  }
0xfe: {  	_ =	swait.ge [sflag:s0], $0x800  }
0xff: {  	[sflag:s0] =	ssyncset.done $0x0  }
0x100: {  	[sflag:s0] =	ssyncadd.s32 $0xFFFFF800  }
0x101: {  	[spmem:s1] =	stream.indirect.scatter.add.f32 [tilespmem:s9], [sflag:$0x4], $0x80, s7, s8, $0xb8;
	[tilespmem:$0x1CC80] =	vst v63  }
0x102: {  	_ =	swait.ge [sflag:s24], $0x800  }
0x103: {  	[sflag:s24] =	ssyncset.done $0x0  }
0x104: {  	s12 =	stileid.u32;
	[sflag:s24] =	ssyncadd.s32 $0xFFFFF800  }
0x105: {  	s11 =	sshll.u32 s12, $0x6;
	[bflag:$0x0] =	sbarrier.arrive $0xFFFF  }
0x106: {  	s13 =	sshrl.u32 s5, $0x3;
	s11 =	sor.u32 $0x1C04, s11;
	s14 =	rddreg [dreg:$0x8]  }
0x107: {  	[hbm:s14], [sflag:s11] =	dma.local [spmem:s13], $0x2800  }
0x108: {  	_ =	swait.ge [sflag:s24], $0x2800  }
0x109: {  	s10 =	sadd.s32 $0x1, s10;
	s15 =	rddreg [dreg:$0x9]  }
0x10a: {  	p0 =	sne.s32 s10, s15  }
.Ltmp2:
0x10b: {  	_ = 	snop;
	(pc) =	sbr.rel @p0 .LBB2_1-.Ltmp2, $3  }
0x10c: {  	_ =	sdelay $0x1  }
0x10d: {  	[sflag:s24] =	ssyncset.done $0x0  }
0x10e: {  	[sflag:s24] =	ssyncadd.s32 $0xFFFFD800  }
0x10f: {  	_ =	sfence.sel $0x180000  }
0x110: {  	[bflag:$0x0] =	sbarrier.arrive $0xFFFF  }
0x111: {  	_ =	strace $0x9000004D  }
0x112: {  	s0 =	stileid.u32;
	[bflag:$0x2] =	sbarrier.arrive $0xFFFF  }
0x113: {  	p0 =	sne.s32 s0, $0x0;
	s0 =	rddreg [dreg:$0x2]  }
0x114: {  	s0 =	sadd.s32 @!p0 $0x100000, s0  }
0x115: {  	[sflag:s0] =	ssyncadd.tile.s32 @!p0 $0x1;
	_ =	shalt  }
.Lfunc_end2:
_tile_overlayer_lowered:
.L_overlay_start_2:
0x116: {  	(tag) =	ssettag $0x2  }
0x117: {  	s0 =	rddreg [dreg:$0x0];
	s2 =	stileid.u32  }
0x118: {  	s1 =	rddreg [dreg:$0x1];
	p0 =	sne.s32 s2, $0x0  }
0x119: {  	s3 =	rddreg [dreg:$0x2];
	[bflag:$0x3] =	sbarrier.arrive $0xFFFF;
	s2 =	simm.s32 @!p0 $0x1C04  }
0x11a: {  	[timem:s3], [sflag:s2] =	dma.local @!p0 [hbm:s0], s1  }
0x11b: {  	s0 =	simm.s32 @!p0 $0x4  }
0x11c: {  	_ =	swait.ge @!p0 [sflag:s0], s1  }
0x11d: {  	s1 =	ssub.s32 @!p0 $0x0, s1;
	[sflag:s0] =	ssyncset.done @!p0 $0x0  }
0x11e: {  	[sflag:s0] =	ssyncadd.s32 @!p0 s1  }
0x11f: {  	[bflag:$0x3] =	sbarrier.arrive $0xFFFF  }
0x120: {  	_ =	shalt  }

// kernel: kernel.19.cloned.1.call-start
scs
__scs_entry_jumppad:
0x0: {  	(pc) =	sbr.rel $0x88, $3  }
0x1: {  	(tag) =	ssettag $0x0;
	lr =	simm.s32 $0x1  }
0x2: {  	[smem:$0x3F89] =	sst lr;
	_ =	strace $0xD0000000  }
0x3: {  	_ = 	snop  }
0x4: {  	_ = 	snop  }
0x5: {  	_ = 	snop  }
0x6: {  	_ = 	snop  }
0x7: {  	_ = 	snop  }
__scs_overlays_trampoline_lowered:
0x8: {  	[smem:$0x3F98] =	sst s0  }
0x9: {  	[smem:$0x3F99] =	sst s1  }
0xa: {  	[smem:$0x3F9A] =	sst s2  }
0xb: {  	[smem:$0x3F9B] =	sst s3  }
0xc: {  	[smem:$0x3F9C] =	sst s4  }
0xd: {  	[smem:$0x3F9D] =	sst s5  }
0xe: {  	[smem:$0x3F9E] =	sst s6  }
0xf: {  	[smem:$0x3F9F] =	sst s7  }
0x10: {  	[smem:$0x3FA0] =	sst s8  }
0x11: {  	[smem:$0x3FA1] =	sst s9;
	s0 =	simm.s32 @!p0 $0x0  }
0x12: {  	s1 =	sld [smem:$0x3F87];
	s0 =	simm.s32 @p0 $0x1  }
0x13: {  	[smem:$0x3FA2] =	sst s0;
	s0 =	simm.s32 @!p1 $0x0  }
0x14: {  	s2 =	sld [smem:$0x3F86];
	s0 =	simm.s32 @p1 $0x1  }
0x15: {  	[smem:$0x3FA3] =	sst s0;
	s0 =	simm.s32 @!p2 $0x0  }
0x16: {  	s3 =	sld [smem:$0x3FDB];
	s0 =	simm.s32 @p2 $0x1  }
0x17: {  	s4 =	simm.s32 $0x1BF5;
	[smem:$0x3FA5] =	sst s0  }
0x18: {  	s0 =	sld [smem:$0x3F88];
	_ =	swait.ge [sflag:s4], $0x0  }
0x19: {  	s7 =	sld [smem:$0x3F89]  }
0x1a: {  	s8 =	sadd.s32 $0xFFFFE003, lr  }
0x1b: {  	s9 =	sadd.s32 $0xFFFFFEF7, lr;
	s5 =	simm.s32 $0xFFFFFFFF;
	p2 =	slt.u32 s8, $0xFFFFF086  }
0x1c: {  	p1 =	slt.u32 s9, $0xF7A;
	s5 =	simm.s32 @!p2 $0x0  }
0x1d: {  	s5 =	simm.s32 @p1 $0x1;
	p0 =	seq.s32 s7, s2  }
0x1e: {  	s7 =	smul.u32 @!p0 $0xF7A, s2;
	p2 =	seq.s32 @!p0 s5, $0x0  }
0x1f: {  	s9 =	smul.u32 $0xF7A, s1;
	s8 =	simm.s32 @!p0 $0x1BF5;
	p2 =	por !p2, p0  }
0x20: {  	[sflag:s8] =	ssyncset.s32 @!p0 $0xFFFFF086;
	s6 =	sadd.s32 @!p0 s3, s7;
	s7 =	simm.s32 @!p0 $0x108  }
0x21: {  	s3 =	sadd.s32 s3, s9;
	s6 =	sadd.s32 @!p0 $0x88, s6;
	s7 =	simm.s32 @p2 $0x1082  }
0x22: {  	[simem:s7], [sflag:s8] =	dma.local @!p0 [hbm:s6], $0xF7A  }
0x23: {  	s9 =	sor.u32 $0xD0000000, s2;
	s6 =	simm.s32 $0x108;
	_ =	swait.ge @!p0 [sflag:s8], $0x0  }
0x24: {  	s3 =	sadd.s32 $0x88, s3;
	s6 =	simm.s32 @!p1 $0x1082;
	[sflag:s4] =	ssyncset.s32 $0xFFFFF086  }
0x25: {  	[simem:s6], [sflag:s4] =	dma.local [hbm:s3], $0xF7A  }
0x26: {  	[smem:$0x3F89] =	sst s1;
	(tag) =	ssettag s2;
	_ =	strace s9  }
0x27: {  	s1 =	sld [smem:$0x3F99]  }
0x28: {  	s2 =	sld [smem:$0x3F9A]  }
0x29: {  	s4 =	sld [smem:$0x3F9C]  }
0x2a: {  	p0 =	seq.s32 s5, $0x0;
	s5 =	sld [smem:$0x3F9D]  }
0x2b: {  	s6 =	sld [smem:$0x3F9E]  }
0x2c: {  	s7 =	sld [smem:$0x3F9F]  }
0x2d: {  	s3 =	simm.s32 $0x108;
	s8 =	sld [smem:$0x3FA0]  }
0x2e: {  	s3 =	simm.s32 @!p0 $0x1082;
	s9 =	sld [smem:$0x3FA1]  }
0x2f: {  	lr =	sadd.s32 s0, s3;
	s0 =	sld [smem:$0x3F98]  }
0x30: {  	s3 =	sld [smem:$0x3F9B]  }
0x31: {  	[smem:$0x3FA4] =	sst s10  }
0x32: {  	s10 =	sld [smem:$0x3FA2];
	_ =	sdelay $0x3  }
0x33: {  	p0 =	seq.s32 s10, $0x1;
	s10 =	sld [smem:$0x3FA4];
	_ =	sdelay $0x3  }
0x34: {  	[smem:$0x3FA4] =	sst s10  }
0x35: {  	s10 =	sld [smem:$0x3FA3];
	_ =	sdelay $0x3  }
0x36: {  	p1 =	seq.s32 s10, $0x1;
	s10 =	sld [smem:$0x3FA4];
	_ =	sdelay $0x3  }
0x37: {  	[smem:$0x3FA4] =	sst s10  }
0x38: {  	s10 =	sld [smem:$0x3FA5]  }
0x39: {  	_ = 	snop;
	(pc) =	sbr.ind lr, $3  }
0x3a: {  	_ = 	snop  }
0x3b: {  	_ = 	snop  }
0x3c: {  	p2 =	seq.s32 s10, $0x1;
	s10 =	sld [smem:$0x3FA4]  }
0x3d: {  	_ =	shalt  }
0x3e: {  	_ =	shalt  }
0x3f: {  	_ =	shalt  }
0x40: {  	_ =	shalt  }
0x41: {  	_ =	shalt  }
0x42: {  	_ =	shalt  }
0x43: {  	_ =	shalt  }
0x44: {  	_ =	shalt  }
0x45: {  	_ =	shalt  }
0x46: {  	_ =	shalt  }
0x47: {  	_ =	shalt  }
0x48: {  	_ =	shalt  }
0x49: {  	_ =	shalt  }
0x4a: {  	_ =	shalt  }
0x4b: {  	_ =	shalt  }
0x4c: {  	_ =	shalt  }
0x4d: {  	_ =	shalt  }
0x4e: {  	_ =	shalt  }
0x4f: {  	_ =	shalt  }
0x50: {  	_ =	shalt  }
0x51: {  	_ =	shalt  }
0x52: {  	_ =	shalt  }
0x53: {  	_ =	shalt  }
0x54: {  	_ =	shalt  }
0x55: {  	_ =	shalt  }
0x56: {  	_ =	shalt  }
0x57: {  	_ =	shalt  }
0x58: {  	_ =	shalt  }
0x59: {  	_ =	shalt  }
0x5a: {  	_ =	shalt  }
0x5b: {  	_ =	shalt  }
0x5c: {  	_ =	shalt  }
0x5d: {  	_ =	shalt  }
0x5e: {  	_ =	shalt  }
0x5f: {  	_ =	shalt  }
0x60: {  	_ =	shalt  }
0x61: {  	_ =	shalt  }
0x62: {  	_ =	shalt  }
0x63: {  	_ =	shalt  }
0x64: {  	_ =	shalt  }
0x65: {  	_ =	shalt  }
0x66: {  	_ =	shalt  }
0x67: {  	_ =	shalt  }
0x68: {  	_ =	shalt  }
0x69: {  	_ =	shalt  }
0x6a: {  	_ =	shalt  }
0x6b: {  	_ =	shalt  }
0x6c: {  	_ =	shalt  }
0x6d: {  	_ =	shalt  }
0x6e: {  	_ =	shalt  }
0x6f: {  	_ =	shalt  }
0x70: {  	_ =	shalt  }
0x71: {  	_ =	shalt  }
0x72: {  	_ =	shalt  }
0x73: {  	_ =	shalt  }
0x74: {  	_ =	shalt  }
0x75: {  	_ =	shalt  }
0x76: {  	_ =	shalt  }
0x77: {  	_ =	shalt  }
0x78: {  	_ =	shalt  }
0x79: {  	_ =	shalt  }
0x7a: {  	_ =	shalt  }
0x7b: {  	_ =	shalt  }
0x7c: {  	_ =	shalt  }
0x7d: {  	_ =	shalt  }
0x7e: {  	_ =	shalt  }
0x7f: {  	_ =	shalt  }
0x80: {  	_ =	shalt  }
0x81: {  	_ =	shalt  }
0x82: {  	_ =	shalt  }
0x83: {  	_ =	shalt  }
0x84: {  	_ =	shalt  }
0x85: {  	_ =	shalt  }
0x86: {  	_ =	shalt  }
0x87: {  	_ =	shalt  }
.Lfunc_end0:
.L_simem_size_0:
called_computation.3_lowered:
.L_overlay_start_0:
0x88: {  	s2 =	sld [smem:$0x3FD9]  }
0x89: {  	s3 =	sld [smem:$0x3FFE];
	_ =	sdelay $0x1  }
0x8a: {  	s1 =	srdreg.scid  }
0x8b: {  	s0 =	sand.u32 $0x1, s1  }
0x8c: {  	s16 =	sshll.u32 s0, $0xA;
	s2 =	sadd.s32 s3, s2  }
0x8d: {  	s2 =	sadd.s32 s2, s16  }
0x8e: {  	[smem:$0x3FB0] =	sst s2  }
0x8f: {  	_ = 	snop  }
0x90: {  	(tm) =	ssettm $0x1  }
0x91: {  	s17 =	sld [smem:$0x3FFB];
	_ =	sdelay $0x3  }
0x92: {  	_ =	strace s17  }
0x93: {  	s2 =	sld [smem:$0x3FFC];
	_ =	sdelay $0x3  }
0x94: {  	_ =	strace s2  }
0x95: {  	s2 =	sld [smem:$0x3FFD];
	_ =	sdelay $0x3  }
0x96: {  	_ =	strace s2  }
0x97: {  	_ =	strace $0x8FFFFFFF  }
0x98: {  	s18 =	sld [smem:$0x3FDB];
	_ =	sdelay $0x1  }
0x99: {  	s19 =	simm.s32 $_scs_section_size  }
0x9a: {  	s4 =	simm.s32 $_size__tile_overlayer_lowered;
	s5 =	simm.s32 $_tile_overlayer_lowered  }
0x9b: {  	s22 =	simm.s32 $0x1BFF;
	s21 =	sshll.u32 s5, $0x1;
	s2 =	sadd.s32 s19, s18  }
0x9c: {  	s6 =	simm.s32 $0x0;
	s20 =	sshll.u32 s4, $0x1;
	s4 =	sadd.s32 s21, s2  }
0x9d: {  	[timem:s6], [sflag:s22] =	dma.local [hbm:s4], s20  }
0x9e: {  	_ =	swait.ge [sflag:s22], s20  }
0x9f: {  	s3 =	ssub.s32 $0x0, s20;
	[sflag:s22] =	ssyncset.done $0x0  }
0xa0: {  	[sflag:s22] =	ssyncadd.s32 s3;
	_ =	sdelay $0x1  }
0xa1: {  	s23 =	simm.s32 $0x1B8B  }
0xa2: {  	_ =	swait.ge [sflag:s23], $0x1  }
0xa3: {  	[sflag:s23] =	ssyncset.done $0x0  }
0xa4: {  	s25 =	simm.s32 $0x1B8E;
	s24 =	sld [smem:$0x3FFE];
	[sflag:s23] =	ssyncadd.s32 $0xFFFFFFFF  }
0xa5: {  	s26 =	simm.s32 $execute0_lowered;
	[smem:$0x3FD2] =	sst s25  }
0xa6: {  	s4 =	sshll.u32 s26, $0x1;
	_ =	strace $0x8000004F;
	[dreg:$0x1] =	wrdreg $0xFFFFFFFF  }
0xa7: {  	s28 =	simm.s32 $_size_execute0_lowered;
	s2 =	sadd.s32 s2, s4;
	[dreg:$0x0] =	wrdreg $0x0  }
0xa8: {  	s4 =	sshll.u32 s28, $0x1;
	[dreg:$0x2] =	wrdreg s2  }
0xa9: {  	[dreg:$0x3] =	wrdreg s4  }
0xaa: {  	[dreg:$0x4] =	wrdreg $0xC0  }
0xab: {  	_ =	task [dreg:s6], $0x5FFFF  }
0xac: {  	[dreg:$0x1] =	wrdreg $0xFFFFFFFF  }
0xad: {  	[dreg:$0x0] =	wrdreg $0x60  }
0xae: {  	[dreg:$0x2] =	wrdreg s24  }
0xaf: {  	[dreg:$0x3] =	wrdreg $0x8C800  }
0xb0: {  	[dreg:$0x4] =	wrdreg $0x9  }
0xb1: {  	_ =	task.clear_ibuf [dreg:s6], $0x5FFFF;
	_ =	strace $0x9000004F  }
0xb2: {  	s29 =	simm.s32 $0x9;
	_ =	strace $0x80000051  }
0xb3: {  	_ =	swait.ge [sflag:s29], $0x1  }
0xb4: {  	[sflag:s29] =	ssyncadd.s32 $0xFFFFFFFF  }
0xb5: {  	_ =	strace $0x90000051  }
0xb6: {  	_ =	sfence  }
0xb7: {  	s30 =	sld [smem:$0x0];
	_ =	sdelay $0x2  }
0xb8: {  	s31 =	sshll.u32 s1, $0xD;
	s1 =	sshrl.u32 s1, $0x2  }
0xb9: {  	s3 =	sand.u32 $0x4000, s31;
	s1 =	sadd.s32 s1, s30  }
0xba: {  	s0 =	sor.u32 s3, s0;
	s1 =	sshll.u32 s1, $0x11  }
0xbb: {  	s0 =	sor.u32 s1, s0  }
0xbc: {  	s0 =	sadd.s32 $0x8F2B, s0  }
0xbd: {  	[sflag:s0] =	ssyncadd.remote.s32 $0x1  }
0xbe: {  	_ =	sfence.sel $0xFFFF  }
0xbf: {  	[dreg:$0x0] =	wrdreg $0xFFFFFFFF;
	(pc) =	sbr.abs _section_cstart, $3  }
0xc0: {  	[dreg:$0x1] =	wrdreg $0xFFFFFFFF  }
0xc1: {  	_ =	task.clear_ibuf [dreg:s6], $0x2FFFF;
	_ =	strace $0x9FFFFFFF  }
0xc2: {  	(tm) =	ssettm $0x7FFFFFFF  }
0xc3: {  	_ =	shalt  }
tec
execute0_lowered:
.L_overlay_start_1:
0x0: {  	(tag) =	ssettag $0x1  }
0x1: {  	s0 =	rddreg [dreg:$0x0]  }
0x2: {  	s1 =	rddreg [dreg:$0x1];
	s2 =	srdreg.scid;
	s3 =	simm.s32 $0x0  }
0x3: {  	s11 =	stileid.u32;
	s26 =	simm.s32 $0x80;
	s28 =	simm.s32 $0x60  }
0x4: {  	s30 =	simm.s32 $0x300;
	s31 =	simm.s32 $0x180;
	s5 =	smul.u32 $0x14000, s11  }
0x5: {  	s29 =	simm.s32 $0x280;
	s9 =	sand.u32 $0x1, s2;
	s15 =	smul.u32 $0x50000, s11  }
0x6: {  	[smem:$0x7FF] =	sst s3;
	s4 =	sadd.s32 $0xDC00, s0;
	s10 =	smul.u32 $0x2710, s11  }
0x7: {  	s6 =	sadd.s32 $0x8C00, s0;
	s7 =	sadd.s32 $0x3C00, s0;
	s25 =	smul.u32 $0x4E2, s11  }
0x8: {  	s2 =	smul.u32 $0x140000, s9;
	_ =	strace $0x80000050;
	s8 =	ssub.s32 $0x2, s9  }
0x9: {  	[dreg:$0x3] =	wrdreg s26;
	s26 =	simm.s32 $0x1;
	v0 =	vmov s9;
	s9 =	simm.s32 $0x6480  }
0xa: {  	s16 =	sshrl.u32 s8, $0x1;
	s17 =	sshrl.u32 s10, $0x3;
	s2 =	sadd.s32 s5, s2  }
0xb: {  	s5 =	sshrl.u32 s15, $0x2;
	s10 =	sadd.s32 s6, s17;
	s18 =	sadd.s32 s7, s17  }
0xc: {  	s2 =	sshrl.u32 s2, $0x3;
	s5 =	sadd.s32 s5, s1;
	[dreg:$0x4] =	wrdreg s10  }
0xd: {  	[dreg:$0x5] =	wrdreg s18;
	s10 =	simm.s32 $0x0;
	s0 =	sadd.s32 s2, s0  }
0xe: {  	s2 =	ssub.s32 s8, s16;
	s8 =	sadd.s32 $0x4E0, s17;
	s21 =	sadd.s32 $0x2000, s5  }
0xf: {  	s22 =	sadd.s32 $0x4000, s5;
	s23 =	sadd.s32 $0x6000, s5;
	s24 =	sadd.s32 $0x8000, s5  }
0x10: {  	s16 =	sadd.s32 $0xA000, s5;
	s17 =	sadd.s32 $0xC000, s5;
	[dreg:$0xa] =	wrdreg s21  }
0x11: {  	s18 =	sadd.s32 $0xE000, s5;
	s19 =	sadd.s32 s6, s8;
	[dreg:$0xb] =	wrdreg s22  }
0x12: {  	s8 =	sadd.s32 s7, s8;
	s0 =	sadd.s32 $0x5BE00, s0;
	[dreg:$0xc] =	wrdreg s23  }
0x13: {  	s20 =	smax.u32 s2, $0x1;
	[dreg:$0xd] =	wrdreg s24;
	s21 =	sadd.s32 s25, s7  }
0x14: {  	s22 =	sadd.s32 s25, s6;
	s23 =	simm.s32 $0x6C80;
	[dreg:$0x6] =	wrdreg s19  }
0x15: {  	s24 =	simm.s32 $0x4;
	s25 =	simm.s32 $0x100;
	[dreg:$0x7] =	wrdreg s8  }
0x16: {  	s2 =	simm.s32 $0x3300;
	s6 =	simm.s32 $0x5;
	[dreg:$0x8] =	wrdreg s0  }
0x17: {  	s7 =	simm.s32 $0x6380;
	[dreg:$0x9] =	wrdreg s20;
	s19 =	sadd.s32 $0x10000, s5  }
0x18: {  	v1 =	vimm.f32 $0.0e+00;
	s20 =	sadd.s32 $0x12000, s5;
	s0 =	simm.s32 $0x2;
	s8 =	simm.s32 $0x10  }
.LBB2_1:
0x19: {  	s11 =	simm.s32 $0x0;
	s12 =	simm.s32 $0x200  }
.LBB2_2:
0x1a: {  	p0 =	sne.s32 s12, $0x7E00;
	[tilespmem:s11+$0x6CF0] =	vst v1  }
0x1b: {  	[tilespmem:s11+$0x6C80] =	vst v1  }
0x1c: {  	[tilespmem:s11+$0x6C90] =	vst v1  }
.Ltmp0:
0x1d: {  	[tilespmem:s11+$0x6CA0] =	vst v1;
	(pc) =	sbr.rel @p0 .LBB2_2-.Ltmp0, $4  }
0x1e: {  	[tilespmem:s11+$0x6CB0] =	vst v1  }
0x1f: {  	[tilespmem:s11+$0x6CC0] =	vst v1  }
0x20: {  	[tilespmem:s11+$0x6CD0] =	vst v1  }
0x21: {  	[tilespmem:s11+$0x6CE0] =	vst v1;
	s11 =	sshra.s32 s12, $0x2;
	s12 =	sadd.s32 $0x200, s12  }
0x22: {  	[tilespmem:s11+$0x6CF0] =	vst v1  }
0x23: {  	[tilespmem:s11+$0x6C80] =	vst v1  }
0x24: {  	[tilespmem:s11+$0x6C90] =	vst v1  }
0x25: {  	[tilespmem:s11+$0x6CA0] =	vst v1  }
0x26: {  	[tilespmem:s11+$0x6CB0] =	vst v1  }
0x27: {  	[tilespmem:s11+$0x6CC0] =	vst v1  }
0x28: {  	[tilespmem:s11+$0x6CD0] =	vst v1  }
0x29: {  	[tilespmem:s11+$0x6CE0] =	vst v1  }
0x2a: {  	[spmem:s5] =	stream.linear.scatter [tilespmem:s23], [sflag:$0x4], $0x2000, $0x38;
	[tilespmem:$0x1CC80] =	vst v63  }
0x2b: {  	_ =	swait.ge [sflag:s24], $0x2000  }
0x2c: {  	[sflag:s24] =	ssyncset.done $0x0  }
0x2d: {  	s15 =	rddreg [dreg:$0xa];
	[sflag:s24] =	ssyncadd.s32 $0xFFFFE000  }
0x2e: {  	[spmem:s15] =	stream.linear.scatter [tilespmem:s23], [sflag:$0x4], $0x2000, $0x38;
	[tilespmem:$0x1CC80] =	vst v63  }
0x2f: {  	_ =	swait.ge [sflag:s24], $0x2000  }
0x30: {  	[sflag:s24] =	ssyncset.done $0x0  }
0x31: {  	s12 =	rddreg [dreg:$0xb];
	[sflag:s24] =	ssyncadd.s32 $0xFFFFE000  }
0x32: {  	[spmem:s12] =	stream.linear.scatter [tilespmem:s23], [sflag:$0x4], $0x2000, $0x38;
	[tilespmem:$0x1CC80] =	vst v63  }
0x33: {  	_ =	swait.ge [sflag:s24], $0x2000  }
0x34: {  	[sflag:s24] =	ssyncset.done $0x0  }
0x35: {  	s13 =	rddreg [dreg:$0xc];
	[sflag:s24] =	ssyncadd.s32 $0xFFFFE000  }
0x36: {  	[spmem:s13] =	stream.linear.scatter [tilespmem:s23], [sflag:$0x4], $0x2000, $0x38;
	[tilespmem:$0x1CC80] =	vst v63  }
0x37: {  	_ =	swait.ge [sflag:s24], $0x2000  }
0x38: {  	[sflag:s24] =	ssyncset.done $0x0  }
0x39: {  	s14 =	rddreg [dreg:$0xd];
	[sflag:s24] =	ssyncadd.s32 $0xFFFFE000  }
0x3a: {  	[spmem:s14] =	stream.linear.scatter [tilespmem:s23], [sflag:$0x4], $0x2000, $0x38;
	[tilespmem:$0x1CC80] =	vst v63  }
0x3b: {  	_ =	swait.ge [sflag:s24], $0x2000  }
0x3c: {  	[sflag:s24] =	ssyncset.done $0x0  }
0x3d: {  	[sflag:s24] =	ssyncadd.s32 $0xFFFFE000  }
0x3e: {  	[spmem:s16] =	stream.linear.scatter [tilespmem:s23], [sflag:$0x4], $0x2000, $0x38;
	[tilespmem:$0x1CC80] =	vst v63  }
0x3f: {  	_ =	swait.ge [sflag:s24], $0x2000  }
0x40: {  	[sflag:s24] =	ssyncset.done $0x0  }
0x41: {  	[sflag:s24] =	ssyncadd.s32 $0xFFFFE000  }
0x42: {  	[spmem:s17] =	stream.linear.scatter [tilespmem:s23], [sflag:$0x4], $0x2000, $0x38;
	[tilespmem:$0x1CC80] =	vst v63  }
0x43: {  	_ =	swait.ge [sflag:s24], $0x2000  }
0x44: {  	[sflag:s24] =	ssyncset.done $0x0  }
0x45: {  	[sflag:s24] =	ssyncadd.s32 $0xFFFFE000  }
0x46: {  	[spmem:s18] =	stream.linear.scatter [tilespmem:s23], [sflag:$0x4], $0x2000, $0x38;
	[tilespmem:$0x1CC80] =	vst v63  }
0x47: {  	_ =	swait.ge [sflag:s24], $0x2000  }
0x48: {  	[sflag:s24] =	ssyncset.done $0x0  }
0x49: {  	[sflag:s24] =	ssyncadd.s32 $0xFFFFE000  }
0x4a: {  	[spmem:s19] =	stream.linear.scatter [tilespmem:s23], [sflag:$0x4], $0x2000, $0x38;
	[tilespmem:$0x1CC80] =	vst v63  }
0x4b: {  	_ =	swait.ge [sflag:s24], $0x2000  }
0x4c: {  	[sflag:s24] =	ssyncset.done $0x0  }
0x4d: {  	[sflag:s24] =	ssyncadd.s32 $0xFFFFE000  }
0x4e: {  	[spmem:s20] =	stream.linear.scatter [tilespmem:s23], [sflag:$0x4], $0x2000, $0x38;
	[tilespmem:$0x1CC80] =	vst v63  }
0x4f: {  	_ =	swait.ge [sflag:s24], $0x2000  }
0x50: {  	[sflag:s24] =	ssyncset.done $0x0  }
0x51: {  	[sflag:s24] =	ssyncadd.s32 $0xFFFFE000  }
0x52: {  	[bflag:$0x0] =	sbarrier.arrive $0xFFFF  }
0x53: {  	s15 =	simm.s32 $0x0;
	s12 =	rddreg [dreg:$0x4]  }
0x54: {  	[tilespmem:s15], [sflag:$0x1] =	stream.linear.gather [hbm4b:s12+s15], $0x60, $0x38;
	[tilespmem:$0x1CC80] =	vst v63  }
0x55: {  	s13 =	rddreg [dreg:$0x5]  }
0x56: {  	[tilespmem:s25], [sflag:$0x1] =	stream.linear.gather [hbm4b:s13+s15], $0x60, $0x38;
	[tilespmem:$0x1CC80] =	vst v63  }
0x57: {  	_ =	swait.ge [sflag:s26], $0x60  }
0x58: {  	[sflag:s26] =	ssyncset.done $0x0  }
0x59: {  	[sflag:s26] =	ssyncadd.s32 $0xFFFFFFA0  }
0x5a: {  	_ =	swait.ge [sflag:s26], $0x60  }
0x5b: {  	[sflag:s26] =	ssyncset.done $0x0  }
0x5c: {  	[sflag:s26] =	ssyncadd.s32 $0xFFFFFFA0  }
0x5d: {  	v2 =	vld [tilespmem:$0x0]  }
0x5e: {  	v3 =	vld [tilespmem:$0x10]  }
0x5f: {  	v4 =	vld [tilespmem:$0x20]  }
0x60: {  	v5 =	vld [tilespmem:$0x30]  }
0x61: {  	v6 =	vld [tilespmem:$0x40]  }
0x62: {  	v7 =	vld [tilespmem:$0x50];
	v2 =	vshll.u32 v2, $0x1  }
0x63: {  	v3 =	vshll.u32 v3, $0x1;
	v2 =	vor.u32 v0, v2  }
0x64: {  	[tilespmem:$0x200] =	vst v2;
	v2 =	vor.u32 v0, v3;
	v3 =	vshll.u32 v4, $0x1  }
0x65: {  	[tilespmem:$0x210] =	vst v2;
	v2 =	vor.u32 v0, v3;
	v3 =	vshll.u32 v5, $0x1  }
0x66: {  	[tilespmem:$0x220] =	vst v2;
	v2 =	vor.u32 v0, v3;
	v3 =	vshll.u32 v6, $0x1  }
0x67: {  	[tilespmem:$0x230] =	vst v2;
	v2 =	vor.u32 v0, v3;
	v3 =	vshll.u32 v7, $0x1  }
0x68: {  	[tilespmem:$0x240] =	vst v2;
	v2 =	vor.u32 v0, v3  }
0x69: {  	s14 =	simm.s32 $0x200;
	[tilespmem:$0x250] =	vst v2  }
0x6a: {  	[tilespmem:s30], [sflag:$0x2] =	stream.indirect.gather [hbm4b:s4+s28], $0x80, s14, s28, $0xb8;
	[tilespmem:$0x1CC80] =	vst v63  }
0x6b: {  	s14 =	sadd.s32 $0x0, s22  }
0x6c: {  	s13 =	sadd.s32 $0x0, s21;
	s15 =	rddreg [dreg:$0x3];
	s12 =	sadd.s32 $0xC, s14  }
0x6d: {  	[tilespmem:s15], [sflag:$0x1] =	stream.linear.gather [hbm4b:s12+s3], $0x60, $0x38;
	[tilespmem:$0x1CC80] =	vst v63  }
0x6e: {  	s15 =	sadd.s32 $0xC, s13  }
0x6f: {  	[tilespmem:s31], [sflag:$0x1] =	stream.linear.gather [hbm4b:s15+s3], $0x60, $0x38;
	[tilespmem:$0x1CC80] =	vst v63  }
0x70: {  	_ =	swait.ge [sflag:s26], $0x60  }
0x71: {  	[sflag:s26] =	ssyncset.done $0x0  }
0x72: {  	[sflag:s26] =	ssyncadd.s32 $0xFFFFFFA0  }
0x73: {  	_ =	swait.ge [sflag:s26], $0x60  }
0x74: {  	[sflag:s26] =	ssyncset.done $0x0  }
0x75: {  	[sflag:s26] =	ssyncadd.s32 $0xFFFFFFA0  }
0x76: {  	v2 =	vld [tilespmem:$0xD0]  }
0x77: {  	v3 =	vld [tilespmem:$0xB0]  }
0x78: {  	v4 =	vld [tilespmem:$0xA0]  }
0x79: {  	v5 =	vld [tilespmem:$0x80]  }
0x7a: {  	v62 =	vld [tilespmem:$0xC0]  }
0x7b: {  	v63 =	vld [tilespmem:$0x90];
	v2 =	vshll.u32 v2, $0x1  }
0x7c: {  	v3 =	vshll.u32 v3, $0x1;
	v2 =	vor.u32 v0, v2  }
0x7d: {  	v4 =	vshll.u32 v4, $0x1;
	v3 =	vor.u32 v0, v3;
	[tilespmem:$0x2D0] =	vst v2  }
0x7e: {  	v4 =	vor.u32 v0, v4;
	v2 =	vshll.u32 v5, $0x1;
	[tilespmem:$0x2B0] =	vst v3  }
0x7f: {  	[tilespmem:$0x2A0] =	vst v4;
	v3 =	vshll.u32 v62, $0x1;
	v2 =	vor.u32 v0, v2  }
0x80: {  	v3 =	vor.u32 v0, v3;
	[tilespmem:$0x280] =	vst v2;
	v2 =	vshll.u32 v63, $0x1  }
0x81: {  	[tilespmem:$0x2C0] =	vst v3;
	v2 =	vor.u32 v0, v2  }
0x82: {  	[tilespmem:$0x290] =	vst v2  }
0x83: {  	_ =	swait.ge [sflag:s0], $0x3000  }
0x84: {  	[sflag:s0] =	ssyncset.done $0x0  }
0x85: {  	[sflag:s0] =	ssyncadd.s32 $0xFFFFD000  }
0x86: {  	[tilespmem:s2], [sflag:$0x3] =	stream.indirect.gather [hbm4b:s4+s28], $0x80, s29, s28, $0xb8;
	[tilespmem:$0x1CC80] =	vst v63  }
0x87: {  	_ = 	snop  }
0x88: {  	[spmem:s1] =	stream.indirect.scatter.add.f32 [tilespmem:s30], [sflag:$0x5], $0x80, s25, s28, $0xb8;
	[tilespmem:$0x1CC80] =	vst v63  }
0x89: {  	_ =	swait.ge [sflag:s6], $0x3000  }
0x8a: {  	p1 =	por $0x0, $0x0;
	[sflag:s6] =	ssyncset.done $0x0  }
0x8b: {  	s11 =	simm.s32 @p1 $0x3;
	[sflag:s6] =	ssyncadd.s32 $0xFFFFD000  }
0x8c: {  	_ =	swait.ge @p1 [sflag:s11], $0x3000  }
0x8d: {  	s12 =	sadd.s32 @!p1 $0x0, s22;
	s13 =	sadd.s32 @!p1 $0x0, s21;
	[sflag:s11] =	ssyncset.done @p1 $0x0  }
0x8e: {  	s12 =	sadd.s32 @!p1 $0x18, s12;
	[sflag:s11] =	ssyncadd.s32 @p1 $0xFFFFD000;
	s11 =	simm.s32 @!p1 $0x0  }
0x8f: {  	[tilespmem:s11], [sflag:$0x1] =	stream.linear.gather @!p1 [hbm4b:s12+s11], $0x60, $0x38;
	[tilespmem:$0x1CC80] =	vst v63  }
0x90: {  	s12 =	sadd.s32 @!p1 $0x18, s13;
	s13 =	simm.s32 @!p1 $0x100  }
0x91: {  	[tilespmem:s13], [sflag:$0x1] =	stream.linear.gather @!p1 [hbm4b:s12+s11], $0x60, $0x38;
	[tilespmem:$0x1CC80] =	vst v63  }
0x92: {  	s11 =	simm.s32 @!p1 $0x1  }
0x93: {  	_ =	swait.ge @!p1 [sflag:s11], $0x60  }
0x94: {  	[sflag:s11] =	ssyncset.done @!p1 $0x0  }
0x95: {  	[sflag:s11] =	ssyncadd.s32 @!p1 $0xFFFFFFA0  }
0x96: {  	_ =	swait.ge @!p1 [sflag:s11], $0x60  }
0x97: {  	[sflag:s11] =	ssyncset.done @!p1 $0x0  }
0x98: {  	[sflag:s11] =	ssyncadd.s32 @!p1 $0xFFFFFFA0  }
0x99: {  	v2 =	vld @!p1 [tilespmem:$0x50]  }
0x9a: {  	v3 =	vld @!p1 [tilespmem:$0x0]  }
0x9b: {  	v4 =	vld @!p1 [tilespmem:$0x40]  }
0x9c: {  	v5 =	vld @!p1 [tilespmem:$0x30]  }
0x9d: {  	v6 =	vld @!p1 [tilespmem:$0x10]  }
0x9e: {  	v7 =	vld @!p1 [tilespmem:$0x20];
	v2 =	vshll.u32 @!p1 v2, $0x1  }
0x9f: {  	v3 =	vshll.u32 @!p1 v3, $0x1;
	v2 =	vor.u32 @!p1 v0, v2  }
0xa0: {  	v4 =	vshll.u32 @!p1 v4, $0x1;
	v3 =	vor.u32 @!p1 v0, v3;
	[tilespmem:$0x250] =	vst @!p1 v2  }
0xa1: {  	[tilespmem:$0x200] =	vst @!p1 v3;
	v2 =	vshll.u32 @!p1 v5, $0x1;
	v3 =	vor.u32 @!p1 v0, v4  }
0xa2: {  	v4 =	vshll.u32 @!p1 v6, $0x1;
	v5 =	vor.u32 @!p1 v0, v2;
	[tilespmem:$0x240] =	vst @!p1 v3  }
0xa3: {  	s11 =	simm.s32 $0x18;
	v2 =	vor.u32 @!p1 v0, v4;
	v3 =	vshll.u32 @!p1 v7, $0x1;
	[tilespmem:$0x230] =	vst @!p1 v5  }
.LBB2_4:
0xa4: {  	[tilespmem:$0x210] =	vst @!p1 v2;
	v2 =	vor.u32 @!p1 v0, v3  }
0xa5: {  	s13 =	simm.s32 @!p1 $0x3;
	[tilespmem:$0x220] =	vst @!p1 v2  }
0xa6: {  	_ =	swait.ge @!p1 [sflag:s13], $0x3000  }
0xa7: {  	s14 =	simm.s32 @!p1 $0x300;
	[sflag:s13] =	ssyncset.done @!p1 $0x0  }
0xa8: {  	s15 =	simm.s32 @!p1 $0x200;
	[sflag:s13] =	ssyncadd.s32 @!p1 $0xFFFFD000;
	s13 =	simm.s32 @!p1 $0x60  }
0xa9: {  	[tilespmem:s14], [sflag:$0x2] =	stream.indirect.gather @!p1 [hbm4b:s4+s13], $0x80, s15, s13, $0xb8;
	[tilespmem:$0x1CC80] =	vst v63  }
0xaa: {  	s12 =	smov.u32 s11  }
0xab: {  	[spmem:s1] =	stream.indirect.scatter.add.f32 [tilespmem:s2], [sflag:$0x4], $0x80, s31, s28, $0xb8;
	[tilespmem:$0x1CC80] =	vst v63  }
0xac: {  	s15 =	sadd.s32 s12, s22;
	_ =	swait.ge [sflag:s24], $0x3000  }
0xad: {  	s14 =	sadd.s32 $0xC, s15;
	[sflag:s24] =	ssyncset.done $0x0  }
0xae: {  	s15 =	sadd.s32 s12, s21;
	s13 =	rddreg [dreg:$0x3];
	[sflag:s24] =	ssyncadd.s32 $0xFFFFD000  }
0xaf: {  	[tilespmem:s13], [sflag:$0x1] =	stream.linear.gather [hbm4b:s14+s3], $0x60, $0x38;
	[tilespmem:$0x1CC80] =	vst v63  }
0xb0: {  	s15 =	sadd.s32 $0xC, s15  }
0xb1: {  	[tilespmem:s31], [sflag:$0x1] =	stream.linear.gather [hbm4b:s15+s3], $0x60, $0x38;
	[tilespmem:$0x1CC80] =	vst v63  }
0xb2: {  	_ =	swait.ge [sflag:s26], $0x60  }
0xb3: {  	[sflag:s26] =	ssyncset.done $0x0  }
0xb4: {  	[sflag:s26] =	ssyncadd.s32 $0xFFFFFFA0  }
0xb5: {  	_ =	swait.ge [sflag:s26], $0x60  }
0xb6: {  	[sflag:s26] =	ssyncset.done $0x0  }
0xb7: {  	[sflag:s26] =	ssyncadd.s32 $0xFFFFFFA0  }
0xb8: {  	v2 =	vld [tilespmem:$0xD0]  }
0xb9: {  	v3 =	vld [tilespmem:$0xB0]  }
0xba: {  	v4 =	vld [tilespmem:$0xA0]  }
0xbb: {  	v5 =	vld [tilespmem:$0x80]  }
0xbc: {  	v6 =	vld [tilespmem:$0xC0]  }
0xbd: {  	v7 =	vld [tilespmem:$0x90];
	v2 =	vshll.u32 v2, $0x1  }
0xbe: {  	v3 =	vshll.u32 v3, $0x1;
	v2 =	vor.u32 v0, v2  }
0xbf: {  	v4 =	vshll.u32 v4, $0x1;
	v3 =	vor.u32 v0, v3;
	[tilespmem:$0x2D0] =	vst v2  }
0xc0: {  	v4 =	vor.u32 v0, v4;
	v2 =	vshll.u32 v5, $0x1;
	[tilespmem:$0x2B0] =	vst v3  }
0xc1: {  	[tilespmem:$0x2A0] =	vst v4;
	v3 =	vshll.u32 v6, $0x1;
	v2 =	vor.u32 v0, v2  }
0xc2: {  	v3 =	vor.u32 v0, v3;
	[tilespmem:$0x280] =	vst v2;
	v2 =	vshll.u32 v7, $0x1  }
0xc3: {  	[tilespmem:$0x2C0] =	vst v3;
	v2 =	vor.u32 v0, v2  }
0xc4: {  	[tilespmem:$0x290] =	vst v2  }
0xc5: {  	_ =	swait.ge [sflag:s0], $0x3000  }
0xc6: {  	[sflag:s0] =	ssyncset.done $0x0  }
0xc7: {  	[sflag:s0] =	ssyncadd.s32 $0xFFFFD000  }
0xc8: {  	[tilespmem:s2], [sflag:$0x3] =	stream.indirect.gather [hbm4b:s4+s28], $0x80, s29, s28, $0xb8;
	[tilespmem:$0x1CC80] =	vst v63  }
0xc9: {  	_ = 	snop  }
0xca: {  	[spmem:s1] =	stream.indirect.scatter.add.f32 [tilespmem:s30], [sflag:$0x5], $0x80, s25, s28, $0xb8;
	[tilespmem:$0x1CC80] =	vst v63  }
0xcb: {  	_ =	swait.ge [sflag:s6], $0x3000  }
0xcc: {  	p1 =	seq.s32 s12, $0x4C8;
	[sflag:s6] =	ssyncset.done $0x0  }
0xcd: {  	s13 =	simm.s32 @p1 $0x3;
	[sflag:s6] =	ssyncadd.s32 $0xFFFFD000  }
0xce: {  	_ =	swait.ge @p1 [sflag:s13], $0x3000  }
0xcf: {  	s14 =	sadd.s32 @!p1 s12, s22;
	s12 =	sadd.s32 @!p1 s12, s21;
	[sflag:s13] =	ssyncset.done @p1 $0x0  }
0xd0: {  	s14 =	sadd.s32 @!p1 $0x18, s14;
	[sflag:s13] =	ssyncadd.s32 @p1 $0xFFFFD000;
	s13 =	simm.s32 @!p1 $0x0  }
0xd1: {  	[tilespmem:s13], [sflag:$0x1] =	stream.linear.gather @!p1 [hbm4b:s14+s13], $0x60, $0x38;
	[tilespmem:$0x1CC80] =	vst v63  }
0xd2: {  	s12 =	sadd.s32 @!p1 $0x18, s12;
	s15 =	simm.s32 @!p1 $0x1;
	s14 =	simm.s32 @!p1 $0x100  }
0xd3: {  	[tilespmem:s14], [sflag:$0x1] =	stream.linear.gather @!p1 [hbm4b:s12+s13], $0x60, $0x38;
	[tilespmem:$0x1CC80] =	vst v63  }
0xd4: {  	_ =	swait.ge @!p1 [sflag:s15], $0x60  }
0xd5: {  	[sflag:s15] =	ssyncset.done @!p1 $0x0  }
0xd6: {  	[sflag:s15] =	ssyncadd.s32 @!p1 $0xFFFFFFA0  }
0xd7: {  	_ =	swait.ge @!p1 [sflag:s15], $0x60  }
0xd8: {  	[sflag:s15] =	ssyncset.done @!p1 $0x0  }
0xd9: {  	[sflag:s15] =	ssyncadd.s32 @!p1 $0xFFFFFFA0  }
0xda: {  	v2 =	vld @!p1 [tilespmem:$0x50]  }
0xdb: {  	v3 =	vld @!p1 [tilespmem:$0x0]  }
0xdc: {  	v4 =	vld @!p1 [tilespmem:$0x40]  }
0xdd: {  	v5 =	vld @!p1 [tilespmem:$0x30]  }
0xde: {  	s11 =	sadd.s32 $0x18, s11;
	v6 =	vld @!p1 [tilespmem:$0x10]  }
0xdf: {  	p0 =	sne.s32 s11, $0x4E0;
	v7 =	vld @!p1 [tilespmem:$0x20];
	v2 =	vshll.u32 @!p1 v2, $0x1  }
.Ltmp1:
0xe0: {  	v3 =	vshll.u32 @!p1 v3, $0x1;
	v2 =	vor.u32 @!p1 v0, v2;
	(pc) =	sbr.rel @p0 .LBB2_4-.Ltmp1, $4  }
0xe1: {  	v4 =	vshll.u32 @!p1 v4, $0x1;
	v3 =	vor.u32 @!p1 v0, v3;
	[tilespmem:$0x250] =	vst @!p1 v2  }
0xe2: {  	[tilespmem:$0x200] =	vst @!p1 v3;
	v2 =	vshll.u32 @!p1 v5, $0x1;
	v3 =	vor.u32 @!p1 v0, v4  }
0xe3: {  	v4 =	vshll.u32 @!p1 v6, $0x1;
	v5 =	vor.u32 @!p1 v0, v2;
	[tilespmem:$0x240] =	vst @!p1 v3  }
0xe4: {  	v2 =	vor.u32 @!p1 v0, v4;
	v3 =	vshll.u32 @!p1 v7, $0x1;
	[tilespmem:$0x230] =	vst @!p1 v5  }
0xe5: {  	[tilespmem:$0x210] =	vst @!p1 v2;
	v2 =	vor.u32 @!p1 v0, v3  }
0xe6: {  	s11 =	simm.s32 @!p1 $0x3;
	[tilespmem:$0x220] =	vst @!p1 v2  }
0xe7: {  	_ =	swait.ge @!p1 [sflag:s11], $0x3000  }
0xe8: {  	s12 =	simm.s32 @!p1 $0x300;
	[sflag:s11] =	ssyncset.done @!p1 $0x0  }
0xe9: {  	s13 =	simm.s32 @!p1 $0x200;
	[sflag:s11] =	ssyncadd.s32 @!p1 $0xFFFFD000;
	s11 =	simm.s32 @!p1 $0x60  }
0xea: {  	[tilespmem:s12], [sflag:$0x2] =	stream.indirect.gather @!p1 [hbm4b:s4+s11], $0x80, s13, s11, $0xb8;
	[tilespmem:$0x1CC80] =	vst v63  }
0xeb: {  	_ = 	snop  }
0xec: {  	[spmem:s1] =	stream.indirect.scatter.add.f32 [tilespmem:s2], [sflag:$0x4], $0x80, s31, s28, $0xb8;
	[tilespmem:$0x1CC80] =	vst v63  }
0xed: {  	_ =	swait.ge [sflag:s24], $0x3000  }
0xee: {  	[sflag:s24] =	ssyncset.done $0x0  }
0xef: {  	s13 =	simm.s32 $0x6300;
	s12 =	rddreg [dreg:$0x6];
	[sflag:s24] =	ssyncadd.s32 $0xFFFFD000  }
0xf0: {  	[tilespmem:s13], [sflag:$0x1] =	stream.linear.gather [hbm4b:s12+s3], $0x10, $0x38;
	[tilespmem:$0x1CC80] =	vst v63  }
0xf1: {  	s14 =	rddreg [dreg:$0x7]  }
0xf2: {  	[tilespmem:s7], [sflag:$0x1] =	stream.linear.gather [hbm4b:s14+s3], $0x10, $0x38;
	[tilespmem:$0x1CC80] =	vst v63  }
0xf3: {  	_ =	swait.ge [sflag:s26], $0x10  }
0xf4: {  	[sflag:s26] =	ssyncset.done $0x0  }
0xf5: {  	[sflag:s26] =	ssyncadd.s32 $0xFFFFFFF0  }
0xf6: {  	_ =	swait.ge [sflag:s26], $0x10  }
0xf7: {  	[sflag:s26] =	ssyncset.done $0x0  }
0xf8: {  	[sflag:s26] =	ssyncadd.s32 $0xFFFFFFF0  }
0xf9: {  	v2 =	vld [tilespmem:$0x6300];
	_ =	sdelay $0x4  }
0xfa: {  	v2 =	vshll.u32 v2, $0x1  }
0xfb: {  	v2 =	vor.u32 v0, v2  }
0xfc: {  	s15 =	simm.s32 $0x6400;
	[tilespmem:$0x6400] =	vst v2  }
0xfd: {  	[tilespmem:s9], [sflag:$0x2] =	stream.indirect.gather [hbm4b:s4+s8], $0x80, s15, s8, $0xb8;
	[tilespmem:$0x1CC80] =	vst v63  }
0xfe: {  	_ =	swait.ge [sflag:s0], $0x800  }
0xff: {  	[sflag:s0] =	ssyncset.done $0x0  }
0x100: {  	[sflag:s0] =	ssyncadd.s32 $0xFFFFF800  }
0x101: {  	[spmem:s1] =	stream.indirect.scatter.add.f32 [tilespmem:s9], [sflag:$0x4], $0x80, s7, s8, $0xb8;
	[tilespmem:$0x1CC80] =	vst v63  }
0x102: {  	_ =	swait.ge [sflag:s24], $0x800  }
0x103: {  	[sflag:s24] =	ssyncset.done $0x0  }
0x104: {  	s12 =	stileid.u32;
	[sflag:s24] =	ssyncadd.s32 $0xFFFFF800  }
0x105: {  	s11 =	sshll.u32 s12, $0x6;
	[bflag:$0x0] =	sbarrier.arrive $0xFFFF  }
0x106: {  	s13 =	sshrl.u32 s5, $0x3;
	s11 =	sor.u32 $0x1C04, s11;
	s14 =	rddreg [dreg:$0x8]  }
0x107: {  	[hbm:s14], [sflag:s11] =	dma.local [spmem:s13], $0x2800  }
0x108: {  	_ =	swait.ge [sflag:s24], $0x2800  }
0x109: {  	s10 =	sadd.s32 $0x1, s10;
	s15 =	rddreg [dreg:$0x9]  }
0x10a: {  	p0 =	sne.s32 s10, s15  }
.Ltmp2:
0x10b: {  	_ = 	snop;
	(pc) =	sbr.rel @p0 .LBB2_1-.Ltmp2, $3  }
0x10c: {  	_ =	sdelay $0x1  }
0x10d: {  	[sflag:s24] =	ssyncset.done $0x0  }
0x10e: {  	[sflag:s24] =	ssyncadd.s32 $0xFFFFD800  }
0x10f: {  	_ =	sfence.sel $0x180000  }
0x110: {  	[bflag:$0x0] =	sbarrier.arrive $0xFFFF  }
0x111: {  	_ =	strace $0x90000050  }
0x112: {  	s0 =	stileid.u32;
	[bflag:$0x2] =	sbarrier.arrive $0xFFFF  }
0x113: {  	p0 =	sne.s32 s0, $0x0;
	s0 =	rddreg [dreg:$0x2]  }
0x114: {  	s0 =	sadd.s32 @!p0 $0x100000, s0  }
0x115: {  	[sflag:s0] =	ssyncadd.tile.s32 @!p0 $0x1;
	_ =	shalt  }
.Lfunc_end2:
_tile_overlayer_lowered:
.L_overlay_start_2:
0x116: {  	(tag) =	ssettag $0x2  }
0x117: {  	s0 =	rddreg [dreg:$0x0];
	s2 =	stileid.u32  }
0x118: {  	s1 =	rddreg [dreg:$0x1];
	p0 =	sne.s32 s2, $0x0  }
0x119: {  	s3 =	rddreg [dreg:$0x2];
	[bflag:$0x3] =	sbarrier.arrive $0xFFFF;
	s2 =	simm.s32 @!p0 $0x1C04  }
0x11a: {  	[timem:s3], [sflag:s2] =	dma.local @!p0 [hbm:s0], s1  }
0x11b: {  	s0 =	simm.s32 @!p0 $0x4  }
0x11c: {  	_ =	swait.ge @!p0 [sflag:s0], s1  }
0x11d: {  	s1 =	ssub.s32 @!p0 $0x0, s1;
	[sflag:s0] =	ssyncset.done @!p0 $0x0  }
0x11e: {  	[sflag:s0] =	ssyncadd.s32 @!p0 s1  }
0x11f: {  	[bflag:$0x3] =	sbarrier.arrive $0xFFFF  }
0x120: {  	_ =	shalt  }

</sc_bundles>
